<compile_context>
chip_gen: v7x
topology: tpu7x:2x2x1
jax: 0.10.2.dev20260603
libtpu: 0.0.44.dev20260713+nightly
codegen_flags: <defaults>
</compile_context>

<pallas_src>
import functools

import jax
import jax.numpy as jnp
from jax import lax
from jax.experimental import pallas as pl
from jax.experimental.pallas import tpu as pltpu
from jax.experimental.pallas import tpu_sc as plsc

_NUM_CORES = 2
_NUM_SUBCORES = 16
_NUM_WORKERS = _NUM_CORES * _NUM_SUBCORES
_LANES = 16
_CHUNK = 16
_SC_SHARE = 7168
_TC_BLK = 512


def _build_sc_kernel(num_loc, K, D, sc_loc):
    per_w = sc_loc // _NUM_WORKERS
    n_chunks = per_w // _CHUNK
    out_row = D + 1

    mesh = plsc.VectorSubcoreMesh(core_axis_name="c", subcore_axis_name="s")

    @functools.partial(
        pl.kernel,
        mesh=mesh,
        compiler_params=pltpu.CompilerParams(needs_layout_passes=False),
        out_type=jax.ShapeDtypeStruct((out_row * sc_loc,), jnp.float32),
        scratch_types=[
            pltpu.VMEM((per_w, K), jnp.float32),
            pltpu.VMEM((per_w,), jnp.int32),
            pltpu.VMEM((_CHUNK, D, K), jnp.float32),
            pltpu.VMEM((_CHUNK, D, K), jnp.float32),
            pltpu.VMEM((out_row * per_w,), jnp.float32),
            pltpu.SemaphoreType.DMA,
            pltpu.SemaphoreType.DMA,
        ],
    )
    def body(dist_hbm, sims_hbm, out_hbm, sims_v, kbuf_v, db0, db1, outbuf_v,
             sem0, sem1):
        wid = lax.axis_index("s") * _NUM_CORES + lax.axis_index("c")
        base_loc = wid * per_w
        iota = lax.iota(jnp.int32, _LANES)
        dbufs = (db0, db1)
        sems = (sem0, sem1)

        def start(c):
            return pltpu.async_copy(
                dist_hbm.at[pl.ds(base_loc + c * _CHUNK, _CHUNK)],
                dbufs[c % 2],
                sems[c % 2],
            )

        pending = start(0)

        pltpu.sync_copy(sims_hbm.at[pl.ds(base_loc, per_w)], sims_v)

        def group_body(g, carry):
            l0 = g * _LANES + iota
            best_val = plsc.load_gather(
                sims_v, [l0, jnp.zeros((_LANES,), jnp.int32)]
            )
            best_k = jnp.zeros((_LANES,), jnp.int32)
            for k in range(1, K):
                v = plsc.load_gather(
                    sims_v, [l0, jnp.full((_LANES,), k, jnp.int32)]
                )
                take = v > best_val
                best_val = jnp.where(take, v, best_val)
                best_k = jnp.where(take, k, best_k)
            plsc.store_scatter(kbuf_v, [l0], best_k)
            outbuf_v[pl.ds(D * per_w + g * _LANES, _LANES)] = (
                best_k.astype(jnp.float32)
            )
            return carry

        lax.fori_loop(0, per_w // _LANES, group_body, 0)

        for c in range(n_chunks):
            nxt = start(c + 1) if c + 1 < n_chunks else None
            pending.wait()
            dbuf = dbufs[c % 2]
            for g in range(_CHUNK // _LANES):
                lb = c * _CHUNK + g * _LANES
                ks = kbuf_v[pl.ds(lb, _LANES)]
                jvec = g * _LANES + iota
                for dd in range(D):
                    val = plsc.load_gather(
                        dbuf, [jvec, jnp.full((_LANES,), dd, jnp.int32), ks]
                    )
                    outbuf_v[pl.ds(dd * per_w + lb, _LANES)] = val
            pending = nxt

        for comp in range(out_row):
            pltpu.sync_copy(
                outbuf_v.at[pl.ds(comp * per_w, per_w)],
                out_hbm.at[pl.ds(comp * sc_loc + base_loc, per_w)],
            )

    return body


def _tc_body(K, D, d_ref, s_ref, o_ref):
    s = s_ref[...]
    ik = lax.broadcasted_iota(jnp.int32, s.shape, 1)
    m = jnp.max(s, axis=-1, keepdims=True)
    am = jnp.min(jnp.where(s == m, ik, K), axis=-1)
    onehot = (ik == am[:, None]).astype(jnp.float32)
    d = d_ref[...]
    resid = jnp.sum(d * onehot[:, None, :], axis=-1)
    o_ref[...] = jnp.concatenate(
        [resid.T, am[None, :].astype(jnp.float32)], axis=0
    )


def _tc_kernel(dist_t, sims2d, start_loc):
    num_loc, D, K = dist_t.shape
    n = num_loc - start_loc
    off = start_loc // _TC_BLK
    return pl.pallas_call(
        functools.partial(_tc_body, K, D),
        grid=(n // _TC_BLK,),
        in_specs=[
            pl.BlockSpec((_TC_BLK, D, K), lambda g: (g + off, 0, 0)),
            pl.BlockSpec((_TC_BLK, K), lambda g: (g + off, 0)),
        ],
        out_specs=pl.BlockSpec((D + 1, _TC_BLK), lambda g: (0, g)),
        out_shape=jax.ShapeDtypeStruct((D + 1, n), jnp.float32),
    )(dist_t, sims2d)


def kernel(distance, similarities):
    B, i, j, K, D = distance.shape
    num_loc = B * i * j
    dist_t = jnp.transpose(distance, (0, 1, 2, 4, 3)).reshape(num_loc, D, K)
    sims2d = similarities.reshape(num_loc, K)
    sc_out = _build_sc_kernel(num_loc, K, D, _SC_SHARE)(dist_t, sims2d)
    tc_out = _tc_kernel(dist_t, sims2d, _SC_SHARE)
    out_t = jnp.concatenate(
        [sc_out.reshape(D + 1, _SC_SHARE), tc_out], axis=1
    )
    return out_t.reshape(D + 1, B, i * j).transpose(1, 2, 0)

# --- scband reference (transcript-rebuilt; emitter-appended) ---
"""Pipeline reference for scband-local-feature-alignment-55817394978956 (READ-ONLY COPY).

The authoritative reference and input builder live on the scoring server;
editing this copy changes nothing except your own understanding.
"""

import jax, jax.numpy as jnp
import numpy as np


def setup_inputs(seed: int = 0) -> dict:
    key = jax.random.key(seed)
    k1, k2 = jax.random.split(key)
    distance = jax.random.normal(k1, (4, 64, 64, 64, 16), dtype=jnp.float32)
    similarities = jax.random.normal(k2, (4, 64, 64, 64), dtype=jnp.float32)
    return {"distance": distance, "similarities": similarities}


def reference(distance, similarities):
    B, i, j, k, d = distance.shape
    # reshape distance to [B, i*j, k, d]
    dist = distance.reshape(B, i * j, k, d)
    # argmax over last axis of similarities -> [B, i, j] -> [B, i*j]
    argmx = jnp.argmax(similarities, axis=-1).reshape(B, i * j).astype(jnp.int32)
    # gather the winning candidate per (batch, location): tf.gather_nd with batch_dims=1
    residuals = jnp.take_along_axis(dist, argmx[:, :, None, None], axis=2)
    residuals = residuals.reshape(B, i * j, d)
    # concat residuals with the (float-cast) argmax index -> [B, i*j, d+1]
    aligned_residuals = jnp.concatenate(
        [residuals, argmx[:, :, None].astype(jnp.float32)], axis=-1
    )
    return aligned_residuals

if __name__ == "__main__":
    import jax
    _d = setup_inputs()
    print(jax.jit(kernel)(*tuple(_d.values())))

</pallas_src>

<mosaic_0001>
#map = affine_map<(d0, d1) -> (0, 0, 0)>
#map1 = affine_map<(d0, d1) -> (0, 0)>
#map2 = affine_map<(d0, d1) -> (0)>
module attributes {stable_mosaic.version = 14 : i64} {
  func.func @body(%arg0: i32, %arg1: i32, %arg2: memref<16384x16x64xf32, #tpu.memory_space<hbm>>, %arg3: memref<16384x64xf32, #tpu.memory_space<hbm>>, %arg4: memref<121856xf32, #tpu.memory_space<hbm>>, %arg5: memref<224x64xf32, #tpu.memory_space<vmem>>, %arg6: memref<224xi32, #tpu.memory_space<vmem>>, %arg7: memref<16x16x64xf32, #tpu.memory_space<vmem>>, %arg8: memref<16x16x64xf32, #tpu.memory_space<vmem>>, %arg9: memref<3808xf32, #tpu.memory_space<vmem>>, %arg10: memref<!tpu.dma_semaphore, #tpu.memory_space<semaphore_mem>>, %arg11: memref<!tpu.dma_semaphore, #tpu.memory_space<semaphore_mem>>) attributes {dimension_semantics = [#tpu.dimension_semantics<core_parallel>, #tpu.dimension_semantics<subcore_parallel>], iteration_bounds = array<i64: 2, 16>, scalar_prefetch = 0 : i64, scratch_operands = 7 : i64, tpu.core_type = #tpu.core_type<sc_vector_subcore>, window_params = [{transform_indices = #map}, {transform_indices = #map1}, {transform_indices = #map2}]} {
    %mul3A = arith.constant 2 : i32
    %mul3A_0 = arith.muli %arg1, %mul3A : i32
    %add3A = arith.addi %mul3A_0, %arg0 : i32
    %mul3A_1 = arith.constant 224 : i32
    %mul3A_2 = arith.muli %add3A, %mul3A_1 : i32
    %iota3A = tpu.iota {dimensions = array<i32: 0>} : vector<16xi32>
    %add3A_3 = arith.constant 0 : i32
    %add3A_4 = arith.addi %mul3A_2, %add3A_3 : i32
    %dma_start3A = arith.constant 0 : i32
    %dma_start3A_5 = arith.constant 0 : i32
    %dma_start3A_6 = tpu.memref_slice %arg2[%add3A_4, %dma_start3A, %dma_start3A_5] : memref<16384x16x64xf32, #tpu.memory_space<hbm>> -> memref<16x16x64xf32, #tpu.memory_space<hbm>>
    %dma_start3A_7 = arith.constant 0 : i32
    %dma_start3A_8 = arith.constant 0 : i32
    %dma_start3A_9 = tpu.memref_slice %arg2[%add3A_4, %dma_start3A_7, %dma_start3A_8] : memref<16384x16x64xf32, #tpu.memory_space<hbm>> -> memref<16x16x64xf32, #tpu.memory_space<hbm>>
    tpu.enqueue_dma source(%dma_start3A_9 : memref<16x16x64xf32, #tpu.memory_space<hbm>>) target(%arg7 : memref<16x16x64xf32, #tpu.memory_space<vmem>>) target_semaphore(%arg10 : memref<!tpu.dma_semaphore, #tpu.memory_space<semaphore_mem>>)
    "tpu.region"() ({
      %run_scoped3A = tpu.sem_alloc : memref<!tpu.dma_semaphore, #tpu.memory_space<semaphore_mem>>
      %dma_start3A_1422 = arith.constant 0 : i32
      %dma_start3A_1423 = tpu.memref_slice %arg3[%mul3A_2, %dma_start3A_1422] : memref<16384x64xf32, #tpu.memory_space<hbm>> -> memref<224x64xf32, #tpu.memory_space<hbm>>
      %dma_start3A_1424 = arith.constant 0 : i32
      %dma_start3A_1425 = tpu.memref_slice %arg3[%mul3A_2, %dma_start3A_1424] : memref<16384x64xf32, #tpu.memory_space<hbm>> -> memref<224x64xf32, #tpu.memory_space<hbm>>
      tpu.enqueue_dma source(%dma_start3A_1425 : memref<224x64xf32, #tpu.memory_space<hbm>>) target(%arg5 : memref<224x64xf32, #tpu.memory_space<vmem>>) target_semaphore(%run_scoped3A : memref<!tpu.dma_semaphore, #tpu.memory_space<semaphore_mem>>)
      %dma_wait3A_1426 = arith.constant 0 : i32
      %dma_wait3A_1427 = tpu.memref_slice %arg3[%mul3A_2, %dma_wait3A_1426] : memref<16384x64xf32, #tpu.memory_space<hbm>> -> memref<224x64xf32, #tpu.memory_space<hbm>>
      %dma_wait3A_1428 = arith.constant 0 : i32
      %dma_wait3A_1429 = tpu.memref_slice %arg3[%mul3A_2, %dma_wait3A_1428] : memref<16384x64xf32, #tpu.memory_space<hbm>> -> memref<224x64xf32, #tpu.memory_space<hbm>>
      tpu.wait_dma2 semaphore(%run_scoped3A : memref<!tpu.dma_semaphore, #tpu.memory_space<semaphore_mem>>) src(%dma_wait3A_1429 : memref<224x64xf32, #tpu.memory_space<hbm>>) dst(%arg5 : memref<224x64xf32, #tpu.memory_space<vmem>>)
      tpu.yield
    }) : () -> ()
    %scan3A = arith.constant 0 : i32
    %scan3A_10 = arith.constant 0 : i32
    %scan3A_11 = arith.constant 14 : i32
    %scan3A_12 = arith.addi %scan3A_10, %scan3A_11 : i32
    %scan3A_13 = arith.constant 1 : i32
    scf.for %scan3A_1422 = %scan3A_10 to %scan3A_12 step %scan3A_13  : i32 {
      %mul3A_1423 = arith.constant 16 : i32
      %mul3A_1424 = arith.muli %scan3A_1422, %mul3A_1423 : i32
      %add3A_1425 = vector.broadcast %mul3A_1424 : i32 to vector<16xi32>
      %add3A_1426 = arith.addi %add3A_1425, %iota3A : vector<16xi32>
      %broadcast_in_dim3A_1427 = arith.constant 0 : i32
      %broadcast_in_dim3A_1428 = vector.broadcast %broadcast_in_dim3A_1427 : i32 to vector<16xi32>
      %gather3A_1429 = tpu.vector_load_idx %arg5[%add3A_1426, %broadcast_in_dim3A_1428] : memref<224x64xf32, #tpu.memory_space<vmem>>[vector<16xi32>, vector<16xi32>], vector<16xf32>,
      %broadcast_in_dim3A_1430 = arith.constant 0 : i32
      %broadcast_in_dim3A_1431 = vector.broadcast %broadcast_in_dim3A_1430 : i32 to vector<16xi32>
      %broadcast_in_dim3A_1432 = arith.constant 1 : i32
      %broadcast_in_dim3A_1433 = vector.broadcast %broadcast_in_dim3A_1432 : i32 to vector<16xi32>
      %gather3A_1434 = tpu.vector_load_idx %arg5[%add3A_1426, %broadcast_in_dim3A_1433] : memref<224x64xf32, #tpu.memory_space<vmem>>[vector<16xi32>, vector<16xi32>], vector<16xf32>,
      %gt3A = arith.cmpf ogt, %gather3A_1434, %gather3A_1429 : vector<16xf32>
      %select_n3A = arith.select %gt3A, %gather3A_1434, %gather3A_1429 : vector<16xi1>, vector<16xf32>
      %jit3A = arith.constant 1 : i32
      %broadcast_in_dim3A_1435 = vector.broadcast %jit3A : i32 to vector<16xi32>
      %select_n3A_1436 = arith.select %gt3A, %broadcast_in_dim3A_1435, %broadcast_in_dim3A_1431 : vector<16xi1>, vector<16xi32>
      %broadcast_in_dim3A_1437 = arith.constant 2 : i32
      %broadcast_in_dim3A_1438 = vector.broadcast %broadcast_in_dim3A_1437 : i32 to vector<16xi32>
      %gather3A_1439 = tpu.vector_load_idx %arg5[%add3A_1426, %broadcast_in_dim3A_1438] : memref<224x64xf32, #tpu.memory_space<vmem>>[vector<16xi32>, vector<16xi32>], vector<16xf32>,
      %gt3A_1440 = arith.cmpf ogt, %gather3A_1439, %select_n3A : vector<16xf32>
      %select_n3A_1441 = arith.select %gt3A_1440, %gather3A_1439, %select_n3A : vector<16xi1>, vector<16xf32>
      %jit3A_1442 = arith.constant 2 : i32
      %broadcast_in_dim3A_1443 = vector.broadcast %jit3A_1442 : i32 to vector<16xi32>
      %select_n3A_1444 = arith.select %gt3A_1440, %broadcast_in_dim3A_1443, %select_n3A_1436 : vector<16xi1>, vector<16xi32>
      %broadcast_in_dim3A_1445 = arith.constant 3 : i32
      %broadcast_in_dim3A_1446 = vector.broadcast %broadcast_in_dim3A_1445 : i32 to vector<16xi32>
      %gather3A_1447 = tpu.vector_load_idx %arg5[%add3A_1426, %broadcast_in_dim3A_1446] : memref<224x64xf32, #tpu.memory_space<vmem>>[vector<16xi32>, vector<16xi32>], vector<16xf32>,
      %gt3A_1448 = arith.cmpf ogt, %gather3A_1447, %select_n3A_1441 : vector<16xf32>
      %select_n3A_1449 = arith.select %gt3A_1448, %gather3A_1447, %select_n3A_1441 : vector<16xi1>, vector<16xf32>
      %jit3A_1450 = arith.constant 3 : i32
      %broadcast_in_dim3A_1451 = vector.broadcast %jit3A_1450 : i32 to vector<16xi32>
      %select_n3A_1452 = arith.select %gt3A_1448, %broadcast_in_dim3A_1451, %select_n3A_1444 : vector<16xi1>, vector<16xi32>
      %broadcast_in_dim3A_1453 = arith.constant 4 : i32
      %broadcast_in_dim3A_1454 = vector.broadcast %broadcast_in_dim3A_1453 : i32 to vector<16xi32>
      %gather3A_1455 = tpu.vector_load_idx %arg5[%add3A_1426, %broadcast_in_dim3A_1454] : memref<224x64xf32, #tpu.memory_space<vmem>>[vector<16xi32>, vector<16xi32>], vector<16xf32>,
      %gt3A_1456 = arith.cmpf ogt, %gather3A_1455, %select_n3A_1449 : vector<16xf32>
      %select_n3A_1457 = arith.select %gt3A_1456, %gather3A_1455, %select_n3A_1449 : vector<16xi1>, vector<16xf32>
      %jit3A_1458 = arith.constant 4 : i32
      %broadcast_in_dim3A_1459 = vector.broadcast %jit3A_1458 : i32 to vector<16xi32>
      %select_n3A_1460 = arith.select %gt3A_1456, %broadcast_in_dim3A_1459, %select_n3A_1452 : vector<16xi1>, vector<16xi32>
      %broadcast_in_dim3A_1461 = arith.constant 5 : i32
      %broadcast_in_dim3A_1462 = vector.broadcast %broadcast_in_dim3A_1461 : i32 to vector<16xi32>
      %gather3A_1463 = tpu.vector_load_idx %arg5[%add3A_1426, %broadcast_in_dim3A_1462] : memref<224x64xf32, #tpu.memory_space<vmem>>[vector<16xi32>, vector<16xi32>], vector<16xf32>,
      %gt3A_1464 = arith.cmpf ogt, %gather3A_1463, %select_n3A_1457 : vector<16xf32>
      %select_n3A_1465 = arith.select %gt3A_1464, %gather3A_1463, %select_n3A_1457 : vector<16xi1>, vector<16xf32>
      %jit3A_1466 = arith.constant 5 : i32
      %broadcast_in_dim3A_1467 = vector.broadcast %jit3A_1466 : i32 to vector<16xi32>
      %select_n3A_1468 = arith.select %gt3A_1464, %broadcast_in_dim3A_1467, %select_n3A_1460 : vector<16xi1>, vector<16xi32>
      %broadcast_in_dim3A_1469 = arith.constant 6 : i32
      %broadcast_in_dim3A_1470 = vector.broadcast %broadcast_in_dim3A_1469 : i32 to vector<16xi32>
      %gather3A_1471 = tpu.vector_load_idx %arg5[%add3A_1426, %broadcast_in_dim3A_1470] : memref<224x64xf32, #tpu.memory_space<vmem>>[vector<16xi32>, vector<16xi32>], vector<16xf32>,
      %gt3A_1472 = arith.cmpf ogt, %gather3A_1471, %select_n3A_1465 : vector<16xf32>
      %select_n3A_1473 = arith.select %gt3A_1472, %gather3A_1471, %select_n3A_1465 : vector<16xi1>, vector<16xf32>
      %jit3A_1474 = arith.constant 6 : i32
      %broadcast_in_dim3A_1475 = vector.broadcast %jit3A_1474 : i32 to vector<16xi32>
      %select_n3A_1476 = arith.select %gt3A_1472, %broadcast_in_dim3A_1475, %select_n3A_1468 : vector<16xi1>, vector<16xi32>
      %broadcast_in_dim3A_1477 = arith.constant 7 : i32
      %broadcast_in_dim3A_1478 = vector.broadcast %broadcast_in_dim3A_1477 : i32 to vector<16xi32>
      %gather3A_1479 = tpu.vector_load_idx %arg5[%add3A_1426, %broadcast_in_dim3A_1478] : memref<224x64xf32, #tpu.memory_space<vmem>>[vector<16xi32>, vector<16xi32>], vector<16xf32>,
      %gt3A_1480 = arith.cmpf ogt, %gather3A_1479, %select_n3A_1473 : vector<16xf32>
      %select_n3A_1481 = arith.select %gt3A_1480, %gather3A_1479, %select_n3A_1473 : vector<16xi1>, vector<16xf32>
      %jit3A_1482 = arith.constant 7 : i32
      %broadcast_in_dim3A_1483 = vector.broadcast %jit3A_1482 : i32 to vector<16xi32>
      %select_n3A_1484 = arith.select %gt3A_1480, %broadcast_in_dim3A_1483, %select_n3A_1476 : vector<16xi1>, vector<16xi32>
      %broadcast_in_dim3A_1485 = arith.constant 8 : i32
      %broadcast_in_dim3A_1486 = vector.broadcast %broadcast_in_dim3A_1485 : i32 to vector<16xi32>
      %gather3A_1487 = tpu.vector_load_idx %arg5[%add3A_1426, %broadcast_in_dim3A_1486] : memref<224x64xf32, #tpu.memory_space<vmem>>[vector<16xi32>, vector<16xi32>], vector<16xf32>,
      %gt3A_1488 = arith.cmpf ogt, %gather3A_1487, %select_n3A_1481 : vector<16xf32>
      %select_n3A_1489 = arith.select %gt3A_1488, %gather3A_1487, %select_n3A_1481 : vector<16xi1>, vector<16xf32>
      %jit3A_1490 = arith.constant 8 : i32
      %broadcast_in_dim3A_1491 = vector.broadcast %jit3A_1490 : i32 to vector<16xi32>
      %select_n3A_1492 = arith.select %gt3A_1488, %broadcast_in_dim3A_1491, %select_n3A_1484 : vector<16xi1>, vector<16xi32>
      %broadcast_in_dim3A_1493 = arith.constant 9 : i32
      %broadcast_in_dim3A_1494 = vector.broadcast %broadcast_in_dim3A_1493 : i32 to vector<16xi32>
      %gather3A_1495 = tpu.vector_load_idx %arg5[%add3A_1426, %broadcast_in_dim3A_1494] : memref<224x64xf32, #tpu.memory_space<vmem>>[vector<16xi32>, vector<16xi32>], vector<16xf32>,
      %gt3A_1496 = arith.cmpf ogt, %gather3A_1495, %select_n3A_1489 : vector<16xf32>
      %select_n3A_1497 = arith.select %gt3A_1496, %gather3A_1495, %select_n3A_1489 : vector<16xi1>, vector<16xf32>
      %jit3A_1498 = arith.constant 9 : i32
      %broadcast_in_dim3A_1499 = vector.broadcast %jit3A_1498 : i32 to vector<16xi32>
      %select_n3A_1500 = arith.select %gt3A_1496, %broadcast_in_dim3A_1499, %select_n3A_1492 : vector<16xi1>, vector<16xi32>
      %broadcast_in_dim3A_1501 = arith.constant 10 : i32
      %broadcast_in_dim3A_1502 = vector.broadcast %broadcast_in_dim3A_1501 : i32 to vector<16xi32>
      %gather3A_1503 = tpu.vector_load_idx %arg5[%add3A_1426, %broadcast_in_dim3A_1502] : memref<224x64xf32, #tpu.memory_space<vmem>>[vector<16xi32>, vector<16xi32>], vector<16xf32>,
      %gt3A_1504 = arith.cmpf ogt, %gather3A_1503, %select_n3A_1497 : vector<16xf32>
      %select_n3A_1505 = arith.select %gt3A_1504, %gather3A_1503, %select_n3A_1497 : vector<16xi1>, vector<16xf32>
      %jit3A_1506 = arith.constant 10 : i32
      %broadcast_in_dim3A_1507 = vector.broadcast %jit3A_1506 : i32 to vector<16xi32>
      %select_n3A_1508 = arith.select %gt3A_1504, %broadcast_in_dim3A_1507, %select_n3A_1500 : vector<16xi1>, vector<16xi32>
      %broadcast_in_dim3A_1509 = arith.constant 11 : i32
      %broadcast_in_dim3A_1510 = vector.broadcast %broadcast_in_dim3A_1509 : i32 to vector<16xi32>
      %gather3A_1511 = tpu.vector_load_idx %arg5[%add3A_1426, %broadcast_in_dim3A_1510] : memref<224x64xf32, #tpu.memory_space<vmem>>[vector<16xi32>, vector<16xi32>], vector<16xf32>,
      %gt3A_1512 = arith.cmpf ogt, %gather3A_1511, %select_n3A_1505 : vector<16xf32>
      %select_n3A_1513 = arith.select %gt3A_1512, %gather3A_1511, %select_n3A_1505 : vector<16xi1>, vector<16xf32>
      %jit3A_1514 = arith.constant 11 : i32
      %broadcast_in_dim3A_1515 = vector.broadcast %jit3A_1514 : i32 to vector<16xi32>
      %select_n3A_1516 = arith.select %gt3A_1512, %broadcast_in_dim3A_1515, %select_n3A_1508 : vector<16xi1>, vector<16xi32>
      %broadcast_in_dim3A_1517 = arith.constant 12 : i32
      %broadcast_in_dim3A_1518 = vector.broadcast %broadcast_in_dim3A_1517 : i32 to vector<16xi32>
      %gather3A_1519 = tpu.vector_load_idx %arg5[%add3A_1426, %broadcast_in_dim3A_1518] : memref<224x64xf32, #tpu.memory_space<vmem>>[vector<16xi32>, vector<16xi32>], vector<16xf32>,
      %gt3A_1520 = arith.cmpf ogt, %gather3A_1519, %select_n3A_1513 : vector<16xf32>
      %select_n3A_1521 = arith.select %gt3A_1520, %gather3A_1519, %select_n3A_1513 : vector<16xi1>, vector<16xf32>
      %jit3A_1522 = arith.constant 12 : i32
      %broadcast_in_dim3A_1523 = vector.broadcast %jit3A_1522 : i32 to vector<16xi32>
      %select_n3A_1524 = arith.select %gt3A_1520, %broadcast_in_dim3A_1523, %select_n3A_1516 : vector<16xi1>, vector<16xi32>
      %broadcast_in_dim3A_1525 = arith.constant 13 : i32
      %broadcast_in_dim3A_1526 = vector.broadcast %broadcast_in_dim3A_1525 : i32 to vector<16xi32>
      %gather3A_1527 = tpu.vector_load_idx %arg5[%add3A_1426, %broadcast_in_dim3A_1526] : memref<224x64xf32, #tpu.memory_space<vmem>>[vector<16xi32>, vector<16xi32>], vector<16xf32>,
      %gt3A_1528 = arith.cmpf ogt, %gather3A_1527, %select_n3A_1521 : vector<16xf32>
      %select_n3A_1529 = arith.select %gt3A_1528, %gather3A_1527, %select_n3A_1521 : vector<16xi1>, vector<16xf32>
      %jit3A_1530 = arith.constant 13 : i32
      %broadcast_in_dim3A_1531 = vector.broadcast %jit3A_1530 : i32 to vector<16xi32>
      %select_n3A_1532 = arith.select %gt3A_1528, %broadcast_in_dim3A_1531, %select_n3A_1524 : vector<16xi1>, vector<16xi32>
      %broadcast_in_dim3A_1533 = arith.constant 14 : i32
      %broadcast_in_dim3A_1534 = vector.broadcast %broadcast_in_dim3A_1533 : i32 to vector<16xi32>
      %gather3A_1535 = tpu.vector_load_idx %arg5[%add3A_1426, %broadcast_in_dim3A_1534] : memref<224x64xf32, #tpu.memory_space<vmem>>[vector<16xi32>, vector<16xi32>], vector<16xf32>,
      %gt3A_1536 = arith.cmpf ogt, %gather3A_1535, %select_n3A_1529 : vector<16xf32>
      %select_n3A_1537 = arith.select %gt3A_1536, %gather3A_1535, %select_n3A_1529 : vector<16xi1>, vector<16xf32>
      %jit3A_1538 = arith.constant 14 : i32
      %broadcast_in_dim3A_1539 = vector.broadcast %jit3A_1538 : i32 to vector<16xi32>
      %select_n3A_1540 = arith.select %gt3A_1536, %broadcast_in_dim3A_1539, %select_n3A_1532 : vector<16xi1>, vector<16xi32>
      %broadcast_in_dim3A_1541 = arith.constant 15 : i32
      %broadcast_in_dim3A_1542 = vector.broadcast %broadcast_in_dim3A_1541 : i32 to vector<16xi32>
      %gather3A_1543 = tpu.vector_load_idx %arg5[%add3A_1426, %broadcast_in_dim3A_1542] : memref<224x64xf32, #tpu.memory_space<vmem>>[vector<16xi32>, vector<16xi32>], vector<16xf32>,
      %gt3A_1544 = arith.cmpf ogt, %gather3A_1543, %select_n3A_1537 : vector<16xf32>
      %select_n3A_1545 = arith.select %gt3A_1544, %gather3A_1543, %select_n3A_1537 : vector<16xi1>, vector<16xf32>
      %jit3A_1546 = arith.constant 15 : i32
      %broadcast_in_dim3A_1547 = vector.broadcast %jit3A_1546 : i32 to vector<16xi32>
      %select_n3A_1548 = arith.select %gt3A_1544, %broadcast_in_dim3A_1547, %select_n3A_1540 : vector<16xi1>, vector<16xi32>
      %broadcast_in_dim3A_1549 = arith.constant 16 : i32
      %broadcast_in_dim3A_1550 = vector.broadcast %broadcast_in_dim3A_1549 : i32 to vector<16xi32>
      %gather3A_1551 = tpu.vector_load_idx %arg5[%add3A_1426, %broadcast_in_dim3A_1550] : memref<224x64xf32, #tpu.memory_space<vmem>>[vector<16xi32>, vector<16xi32>], vector<16xf32>,
      %gt3A_1552 = arith.cmpf ogt, %gather3A_1551, %select_n3A_1545 : vector<16xf32>
      %select_n3A_1553 = arith.select %gt3A_1552, %gather3A_1551, %select_n3A_1545 : vector<16xi1>, vector<16xf32>
      %jit3A_1554 = arith.constant 16 : i32
      %broadcast_in_dim3A_1555 = vector.broadcast %jit3A_1554 : i32 to vector<16xi32>
      %select_n3A_1556 = arith.select %gt3A_1552, %broadcast_in_dim3A_1555, %select_n3A_1548 : vector<16xi1>, vector<16xi32>
      %broadcast_in_dim3A_1557 = arith.constant 17 : i32
      %broadcast_in_dim3A_1558 = vector.broadcast %broadcast_in_dim3A_1557 : i32 to vector<16xi32>
      %gather3A_1559 = tpu.vector_load_idx %arg5[%add3A_1426, %broadcast_in_dim3A_1558] : memref<224x64xf32, #tpu.memory_space<vmem>>[vector<16xi32>, vector<16xi32>], vector<16xf32>,
      %gt3A_1560 = arith.cmpf ogt, %gather3A_1559, %select_n3A_1553 : vector<16xf32>
      %select_n3A_1561 = arith.select %gt3A_1560, %gather3A_1559, %select_n3A_1553 : vector<16xi1>, vector<16xf32>
      %jit3A_1562 = arith.constant 17 : i32
      %broadcast_in_dim3A_1563 = vector.broadcast %jit3A_1562 : i32 to vector<16xi32>
      %select_n3A_1564 = arith.select %gt3A_1560, %broadcast_in_dim3A_1563, %select_n3A_1556 : vector<16xi1>, vector<16xi32>
      %broadcast_in_dim3A_1565 = arith.constant 18 : i32
      %broadcast_in_dim3A_1566 = vector.broadcast %broadcast_in_dim3A_1565 : i32 to vector<16xi32>
      %gather3A_1567 = tpu.vector_load_idx %arg5[%add3A_1426, %broadcast_in_dim3A_1566] : memref<224x64xf32, #tpu.memory_space<vmem>>[vector<16xi32>, vector<16xi32>], vector<16xf32>,
      %gt3A_1568 = arith.cmpf ogt, %gather3A_1567, %select_n3A_1561 : vector<16xf32>
      %select_n3A_1569 = arith.select %gt3A_1568, %gather3A_1567, %select_n3A_1561 : vector<16xi1>, vector<16xf32>
      %jit3A_1570 = arith.constant 18 : i32
      %broadcast_in_dim3A_1571 = vector.broadcast %jit3A_1570 : i32 to vector<16xi32>
      %select_n3A_1572 = arith.select %gt3A_1568, %broadcast_in_dim3A_1571, %select_n3A_1564 : vector<16xi1>, vector<16xi32>
      %broadcast_in_dim3A_1573 = arith.constant 19 : i32
      %broadcast_in_dim3A_1574 = vector.broadcast %broadcast_in_dim3A_1573 : i32 to vector<16xi32>
      %gather3A_1575 = tpu.vector_load_idx %arg5[%add3A_1426, %broadcast_in_dim3A_1574] : memref<224x64xf32, #tpu.memory_space<vmem>>[vector<16xi32>, vector<16xi32>], vector<16xf32>,
      %gt3A_1576 = arith.cmpf ogt, %gather3A_1575, %select_n3A_1569 : vector<16xf32>
      %select_n3A_1577 = arith.select %gt3A_1576, %gather3A_1575, %select_n3A_1569 : vector<16xi1>, vector<16xf32>
      %jit3A_1578 = arith.constant 19 : i32
      %broadcast_in_dim3A_1579 = vector.broadcast %jit3A_1578 : i32 to vector<16xi32>
      %select_n3A_1580 = arith.select %gt3A_1576, %broadcast_in_dim3A_1579, %select_n3A_1572 : vector<16xi1>, vector<16xi32>
      %broadcast_in_dim3A_1581 = arith.constant 20 : i32
      %broadcast_in_dim3A_1582 = vector.broadcast %broadcast_in_dim3A_1581 : i32 to vector<16xi32>
      %gather3A_1583 = tpu.vector_load_idx %arg5[%add3A_1426, %broadcast_in_dim3A_1582] : memref<224x64xf32, #tpu.memory_space<vmem>>[vector<16xi32>, vector<16xi32>], vector<16xf32>,
      %gt3A_1584 = arith.cmpf ogt, %gather3A_1583, %select_n3A_1577 : vector<16xf32>
      %select_n3A_1585 = arith.select %gt3A_1584, %gather3A_1583, %select_n3A_1577 : vector<16xi1>, vector<16xf32>
      %jit3A_1586 = arith.constant 20 : i32
      %broadcast_in_dim3A_1587 = vector.broadcast %jit3A_1586 : i32 to vector<16xi32>
      %select_n3A_1588 = arith.select %gt3A_1584, %broadcast_in_dim3A_1587, %select_n3A_1580 : vector<16xi1>, vector<16xi32>
      %broadcast_in_dim3A_1589 = arith.constant 21 : i32
      %broadcast_in_dim3A_1590 = vector.broadcast %broadcast_in_dim3A_1589 : i32 to vector<16xi32>
      %gather3A_1591 = tpu.vector_load_idx %arg5[%add3A_1426, %broadcast_in_dim3A_1590] : memref<224x64xf32, #tpu.memory_space<vmem>>[vector<16xi32>, vector<16xi32>], vector<16xf32>,
      %gt3A_1592 = arith.cmpf ogt, %gather3A_1591, %select_n3A_1585 : vector<16xf32>
      %select_n3A_1593 = arith.select %gt3A_1592, %gather3A_1591, %select_n3A_1585 : vector<16xi1>, vector<16xf32>
      %jit3A_1594 = arith.constant 21 : i32
      %broadcast_in_dim3A_1595 = vector.broadcast %jit3A_1594 : i32 to vector<16xi32>
      %select_n3A_1596 = arith.select %gt3A_1592, %broadcast_in_dim3A_1595, %select_n3A_1588 : vector<16xi1>, vector<16xi32>
      %broadcast_in_dim3A_1597 = arith.constant 22 : i32
      %broadcast_in_dim3A_1598 = vector.broadcast %broadcast_in_dim3A_1597 : i32 to vector<16xi32>
      %gather3A_1599 = tpu.vector_load_idx %arg5[%add3A_1426, %broadcast_in_dim3A_1598] : memref<224x64xf32, #tpu.memory_space<vmem>>[vector<16xi32>, vector<16xi32>], vector<16xf32>,
      %gt3A_1600 = arith.cmpf ogt, %gather3A_1599, %select_n3A_1593 : vector<16xf32>
      %select_n3A_1601 = arith.select %gt3A_1600, %gather3A_1599, %select_n3A_1593 : vector<16xi1>, vector<16xf32>
      %jit3A_1602 = arith.constant 22 : i32
      %broadcast_in_dim3A_1603 = vector.broadcast %jit3A_1602 : i32 to vector<16xi32>
      %select_n3A_1604 = arith.select %gt3A_1600, %broadcast_in_dim3A_1603, %select_n3A_1596 : vector<16xi1>, vector<16xi32>
      %broadcast_in_dim3A_1605 = arith.constant 23 : i32
      %broadcast_in_dim3A_1606 = vector.broadcast %broadcast_in_dim3A_1605 : i32 to vector<16xi32>
      %gather3A_1607 = tpu.vector_load_idx %arg5[%add3A_1426, %broadcast_in_dim3A_1606] : memref<224x64xf32, #tpu.memory_space<vmem>>[vector<16xi32>, vector<16xi32>], vector<16xf32>,
      %gt3A_1608 = arith.cmpf ogt, %gather3A_1607, %select_n3A_1601 : vector<16xf32>
      %select_n3A_1609 = arith.select %gt3A_1608, %gather3A_1607, %select_n3A_1601 : vector<16xi1>, vector<16xf32>
      %jit3A_1610 = arith.constant 23 : i32
      %broadcast_in_dim3A_1611 = vector.broadcast %jit3A_1610 : i32 to vector<16xi32>
      %select_n3A_1612 = arith.select %gt3A_1608, %broadcast_in_dim3A_1611, %select_n3A_1604 : vector<16xi1>, vector<16xi32>
      %broadcast_in_dim3A_1613 = arith.constant 24 : i32
      %broadcast_in_dim3A_1614 = vector.broadcast %broadcast_in_dim3A_1613 : i32 to vector<16xi32>
      %gather3A_1615 = tpu.vector_load_idx %arg5[%add3A_1426, %broadcast_in_dim3A_1614] : memref<224x64xf32, #tpu.memory_space<vmem>>[vector<16xi32>, vector<16xi32>], vector<16xf32>,
      %gt3A_1616 = arith.cmpf ogt, %gather3A_1615, %select_n3A_1609 : vector<16xf32>
      %select_n3A_1617 = arith.select %gt3A_1616, %gather3A_1615, %select_n3A_1609 : vector<16xi1>, vector<16xf32>
      %jit3A_1618 = arith.constant 24 : i32
      %broadcast_in_dim3A_1619 = vector.broadcast %jit3A_1618 : i32 to vector<16xi32>
      %select_n3A_1620 = arith.select %gt3A_1616, %broadcast_in_dim3A_1619, %select_n3A_1612 : vector<16xi1>, vector<16xi32>
      %broadcast_in_dim3A_1621 = arith.constant 25 : i32
      %broadcast_in_dim3A_1622 = vector.broadcast %broadcast_in_dim3A_1621 : i32 to vector<16xi32>
      %gather3A_1623 = tpu.vector_load_idx %arg5[%add3A_1426, %broadcast_in_dim3A_1622] : memref<224x64xf32, #tpu.memory_space<vmem>>[vector<16xi32>, vector<16xi32>], vector<16xf32>,
      %gt3A_1624 = arith.cmpf ogt, %gather3A_1623, %select_n3A_1617 : vector<16xf32>
      %select_n3A_1625 = arith.select %gt3A_1624, %gather3A_1623, %select_n3A_1617 : vector<16xi1>, vector<16xf32>
      %jit3A_1626 = arith.constant 25 : i32
      %broadcast_in_dim3A_1627 = vector.broadcast %jit3A_1626 : i32 to vector<16xi32>
      %select_n3A_1628 = arith.select %gt3A_1624, %broadcast_in_dim3A_1627, %select_n3A_1620 : vector<16xi1>, vector<16xi32>
      %broadcast_in_dim3A_1629 = arith.constant 26 : i32
      %broadcast_in_dim3A_1630 = vector.broadcast %broadcast_in_dim3A_1629 : i32 to vector<16xi32>
      %gather3A_1631 = tpu.vector_load_idx %arg5[%add3A_1426, %broadcast_in_dim3A_1630] : memref<224x64xf32, #tpu.memory_space<vmem>>[vector<16xi32>, vector<16xi32>], vector<16xf32>,
      %gt3A_1632 = arith.cmpf ogt, %gather3A_1631, %select_n3A_1625 : vector<16xf32>
      %select_n3A_1633 = arith.select %gt3A_1632, %gather3A_1631, %select_n3A_1625 : vector<16xi1>, vector<16xf32>
      %jit3A_1634 = arith.constant 26 : i32
      %broadcast_in_dim3A_1635 = vector.broadcast %jit3A_1634 : i32 to vector<16xi32>
      %select_n3A_1636 = arith.select %gt3A_1632, %broadcast_in_dim3A_1635, %select_n3A_1628 : vector<16xi1>, vector<16xi32>
      %broadcast_in_dim3A_1637 = arith.constant 27 : i32
      %broadcast_in_dim3A_1638 = vector.broadcast %broadcast_in_dim3A_1637 : i32 to vector<16xi32>
      %gather3A_1639 = tpu.vector_load_idx %arg5[%add3A_1426, %broadcast_in_dim3A_1638] : memref<224x64xf32, #tpu.memory_space<vmem>>[vector<16xi32>, vector<16xi32>], vector<16xf32>,
      %gt3A_1640 = arith.cmpf ogt, %gather3A_1639, %select_n3A_1633 : vector<16xf32>
      %select_n3A_1641 = arith.select %gt3A_1640, %gather3A_1639, %select_n3A_1633 : vector<16xi1>, vector<16xf32>
      %jit3A_1642 = arith.constant 27 : i32
      %broadcast_in_dim3A_1643 = vector.broadcast %jit3A_1642 : i32 to vector<16xi32>
      %select_n3A_1644 = arith.select %gt3A_1640, %broadcast_in_dim3A_1643, %select_n3A_1636 : vector<16xi1>, vector<16xi32>
      %broadcast_in_dim3A_1645 = arith.constant 28 : i32
      %broadcast_in_dim3A_1646 = vector.broadcast %broadcast_in_dim3A_1645 : i32 to vector<16xi32>
      %gather3A_1647 = tpu.vector_load_idx %arg5[%add3A_1426, %broadcast_in_dim3A_1646] : memref<224x64xf32, #tpu.memory_space<vmem>>[vector<16xi32>, vector<16xi32>], vector<16xf32>,
      %gt3A_1648 = arith.cmpf ogt, %gather3A_1647, %select_n3A_1641 : vector<16xf32>
      %select_n3A_1649 = arith.select %gt3A_1648, %gather3A_1647, %select_n3A_1641 : vector<16xi1>, vector<16xf32>
      %jit3A_1650 = arith.constant 28 : i32
      %broadcast_in_dim3A_1651 = vector.broadcast %jit3A_1650 : i32 to vector<16xi32>
      %select_n3A_1652 = arith.select %gt3A_1648, %broadcast_in_dim3A_1651, %select_n3A_1644 : vector<16xi1>, vector<16xi32>
      %broadcast_in_dim3A_1653 = arith.constant 29 : i32
      %broadcast_in_dim3A_1654 = vector.broadcast %broadcast_in_dim3A_1653 : i32 to vector<16xi32>
      %gather3A_1655 = tpu.vector_load_idx %arg5[%add3A_1426, %broadcast_in_dim3A_1654] : memref<224x64xf32, #tpu.memory_space<vmem>>[vector<16xi32>, vector<16xi32>], vector<16xf32>,
      %gt3A_1656 = arith.cmpf ogt, %gather3A_1655, %select_n3A_1649 : vector<16xf32>
      %select_n3A_1657 = arith.select %gt3A_1656, %gather3A_1655, %select_n3A_1649 : vector<16xi1>, vector<16xf32>
      %jit3A_1658 = arith.constant 29 : i32
      %broadcast_in_dim3A_1659 = vector.broadcast %jit3A_1658 : i32 to vector<16xi32>
      %select_n3A_1660 = arith.select %gt3A_1656, %broadcast_in_dim3A_1659, %select_n3A_1652 : vector<16xi1>, vector<16xi32>
      %broadcast_in_dim3A_1661 = arith.constant 30 : i32
      %broadcast_in_dim3A_1662 = vector.broadcast %broadcast_in_dim3A_1661 : i32 to vector<16xi32>
      %gather3A_1663 = tpu.vector_load_idx %arg5[%add3A_1426, %broadcast_in_dim3A_1662] : memref<224x64xf32, #tpu.memory_space<vmem>>[vector<16xi32>, vector<16xi32>], vector<16xf32>,
      %gt3A_1664 = arith.cmpf ogt, %gather3A_1663, %select_n3A_1657 : vector<16xf32>
      %select_n3A_1665 = arith.select %gt3A_1664, %gather3A_1663, %select_n3A_1657 : vector<16xi1>, vector<16xf32>
      %jit3A_1666 = arith.constant 30 : i32
      %broadcast_in_dim3A_1667 = vector.broadcast %jit3A_1666 : i32 to vector<16xi32>
      %select_n3A_1668 = arith.select %gt3A_1664, %broadcast_in_dim3A_1667, %select_n3A_1660 : vector<16xi1>, vector<16xi32>
      %broadcast_in_dim3A_1669 = arith.constant 31 : i32
      %broadcast_in_dim3A_1670 = vector.broadcast %broadcast_in_dim3A_1669 : i32 to vector<16xi32>
      %gather3A_1671 = tpu.vector_load_idx %arg5[%add3A_1426, %broadcast_in_dim3A_1670] : memref<224x64xf32, #tpu.memory_space<vmem>>[vector<16xi32>, vector<16xi32>], vector<16xf32>,
      %gt3A_1672 = arith.cmpf ogt, %gather3A_1671, %select_n3A_1665 : vector<16xf32>
      %select_n3A_1673 = arith.select %gt3A_1672, %gather3A_1671, %select_n3A_1665 : vector<16xi1>, vector<16xf32>
      %jit3A_1674 = arith.constant 31 : i32
      %broadcast_in_dim3A_1675 = vector.broadcast %jit3A_1674 : i32 to vector<16xi32>
      %select_n3A_1676 = arith.select %gt3A_1672, %broadcast_in_dim3A_1675, %select_n3A_1668 : vector<16xi1>, vector<16xi32>
      %broadcast_in_dim3A_1677 = arith.constant 32 : i32
      %broadcast_in_dim3A_1678 = vector.broadcast %broadcast_in_dim3A_1677 : i32 to vector<16xi32>
      %gather3A_1679 = tpu.vector_load_idx %arg5[%add3A_1426, %broadcast_in_dim3A_1678] : memref<224x64xf32, #tpu.memory_space<vmem>>[vector<16xi32>, vector<16xi32>], vector<16xf32>,
      %gt3A_1680 = arith.cmpf ogt, %gather3A_1679, %select_n3A_1673 : vector<16xf32>
      %select_n3A_1681 = arith.select %gt3A_1680, %gather3A_1679, %select_n3A_1673 : vector<16xi1>, vector<16xf32>
      %jit3A_1682 = arith.constant 32 : i32
      %broadcast_in_dim3A_1683 = vector.broadcast %jit3A_1682 : i32 to vector<16xi32>
      %select_n3A_1684 = arith.select %gt3A_1680, %broadcast_in_dim3A_1683, %select_n3A_1676 : vector<16xi1>, vector<16xi32>
      %broadcast_in_dim3A_1685 = arith.constant 33 : i32
      %broadcast_in_dim3A_1686 = vector.broadcast %broadcast_in_dim3A_1685 : i32 to vector<16xi32>
      %gather3A_1687 = tpu.vector_load_idx %arg5[%add3A_1426, %broadcast_in_dim3A_1686] : memref<224x64xf32, #tpu.memory_space<vmem>>[vector<16xi32>, vector<16xi32>], vector<16xf32>,
      %gt3A_1688 = arith.cmpf ogt, %gather3A_1687, %select_n3A_1681 : vector<16xf32>
      %select_n3A_1689 = arith.select %gt3A_1688, %gather3A_1687, %select_n3A_1681 : vector<16xi1>, vector<16xf32>
      %jit3A_1690 = arith.constant 33 : i32
      %broadcast_in_dim3A_1691 = vector.broadcast %jit3A_1690 : i32 to vector<16xi32>
      %select_n3A_1692 = arith.select %gt3A_1688, %broadcast_in_dim3A_1691, %select_n3A_1684 : vector<16xi1>, vector<16xi32>
      %broadcast_in_dim3A_1693 = arith.constant 34 : i32
      %broadcast_in_dim3A_1694 = vector.broadcast %broadcast_in_dim3A_1693 : i32 to vector<16xi32>
      %gather3A_1695 = tpu.vector_load_idx %arg5[%add3A_1426, %broadcast_in_dim3A_1694] : memref<224x64xf32, #tpu.memory_space<vmem>>[vector<16xi32>, vector<16xi32>], vector<16xf32>,
      %gt3A_1696 = arith.cmpf ogt, %gather3A_1695, %select_n3A_1689 : vector<16xf32>
      %select_n3A_1697 = arith.select %gt3A_1696, %gather3A_1695, %select_n3A_1689 : vector<16xi1>, vector<16xf32>
      %jit3A_1698 = arith.constant 34 : i32
      %broadcast_in_dim3A_1699 = vector.broadcast %jit3A_1698 : i32 to vector<16xi32>
      %select_n3A_1700 = arith.select %gt3A_1696, %broadcast_in_dim3A_1699, %select_n3A_1692 : vector<16xi1>, vector<16xi32>
      %broadcast_in_dim3A_1701 = arith.constant 35 : i32
      %broadcast_in_dim3A_1702 = vector.broadcast %broadcast_in_dim3A_1701 : i32 to vector<16xi32>
      %gather3A_1703 = tpu.vector_load_idx %arg5[%add3A_1426, %broadcast_in_dim3A_1702] : memref<224x64xf32, #tpu.memory_space<vmem>>[vector<16xi32>, vector<16xi32>], vector<16xf32>,
      %gt3A_1704 = arith.cmpf ogt, %gather3A_1703, %select_n3A_1697 : vector<16xf32>
      %select_n3A_1705 = arith.select %gt3A_1704, %gather3A_1703, %select_n3A_1697 : vector<16xi1>, vector<16xf32>
      %jit3A_1706 = arith.constant 35 : i32
      %broadcast_in_dim3A_1707 = vector.broadcast %jit3A_1706 : i32 to vector<16xi32>
      %select_n3A_1708 = arith.select %gt3A_1704, %broadcast_in_dim3A_1707, %select_n3A_1700 : vector<16xi1>, vector<16xi32>
      %broadcast_in_dim3A_1709 = arith.constant 36 : i32
      %broadcast_in_dim3A_1710 = vector.broadcast %broadcast_in_dim3A_1709 : i32 to vector<16xi32>
      %gather3A_1711 = tpu.vector_load_idx %arg5[%add3A_1426, %broadcast_in_dim3A_1710] : memref<224x64xf32, #tpu.memory_space<vmem>>[vector<16xi32>, vector<16xi32>], vector<16xf32>,
      %gt3A_1712 = arith.cmpf ogt, %gather3A_1711, %select_n3A_1705 : vector<16xf32>
      %select_n3A_1713 = arith.select %gt3A_1712, %gather3A_1711, %select_n3A_1705 : vector<16xi1>, vector<16xf32>
      %jit3A_1714 = arith.constant 36 : i32
      %broadcast_in_dim3A_1715 = vector.broadcast %jit3A_1714 : i32 to vector<16xi32>
      %select_n3A_1716 = arith.select %gt3A_1712, %broadcast_in_dim3A_1715, %select_n3A_1708 : vector<16xi1>, vector<16xi32>
      %broadcast_in_dim3A_1717 = arith.constant 37 : i32
      %broadcast_in_dim3A_1718 = vector.broadcast %broadcast_in_dim3A_1717 : i32 to vector<16xi32>
      %gather3A_1719 = tpu.vector_load_idx %arg5[%add3A_1426, %broadcast_in_dim3A_1718] : memref<224x64xf32, #tpu.memory_space<vmem>>[vector<16xi32>, vector<16xi32>], vector<16xf32>,
      %gt3A_1720 = arith.cmpf ogt, %gather3A_1719, %select_n3A_1713 : vector<16xf32>
      %select_n3A_1721 = arith.select %gt3A_1720, %gather3A_1719, %select_n3A_1713 : vector<16xi1>, vector<16xf32>
      %jit3A_1722 = arith.constant 37 : i32
      %broadcast_in_dim3A_1723 = vector.broadcast %jit3A_1722 : i32 to vector<16xi32>
      %select_n3A_1724 = arith.select %gt3A_1720, %broadcast_in_dim3A_1723, %select_n3A_1716 : vector<16xi1>, vector<16xi32>
      %broadcast_in_dim3A_1725 = arith.constant 38 : i32
      %broadcast_in_dim3A_1726 = vector.broadcast %broadcast_in_dim3A_1725 : i32 to vector<16xi32>
      %gather3A_1727 = tpu.vector_load_idx %arg5[%add3A_1426, %broadcast_in_dim3A_1726] : memref<224x64xf32, #tpu.memory_space<vmem>>[vector<16xi32>, vector<16xi32>], vector<16xf32>,
      %gt3A_1728 = arith.cmpf ogt, %gather3A_1727, %select_n3A_1721 : vector<16xf32>
      %select_n3A_1729 = arith.select %gt3A_1728, %gather3A_1727, %select_n3A_1721 : vector<16xi1>, vector<16xf32>
      %jit3A_1730 = arith.constant 38 : i32
      %broadcast_in_dim3A_1731 = vector.broadcast %jit3A_1730 : i32 to vector<16xi32>
      %select_n3A_1732 = arith.select %gt3A_1728, %broadcast_in_dim3A_1731, %select_n3A_1724 : vector<16xi1>, vector<16xi32>
      %broadcast_in_dim3A_1733 = arith.constant 39 : i32
      %broadcast_in_dim3A_1734 = vector.broadcast %broadcast_in_dim3A_1733 : i32 to vector<16xi32>
      %gather3A_1735 = tpu.vector_load_idx %arg5[%add3A_1426, %broadcast_in_dim3A_1734] : memref<224x64xf32, #tpu.memory_space<vmem>>[vector<16xi32>, vector<16xi32>], vector<16xf32>,
      %gt3A_1736 = arith.cmpf ogt, %gather3A_1735, %select_n3A_1729 : vector<16xf32>
      %select_n3A_1737 = arith.select %gt3A_1736, %gather3A_1735, %select_n3A_1729 : vector<16xi1>, vector<16xf32>
      %jit3A_1738 = arith.constant 39 : i32
      %broadcast_in_dim3A_1739 = vector.broadcast %jit3A_1738 : i32 to vector<16xi32>
      %select_n3A_1740 = arith.select %gt3A_1736, %broadcast_in_dim3A_1739, %select_n3A_1732 : vector<16xi1>, vector<16xi32>
      %broadcast_in_dim3A_1741 = arith.constant 40 : i32
      %broadcast_in_dim3A_1742 = vector.broadcast %broadcast_in_dim3A_1741 : i32 to vector<16xi32>
      %gather3A_1743 = tpu.vector_load_idx %arg5[%add3A_1426, %broadcast_in_dim3A_1742] : memref<224x64xf32, #tpu.memory_space<vmem>>[vector<16xi32>, vector<16xi32>], vector<16xf32>,
      %gt3A_1744 = arith.cmpf ogt, %gather3A_1743, %select_n3A_1737 : vector<16xf32>
      %select_n3A_1745 = arith.select %gt3A_1744, %gather3A_1743, %select_n3A_1737 : vector<16xi1>, vector<16xf32>
      %jit3A_1746 = arith.constant 40 : i32
      %broadcast_in_dim3A_1747 = vector.broadcast %jit3A_1746 : i32 to vector<16xi32>
      %select_n3A_1748 = arith.select %gt3A_1744, %broadcast_in_dim3A_1747, %select_n3A_1740 : vector<16xi1>, vector<16xi32>
      %broadcast_in_dim3A_1749 = arith.constant 41 : i32
      %broadcast_in_dim3A_1750 = vector.broadcast %broadcast_in_dim3A_1749 : i32 to vector<16xi32>
      %gather3A_1751 = tpu.vector_load_idx %arg5[%add3A_1426, %broadcast_in_dim3A_1750] : memref<224x64xf32, #tpu.memory_space<vmem>>[vector<16xi32>, vector<16xi32>], vector<16xf32>,
      %gt3A_1752 = arith.cmpf ogt, %gather3A_1751, %select_n3A_1745 : vector<16xf32>
      %select_n3A_1753 = arith.select %gt3A_1752, %gather3A_1751, %select_n3A_1745 : vector<16xi1>, vector<16xf32>
      %jit3A_1754 = arith.constant 41 : i32
      %broadcast_in_dim3A_1755 = vector.broadcast %jit3A_1754 : i32 to vector<16xi32>
      %select_n3A_1756 = arith.select %gt3A_1752, %broadcast_in_dim3A_1755, %select_n3A_1748 : vector<16xi1>, vector<16xi32>
      %broadcast_in_dim3A_1757 = arith.constant 42 : i32
      %broadcast_in_dim3A_1758 = vector.broadcast %broadcast_in_dim3A_1757 : i32 to vector<16xi32>
      %gather3A_1759 = tpu.vector_load_idx %arg5[%add3A_1426, %broadcast_in_dim3A_1758] : memref<224x64xf32, #tpu.memory_space<vmem>>[vector<16xi32>, vector<16xi32>], vector<16xf32>,
      %gt3A_1760 = arith.cmpf ogt, %gather3A_1759, %select_n3A_1753 : vector<16xf32>
      %select_n3A_1761 = arith.select %gt3A_1760, %gather3A_1759, %select_n3A_1753 : vector<16xi1>, vector<16xf32>
      %jit3A_1762 = arith.constant 42 : i32
      %broadcast_in_dim3A_1763 = vector.broadcast %jit3A_1762 : i32 to vector<16xi32>
      %select_n3A_1764 = arith.select %gt3A_1760, %broadcast_in_dim3A_1763, %select_n3A_1756 : vector<16xi1>, vector<16xi32>
      %broadcast_in_dim3A_1765 = arith.constant 43 : i32
      %broadcast_in_dim3A_1766 = vector.broadcast %broadcast_in_dim3A_1765 : i32 to vector<16xi32>
      %gather3A_1767 = tpu.vector_load_idx %arg5[%add3A_1426, %broadcast_in_dim3A_1766] : memref<224x64xf32, #tpu.memory_space<vmem>>[vector<16xi32>, vector<16xi32>], vector<16xf32>,
      %gt3A_1768 = arith.cmpf ogt, %gather3A_1767, %select_n3A_1761 : vector<16xf32>
      %select_n3A_1769 = arith.select %gt3A_1768, %gather3A_1767, %select_n3A_1761 : vector<16xi1>, vector<16xf32>
      %jit3A_1770 = arith.constant 43 : i32
      %broadcast_in_dim3A_1771 = vector.broadcast %jit3A_1770 : i32 to vector<16xi32>
      %select_n3A_1772 = arith.select %gt3A_1768, %broadcast_in_dim3A_1771, %select_n3A_1764 : vector<16xi1>, vector<16xi32>
      %broadcast_in_dim3A_1773 = arith.constant 44 : i32
      %broadcast_in_dim3A_1774 = vector.broadcast %broadcast_in_dim3A_1773 : i32 to vector<16xi32>
      %gather3A_1775 = tpu.vector_load_idx %arg5[%add3A_1426, %broadcast_in_dim3A_1774] : memref<224x64xf32, #tpu.memory_space<vmem>>[vector<16xi32>, vector<16xi32>], vector<16xf32>,
      %gt3A_1776 = arith.cmpf ogt, %gather3A_1775, %select_n3A_1769 : vector<16xf32>
      %select_n3A_1777 = arith.select %gt3A_1776, %gather3A_1775, %select_n3A_1769 : vector<16xi1>, vector<16xf32>
      %jit3A_1778 = arith.constant 44 : i32
      %broadcast_in_dim3A_1779 = vector.broadcast %jit3A_1778 : i32 to vector<16xi32>
      %select_n3A_1780 = arith.select %gt3A_1776, %broadcast_in_dim3A_1779, %select_n3A_1772 : vector<16xi1>, vector<16xi32>
      %broadcast_in_dim3A_1781 = arith.constant 45 : i32
      %broadcast_in_dim3A_1782 = vector.broadcast %broadcast_in_dim3A_1781 : i32 to vector<16xi32>
      %gather3A_1783 = tpu.vector_load_idx %arg5[%add3A_1426, %broadcast_in_dim3A_1782] : memref<224x64xf32, #tpu.memory_space<vmem>>[vector<16xi32>, vector<16xi32>], vector<16xf32>,
      %gt3A_1784 = arith.cmpf ogt, %gather3A_1783, %select_n3A_1777 : vector<16xf32>
      %select_n3A_1785 = arith.select %gt3A_1784, %gather3A_1783, %select_n3A_1777 : vector<16xi1>, vector<16xf32>
      %jit3A_1786 = arith.constant 45 : i32
      %broadcast_in_dim3A_1787 = vector.broadcast %jit3A_1786 : i32 to vector<16xi32>
      %select_n3A_1788 = arith.select %gt3A_1784, %broadcast_in_dim3A_1787, %select_n3A_1780 : vector<16xi1>, vector<16xi32>
      %broadcast_in_dim3A_1789 = arith.constant 46 : i32
      %broadcast_in_dim3A_1790 = vector.broadcast %broadcast_in_dim3A_1789 : i32 to vector<16xi32>
      %gather3A_1791 = tpu.vector_load_idx %arg5[%add3A_1426, %broadcast_in_dim3A_1790] : memref<224x64xf32, #tpu.memory_space<vmem>>[vector<16xi32>, vector<16xi32>], vector<16xf32>,
      %gt3A_1792 = arith.cmpf ogt, %gather3A_1791, %select_n3A_1785 : vector<16xf32>
      %select_n3A_1793 = arith.select %gt3A_1792, %gather3A_1791, %select_n3A_1785 : vector<16xi1>, vector<16xf32>
      %jit3A_1794 = arith.constant 46 : i32
      %broadcast_in_dim3A_1795 = vector.broadcast %jit3A_1794 : i32 to vector<16xi32>
      %select_n3A_1796 = arith.select %gt3A_1792, %broadcast_in_dim3A_1795, %select_n3A_1788 : vector<16xi1>, vector<16xi32>
      %broadcast_in_dim3A_1797 = arith.constant 47 : i32
      %broadcast_in_dim3A_1798 = vector.broadcast %broadcast_in_dim3A_1797 : i32 to vector<16xi32>
      %gather3A_1799 = tpu.vector_load_idx %arg5[%add3A_1426, %broadcast_in_dim3A_1798] : memref<224x64xf32, #tpu.memory_space<vmem>>[vector<16xi32>, vector<16xi32>], vector<16xf32>,
      %gt3A_1800 = arith.cmpf ogt, %gather3A_1799, %select_n3A_1793 : vector<16xf32>
      %select_n3A_1801 = arith.select %gt3A_1800, %gather3A_1799, %select_n3A_1793 : vector<16xi1>, vector<16xf32>
      %jit3A_1802 = arith.constant 47 : i32
      %broadcast_in_dim3A_1803 = vector.broadcast %jit3A_1802 : i32 to vector<16xi32>
      %select_n3A_1804 = arith.select %gt3A_1800, %broadcast_in_dim3A_1803, %select_n3A_1796 : vector<16xi1>, vector<16xi32>
      %broadcast_in_dim3A_1805 = arith.constant 48 : i32
      %broadcast_in_dim3A_1806 = vector.broadcast %broadcast_in_dim3A_1805 : i32 to vector<16xi32>
      %gather3A_1807 = tpu.vector_load_idx %arg5[%add3A_1426, %broadcast_in_dim3A_1806] : memref<224x64xf32, #tpu.memory_space<vmem>>[vector<16xi32>, vector<16xi32>], vector<16xf32>,
      %gt3A_1808 = arith.cmpf ogt, %gather3A_1807, %select_n3A_1801 : vector<16xf32>
      %select_n3A_1809 = arith.select %gt3A_1808, %gather3A_1807, %select_n3A_1801 : vector<16xi1>, vector<16xf32>
      %jit3A_1810 = arith.constant 48 : i32
      %broadcast_in_dim3A_1811 = vector.broadcast %jit3A_1810 : i32 to vector<16xi32>
      %select_n3A_1812 = arith.select %gt3A_1808, %broadcast_in_dim3A_1811, %select_n3A_1804 : vector<16xi1>, vector<16xi32>
      %broadcast_in_dim3A_1813 = arith.constant 49 : i32
      %broadcast_in_dim3A_1814 = vector.broadcast %broadcast_in_dim3A_1813 : i32 to vector<16xi32>
      %gather3A_1815 = tpu.vector_load_idx %arg5[%add3A_1426, %broadcast_in_dim3A_1814] : memref<224x64xf32, #tpu.memory_space<vmem>>[vector<16xi32>, vector<16xi32>], vector<16xf32>,
      %gt3A_1816 = arith.cmpf ogt, %gather3A_1815, %select_n3A_1809 : vector<16xf32>
      %select_n3A_1817 = arith.select %gt3A_1816, %gather3A_1815, %select_n3A_1809 : vector<16xi1>, vector<16xf32>
      %jit3A_1818 = arith.constant 49 : i32
      %broadcast_in_dim3A_1819 = vector.broadcast %jit3A_1818 : i32 to vector<16xi32>
      %select_n3A_1820 = arith.select %gt3A_1816, %broadcast_in_dim3A_1819, %select_n3A_1812 : vector<16xi1>, vector<16xi32>
      %broadcast_in_dim3A_1821 = arith.constant 50 : i32
      %broadcast_in_dim3A_1822 = vector.broadcast %broadcast_in_dim3A_1821 : i32 to vector<16xi32>
      %gather3A_1823 = tpu.vector_load_idx %arg5[%add3A_1426, %broadcast_in_dim3A_1822] : memref<224x64xf32, #tpu.memory_space<vmem>>[vector<16xi32>, vector<16xi32>], vector<16xf32>,
      %gt3A_1824 = arith.cmpf ogt, %gather3A_1823, %select_n3A_1817 : vector<16xf32>
      %select_n3A_1825 = arith.select %gt3A_1824, %gather3A_1823, %select_n3A_1817 : vector<16xi1>, vector<16xf32>
      %jit3A_1826 = arith.constant 50 : i32
      %broadcast_in_dim3A_1827 = vector.broadcast %jit3A_1826 : i32 to vector<16xi32>
      %select_n3A_1828 = arith.select %gt3A_1824, %broadcast_in_dim3A_1827, %select_n3A_1820 : vector<16xi1>, vector<16xi32>
      %broadcast_in_dim3A_1829 = arith.constant 51 : i32
      %broadcast_in_dim3A_1830 = vector.broadcast %broadcast_in_dim3A_1829 : i32 to vector<16xi32>
      %gather3A_1831 = tpu.vector_load_idx %arg5[%add3A_1426, %broadcast_in_dim3A_1830] : memref<224x64xf32, #tpu.memory_space<vmem>>[vector<16xi32>, vector<16xi32>], vector<16xf32>,
      %gt3A_1832 = arith.cmpf ogt, %gather3A_1831, %select_n3A_1825 : vector<16xf32>
      %select_n3A_1833 = arith.select %gt3A_1832, %gather3A_1831, %select_n3A_1825 : vector<16xi1>, vector<16xf32>
      %jit3A_1834 = arith.constant 51 : i32
      %broadcast_in_dim3A_1835 = vector.broadcast %jit3A_1834 : i32 to vector<16xi32>
      %select_n3A_1836 = arith.select %gt3A_1832, %broadcast_in_dim3A_1835, %select_n3A_1828 : vector<16xi1>, vector<16xi32>
      %broadcast_in_dim3A_1837 = arith.constant 52 : i32
      %broadcast_in_dim3A_1838 = vector.broadcast %broadcast_in_dim3A_1837 : i32 to vector<16xi32>
      %gather3A_1839 = tpu.vector_load_idx %arg5[%add3A_1426, %broadcast_in_dim3A_1838] : memref<224x64xf32, #tpu.memory_space<vmem>>[vector<16xi32>, vector<16xi32>], vector<16xf32>,
      %gt3A_1840 = arith.cmpf ogt, %gather3A_1839, %select_n3A_1833 : vector<16xf32>
      %select_n3A_1841 = arith.select %gt3A_1840, %gather3A_1839, %select_n3A_1833 : vector<16xi1>, vector<16xf32>
      %jit3A_1842 = arith.constant 52 : i32
      %broadcast_in_dim3A_1843 = vector.broadcast %jit3A_1842 : i32 to vector<16xi32>
      %select_n3A_1844 = arith.select %gt3A_1840, %broadcast_in_dim3A_1843, %select_n3A_1836 : vector<16xi1>, vector<16xi32>
      %broadcast_in_dim3A_1845 = arith.constant 53 : i32
      %broadcast_in_dim3A_1846 = vector.broadcast %broadcast_in_dim3A_1845 : i32 to vector<16xi32>
      %gather3A_1847 = tpu.vector_load_idx %arg5[%add3A_1426, %broadcast_in_dim3A_1846] : memref<224x64xf32, #tpu.memory_space<vmem>>[vector<16xi32>, vector<16xi32>], vector<16xf32>,
      %gt3A_1848 = arith.cmpf ogt, %gather3A_1847, %select_n3A_1841 : vector<16xf32>
      %select_n3A_1849 = arith.select %gt3A_1848, %gather3A_1847, %select_n3A_1841 : vector<16xi1>, vector<16xf32>
      %jit3A_1850 = arith.constant 53 : i32
      %broadcast_in_dim3A_1851 = vector.broadcast %jit3A_1850 : i32 to vector<16xi32>
      %select_n3A_1852 = arith.select %gt3A_1848, %broadcast_in_dim3A_1851, %select_n3A_1844 : vector<16xi1>, vector<16xi32>
      %broadcast_in_dim3A_1853 = arith.constant 54 : i32
      %broadcast_in_dim3A_1854 = vector.broadcast %broadcast_in_dim3A_1853 : i32 to vector<16xi32>
      %gather3A_1855 = tpu.vector_load_idx %arg5[%add3A_1426, %broadcast_in_dim3A_1854] : memref<224x64xf32, #tpu.memory_space<vmem>>[vector<16xi32>, vector<16xi32>], vector<16xf32>,
      %gt3A_1856 = arith.cmpf ogt, %gather3A_1855, %select_n3A_1849 : vector<16xf32>
      %select_n3A_1857 = arith.select %gt3A_1856, %gather3A_1855, %select_n3A_1849 : vector<16xi1>, vector<16xf32>
      %jit3A_1858 = arith.constant 54 : i32
      %broadcast_in_dim3A_1859 = vector.broadcast %jit3A_1858 : i32 to vector<16xi32>
      %select_n3A_1860 = arith.select %gt3A_1856, %broadcast_in_dim3A_1859, %select_n3A_1852 : vector<16xi1>, vector<16xi32>
      %broadcast_in_dim3A_1861 = arith.constant 55 : i32
      %broadcast_in_dim3A_1862 = vector.broadcast %broadcast_in_dim3A_1861 : i32 to vector<16xi32>
      %gather3A_1863 = tpu.vector_load_idx %arg5[%add3A_1426, %broadcast_in_dim3A_1862] : memref<224x64xf32, #tpu.memory_space<vmem>>[vector<16xi32>, vector<16xi32>], vector<16xf32>,
      %gt3A_1864 = arith.cmpf ogt, %gather3A_1863, %select_n3A_1857 : vector<16xf32>
      %select_n3A_1865 = arith.select %gt3A_1864, %gather3A_1863, %select_n3A_1857 : vector<16xi1>, vector<16xf32>
      %jit3A_1866 = arith.constant 55 : i32
      %broadcast_in_dim3A_1867 = vector.broadcast %jit3A_1866 : i32 to vector<16xi32>
      %select_n3A_1868 = arith.select %gt3A_1864, %broadcast_in_dim3A_1867, %select_n3A_1860 : vector<16xi1>, vector<16xi32>
      %broadcast_in_dim3A_1869 = arith.constant 56 : i32
      %broadcast_in_dim3A_1870 = vector.broadcast %broadcast_in_dim3A_1869 : i32 to vector<16xi32>
      %gather3A_1871 = tpu.vector_load_idx %arg5[%add3A_1426, %broadcast_in_dim3A_1870] : memref<224x64xf32, #tpu.memory_space<vmem>>[vector<16xi32>, vector<16xi32>], vector<16xf32>,
      %gt3A_1872 = arith.cmpf ogt, %gather3A_1871, %select_n3A_1865 : vector<16xf32>
      %select_n3A_1873 = arith.select %gt3A_1872, %gather3A_1871, %select_n3A_1865 : vector<16xi1>, vector<16xf32>
      %jit3A_1874 = arith.constant 56 : i32
      %broadcast_in_dim3A_1875 = vector.broadcast %jit3A_1874 : i32 to vector<16xi32>
      %select_n3A_1876 = arith.select %gt3A_1872, %broadcast_in_dim3A_1875, %select_n3A_1868 : vector<16xi1>, vector<16xi32>
      %broadcast_in_dim3A_1877 = arith.constant 57 : i32
      %broadcast_in_dim3A_1878 = vector.broadcast %broadcast_in_dim3A_1877 : i32 to vector<16xi32>
      %gather3A_1879 = tpu.vector_load_idx %arg5[%add3A_1426, %broadcast_in_dim3A_1878] : memref<224x64xf32, #tpu.memory_space<vmem>>[vector<16xi32>, vector<16xi32>], vector<16xf32>,
      %gt3A_1880 = arith.cmpf ogt, %gather3A_1879, %select_n3A_1873 : vector<16xf32>
      %select_n3A_1881 = arith.select %gt3A_1880, %gather3A_1879, %select_n3A_1873 : vector<16xi1>, vector<16xf32>
      %jit3A_1882 = arith.constant 57 : i32
      %broadcast_in_dim3A_1883 = vector.broadcast %jit3A_1882 : i32 to vector<16xi32>
      %select_n3A_1884 = arith.select %gt3A_1880, %broadcast_in_dim3A_1883, %select_n3A_1876 : vector<16xi1>, vector<16xi32>
      %broadcast_in_dim3A_1885 = arith.constant 58 : i32
      %broadcast_in_dim3A_1886 = vector.broadcast %broadcast_in_dim3A_1885 : i32 to vector<16xi32>
      %gather3A_1887 = tpu.vector_load_idx %arg5[%add3A_1426, %broadcast_in_dim3A_1886] : memref<224x64xf32, #tpu.memory_space<vmem>>[vector<16xi32>, vector<16xi32>], vector<16xf32>,
      %gt3A_1888 = arith.cmpf ogt, %gather3A_1887, %select_n3A_1881 : vector<16xf32>
      %select_n3A_1889 = arith.select %gt3A_1888, %gather3A_1887, %select_n3A_1881 : vector<16xi1>, vector<16xf32>
      %jit3A_1890 = arith.constant 58 : i32
      %broadcast_in_dim3A_1891 = vector.broadcast %jit3A_1890 : i32 to vector<16xi32>
      %select_n3A_1892 = arith.select %gt3A_1888, %broadcast_in_dim3A_1891, %select_n3A_1884 : vector<16xi1>, vector<16xi32>
      %broadcast_in_dim3A_1893 = arith.constant 59 : i32
      %broadcast_in_dim3A_1894 = vector.broadcast %broadcast_in_dim3A_1893 : i32 to vector<16xi32>
      %gather3A_1895 = tpu.vector_load_idx %arg5[%add3A_1426, %broadcast_in_dim3A_1894] : memref<224x64xf32, #tpu.memory_space<vmem>>[vector<16xi32>, vector<16xi32>], vector<16xf32>,
      %gt3A_1896 = arith.cmpf ogt, %gather3A_1895, %select_n3A_1889 : vector<16xf32>
      %select_n3A_1897 = arith.select %gt3A_1896, %gather3A_1895, %select_n3A_1889 : vector<16xi1>, vector<16xf32>
      %jit3A_1898 = arith.constant 59 : i32
      %broadcast_in_dim3A_1899 = vector.broadcast %jit3A_1898 : i32 to vector<16xi32>
      %select_n3A_1900 = arith.select %gt3A_1896, %broadcast_in_dim3A_1899, %select_n3A_1892 : vector<16xi1>, vector<16xi32>
      %broadcast_in_dim3A_1901 = arith.constant 60 : i32
      %broadcast_in_dim3A_1902 = vector.broadcast %broadcast_in_dim3A_1901 : i32 to vector<16xi32>
      %gather3A_1903 = tpu.vector_load_idx %arg5[%add3A_1426, %broadcast_in_dim3A_1902] : memref<224x64xf32, #tpu.memory_space<vmem>>[vector<16xi32>, vector<16xi32>], vector<16xf32>,
      %gt3A_1904 = arith.cmpf ogt, %gather3A_1903, %select_n3A_1897 : vector<16xf32>
      %select_n3A_1905 = arith.select %gt3A_1904, %gather3A_1903, %select_n3A_1897 : vector<16xi1>, vector<16xf32>
      %jit3A_1906 = arith.constant 60 : i32
      %broadcast_in_dim3A_1907 = vector.broadcast %jit3A_1906 : i32 to vector<16xi32>
      %select_n3A_1908 = arith.select %gt3A_1904, %broadcast_in_dim3A_1907, %select_n3A_1900 : vector<16xi1>, vector<16xi32>
      %broadcast_in_dim3A_1909 = arith.constant 61 : i32
      %broadcast_in_dim3A_1910 = vector.broadcast %broadcast_in_dim3A_1909 : i32 to vector<16xi32>
      %gather3A_1911 = tpu.vector_load_idx %arg5[%add3A_1426, %broadcast_in_dim3A_1910] : memref<224x64xf32, #tpu.memory_space<vmem>>[vector<16xi32>, vector<16xi32>], vector<16xf32>,
      %gt3A_1912 = arith.cmpf ogt, %gather3A_1911, %select_n3A_1905 : vector<16xf32>
      %select_n3A_1913 = arith.select %gt3A_1912, %gather3A_1911, %select_n3A_1905 : vector<16xi1>, vector<16xf32>
      %jit3A_1914 = arith.constant 61 : i32
      %broadcast_in_dim3A_1915 = vector.broadcast %jit3A_1914 : i32 to vector<16xi32>
      %select_n3A_1916 = arith.select %gt3A_1912, %broadcast_in_dim3A_1915, %select_n3A_1908 : vector<16xi1>, vector<16xi32>
      %broadcast_in_dim3A_1917 = arith.constant 62 : i32
      %broadcast_in_dim3A_1918 = vector.broadcast %broadcast_in_dim3A_1917 : i32 to vector<16xi32>
      %gather3A_1919 = tpu.vector_load_idx %arg5[%add3A_1426, %broadcast_in_dim3A_1918] : memref<224x64xf32, #tpu.memory_space<vmem>>[vector<16xi32>, vector<16xi32>], vector<16xf32>,
      %gt3A_1920 = arith.cmpf ogt, %gather3A_1919, %select_n3A_1913 : vector<16xf32>
      %select_n3A_1921 = arith.select %gt3A_1920, %gather3A_1919, %select_n3A_1913 : vector<16xi1>, vector<16xf32>
      %jit3A_1922 = arith.constant 62 : i32
      %broadcast_in_dim3A_1923 = vector.broadcast %jit3A_1922 : i32 to vector<16xi32>
      %select_n3A_1924 = arith.select %gt3A_1920, %broadcast_in_dim3A_1923, %select_n3A_1916 : vector<16xi1>, vector<16xi32>
      %broadcast_in_dim3A_1925 = arith.constant 63 : i32
      %broadcast_in_dim3A_1926 = vector.broadcast %broadcast_in_dim3A_1925 : i32 to vector<16xi32>
      %gather3A_1927 = tpu.vector_load_idx %arg5[%add3A_1426, %broadcast_in_dim3A_1926] : memref<224x64xf32, #tpu.memory_space<vmem>>[vector<16xi32>, vector<16xi32>], vector<16xf32>,
      %gt3A_1928 = arith.cmpf ogt, %gather3A_1927, %select_n3A_1921 : vector<16xf32>
      %select_n3A_1929 = arith.select %gt3A_1928, %gather3A_1927, %select_n3A_1921 : vector<16xi1>, vector<16xf32>
      %jit3A_1930 = arith.constant 63 : i32
      %broadcast_in_dim3A_1931 = vector.broadcast %jit3A_1930 : i32 to vector<16xi32>
      %select_n3A_1932 = arith.select %gt3A_1928, %broadcast_in_dim3A_1931, %select_n3A_1924 : vector<16xi1>, vector<16xi32>
      tpu.vector_store_idx %arg6[%add3A_1426], %select_n3A_1932 : memref<224xi32, #tpu.memory_space<vmem>>[vector<16xi32>], vector<16xi32>,
      %convert_element_type3A = arith.sitofp %select_n3A_1932 : vector<16xi32> to vector<16xf32>
      %mul3A_1933 = arith.constant 16 : i32
      %mul3A_1934 = arith.muli %scan3A_1422, %mul3A_1933 : i32
      %add3A_1935 = arith.constant 3584 : i32
      %add3A_1936 = arith.addi %add3A_1935, %mul3A_1934 : i32
      %swap3A_1937 = arith.index_cast %add3A_1936 : i32 to index
      %swap3A_1938 = tpu.vector_load %arg9[%swap3A_1937] {strides = array<i32>} : memref<3808xf32, #tpu.memory_space<vmem>>, vector<16xf32>,
      tpu.vector_store %arg9[%swap3A_1937], %convert_element_type3A {strides = array<i32>} : memref<3808xf32, #tpu.memory_space<vmem>>, vector<16xf32>,
    }
    %scan3A_14 = arith.constant 14 : i32
    %add3A_15 = arith.constant 16 : i32
    %add3A_16 = arith.addi %mul3A_2, %add3A_15 : i32
    %dma_start3A_17 = arith.constant 0 : i32
    %dma_start3A_18 = arith.constant 0 : i32
    %dma_start3A_19 = tpu.memref_slice %arg2[%add3A_16, %dma_start3A_17, %dma_start3A_18] : memref<16384x16x64xf32, #tpu.memory_space<hbm>> -> memref<16x16x64xf32, #tpu.memory_space<hbm>>
    %dma_start3A_20 = arith.constant 0 : i32
    %dma_start3A_21 = arith.constant 0 : i32
    %dma_start3A_22 = tpu.memref_slice %arg2[%add3A_16, %dma_start3A_20, %dma_start3A_21] : memref<16384x16x64xf32, #tpu.memory_space<hbm>> -> memref<16x16x64xf32, #tpu.memory_space<hbm>>
    tpu.enqueue_dma source(%dma_start3A_22 : memref<16x16x64xf32, #tpu.memory_space<hbm>>) target(%arg8 : memref<16x16x64xf32, #tpu.memory_space<vmem>>) target_semaphore(%arg11 : memref<!tpu.dma_semaphore, #tpu.memory_space<semaphore_mem>>)
    %dma_wait3A = arith.constant 0 : i32
    %dma_wait3A_23 = arith.constant 0 : i32
    %dma_wait3A_24 = tpu.memref_slice %arg2[%add3A_4, %dma_wait3A, %dma_wait3A_23] : memref<16384x16x64xf32, #tpu.memory_space<hbm>> -> memref<16x16x64xf32, #tpu.memory_space<hbm>>
    %dma_wait3A_25 = arith.constant 0 : i32
    %dma_wait3A_26 = arith.constant 0 : i32
    %dma_wait3A_27 = tpu.memref_slice %arg2[%add3A_4, %dma_wait3A_25, %dma_wait3A_26] : memref<16384x16x64xf32, #tpu.memory_space<hbm>> -> memref<16x16x64xf32, #tpu.memory_space<hbm>>
    tpu.wait_dma2 semaphore(%arg10 : memref<!tpu.dma_semaphore, #tpu.memory_space<semaphore_mem>>) src(%dma_wait3A_27 : memref<16x16x64xf32, #tpu.memory_space<hbm>>) dst(%arg7 : memref<16x16x64xf32, #tpu.memory_space<vmem>>)
    %get3A = arith.constant 0 : index
    %get3A_28 = tpu.vector_load %arg6[%get3A] {strides = array<i32>} : memref<224xi32, #tpu.memory_space<vmem>>, vector<16xi32>,
    %add3A_29 = arith.constant 0 : i32
    %add3A_30 = vector.broadcast %add3A_29 : i32 to vector<16xi32>
    %add3A_31 = arith.addi %add3A_30, %iota3A : vector<16xi32>
    %broadcast_in_dim3A = arith.constant 0 : i32
    %broadcast_in_dim3A_32 = vector.broadcast %broadcast_in_dim3A : i32 to vector<16xi32>
    %gather3A = tpu.vector_load_idx %arg7[%add3A_31, %broadcast_in_dim3A_32, %get3A_28] : memref<16x16x64xf32, #tpu.memory_space<vmem>>[vector<16xi32>, vector<16xi32>, vector<16xi32>], vector<16xf32>,
    %swap3A = arith.constant 0 : index
    %swap3A_33 = tpu.vector_load %arg9[%swap3A] {strides = array<i32>} : memref<3808xf32, #tpu.memory_space<vmem>>, vector<16xf32>,
    tpu.vector_store %arg9[%swap3A], %gather3A {strides = array<i32>} : memref<3808xf32, #tpu.memory_space<vmem>>, vector<16xf32>,
    %broadcast_in_dim3A_34 = arith.constant 1 : i32
    %broadcast_in_dim3A_35 = vector.broadcast %broadcast_in_dim3A_34 : i32 to vector<16xi32>
    %gather3A_36 = tpu.vector_load_idx %arg7[%add3A_31, %broadcast_in_dim3A_35, %get3A_28] : memref<16x16x64xf32, #tpu.memory_space<vmem>>[vector<16xi32>, vector<16xi32>, vector<16xi32>], vector<16xf32>,
    %swap3A_37 = arith.constant 224 : index
    %swap3A_38 = tpu.vector_load %arg9[%swap3A_37] {strides = array<i32>} : memref<3808xf32, #tpu.memory_space<vmem>>, vector<16xf32>,
    tpu.vector_store %arg9[%swap3A_37], %gather3A_36 {strides = array<i32>} : memref<3808xf32, #tpu.memory_space<vmem>>, vector<16xf32>,
    %broadcast_in_dim3A_39 = arith.constant 2 : i32
    %broadcast_in_dim3A_40 = vector.broadcast %broadcast_in_dim3A_39 : i32 to vector<16xi32>
    %gather3A_41 = tpu.vector_load_idx %arg7[%add3A_31, %broadcast_in_dim3A_40, %get3A_28] : memref<16x16x64xf32, #tpu.memory_space<vmem>>[vector<16xi32>, vector<16xi32>, vector<16xi32>], vector<16xf32>,
    %swap3A_42 = arith.constant 448 : index
    %swap3A_43 = tpu.vector_load %arg9[%swap3A_42] {strides = array<i32>} : memref<3808xf32, #tpu.memory_space<vmem>>, vector<16xf32>,
    tpu.vector_store %arg9[%swap3A_42], %gather3A_41 {strides = array<i32>} : memref<3808xf32, #tpu.memory_space<vmem>>, vector<16xf32>,
    %broadcast_in_dim3A_44 = arith.constant 3 : i32
    %broadcast_in_dim3A_45 = vector.broadcast %broadcast_in_dim3A_44 : i32 to vector<16xi32>
    %gather3A_46 = tpu.vector_load_idx %arg7[%add3A_31, %broadcast_in_dim3A_45, %get3A_28] : memref<16x16x64xf32, #tpu.memory_space<vmem>>[vector<16xi32>, vector<16xi32>, vector<16xi32>], vector<16xf32>,
    %swap3A_47 = arith.constant 672 : index
    %swap3A_48 = tpu.vector_load %arg9[%swap3A_47] {strides = array<i32>} : memref<3808xf32, #tpu.memory_space<vmem>>, vector<16xf32>,
    tpu.vector_store %arg9[%swap3A_47], %gather3A_46 {strides = array<i32>} : memref<3808xf32, #tpu.memory_space<vmem>>, vector<16xf32>,
    %broadcast_in_dim3A_49 = arith.constant 4 : i32
    %broadcast_in_dim3A_50 = vector.broadcast %broadcast_in_dim3A_49 : i32 to vector<16xi32>
    %gather3A_51 = tpu.vector_load_idx %arg7[%add3A_31, %broadcast_in_dim3A_50, %get3A_28] : memref<16x16x64xf32, #tpu.memory_space<vmem>>[vector<16xi32>, vector<16xi32>, vector<16xi32>], vector<16xf32>,
    %swap3A_52 = arith.constant 896 : index
    %swap3A_53 = tpu.vector_load %arg9[%swap3A_52] {strides = array<i32>} : memref<3808xf32, #tpu.memory_space<vmem>>, vector<16xf32>,
    tpu.vector_store %arg9[%swap3A_52], %gather3A_51 {strides = array<i32>} : memref<3808xf32, #tpu.memory_space<vmem>>, vector<16xf32>,
    %broadcast_in_dim3A_54 = arith.constant 5 : i32
    %broadcast_in_dim3A_55 = vector.broadcast %broadcast_in_dim3A_54 : i32 to vector<16xi32>
    %gather3A_56 = tpu.vector_load_idx %arg7[%add3A_31, %broadcast_in_dim3A_55, %get3A_28] : memref<16x16x64xf32, #tpu.memory_space<vmem>>[vector<16xi32>, vector<16xi32>, vector<16xi32>], vector<16xf32>,
    %swap3A_57 = arith.constant 1120 : index
    %swap3A_58 = tpu.vector_load %arg9[%swap3A_57] {strides = array<i32>} : memref<3808xf32, #tpu.memory_space<vmem>>, vector<16xf32>,
    tpu.vector_store %arg9[%swap3A_57], %gather3A_56 {strides = array<i32>} : memref<3808xf32, #tpu.memory_space<vmem>>, vector<16xf32>,
    %broadcast_in_dim3A_59 = arith.constant 6 : i32
    %broadcast_in_dim3A_60 = vector.broadcast %broadcast_in_dim3A_59 : i32 to vector<16xi32>
    %gather3A_61 = tpu.vector_load_idx %arg7[%add3A_31, %broadcast_in_dim3A_60, %get3A_28] : memref<16x16x64xf32, #tpu.memory_space<vmem>>[vector<16xi32>, vector<16xi32>, vector<16xi32>], vector<16xf32>,
    %swap3A_62 = arith.constant 1344 : index
    %swap3A_63 = tpu.vector_load %arg9[%swap3A_62] {strides = array<i32>} : memref<3808xf32, #tpu.memory_space<vmem>>, vector<16xf32>,
    tpu.vector_store %arg9[%swap3A_62], %gather3A_61 {strides = array<i32>} : memref<3808xf32, #tpu.memory_space<vmem>>, vector<16xf32>,
    %broadcast_in_dim3A_64 = arith.constant 7 : i32
    %broadcast_in_dim3A_65 = vector.broadcast %broadcast_in_dim3A_64 : i32 to vector<16xi32>
    %gather3A_66 = tpu.vector_load_idx %arg7[%add3A_31, %broadcast_in_dim3A_65, %get3A_28] : memref<16x16x64xf32, #tpu.memory_space<vmem>>[vector<16xi32>, vector<16xi32>, vector<16xi32>], vector<16xf32>,
    %swap3A_67 = arith.constant 1568 : index
    %swap3A_68 = tpu.vector_load %arg9[%swap3A_67] {strides = array<i32>} : memref<3808xf32, #tpu.memory_space<vmem>>, vector<16xf32>,
    tpu.vector_store %arg9[%swap3A_67], %gather3A_66 {strides = array<i32>} : memref<3808xf32, #tpu.memory_space<vmem>>, vector<16xf32>,
    %broadcast_in_dim3A_69 = arith.constant 8 : i32
    %broadcast_in_dim3A_70 = vector.broadcast %broadcast_in_dim3A_69 : i32 to vector<16xi32>
    %gather3A_71 = tpu.vector_load_idx %arg7[%add3A_31, %broadcast_in_dim3A_70, %get3A_28] : memref<16x16x64xf32, #tpu.memory_space<vmem>>[vector<16xi32>, vector<16xi32>, vector<16xi32>], vector<16xf32>,
    %swap3A_72 = arith.constant 1792 : index
    %swap3A_73 = tpu.vector_load %arg9[%swap3A_72] {strides = array<i32>} : memref<3808xf32, #tpu.memory_space<vmem>>, vector<16xf32>,
    tpu.vector_store %arg9[%swap3A_72], %gather3A_71 {strides = array<i32>} : memref<3808xf32, #tpu.memory_space<vmem>>, vector<16xf32>,
    %broadcast_in_dim3A_74 = arith.constant 9 : i32
    %broadcast_in_dim3A_75 = vector.broadcast %broadcast_in_dim3A_74 : i32 to vector<16xi32>
    %gather3A_76 = tpu.vector_load_idx %arg7[%add3A_31, %broadcast_in_dim3A_75, %get3A_28] : memref<16x16x64xf32, #tpu.memory_space<vmem>>[vector<16xi32>, vector<16xi32>, vector<16xi32>], vector<16xf32>,
    %swap3A_77 = arith.constant 2016 : index
    %swap3A_78 = tpu.vector_load %arg9[%swap3A_77] {strides = array<i32>} : memref<3808xf32, #tpu.memory_space<vmem>>, vector<16xf32>,
    tpu.vector_store %arg9[%swap3A_77], %gather3A_76 {strides = array<i32>} : memref<3808xf32, #tpu.memory_space<vmem>>, vector<16xf32>,
    %broadcast_in_dim3A_79 = arith.constant 10 : i32
    %broadcast_in_dim3A_80 = vector.broadcast %broadcast_in_dim3A_79 : i32 to vector<16xi32>
    %gather3A_81 = tpu.vector_load_idx %arg7[%add3A_31, %broadcast_in_dim3A_80, %get3A_28] : memref<16x16x64xf32, #tpu.memory_space<vmem>>[vector<16xi32>, vector<16xi32>, vector<16xi32>], vector<16xf32>,
    %swap3A_82 = arith.constant 2240 : index
    %swap3A_83 = tpu.vector_load %arg9[%swap3A_82] {strides = array<i32>} : memref<3808xf32, #tpu.memory_space<vmem>>, vector<16xf32>,
    tpu.vector_store %arg9[%swap3A_82], %gather3A_81 {strides = array<i32>} : memref<3808xf32, #tpu.memory_space<vmem>>, vector<16xf32>,
    %broadcast_in_dim3A_84 = arith.constant 11 : i32
    %broadcast_in_dim3A_85 = vector.broadcast %broadcast_in_dim3A_84 : i32 to vector<16xi32>
    %gather3A_86 = tpu.vector_load_idx %arg7[%add3A_31, %broadcast_in_dim3A_85, %get3A_28] : memref<16x16x64xf32, #tpu.memory_space<vmem>>[vector<16xi32>, vector<16xi32>, vector<16xi32>], vector<16xf32>,
    %swap3A_87 = arith.constant 2464 : index
    %swap3A_88 = tpu.vector_load %arg9[%swap3A_87] {strides = array<i32>} : memref<3808xf32, #tpu.memory_space<vmem>>, vector<16xf32>,
    tpu.vector_store %arg9[%swap3A_87], %gather3A_86 {strides = array<i32>} : memref<3808xf32, #tpu.memory_space<vmem>>, vector<16xf32>,
    %broadcast_in_dim3A_89 = arith.constant 12 : i32
    %broadcast_in_dim3A_90 = vector.broadcast %broadcast_in_dim3A_89 : i32 to vector<16xi32>
    %gather3A_91 = tpu.vector_load_idx %arg7[%add3A_31, %broadcast_in_dim3A_90, %get3A_28] : memref<16x16x64xf32, #tpu.memory_space<vmem>>[vector<16xi32>, vector<16xi32>, vector<16xi32>], vector<16xf32>,
    %swap3A_92 = arith.constant 2688 : index
    %swap3A_93 = tpu.vector_load %arg9[%swap3A_92] {strides = array<i32>} : memref<3808xf32, #tpu.memory_space<vmem>>, vector<16xf32>,
    tpu.vector_store %arg9[%swap3A_92], %gather3A_91 {strides = array<i32>} : memref<3808xf32, #tpu.memory_space<vmem>>, vector<16xf32>,
    %broadcast_in_dim3A_94 = arith.constant 13 : i32
    %broadcast_in_dim3A_95 = vector.broadcast %broadcast_in_dim3A_94 : i32 to vector<16xi32>
    %gather3A_96 = tpu.vector_load_idx %arg7[%add3A_31, %broadcast_in_dim3A_95, %get3A_28] : memref<16x16x64xf32, #tpu.memory_space<vmem>>[vector<16xi32>, vector<16xi32>, vector<16xi32>], vector<16xf32>,
    %swap3A_97 = arith.constant 2912 : index
    %swap3A_98 = tpu.vector_load %arg9[%swap3A_97] {strides = array<i32>} : memref<3808xf32, #tpu.memory_space<vmem>>, vector<16xf32>,
    tpu.vector_store %arg9[%swap3A_97], %gather3A_96 {strides = array<i32>} : memref<3808xf32, #tpu.memory_space<vmem>>, vector<16xf32>,
    %broadcast_in_dim3A_99 = arith.constant 14 : i32
    %broadcast_in_dim3A_100 = vector.broadcast %broadcast_in_dim3A_99 : i32 to vector<16xi32>
    %gather3A_101 = tpu.vector_load_idx %arg7[%add3A_31, %broadcast_in_dim3A_100, %get3A_28] : memref<16x16x64xf32, #tpu.memory_space<vmem>>[vector<16xi32>, vector<16xi32>, vector<16xi32>], vector<16xf32>,
    %swap3A_102 = arith.constant 3136 : index
    %swap3A_103 = tpu.vector_load %arg9[%swap3A_102] {strides = array<i32>} : memref<3808xf32, #tpu.memory_space<vmem>>, vector<16xf32>,
    tpu.vector_store %arg9[%swap3A_102], %gather3A_101 {strides = array<i32>} : memref<3808xf32, #tpu.memory_space<vmem>>, vector<16xf32>,
    %broadcast_in_dim3A_104 = arith.constant 15 : i32
    %broadcast_in_dim3A_105 = vector.broadcast %broadcast_in_dim3A_104 : i32 to vector<16xi32>
    %gather3A_106 = tpu.vector_load_idx %arg7[%add3A_31, %broadcast_in_dim3A_105, %get3A_28] : memref<16x16x64xf32, #tpu.memory_space<vmem>>[vector<16xi32>, vector<16xi32>, vector<16xi32>], vector<16xf32>,
    %swap3A_107 = arith.constant 3360 : index
    %swap3A_108 = tpu.vector_load %arg9[%swap3A_107] {strides = array<i32>} : memref<3808xf32, #tpu.memory_space<vmem>>, vector<16xf32>,
    tpu.vector_store %arg9[%swap3A_107], %gather3A_106 {strides = array<i32>} : memref<3808xf32, #tpu.memory_space<vmem>>, vector<16xf32>,
    %add3A_109 = arith.constant 32 : i32
    %add3A_110 = arith.addi %mul3A_2, %add3A_109 : i32
    %dma_start3A_111 = arith.constant 0 : i32
    %dma_start3A_112 = arith.constant 0 : i32
    %dma_start3A_113 = tpu.memref_slice %arg2[%add3A_110, %dma_start3A_111, %dma_start3A_112] : memref<16384x16x64xf32, #tpu.memory_space<hbm>> -> memref<16x16x64xf32, #tpu.memory_space<hbm>>
    %dma_start3A_114 = arith.constant 0 : i32
    %dma_start3A_115 = arith.constant 0 : i32
    %dma_start3A_116 = tpu.memref_slice %arg2[%add3A_110, %dma_start3A_114, %dma_start3A_115] : memref<16384x16x64xf32, #tpu.memory_space<hbm>> -> memref<16x16x64xf32, #tpu.memory_space<hbm>>
    tpu.enqueue_dma source(%dma_start3A_116 : memref<16x16x64xf32, #tpu.memory_space<hbm>>) target(%arg7 : memref<16x16x64xf32, #tpu.memory_space<vmem>>) target_semaphore(%arg10 : memref<!tpu.dma_semaphore, #tpu.memory_space<semaphore_mem>>)
    %dma_wait3A_117 = arith.constant 0 : i32
    %dma_wait3A_118 = arith.constant 0 : i32
    %dma_wait3A_119 = tpu.memref_slice %arg2[%add3A_16, %dma_wait3A_117, %dma_wait3A_118] : memref<16384x16x64xf32, #tpu.memory_space<hbm>> -> memref<16x16x64xf32, #tpu.memory_space<hbm>>
    %dma_wait3A_120 = arith.constant 0 : i32
    %dma_wait3A_121 = arith.constant 0 : i32
    %dma_wait3A_122 = tpu.memref_slice %arg2[%add3A_16, %dma_wait3A_120, %dma_wait3A_121] : memref<16384x16x64xf32, #tpu.memory_space<hbm>> -> memref<16x16x64xf32, #tpu.memory_space<hbm>>
    tpu.wait_dma2 semaphore(%arg11 : memref<!tpu.dma_semaphore, #tpu.memory_space<semaphore_mem>>) src(%dma_wait3A_122 : memref<16x16x64xf32, #tpu.memory_space<hbm>>) dst(%arg8 : memref<16x16x64xf32, #tpu.memory_space<vmem>>)
    %get3A_123 = arith.constant 16 : index
    %get3A_124 = tpu.vector_load %arg6[%get3A_123] {strides = array<i32>} : memref<224xi32, #tpu.memory_space<vmem>>, vector<16xi32>,
    %add3A_125 = arith.constant 0 : i32
    %add3A_126 = vector.broadcast %add3A_125 : i32 to vector<16xi32>
    %add3A_127 = arith.addi %add3A_126, %iota3A : vector<16xi32>
    %broadcast_in_dim3A_128 = arith.constant 0 : i32
    %broadcast_in_dim3A_129 = vector.broadcast %broadcast_in_dim3A_128 : i32 to vector<16xi32>
    %gather3A_130 = tpu.vector_load_idx %arg8[%add3A_127, %broadcast_in_dim3A_129, %get3A_124] : memref<16x16x64xf32, #tpu.memory_space<vmem>>[vector<16xi32>, vector<16xi32>, vector<16xi32>], vector<16xf32>,
    %swap3A_131 = arith.constant 16 : index
    %swap3A_132 = tpu.vector_load %arg9[%swap3A_131] {strides = array<i32>} : memref<3808xf32, #tpu.memory_space<vmem>>, vector<16xf32>,
    tpu.vector_store %arg9[%swap3A_131], %gather3A_130 {strides = array<i32>} : memref<3808xf32, #tpu.memory_space<vmem>>, vector<16xf32>,
    %broadcast_in_dim3A_133 = arith.constant 1 : i32
    %broadcast_in_dim3A_134 = vector.broadcast %broadcast_in_dim3A_133 : i32 to vector<16xi32>
    %gather3A_135 = tpu.vector_load_idx %arg8[%add3A_127, %broadcast_in_dim3A_134, %get3A_124] : memref<16x16x64xf32, #tpu.memory_space<vmem>>[vector<16xi32>, vector<16xi32>, vector<16xi32>], vector<16xf32>,
    %swap3A_136 = arith.constant 240 : index
    %swap3A_137 = tpu.vector_load %arg9[%swap3A_136] {strides = array<i32>} : memref<3808xf32, #tpu.memory_space<vmem>>, vector<16xf32>,
    tpu.vector_store %arg9[%swap3A_136], %gather3A_135 {strides = array<i32>} : memref<3808xf32, #tpu.memory_space<vmem>>, vector<16xf32>,
    %broadcast_in_dim3A_138 = arith.constant 2 : i32
    %broadcast_in_dim3A_139 = vector.broadcast %broadcast_in_dim3A_138 : i32 to vector<16xi32>
    %gather3A_140 = tpu.vector_load_idx %arg8[%add3A_127, %broadcast_in_dim3A_139, %get3A_124] : memref<16x16x64xf32, #tpu.memory_space<vmem>>[vector<16xi32>, vector<16xi32>, vector<16xi32>], vector<16xf32>,
    %swap3A_141 = arith.constant 464 : index
    %swap3A_142 = tpu.vector_load %arg9[%swap3A_141] {strides = array<i32>} : memref<3808xf32, #tpu.memory_space<vmem>>, vector<16xf32>,
    tpu.vector_store %arg9[%swap3A_141], %gather3A_140 {strides = array<i32>} : memref<3808xf32, #tpu.memory_space<vmem>>, vector<16xf32>,
    %broadcast_in_dim3A_143 = arith.constant 3 : i32
    %broadcast_in_dim3A_144 = vector.broadcast %broadcast_in_dim3A_143 : i32 to vector<16xi32>
    %gather3A_145 = tpu.vector_load_idx %arg8[%add3A_127, %broadcast_in_dim3A_144, %get3A_124] : memref<16x16x64xf32, #tpu.memory_space<vmem>>[vector<16xi32>, vector<16xi32>, vector<16xi32>], vector<16xf32>,
    %swap3A_146 = arith.constant 688 : index
    %swap3A_147 = tpu.vector_load %arg9[%swap3A_146] {strides = array<i32>} : memref<3808xf32, #tpu.memory_space<vmem>>, vector<16xf32>,
    tpu.vector_store %arg9[%swap3A_146], %gather3A_145 {strides = array<i32>} : memref<3808xf32, #tpu.memory_space<vmem>>, vector<16xf32>,
    %broadcast_in_dim3A_148 = arith.constant 4 : i32
    %broadcast_in_dim3A_149 = vector.broadcast %broadcast_in_dim3A_148 : i32 to vector<16xi32>
    %gather3A_150 = tpu.vector_load_idx %arg8[%add3A_127, %broadcast_in_dim3A_149, %get3A_124] : memref<16x16x64xf32, #tpu.memory_space<vmem>>[vector<16xi32>, vector<16xi32>, vector<16xi32>], vector<16xf32>,
    %swap3A_151 = arith.constant 912 : index
    %swap3A_152 = tpu.vector_load %arg9[%swap3A_151] {strides = array<i32>} : memref<3808xf32, #tpu.memory_space<vmem>>, vector<16xf32>,
    tpu.vector_store %arg9[%swap3A_151], %gather3A_150 {strides = array<i32>} : memref<3808xf32, #tpu.memory_space<vmem>>, vector<16xf32>,
    %broadcast_in_dim3A_153 = arith.constant 5 : i32
    %broadcast_in_dim3A_154 = vector.broadcast %broadcast_in_dim3A_153 : i32 to vector<16xi32>
    %gather3A_155 = tpu.vector_load_idx %arg8[%add3A_127, %broadcast_in_dim3A_154, %get3A_124] : memref<16x16x64xf32, #tpu.memory_space<vmem>>[vector<16xi32>, vector<16xi32>, vector<16xi32>], vector<16xf32>,
    %swap3A_156 = arith.constant 1136 : index
    %swap3A_157 = tpu.vector_load %arg9[%swap3A_156] {strides = array<i32>} : memref<3808xf32, #tpu.memory_space<vmem>>, vector<16xf32>,
    tpu.vector_store %arg9[%swap3A_156], %gather3A_155 {strides = array<i32>} : memref<3808xf32, #tpu.memory_space<vmem>>, vector<16xf32>,
    %broadcast_in_dim3A_158 = arith.constant 6 : i32
    %broadcast_in_dim3A_159 = vector.broadcast %broadcast_in_dim3A_158 : i32 to vector<16xi32>
    %gather3A_160 = tpu.vector_load_idx %arg8[%add3A_127, %broadcast_in_dim3A_159, %get3A_124] : memref<16x16x64xf32, #tpu.memory_space<vmem>>[vector<16xi32>, vector<16xi32>, vector<16xi32>], vector<16xf32>,
    %swap3A_161 = arith.constant 1360 : index
    %swap3A_162 = tpu.vector_load %arg9[%swap3A_161] {strides = array<i32>} : memref<3808xf32, #tpu.memory_space<vmem>>, vector<16xf32>,
    tpu.vector_store %arg9[%swap3A_161], %gather3A_160 {strides = array<i32>} : memref<3808xf32, #tpu.memory_space<vmem>>, vector<16xf32>,
    %broadcast_in_dim3A_163 = arith.constant 7 : i32
    %broadcast_in_dim3A_164 = vector.broadcast %broadcast_in_dim3A_163 : i32 to vector<16xi32>
    %gather3A_165 = tpu.vector_load_idx %arg8[%add3A_127, %broadcast_in_dim3A_164, %get3A_124] : memref<16x16x64xf32, #tpu.memory_space<vmem>>[vector<16xi32>, vector<16xi32>, vector<16xi32>], vector<16xf32>,
    %swap3A_166 = arith.constant 1584 : index
    %swap3A_167 = tpu.vector_load %arg9[%swap3A_166] {strides = array<i32>} : memref<3808xf32, #tpu.memory_space<vmem>>, vector<16xf32>,
    tpu.vector_store %arg9[%swap3A_166], %gather3A_165 {strides = array<i32>} : memref<3808xf32, #tpu.memory_space<vmem>>, vector<16xf32>,
    %broadcast_in_dim3A_168 = arith.constant 8 : i32
    %broadcast_in_dim3A_169 = vector.broadcast %broadcast_in_dim3A_168 : i32 to vector<16xi32>
    %gather3A_170 = tpu.vector_load_idx %arg8[%add3A_127, %broadcast_in_dim3A_169, %get3A_124] : memref<16x16x64xf32, #tpu.memory_space<vmem>>[vector<16xi32>, vector<16xi32>, vector<16xi32>], vector<16xf32>,
    %swap3A_171 = arith.constant 1808 : index
    %swap3A_172 = tpu.vector_load %arg9[%swap3A_171] {strides = array<i32>} : memref<3808xf32, #tpu.memory_space<vmem>>, vector<16xf32>,
    tpu.vector_store %arg9[%swap3A_171], %gather3A_170 {strides = array<i32>} : memref<3808xf32, #tpu.memory_space<vmem>>, vector<16xf32>,
    %broadcast_in_dim3A_173 = arith.constant 9 : i32
    %broadcast_in_dim3A_174 = vector.broadcast %broadcast_in_dim3A_173 : i32 to vector<16xi32>
    %gather3A_175 = tpu.vector_load_idx %arg8[%add3A_127, %broadcast_in_dim3A_174, %get3A_124] : memref<16x16x64xf32, #tpu.memory_space<vmem>>[vector<16xi32>, vector<16xi32>, vector<16xi32>], vector<16xf32>,
    %swap3A_176 = arith.constant 2032 : index
    %swap3A_177 = tpu.vector_load %arg9[%swap3A_176] {strides = array<i32>} : memref<3808xf32, #tpu.memory_space<vmem>>, vector<16xf32>,
    tpu.vector_store %arg9[%swap3A_176], %gather3A_175 {strides = array<i32>} : memref<3808xf32, #tpu.memory_space<vmem>>, vector<16xf32>,
    %broadcast_in_dim3A_178 = arith.constant 10 : i32
    %broadcast_in_dim3A_179 = vector.broadcast %broadcast_in_dim3A_178 : i32 to vector<16xi32>
    %gather3A_180 = tpu.vector_load_idx %arg8[%add3A_127, %broadcast_in_dim3A_179, %get3A_124] : memref<16x16x64xf32, #tpu.memory_space<vmem>>[vector<16xi32>, vector<16xi32>, vector<16xi32>], vector<16xf32>,
    %swap3A_181 = arith.constant 2256 : index
    %swap3A_182 = tpu.vector_load %arg9[%swap3A_181] {strides = array<i32>} : memref<3808xf32, #tpu.memory_space<vmem>>, vector<16xf32>,
    tpu.vector_store %arg9[%swap3A_181], %gather3A_180 {strides = array<i32>} : memref<3808xf32, #tpu.memory_space<vmem>>, vector<16xf32>,
    %broadcast_in_dim3A_183 = arith.constant 11 : i32
    %broadcast_in_dim3A_184 = vector.broadcast %broadcast_in_dim3A_183 : i32 to vector<16xi32>
    %gather3A_185 = tpu.vector_load_idx %arg8[%add3A_127, %broadcast_in_dim3A_184, %get3A_124] : memref<16x16x64xf32, #tpu.memory_space<vmem>>[vector<16xi32>, vector<16xi32>, vector<16xi32>], vector<16xf32>,
    %swap3A_186 = arith.constant 2480 : index
    %swap3A_187 = tpu.vector_load %arg9[%swap3A_186] {strides = array<i32>} : memref<3808xf32, #tpu.memory_space<vmem>>, vector<16xf32>,
    tpu.vector_store %arg9[%swap3A_186], %gather3A_185 {strides = array<i32>} : memref<3808xf32, #tpu.memory_space<vmem>>, vector<16xf32>,
    %broadcast_in_dim3A_188 = arith.constant 12 : i32
    %broadcast_in_dim3A_189 = vector.broadcast %broadcast_in_dim3A_188 : i32 to vector<16xi32>
    %gather3A_190 = tpu.vector_load_idx %arg8[%add3A_127, %broadcast_in_dim3A_189, %get3A_124] : memref<16x16x64xf32, #tpu.memory_space<vmem>>[vector<16xi32>, vector<16xi32>, vector<16xi32>], vector<16xf32>,
    %swap3A_191 = arith.constant 2704 : index
    %swap3A_192 = tpu.vector_load %arg9[%swap3A_191] {strides = array<i32>} : memref<3808xf32, #tpu.memory_space<vmem>>, vector<16xf32>,
    tpu.vector_store %arg9[%swap3A_191], %gather3A_190 {strides = array<i32>} : memref<3808xf32, #tpu.memory_space<vmem>>, vector<16xf32>,
    %broadcast_in_dim3A_193 = arith.constant 13 : i32
    %broadcast_in_dim3A_194 = vector.broadcast %broadcast_in_dim3A_193 : i32 to vector<16xi32>
    %gather3A_195 = tpu.vector_load_idx %arg8[%add3A_127, %broadcast_in_dim3A_194, %get3A_124] : memref<16x16x64xf32, #tpu.memory_space<vmem>>[vector<16xi32>, vector<16xi32>, vector<16xi32>], vector<16xf32>,
    %swap3A_196 = arith.constant 2928 : index
    %swap3A_197 = tpu.vector_load %arg9[%swap3A_196] {strides = array<i32>} : memref<3808xf32, #tpu.memory_space<vmem>>, vector<16xf32>,
    tpu.vector_store %arg9[%swap3A_196], %gather3A_195 {strides = array<i32>} : memref<3808xf32, #tpu.memory_space<vmem>>, vector<16xf32>,
    %broadcast_in_dim3A_198 = arith.constant 14 : i32
    %broadcast_in_dim3A_199 = vector.broadcast %broadcast_in_dim3A_198 : i32 to vector<16xi32>
    %gather3A_200 = tpu.vector_load_idx %arg8[%add3A_127, %broadcast_in_dim3A_199, %get3A_124] : memref<16x16x64xf32, #tpu.memory_space<vmem>>[vector<16xi32>, vector<16xi32>, vector<16xi32>], vector<16xf32>,
    %swap3A_201 = arith.constant 3152 : index
    %swap3A_202 = tpu.vector_load %arg9[%swap3A_201] {strides = array<i32>} : memref<3808xf32, #tpu.memory_space<vmem>>, vector<16xf32>,
    tpu.vector_store %arg9[%swap3A_201], %gather3A_200 {strides = array<i32>} : memref<3808xf32, #tpu.memory_space<vmem>>, vector<16xf32>,
    %broadcast_in_dim3A_203 = arith.constant 15 : i32
    %broadcast_in_dim3A_204 = vector.broadcast %broadcast_in_dim3A_203 : i32 to vector<16xi32>
    %gather3A_205 = tpu.vector_load_idx %arg8[%add3A_127, %broadcast_in_dim3A_204, %get3A_124] : memref<16x16x64xf32, #tpu.memory_space<vmem>>[vector<16xi32>, vector<16xi32>, vector<16xi32>], vector<16xf32>,
    %swap3A_206 = arith.constant 3376 : index
    %swap3A_207 = tpu.vector_load %arg9[%swap3A_206] {strides = array<i32>} : memref<3808xf32, #tpu.memory_space<vmem>>, vector<16xf32>,
    tpu.vector_store %arg9[%swap3A_206], %gather3A_205 {strides = array<i32>} : memref<3808xf32, #tpu.memory_space<vmem>>, vector<16xf32>,
    %add3A_208 = arith.constant 48 : i32
    %add3A_209 = arith.addi %mul3A_2, %add3A_208 : i32
    %dma_start3A_210 = arith.constant 0 : i32
    %dma_start3A_211 = arith.constant 0 : i32
    %dma_start3A_212 = tpu.memref_slice %arg2[%add3A_209, %dma_start3A_210, %dma_start3A_211] : memref<16384x16x64xf32, #tpu.memory_space<hbm>> -> memref<16x16x64xf32, #tpu.memory_space<hbm>>
    %dma_start3A_213 = arith.constant 0 : i32
    %dma_start3A_214 = arith.constant 0 : i32
    %dma_start3A_215 = tpu.memref_slice %arg2[%add3A_209, %dma_start3A_213, %dma_start3A_214] : memref<16384x16x64xf32, #tpu.memory_space<hbm>> -> memref<16x16x64xf32, #tpu.memory_space<hbm>>
    tpu.enqueue_dma source(%dma_start3A_215 : memref<16x16x64xf32, #tpu.memory_space<hbm>>) target(%arg8 : memref<16x16x64xf32, #tpu.memory_space<vmem>>) target_semaphore(%arg11 : memref<!tpu.dma_semaphore, #tpu.memory_space<semaphore_mem>>)
    %dma_wait3A_216 = arith.constant 0 : i32
    %dma_wait3A_217 = arith.constant 0 : i32
    %dma_wait3A_218 = tpu.memref_slice %arg2[%add3A_110, %dma_wait3A_216, %dma_wait3A_217] : memref<16384x16x64xf32, #tpu.memory_space<hbm>> -> memref<16x16x64xf32, #tpu.memory_space<hbm>>
    %dma_wait3A_219 = arith.constant 0 : i32
    %dma_wait3A_220 = arith.constant 0 : i32
    %dma_wait3A_221 = tpu.memref_slice %arg2[%add3A_110, %dma_wait3A_219, %dma_wait3A_220] : memref<16384x16x64xf32, #tpu.memory_space<hbm>> -> memref<16x16x64xf32, #tpu.memory_space<hbm>>
    tpu.wait_dma2 semaphore(%arg10 : memref<!tpu.dma_semaphore, #tpu.memory_space<semaphore_mem>>) src(%dma_wait3A_221 : memref<16x16x64xf32, #tpu.memory_space<hbm>>) dst(%arg7 : memref<16x16x64xf32, #tpu.memory_space<vmem>>)
    %get3A_222 = arith.constant 32 : index
    %get3A_223 = tpu.vector_load %arg6[%get3A_222] {strides = array<i32>} : memref<224xi32, #tpu.memory_space<vmem>>, vector<16xi32>,
    %add3A_224 = arith.constant 0 : i32
    %add3A_225 = vector.broadcast %add3A_224 : i32 to vector<16xi32>
    %add3A_226 = arith.addi %add3A_225, %iota3A : vector<16xi32>
    %broadcast_in_dim3A_227 = arith.constant 0 : i32
    %broadcast_in_dim3A_228 = vector.broadcast %broadcast_in_dim3A_227 : i32 to vector<16xi32>
    %gather3A_229 = tpu.vector_load_idx %arg7[%add3A_226, %broadcast_in_dim3A_228, %get3A_223] : memref<16x16x64xf32, #tpu.memory_space<vmem>>[vector<16xi32>, vector<16xi32>, vector<16xi32>], vector<16xf32>,
    %swap3A_230 = arith.constant 32 : index
    %swap3A_231 = tpu.vector_load %arg9[%swap3A_230] {strides = array<i32>} : memref<3808xf32, #tpu.memory_space<vmem>>, vector<16xf32>,
    tpu.vector_store %arg9[%swap3A_230], %gather3A_229 {strides = array<i32>} : memref<3808xf32, #tpu.memory_space<vmem>>, vector<16xf32>,
    %broadcast_in_dim3A_232 = arith.constant 1 : i32
    %broadcast_in_dim3A_233 = vector.broadcast %broadcast_in_dim3A_232 : i32 to vector<16xi32>
    %gather3A_234 = tpu.vector_load_idx %arg7[%add3A_226, %broadcast_in_dim3A_233, %get3A_223] : memref<16x16x64xf32, #tpu.memory_space<vmem>>[vector<16xi32>, vector<16xi32>, vector<16xi32>], vector<16xf32>,
    %swap3A_235 = arith.constant 256 : index
    %swap3A_236 = tpu.vector_load %arg9[%swap3A_235] {strides = array<i32>} : memref<3808xf32, #tpu.memory_space<vmem>>, vector<16xf32>,
    tpu.vector_store %arg9[%swap3A_235], %gather3A_234 {strides = array<i32>} : memref<3808xf32, #tpu.memory_space<vmem>>, vector<16xf32>,
    %broadcast_in_dim3A_237 = arith.constant 2 : i32
    %broadcast_in_dim3A_238 = vector.broadcast %broadcast_in_dim3A_237 : i32 to vector<16xi32>
    %gather3A_239 = tpu.vector_load_idx %arg7[%add3A_226, %broadcast_in_dim3A_238, %get3A_223] : memref<16x16x64xf32, #tpu.memory_space<vmem>>[vector<16xi32>, vector<16xi32>, vector<16xi32>], vector<16xf32>,
    %swap3A_240 = arith.constant 480 : index
    %swap3A_241 = tpu.vector_load %arg9[%swap3A_240] {strides = array<i32>} : memref<3808xf32, #tpu.memory_space<vmem>>, vector<16xf32>,
    tpu.vector_store %arg9[%swap3A_240], %gather3A_239 {strides = array<i32>} : memref<3808xf32, #tpu.memory_space<vmem>>, vector<16xf32>,
    %broadcast_in_dim3A_242 = arith.constant 3 : i32
    %broadcast_in_dim3A_243 = vector.broadcast %broadcast_in_dim3A_242 : i32 to vector<16xi32>
    %gather3A_244 = tpu.vector_load_idx %arg7[%add3A_226, %broadcast_in_dim3A_243, %get3A_223] : memref<16x16x64xf32, #tpu.memory_space<vmem>>[vector<16xi32>, vector<16xi32>, vector<16xi32>], vector<16xf32>,
    %swap3A_245 = arith.constant 704 : index
    %swap3A_246 = tpu.vector_load %arg9[%swap3A_245] {strides = array<i32>} : memref<3808xf32, #tpu.memory_space<vmem>>, vector<16xf32>,
    tpu.vector_store %arg9[%swap3A_245], %gather3A_244 {strides = array<i32>} : memref<3808xf32, #tpu.memory_space<vmem>>, vector<16xf32>,
    %broadcast_in_dim3A_247 = arith.constant 4 : i32
    %broadcast_in_dim3A_248 = vector.broadcast %broadcast_in_dim3A_247 : i32 to vector<16xi32>
    %gather3A_249 = tpu.vector_load_idx %arg7[%add3A_226, %broadcast_in_dim3A_248, %get3A_223] : memref<16x16x64xf32, #tpu.memory_space<vmem>>[vector<16xi32>, vector<16xi32>, vector<16xi32>], vector<16xf32>,
    %swap3A_250 = arith.constant 928 : index
    %swap3A_251 = tpu.vector_load %arg9[%swap3A_250] {strides = array<i32>} : memref<3808xf32, #tpu.memory_space<vmem>>, vector<16xf32>,
    tpu.vector_store %arg9[%swap3A_250], %gather3A_249 {strides = array<i32>} : memref<3808xf32, #tpu.memory_space<vmem>>, vector<16xf32>,
    %broadcast_in_dim3A_252 = arith.constant 5 : i32
    %broadcast_in_dim3A_253 = vector.broadcast %broadcast_in_dim3A_252 : i32 to vector<16xi32>
    %gather3A_254 = tpu.vector_load_idx %arg7[%add3A_226, %broadcast_in_dim3A_253, %get3A_223] : memref<16x16x64xf32, #tpu.memory_space<vmem>>[vector<16xi32>, vector<16xi32>, vector<16xi32>], vector<16xf32>,
    %swap3A_255 = arith.constant 1152 : index
    %swap3A_256 = tpu.vector_load %arg9[%swap3A_255] {strides = array<i32>} : memref<3808xf32, #tpu.memory_space<vmem>>, vector<16xf32>,
    tpu.vector_store %arg9[%swap3A_255], %gather3A_254 {strides = array<i32>} : memref<3808xf32, #tpu.memory_space<vmem>>, vector<16xf32>,
    %broadcast_in_dim3A_257 = arith.constant 6 : i32
    %broadcast_in_dim3A_258 = vector.broadcast %broadcast_in_dim3A_257 : i32 to vector<16xi32>
    %gather3A_259 = tpu.vector_load_idx %arg7[%add3A_226, %broadcast_in_dim3A_258, %get3A_223] : memref<16x16x64xf32, #tpu.memory_space<vmem>>[vector<16xi32>, vector<16xi32>, vector<16xi32>], vector<16xf32>,
    %swap3A_260 = arith.constant 1376 : index
    %swap3A_261 = tpu.vector_load %arg9[%swap3A_260] {strides = array<i32>} : memref<3808xf32, #tpu.memory_space<vmem>>, vector<16xf32>,
    tpu.vector_store %arg9[%swap3A_260], %gather3A_259 {strides = array<i32>} : memref<3808xf32, #tpu.memory_space<vmem>>, vector<16xf32>,
    %broadcast_in_dim3A_262 = arith.constant 7 : i32
    %broadcast_in_dim3A_263 = vector.broadcast %broadcast_in_dim3A_262 : i32 to vector<16xi32>
    %gather3A_264 = tpu.vector_load_idx %arg7[%add3A_226, %broadcast_in_dim3A_263, %get3A_223] : memref<16x16x64xf32, #tpu.memory_space<vmem>>[vector<16xi32>, vector<16xi32>, vector<16xi32>], vector<16xf32>,
    %swap3A_265 = arith.constant 1600 : index
    %swap3A_266 = tpu.vector_load %arg9[%swap3A_265] {strides = array<i32>} : memref<3808xf32, #tpu.memory_space<vmem>>, vector<16xf32>,
    tpu.vector_store %arg9[%swap3A_265], %gather3A_264 {strides = array<i32>} : memref<3808xf32, #tpu.memory_space<vmem>>, vector<16xf32>,
    %broadcast_in_dim3A_267 = arith.constant 8 : i32
    %broadcast_in_dim3A_268 = vector.broadcast %broadcast_in_dim3A_267 : i32 to vector<16xi32>
    %gather3A_269 = tpu.vector_load_idx %arg7[%add3A_226, %broadcast_in_dim3A_268, %get3A_223] : memref<16x16x64xf32, #tpu.memory_space<vmem>>[vector<16xi32>, vector<16xi32>, vector<16xi32>], vector<16xf32>,
    %swap3A_270 = arith.constant 1824 : index
    %swap3A_271 = tpu.vector_load %arg9[%swap3A_270] {strides = array<i32>} : memref<3808xf32, #tpu.memory_space<vmem>>, vector<16xf32>,
    tpu.vector_store %arg9[%swap3A_270], %gather3A_269 {strides = array<i32>} : memref<3808xf32, #tpu.memory_space<vmem>>, vector<16xf32>,
    %broadcast_in_dim3A_272 = arith.constant 9 : i32
    %broadcast_in_dim3A_273 = vector.broadcast %broadcast_in_dim3A_272 : i32 to vector<16xi32>
    %gather3A_274 = tpu.vector_load_idx %arg7[%add3A_226, %broadcast_in_dim3A_273, %get3A_223] : memref<16x16x64xf32, #tpu.memory_space<vmem>>[vector<16xi32>, vector<16xi32>, vector<16xi32>], vector<16xf32>,
    %swap3A_275 = arith.constant 2048 : index
    %swap3A_276 = tpu.vector_load %arg9[%swap3A_275] {strides = array<i32>} : memref<3808xf32, #tpu.memory_space<vmem>>, vector<16xf32>,
    tpu.vector_store %arg9[%swap3A_275], %gather3A_274 {strides = array<i32>} : memref<3808xf32, #tpu.memory_space<vmem>>, vector<16xf32>,
    %broadcast_in_dim3A_277 = arith.constant 10 : i32
    %broadcast_in_dim3A_278 = vector.broadcast %broadcast_in_dim3A_277 : i32 to vector<16xi32>
    %gather3A_279 = tpu.vector_load_idx %arg7[%add3A_226, %broadcast_in_dim3A_278, %get3A_223] : memref<16x16x64xf32, #tpu.memory_space<vmem>>[vector<16xi32>, vector<16xi32>, vector<16xi32>], vector<16xf32>,
    %swap3A_280 = arith.constant 2272 : index
    %swap3A_281 = tpu.vector_load %arg9[%swap3A_280] {strides = array<i32>} : memref<3808xf32, #tpu.memory_space<vmem>>, vector<16xf32>,
    tpu.vector_store %arg9[%swap3A_280], %gather3A_279 {strides = array<i32>} : memref<3808xf32, #tpu.memory_space<vmem>>, vector<16xf32>,
    %broadcast_in_dim3A_282 = arith.constant 11 : i32
    %broadcast_in_dim3A_283 = vector.broadcast %broadcast_in_dim3A_282 : i32 to vector<16xi32>
    %gather3A_284 = tpu.vector_load_idx %arg7[%add3A_226, %broadcast_in_dim3A_283, %get3A_223] : memref<16x16x64xf32, #tpu.memory_space<vmem>>[vector<16xi32>, vector<16xi32>, vector<16xi32>], vector<16xf32>,
    %swap3A_285 = arith.constant 2496 : index
    %swap3A_286 = tpu.vector_load %arg9[%swap3A_285] {strides = array<i32>} : memref<3808xf32, #tpu.memory_space<vmem>>, vector<16xf32>,
    tpu.vector_store %arg9[%swap3A_285], %gather3A_284 {strides = array<i32>} : memref<3808xf32, #tpu.memory_space<vmem>>, vector<16xf32>,
    %broadcast_in_dim3A_287 = arith.constant 12 : i32
    %broadcast_in_dim3A_288 = vector.broadcast %broadcast_in_dim3A_287 : i32 to vector<16xi32>
    %gather3A_289 = tpu.vector_load_idx %arg7[%add3A_226, %broadcast_in_dim3A_288, %get3A_223] : memref<16x16x64xf32, #tpu.memory_space<vmem>>[vector<16xi32>, vector<16xi32>, vector<16xi32>], vector<16xf32>,
    %swap3A_290 = arith.constant 2720 : index
    %swap3A_291 = tpu.vector_load %arg9[%swap3A_290] {strides = array<i32>} : memref<3808xf32, #tpu.memory_space<vmem>>, vector<16xf32>,
    tpu.vector_store %arg9[%swap3A_290], %gather3A_289 {strides = array<i32>} : memref<3808xf32, #tpu.memory_space<vmem>>, vector<16xf32>,
    %broadcast_in_dim3A_292 = arith.constant 13 : i32
    %broadcast_in_dim3A_293 = vector.broadcast %broadcast_in_dim3A_292 : i32 to vector<16xi32>
    %gather3A_294 = tpu.vector_load_idx %arg7[%add3A_226, %broadcast_in_dim3A_293, %get3A_223] : memref<16x16x64xf32, #tpu.memory_space<vmem>>[vector<16xi32>, vector<16xi32>, vector<16xi32>], vector<16xf32>,
    %swap3A_295 = arith.constant 2944 : index
    %swap3A_296 = tpu.vector_load %arg9[%swap3A_295] {strides = array<i32>} : memref<3808xf32, #tpu.memory_space<vmem>>, vector<16xf32>,
    tpu.vector_store %arg9[%swap3A_295], %gather3A_294 {strides = array<i32>} : memref<3808xf32, #tpu.memory_space<vmem>>, vector<16xf32>,
    %broadcast_in_dim3A_297 = arith.constant 14 : i32
    %broadcast_in_dim3A_298 = vector.broadcast %broadcast_in_dim3A_297 : i32 to vector<16xi32>
    %gather3A_299 = tpu.vector_load_idx %arg7[%add3A_226, %broadcast_in_dim3A_298, %get3A_223] : memref<16x16x64xf32, #tpu.memory_space<vmem>>[vector<16xi32>, vector<16xi32>, vector<16xi32>], vector<16xf32>,
    %swap3A_300 = arith.constant 3168 : index
    %swap3A_301 = tpu.vector_load %arg9[%swap3A_300] {strides = array<i32>} : memref<3808xf32, #tpu.memory_space<vmem>>, vector<16xf32>,
    tpu.vector_store %arg9[%swap3A_300], %gather3A_299 {strides = array<i32>} : memref<3808xf32, #tpu.memory_space<vmem>>, vector<16xf32>,
    %broadcast_in_dim3A_302 = arith.constant 15 : i32
    %broadcast_in_dim3A_303 = vector.broadcast %broadcast_in_dim3A_302 : i32 to vector<16xi32>
    %gather3A_304 = tpu.vector_load_idx %arg7[%add3A_226, %broadcast_in_dim3A_303, %get3A_223] : memref<16x16x64xf32, #tpu.memory_space<vmem>>[vector<16xi32>, vector<16xi32>, vector<16xi32>], vector<16xf32>,
    %swap3A_305 = arith.constant 3392 : index
    %swap3A_306 = tpu.vector_load %arg9[%swap3A_305] {strides = array<i32>} : memref<3808xf32, #tpu.memory_space<vmem>>, vector<16xf32>,
    tpu.vector_store %arg9[%swap3A_305], %gather3A_304 {strides = array<i32>} : memref<3808xf32, #tpu.memory_space<vmem>>, vector<16xf32>,
    %add3A_307 = arith.constant 64 : i32
    %add3A_308 = arith.addi %mul3A_2, %add3A_307 : i32
    %dma_start3A_309 = arith.constant 0 : i32
    %dma_start3A_310 = arith.constant 0 : i32
    %dma_start3A_311 = tpu.memref_slice %arg2[%add3A_308, %dma_start3A_309, %dma_start3A_310] : memref<16384x16x64xf32, #tpu.memory_space<hbm>> -> memref<16x16x64xf32, #tpu.memory_space<hbm>>
    %dma_start3A_312 = arith.constant 0 : i32
    %dma_start3A_313 = arith.constant 0 : i32
    %dma_start3A_314 = tpu.memref_slice %arg2[%add3A_308, %dma_start3A_312, %dma_start3A_313] : memref<16384x16x64xf32, #tpu.memory_space<hbm>> -> memref<16x16x64xf32, #tpu.memory_space<hbm>>
    tpu.enqueue_dma source(%dma_start3A_314 : memref<16x16x64xf32, #tpu.memory_space<hbm>>) target(%arg7 : memref<16x16x64xf32, #tpu.memory_space<vmem>>) target_semaphore(%arg10 : memref<!tpu.dma_semaphore, #tpu.memory_space<semaphore_mem>>)
    %dma_wait3A_315 = arith.constant 0 : i32
    %dma_wait3A_316 = arith.constant 0 : i32
    %dma_wait3A_317 = tpu.memref_slice %arg2[%add3A_209, %dma_wait3A_315, %dma_wait3A_316] : memref<16384x16x64xf32, #tpu.memory_space<hbm>> -> memref<16x16x64xf32, #tpu.memory_space<hbm>>
    %dma_wait3A_318 = arith.constant 0 : i32
    %dma_wait3A_319 = arith.constant 0 : i32
    %dma_wait3A_320 = tpu.memref_slice %arg2[%add3A_209, %dma_wait3A_318, %dma_wait3A_319] : memref<16384x16x64xf32, #tpu.memory_space<hbm>> -> memref<16x16x64xf32, #tpu.memory_space<hbm>>
    tpu.wait_dma2 semaphore(%arg11 : memref<!tpu.dma_semaphore, #tpu.memory_space<semaphore_mem>>) src(%dma_wait3A_320 : memref<16x16x64xf32, #tpu.memory_space<hbm>>) dst(%arg8 : memref<16x16x64xf32, #tpu.memory_space<vmem>>)
    %get3A_321 = arith.constant 48 : index
    %get3A_322 = tpu.vector_load %arg6[%get3A_321] {strides = array<i32>} : memref<224xi32, #tpu.memory_space<vmem>>, vector<16xi32>,
    %add3A_323 = arith.constant 0 : i32
    %add3A_324 = vector.broadcast %add3A_323 : i32 to vector<16xi32>
    %add3A_325 = arith.addi %add3A_324, %iota3A : vector<16xi32>
    %broadcast_in_dim3A_326 = arith.constant 0 : i32
    %broadcast_in_dim3A_327 = vector.broadcast %broadcast_in_dim3A_326 : i32 to vector<16xi32>
    %gather3A_328 = tpu.vector_load_idx %arg8[%add3A_325, %broadcast_in_dim3A_327, %get3A_322] : memref<16x16x64xf32, #tpu.memory_space<vmem>>[vector<16xi32>, vector<16xi32>, vector<16xi32>], vector<16xf32>,
    %swap3A_329 = arith.constant 48 : index
    %swap3A_330 = tpu.vector_load %arg9[%swap3A_329] {strides = array<i32>} : memref<3808xf32, #tpu.memory_space<vmem>>, vector<16xf32>,
    tpu.vector_store %arg9[%swap3A_329], %gather3A_328 {strides = array<i32>} : memref<3808xf32, #tpu.memory_space<vmem>>, vector<16xf32>,
    %broadcast_in_dim3A_331 = arith.constant 1 : i32
    %broadcast_in_dim3A_332 = vector.broadcast %broadcast_in_dim3A_331 : i32 to vector<16xi32>
    %gather3A_333 = tpu.vector_load_idx %arg8[%add3A_325, %broadcast_in_dim3A_332, %get3A_322] : memref<16x16x64xf32, #tpu.memory_space<vmem>>[vector<16xi32>, vector<16xi32>, vector<16xi32>], vector<16xf32>,
    %swap3A_334 = arith.constant 272 : index
    %swap3A_335 = tpu.vector_load %arg9[%swap3A_334] {strides = array<i32>} : memref<3808xf32, #tpu.memory_space<vmem>>, vector<16xf32>,
    tpu.vector_store %arg9[%swap3A_334], %gather3A_333 {strides = array<i32>} : memref<3808xf32, #tpu.memory_space<vmem>>, vector<16xf32>,
    %broadcast_in_dim3A_336 = arith.constant 2 : i32
    %broadcast_in_dim3A_337 = vector.broadcast %broadcast_in_dim3A_336 : i32 to vector<16xi32>
    %gather3A_338 = tpu.vector_load_idx %arg8[%add3A_325, %broadcast_in_dim3A_337, %get3A_322] : memref<16x16x64xf32, #tpu.memory_space<vmem>>[vector<16xi32>, vector<16xi32>, vector<16xi32>], vector<16xf32>,
    %swap3A_339 = arith.constant 496 : index
    %swap3A_340 = tpu.vector_load %arg9[%swap3A_339] {strides = array<i32>} : memref<3808xf32, #tpu.memory_space<vmem>>, vector<16xf32>,
    tpu.vector_store %arg9[%swap3A_339], %gather3A_338 {strides = array<i32>} : memref<3808xf32, #tpu.memory_space<vmem>>, vector<16xf32>,
    %broadcast_in_dim3A_341 = arith.constant 3 : i32
    %broadcast_in_dim3A_342 = vector.broadcast %broadcast_in_dim3A_341 : i32 to vector<16xi32>
    %gather3A_343 = tpu.vector_load_idx %arg8[%add3A_325, %broadcast_in_dim3A_342, %get3A_322] : memref<16x16x64xf32, #tpu.memory_space<vmem>>[vector<16xi32>, vector<16xi32>, vector<16xi32>], vector<16xf32>,
    %swap3A_344 = arith.constant 720 : index
    %swap3A_345 = tpu.vector_load %arg9[%swap3A_344] {strides = array<i32>} : memref<3808xf32, #tpu.memory_space<vmem>>, vector<16xf32>,
    tpu.vector_store %arg9[%swap3A_344], %gather3A_343 {strides = array<i32>} : memref<3808xf32, #tpu.memory_space<vmem>>, vector<16xf32>,
    %broadcast_in_dim3A_346 = arith.constant 4 : i32
    %broadcast_in_dim3A_347 = vector.broadcast %broadcast_in_dim3A_346 : i32 to vector<16xi32>
    %gather3A_348 = tpu.vector_load_idx %arg8[%add3A_325, %broadcast_in_dim3A_347, %get3A_322] : memref<16x16x64xf32, #tpu.memory_space<vmem>>[vector<16xi32>, vector<16xi32>, vector<16xi32>], vector<16xf32>,
    %swap3A_349 = arith.constant 944 : index
    %swap3A_350 = tpu.vector_load %arg9[%swap3A_349] {strides = array<i32>} : memref<3808xf32, #tpu.memory_space<vmem>>, vector<16xf32>,
    tpu.vector_store %arg9[%swap3A_349], %gather3A_348 {strides = array<i32>} : memref<3808xf32, #tpu.memory_space<vmem>>, vector<16xf32>,
    %broadcast_in_dim3A_351 = arith.constant 5 : i32
    %broadcast_in_dim3A_352 = vector.broadcast %broadcast_in_dim3A_351 : i32 to vector<16xi32>
    %gather3A_353 = tpu.vector_load_idx %arg8[%add3A_325, %broadcast_in_dim3A_352, %get3A_322] : memref<16x16x64xf32, #tpu.memory_space<vmem>>[vector<16xi32>, vector<16xi32>, vector<16xi32>], vector<16xf32>,
    %swap3A_354 = arith.constant 1168 : index
    %swap3A_355 = tpu.vector_load %arg9[%swap3A_354] {strides = array<i32>} : memref<3808xf32, #tpu.memory_space<vmem>>, vector<16xf32>,
    tpu.vector_store %arg9[%swap3A_354], %gather3A_353 {strides = array<i32>} : memref<3808xf32, #tpu.memory_space<vmem>>, vector<16xf32>,
    %broadcast_in_dim3A_356 = arith.constant 6 : i32
    %broadcast_in_dim3A_357 = vector.broadcast %broadcast_in_dim3A_356 : i32 to vector<16xi32>
    %gather3A_358 = tpu.vector_load_idx %arg8[%add3A_325, %broadcast_in_dim3A_357, %get3A_322] : memref<16x16x64xf32, #tpu.memory_space<vmem>>[vector<16xi32>, vector<16xi32>, vector<16xi32>], vector<16xf32>,
    %swap3A_359 = arith.constant 1392 : index
    %swap3A_360 = tpu.vector_load %arg9[%swap3A_359] {strides = array<i32>} : memref<3808xf32, #tpu.memory_space<vmem>>, vector<16xf32>,
    tpu.vector_store %arg9[%swap3A_359], %gather3A_358 {strides = array<i32>} : memref<3808xf32, #tpu.memory_space<vmem>>, vector<16xf32>,
    %broadcast_in_dim3A_361 = arith.constant 7 : i32
    %broadcast_in_dim3A_362 = vector.broadcast %broadcast_in_dim3A_361 : i32 to vector<16xi32>
    %gather3A_363 = tpu.vector_load_idx %arg8[%add3A_325, %broadcast_in_dim3A_362, %get3A_322] : memref<16x16x64xf32, #tpu.memory_space<vmem>>[vector<16xi32>, vector<16xi32>, vector<16xi32>], vector<16xf32>,
    %swap3A_364 = arith.constant 1616 : index
    %swap3A_365 = tpu.vector_load %arg9[%swap3A_364] {strides = array<i32>} : memref<3808xf32, #tpu.memory_space<vmem>>, vector<16xf32>,
    tpu.vector_store %arg9[%swap3A_364], %gather3A_363 {strides = array<i32>} : memref<3808xf32, #tpu.memory_space<vmem>>, vector<16xf32>,
    %broadcast_in_dim3A_366 = arith.constant 8 : i32
    %broadcast_in_dim3A_367 = vector.broadcast %broadcast_in_dim3A_366 : i32 to vector<16xi32>
    %gather3A_368 = tpu.vector_load_idx %arg8[%add3A_325, %broadcast_in_dim3A_367, %get3A_322] : memref<16x16x64xf32, #tpu.memory_space<vmem>>[vector<16xi32>, vector<16xi32>, vector<16xi32>], vector<16xf32>,
    %swap3A_369 = arith.constant 1840 : index
    %swap3A_370 = tpu.vector_load %arg9[%swap3A_369] {strides = array<i32>} : memref<3808xf32, #tpu.memory_space<vmem>>, vector<16xf32>,
    tpu.vector_store %arg9[%swap3A_369], %gather3A_368 {strides = array<i32>} : memref<3808xf32, #tpu.memory_space<vmem>>, vector<16xf32>,
    %broadcast_in_dim3A_371 = arith.constant 9 : i32
    %broadcast_in_dim3A_372 = vector.broadcast %broadcast_in_dim3A_371 : i32 to vector<16xi32>
    %gather3A_373 = tpu.vector_load_idx %arg8[%add3A_325, %broadcast_in_dim3A_372, %get3A_322] : memref<16x16x64xf32, #tpu.memory_space<vmem>>[vector<16xi32>, vector<16xi32>, vector<16xi32>], vector<16xf32>,
    %swap3A_374 = arith.constant 2064 : index
    %swap3A_375 = tpu.vector_load %arg9[%swap3A_374] {strides = array<i32>} : memref<3808xf32, #tpu.memory_space<vmem>>, vector<16xf32>,
    tpu.vector_store %arg9[%swap3A_374], %gather3A_373 {strides = array<i32>} : memref<3808xf32, #tpu.memory_space<vmem>>, vector<16xf32>,
    %broadcast_in_dim3A_376 = arith.constant 10 : i32
    %broadcast_in_dim3A_377 = vector.broadcast %broadcast_in_dim3A_376 : i32 to vector<16xi32>
    %gather3A_378 = tpu.vector_load_idx %arg8[%add3A_325, %broadcast_in_dim3A_377, %get3A_322] : memref<16x16x64xf32, #tpu.memory_space<vmem>>[vector<16xi32>, vector<16xi32>, vector<16xi32>], vector<16xf32>,
    %swap3A_379 = arith.constant 2288 : index
    %swap3A_380 = tpu.vector_load %arg9[%swap3A_379] {strides = array<i32>} : memref<3808xf32, #tpu.memory_space<vmem>>, vector<16xf32>,
    tpu.vector_store %arg9[%swap3A_379], %gather3A_378 {strides = array<i32>} : memref<3808xf32, #tpu.memory_space<vmem>>, vector<16xf32>,
    %broadcast_in_dim3A_381 = arith.constant 11 : i32
    %broadcast_in_dim3A_382 = vector.broadcast %broadcast_in_dim3A_381 : i32 to vector<16xi32>
    %gather3A_383 = tpu.vector_load_idx %arg8[%add3A_325, %broadcast_in_dim3A_382, %get3A_322] : memref<16x16x64xf32, #tpu.memory_space<vmem>>[vector<16xi32>, vector<16xi32>, vector<16xi32>], vector<16xf32>,
    %swap3A_384 = arith.constant 2512 : index
    %swap3A_385 = tpu.vector_load %arg9[%swap3A_384] {strides = array<i32>} : memref<3808xf32, #tpu.memory_space<vmem>>, vector<16xf32>,
    tpu.vector_store %arg9[%swap3A_384], %gather3A_383 {strides = array<i32>} : memref<3808xf32, #tpu.memory_space<vmem>>, vector<16xf32>,
    %broadcast_in_dim3A_386 = arith.constant 12 : i32
    %broadcast_in_dim3A_387 = vector.broadcast %broadcast_in_dim3A_386 : i32 to vector<16xi32>
    %gather3A_388 = tpu.vector_load_idx %arg8[%add3A_325, %broadcast_in_dim3A_387, %get3A_322] : memref<16x16x64xf32, #tpu.memory_space<vmem>>[vector<16xi32>, vector<16xi32>, vector<16xi32>], vector<16xf32>,
    %swap3A_389 = arith.constant 2736 : index
    %swap3A_390 = tpu.vector_load %arg9[%swap3A_389] {strides = array<i32>} : memref<3808xf32, #tpu.memory_space<vmem>>, vector<16xf32>,
    tpu.vector_store %arg9[%swap3A_389], %gather3A_388 {strides = array<i32>} : memref<3808xf32, #tpu.memory_space<vmem>>, vector<16xf32>,
    %broadcast_in_dim3A_391 = arith.constant 13 : i32
    %broadcast_in_dim3A_392 = vector.broadcast %broadcast_in_dim3A_391 : i32 to vector<16xi32>
    %gather3A_393 = tpu.vector_load_idx %arg8[%add3A_325, %broadcast_in_dim3A_392, %get3A_322] : memref<16x16x64xf32, #tpu.memory_space<vmem>>[vector<16xi32>, vector<16xi32>, vector<16xi32>], vector<16xf32>,
    %swap3A_394 = arith.constant 2960 : index
    %swap3A_395 = tpu.vector_load %arg9[%swap3A_394] {strides = array<i32>} : memref<3808xf32, #tpu.memory_space<vmem>>, vector<16xf32>,
    tpu.vector_store %arg9[%swap3A_394], %gather3A_393 {strides = array<i32>} : memref<3808xf32, #tpu.memory_space<vmem>>, vector<16xf32>,
    %broadcast_in_dim3A_396 = arith.constant 14 : i32
    %broadcast_in_dim3A_397 = vector.broadcast %broadcast_in_dim3A_396 : i32 to vector<16xi32>
    %gather3A_398 = tpu.vector_load_idx %arg8[%add3A_325, %broadcast_in_dim3A_397, %get3A_322] : memref<16x16x64xf32, #tpu.memory_space<vmem>>[vector<16xi32>, vector<16xi32>, vector<16xi32>], vector<16xf32>,
    %swap3A_399 = arith.constant 3184 : index
    %swap3A_400 = tpu.vector_load %arg9[%swap3A_399] {strides = array<i32>} : memref<3808xf32, #tpu.memory_space<vmem>>, vector<16xf32>,
    tpu.vector_store %arg9[%swap3A_399], %gather3A_398 {strides = array<i32>} : memref<3808xf32, #tpu.memory_space<vmem>>, vector<16xf32>,
    %broadcast_in_dim3A_401 = arith.constant 15 : i32
    %broadcast_in_dim3A_402 = vector.broadcast %broadcast_in_dim3A_401 : i32 to vector<16xi32>
    %gather3A_403 = tpu.vector_load_idx %arg8[%add3A_325, %broadcast_in_dim3A_402, %get3A_322] : memref<16x16x64xf32, #tpu.memory_space<vmem>>[vector<16xi32>, vector<16xi32>, vector<16xi32>], vector<16xf32>,
    %swap3A_404 = arith.constant 3408 : index
    %swap3A_405 = tpu.vector_load %arg9[%swap3A_404] {strides = array<i32>} : memref<3808xf32, #tpu.memory_space<vmem>>, vector<16xf32>,
    tpu.vector_store %arg9[%swap3A_404], %gather3A_403 {strides = array<i32>} : memref<3808xf32, #tpu.memory_space<vmem>>, vector<16xf32>,
    %add3A_406 = arith.constant 80 : i32
    %add3A_407 = arith.addi %mul3A_2, %add3A_406 : i32
    %dma_start3A_408 = arith.constant 0 : i32
    %dma_start3A_409 = arith.constant 0 : i32
    %dma_start3A_410 = tpu.memref_slice %arg2[%add3A_407, %dma_start3A_408, %dma_start3A_409] : memref<16384x16x64xf32, #tpu.memory_space<hbm>> -> memref<16x16x64xf32, #tpu.memory_space<hbm>>
    %dma_start3A_411 = arith.constant 0 : i32
    %dma_start3A_412 = arith.constant 0 : i32
    %dma_start3A_413 = tpu.memref_slice %arg2[%add3A_407, %dma_start3A_411, %dma_start3A_412] : memref<16384x16x64xf32, #tpu.memory_space<hbm>> -> memref<16x16x64xf32, #tpu.memory_space<hbm>>
    tpu.enqueue_dma source(%dma_start3A_413 : memref<16x16x64xf32, #tpu.memory_space<hbm>>) target(%arg8 : memref<16x16x64xf32, #tpu.memory_space<vmem>>) target_semaphore(%arg11 : memref<!tpu.dma_semaphore, #tpu.memory_space<semaphore_mem>>)
    %dma_wait3A_414 = arith.constant 0 : i32
    %dma_wait3A_415 = arith.constant 0 : i32
    %dma_wait3A_416 = tpu.memref_slice %arg2[%add3A_308, %dma_wait3A_414, %dma_wait3A_415] : memref<16384x16x64xf32, #tpu.memory_space<hbm>> -> memref<16x16x64xf32, #tpu.memory_space<hbm>>
    %dma_wait3A_417 = arith.constant 0 : i32
    %dma_wait3A_418 = arith.constant 0 : i32
    %dma_wait3A_419 = tpu.memref_slice %arg2[%add3A_308, %dma_wait3A_417, %dma_wait3A_418] : memref<16384x16x64xf32, #tpu.memory_space<hbm>> -> memref<16x16x64xf32, #tpu.memory_space<hbm>>
    tpu.wait_dma2 semaphore(%arg10 : memref<!tpu.dma_semaphore, #tpu.memory_space<semaphore_mem>>) src(%dma_wait3A_419 : memref<16x16x64xf32, #tpu.memory_space<hbm>>) dst(%arg7 : memref<16x16x64xf32, #tpu.memory_space<vmem>>)
    %get3A_420 = arith.constant 64 : index
    %get3A_421 = tpu.vector_load %arg6[%get3A_420] {strides = array<i32>} : memref<224xi32, #tpu.memory_space<vmem>>, vector<16xi32>,
    %add3A_422 = arith.constant 0 : i32
    %add3A_423 = vector.broadcast %add3A_422 : i32 to vector<16xi32>
    %add3A_424 = arith.addi %add3A_423, %iota3A : vector<16xi32>
    %broadcast_in_dim3A_425 = arith.constant 0 : i32
    %broadcast_in_dim3A_426 = vector.broadcast %broadcast_in_dim3A_425 : i32 to vector<16xi32>
    %gather3A_427 = tpu.vector_load_idx %arg7[%add3A_424, %broadcast_in_dim3A_426, %get3A_421] : memref<16x16x64xf32, #tpu.memory_space<vmem>>[vector<16xi32>, vector<16xi32>, vector<16xi32>], vector<16xf32>,
    %swap3A_428 = arith.constant 64 : index
    %swap3A_429 = tpu.vector_load %arg9[%swap3A_428] {strides = array<i32>} : memref<3808xf32, #tpu.memory_space<vmem>>, vector<16xf32>,
    tpu.vector_store %arg9[%swap3A_428], %gather3A_427 {strides = array<i32>} : memref<3808xf32, #tpu.memory_space<vmem>>, vector<16xf32>,
    %broadcast_in_dim3A_430 = arith.constant 1 : i32
    %broadcast_in_dim3A_431 = vector.broadcast %broadcast_in_dim3A_430 : i32 to vector<16xi32>
    %gather3A_432 = tpu.vector_load_idx %arg7[%add3A_424, %broadcast_in_dim3A_431, %get3A_421] : memref<16x16x64xf32, #tpu.memory_space<vmem>>[vector<16xi32>, vector<16xi32>, vector<16xi32>], vector<16xf32>,
    %swap3A_433 = arith.constant 288 : index
    %swap3A_434 = tpu.vector_load %arg9[%swap3A_433] {strides = array<i32>} : memref<3808xf32, #tpu.memory_space<vmem>>, vector<16xf32>,
    tpu.vector_store %arg9[%swap3A_433], %gather3A_432 {strides = array<i32>} : memref<3808xf32, #tpu.memory_space<vmem>>, vector<16xf32>,
    %broadcast_in_dim3A_435 = arith.constant 2 : i32
    %broadcast_in_dim3A_436 = vector.broadcast %broadcast_in_dim3A_435 : i32 to vector<16xi32>
    %gather3A_437 = tpu.vector_load_idx %arg7[%add3A_424, %broadcast_in_dim3A_436, %get3A_421] : memref<16x16x64xf32, #tpu.memory_space<vmem>>[vector<16xi32>, vector<16xi32>, vector<16xi32>], vector<16xf32>,
    %swap3A_438 = arith.constant 512 : index
    %swap3A_439 = tpu.vector_load %arg9[%swap3A_438] {strides = array<i32>} : memref<3808xf32, #tpu.memory_space<vmem>>, vector<16xf32>,
    tpu.vector_store %arg9[%swap3A_438], %gather3A_437 {strides = array<i32>} : memref<3808xf32, #tpu.memory_space<vmem>>, vector<16xf32>,
    %broadcast_in_dim3A_440 = arith.constant 3 : i32
    %broadcast_in_dim3A_441 = vector.broadcast %broadcast_in_dim3A_440 : i32 to vector<16xi32>
    %gather3A_442 = tpu.vector_load_idx %arg7[%add3A_424, %broadcast_in_dim3A_441, %get3A_421] : memref<16x16x64xf32, #tpu.memory_space<vmem>>[vector<16xi32>, vector<16xi32>, vector<16xi32>], vector<16xf32>,
    %swap3A_443 = arith.constant 736 : index
    %swap3A_444 = tpu.vector_load %arg9[%swap3A_443] {strides = array<i32>} : memref<3808xf32, #tpu.memory_space<vmem>>, vector<16xf32>,
    tpu.vector_store %arg9[%swap3A_443], %gather3A_442 {strides = array<i32>} : memref<3808xf32, #tpu.memory_space<vmem>>, vector<16xf32>,
    %broadcast_in_dim3A_445 = arith.constant 4 : i32
    %broadcast_in_dim3A_446 = vector.broadcast %broadcast_in_dim3A_445 : i32 to vector<16xi32>
    %gather3A_447 = tpu.vector_load_idx %arg7[%add3A_424, %broadcast_in_dim3A_446, %get3A_421] : memref<16x16x64xf32, #tpu.memory_space<vmem>>[vector<16xi32>, vector<16xi32>, vector<16xi32>], vector<16xf32>,
    %swap3A_448 = arith.constant 960 : index
    %swap3A_449 = tpu.vector_load %arg9[%swap3A_448] {strides = array<i32>} : memref<3808xf32, #tpu.memory_space<vmem>>, vector<16xf32>,
    tpu.vector_store %arg9[%swap3A_448], %gather3A_447 {strides = array<i32>} : memref<3808xf32, #tpu.memory_space<vmem>>, vector<16xf32>,
    %broadcast_in_dim3A_450 = arith.constant 5 : i32
    %broadcast_in_dim3A_451 = vector.broadcast %broadcast_in_dim3A_450 : i32 to vector<16xi32>
    %gather3A_452 = tpu.vector_load_idx %arg7[%add3A_424, %broadcast_in_dim3A_451, %get3A_421] : memref<16x16x64xf32, #tpu.memory_space<vmem>>[vector<16xi32>, vector<16xi32>, vector<16xi32>], vector<16xf32>,
    %swap3A_453 = arith.constant 1184 : index
    %swap3A_454 = tpu.vector_load %arg9[%swap3A_453] {strides = array<i32>} : memref<3808xf32, #tpu.memory_space<vmem>>, vector<16xf32>,
    tpu.vector_store %arg9[%swap3A_453], %gather3A_452 {strides = array<i32>} : memref<3808xf32, #tpu.memory_space<vmem>>, vector<16xf32>,
    %broadcast_in_dim3A_455 = arith.constant 6 : i32
    %broadcast_in_dim3A_456 = vector.broadcast %broadcast_in_dim3A_455 : i32 to vector<16xi32>
    %gather3A_457 = tpu.vector_load_idx %arg7[%add3A_424, %broadcast_in_dim3A_456, %get3A_421] : memref<16x16x64xf32, #tpu.memory_space<vmem>>[vector<16xi32>, vector<16xi32>, vector<16xi32>], vector<16xf32>,
    %swap3A_458 = arith.constant 1408 : index
    %swap3A_459 = tpu.vector_load %arg9[%swap3A_458] {strides = array<i32>} : memref<3808xf32, #tpu.memory_space<vmem>>, vector<16xf32>,
    tpu.vector_store %arg9[%swap3A_458], %gather3A_457 {strides = array<i32>} : memref<3808xf32, #tpu.memory_space<vmem>>, vector<16xf32>,
    %broadcast_in_dim3A_460 = arith.constant 7 : i32
    %broadcast_in_dim3A_461 = vector.broadcast %broadcast_in_dim3A_460 : i32 to vector<16xi32>
    %gather3A_462 = tpu.vector_load_idx %arg7[%add3A_424, %broadcast_in_dim3A_461, %get3A_421] : memref<16x16x64xf32, #tpu.memory_space<vmem>>[vector<16xi32>, vector<16xi32>, vector<16xi32>], vector<16xf32>,
    %swap3A_463 = arith.constant 1632 : index
    %swap3A_464 = tpu.vector_load %arg9[%swap3A_463] {strides = array<i32>} : memref<3808xf32, #tpu.memory_space<vmem>>, vector<16xf32>,
    tpu.vector_store %arg9[%swap3A_463], %gather3A_462 {strides = array<i32>} : memref<3808xf32, #tpu.memory_space<vmem>>, vector<16xf32>,
    %broadcast_in_dim3A_465 = arith.constant 8 : i32
    %broadcast_in_dim3A_466 = vector.broadcast %broadcast_in_dim3A_465 : i32 to vector<16xi32>
    %gather3A_467 = tpu.vector_load_idx %arg7[%add3A_424, %broadcast_in_dim3A_466, %get3A_421] : memref<16x16x64xf32, #tpu.memory_space<vmem>>[vector<16xi32>, vector<16xi32>, vector<16xi32>], vector<16xf32>,
    %swap3A_468 = arith.constant 1856 : index
    %swap3A_469 = tpu.vector_load %arg9[%swap3A_468] {strides = array<i32>} : memref<3808xf32, #tpu.memory_space<vmem>>, vector<16xf32>,
    tpu.vector_store %arg9[%swap3A_468], %gather3A_467 {strides = array<i32>} : memref<3808xf32, #tpu.memory_space<vmem>>, vector<16xf32>,
    %broadcast_in_dim3A_470 = arith.constant 9 : i32
    %broadcast_in_dim3A_471 = vector.broadcast %broadcast_in_dim3A_470 : i32 to vector<16xi32>
    %gather3A_472 = tpu.vector_load_idx %arg7[%add3A_424, %broadcast_in_dim3A_471, %get3A_421] : memref<16x16x64xf32, #tpu.memory_space<vmem>>[vector<16xi32>, vector<16xi32>, vector<16xi32>], vector<16xf32>,
    %swap3A_473 = arith.constant 2080 : index
    %swap3A_474 = tpu.vector_load %arg9[%swap3A_473] {strides = array<i32>} : memref<3808xf32, #tpu.memory_space<vmem>>, vector<16xf32>,
    tpu.vector_store %arg9[%swap3A_473], %gather3A_472 {strides = array<i32>} : memref<3808xf32, #tpu.memory_space<vmem>>, vector<16xf32>,
    %broadcast_in_dim3A_475 = arith.constant 10 : i32
    %broadcast_in_dim3A_476 = vector.broadcast %broadcast_in_dim3A_475 : i32 to vector<16xi32>
    %gather3A_477 = tpu.vector_load_idx %arg7[%add3A_424, %broadcast_in_dim3A_476, %get3A_421] : memref<16x16x64xf32, #tpu.memory_space<vmem>>[vector<16xi32>, vector<16xi32>, vector<16xi32>], vector<16xf32>,
    %swap3A_478 = arith.constant 2304 : index
    %swap3A_479 = tpu.vector_load %arg9[%swap3A_478] {strides = array<i32>} : memref<3808xf32, #tpu.memory_space<vmem>>, vector<16xf32>,
    tpu.vector_store %arg9[%swap3A_478], %gather3A_477 {strides = array<i32>} : memref<3808xf32, #tpu.memory_space<vmem>>, vector<16xf32>,
    %broadcast_in_dim3A_480 = arith.constant 11 : i32
    %broadcast_in_dim3A_481 = vector.broadcast %broadcast_in_dim3A_480 : i32 to vector<16xi32>
    %gather3A_482 = tpu.vector_load_idx %arg7[%add3A_424, %broadcast_in_dim3A_481, %get3A_421] : memref<16x16x64xf32, #tpu.memory_space<vmem>>[vector<16xi32>, vector<16xi32>, vector<16xi32>], vector<16xf32>,
    %swap3A_483 = arith.constant 2528 : index
    %swap3A_484 = tpu.vector_load %arg9[%swap3A_483] {strides = array<i32>} : memref<3808xf32, #tpu.memory_space<vmem>>, vector<16xf32>,
    tpu.vector_store %arg9[%swap3A_483], %gather3A_482 {strides = array<i32>} : memref<3808xf32, #tpu.memory_space<vmem>>, vector<16xf32>,
    %broadcast_in_dim3A_485 = arith.constant 12 : i32
    %broadcast_in_dim3A_486 = vector.broadcast %broadcast_in_dim3A_485 : i32 to vector<16xi32>
    %gather3A_487 = tpu.vector_load_idx %arg7[%add3A_424, %broadcast_in_dim3A_486, %get3A_421] : memref<16x16x64xf32, #tpu.memory_space<vmem>>[vector<16xi32>, vector<16xi32>, vector<16xi32>], vector<16xf32>,
    %swap3A_488 = arith.constant 2752 : index
    %swap3A_489 = tpu.vector_load %arg9[%swap3A_488] {strides = array<i32>} : memref<3808xf32, #tpu.memory_space<vmem>>, vector<16xf32>,
    tpu.vector_store %arg9[%swap3A_488], %gather3A_487 {strides = array<i32>} : memref<3808xf32, #tpu.memory_space<vmem>>, vector<16xf32>,
    %broadcast_in_dim3A_490 = arith.constant 13 : i32
    %broadcast_in_dim3A_491 = vector.broadcast %broadcast_in_dim3A_490 : i32 to vector<16xi32>
    %gather3A_492 = tpu.vector_load_idx %arg7[%add3A_424, %broadcast_in_dim3A_491, %get3A_421] : memref<16x16x64xf32, #tpu.memory_space<vmem>>[vector<16xi32>, vector<16xi32>, vector<16xi32>], vector<16xf32>,
    %swap3A_493 = arith.constant 2976 : index
    %swap3A_494 = tpu.vector_load %arg9[%swap3A_493] {strides = array<i32>} : memref<3808xf32, #tpu.memory_space<vmem>>, vector<16xf32>,
    tpu.vector_store %arg9[%swap3A_493], %gather3A_492 {strides = array<i32>} : memref<3808xf32, #tpu.memory_space<vmem>>, vector<16xf32>,
    %broadcast_in_dim3A_495 = arith.constant 14 : i32
    %broadcast_in_dim3A_496 = vector.broadcast %broadcast_in_dim3A_495 : i32 to vector<16xi32>
    %gather3A_497 = tpu.vector_load_idx %arg7[%add3A_424, %broadcast_in_dim3A_496, %get3A_421] : memref<16x16x64xf32, #tpu.memory_space<vmem>>[vector<16xi32>, vector<16xi32>, vector<16xi32>], vector<16xf32>,
    %swap3A_498 = arith.constant 3200 : index
    %swap3A_499 = tpu.vector_load %arg9[%swap3A_498] {strides = array<i32>} : memref<3808xf32, #tpu.memory_space<vmem>>, vector<16xf32>,
    tpu.vector_store %arg9[%swap3A_498], %gather3A_497 {strides = array<i32>} : memref<3808xf32, #tpu.memory_space<vmem>>, vector<16xf32>,
    %broadcast_in_dim3A_500 = arith.constant 15 : i32
    %broadcast_in_dim3A_501 = vector.broadcast %broadcast_in_dim3A_500 : i32 to vector<16xi32>
    %gather3A_502 = tpu.vector_load_idx %arg7[%add3A_424, %broadcast_in_dim3A_501, %get3A_421] : memref<16x16x64xf32, #tpu.memory_space<vmem>>[vector<16xi32>, vector<16xi32>, vector<16xi32>], vector<16xf32>,
    %swap3A_503 = arith.constant 3424 : index
    %swap3A_504 = tpu.vector_load %arg9[%swap3A_503] {strides = array<i32>} : memref<3808xf32, #tpu.memory_space<vmem>>, vector<16xf32>,
    tpu.vector_store %arg9[%swap3A_503], %gather3A_502 {strides = array<i32>} : memref<3808xf32, #tpu.memory_space<vmem>>, vector<16xf32>,
    %add3A_505 = arith.constant 96 : i32
    %add3A_506 = arith.addi %mul3A_2, %add3A_505 : i32
    %dma_start3A_507 = arith.constant 0 : i32
    %dma_start3A_508 = arith.constant 0 : i32
    %dma_start3A_509 = tpu.memref_slice %arg2[%add3A_506, %dma_start3A_507, %dma_start3A_508] : memref<16384x16x64xf32, #tpu.memory_space<hbm>> -> memref<16x16x64xf32, #tpu.memory_space<hbm>>
    %dma_start3A_510 = arith.constant 0 : i32
    %dma_start3A_511 = arith.constant 0 : i32
    %dma_start3A_512 = tpu.memref_slice %arg2[%add3A_506, %dma_start3A_510, %dma_start3A_511] : memref<16384x16x64xf32, #tpu.memory_space<hbm>> -> memref<16x16x64xf32, #tpu.memory_space<hbm>>
    tpu.enqueue_dma source(%dma_start3A_512 : memref<16x16x64xf32, #tpu.memory_space<hbm>>) target(%arg7 : memref<16x16x64xf32, #tpu.memory_space<vmem>>) target_semaphore(%arg10 : memref<!tpu.dma_semaphore, #tpu.memory_space<semaphore_mem>>)
    %dma_wait3A_513 = arith.constant 0 : i32
    %dma_wait3A_514 = arith.constant 0 : i32
    %dma_wait3A_515 = tpu.memref_slice %arg2[%add3A_407, %dma_wait3A_513, %dma_wait3A_514] : memref<16384x16x64xf32, #tpu.memory_space<hbm>> -> memref<16x16x64xf32, #tpu.memory_space<hbm>>
    %dma_wait3A_516 = arith.constant 0 : i32
    %dma_wait3A_517 = arith.constant 0 : i32
    %dma_wait3A_518 = tpu.memref_slice %arg2[%add3A_407, %dma_wait3A_516, %dma_wait3A_517] : memref<16384x16x64xf32, #tpu.memory_space<hbm>> -> memref<16x16x64xf32, #tpu.memory_space<hbm>>
    tpu.wait_dma2 semaphore(%arg11 : memref<!tpu.dma_semaphore, #tpu.memory_space<semaphore_mem>>) src(%dma_wait3A_518 : memref<16x16x64xf32, #tpu.memory_space<hbm>>) dst(%arg8 : memref<16x16x64xf32, #tpu.memory_space<vmem>>)
    %get3A_519 = arith.constant 80 : index
    %get3A_520 = tpu.vector_load %arg6[%get3A_519] {strides = array<i32>} : memref<224xi32, #tpu.memory_space<vmem>>, vector<16xi32>,
    %add3A_521 = arith.constant 0 : i32
    %add3A_522 = vector.broadcast %add3A_521 : i32 to vector<16xi32>
    %add3A_523 = arith.addi %add3A_522, %iota3A : vector<16xi32>
    %broadcast_in_dim3A_524 = arith.constant 0 : i32
    %broadcast_in_dim3A_525 = vector.broadcast %broadcast_in_dim3A_524 : i32 to vector<16xi32>
    %gather3A_526 = tpu.vector_load_idx %arg8[%add3A_523, %broadcast_in_dim3A_525, %get3A_520] : memref<16x16x64xf32, #tpu.memory_space<vmem>>[vector<16xi32>, vector<16xi32>, vector<16xi32>], vector<16xf32>,
    %swap3A_527 = arith.constant 80 : index
    %swap3A_528 = tpu.vector_load %arg9[%swap3A_527] {strides = array<i32>} : memref<3808xf32, #tpu.memory_space<vmem>>, vector<16xf32>,
    tpu.vector_store %arg9[%swap3A_527], %gather3A_526 {strides = array<i32>} : memref<3808xf32, #tpu.memory_space<vmem>>, vector<16xf32>,
    %broadcast_in_dim3A_529 = arith.constant 1 : i32
    %broadcast_in_dim3A_530 = vector.broadcast %broadcast_in_dim3A_529 : i32 to vector<16xi32>
    %gather3A_531 = tpu.vector_load_idx %arg8[%add3A_523, %broadcast_in_dim3A_530, %get3A_520] : memref<16x16x64xf32, #tpu.memory_space<vmem>>[vector<16xi32>, vector<16xi32>, vector<16xi32>], vector<16xf32>,
    %swap3A_532 = arith.constant 304 : index
    %swap3A_533 = tpu.vector_load %arg9[%swap3A_532] {strides = array<i32>} : memref<3808xf32, #tpu.memory_space<vmem>>, vector<16xf32>,
    tpu.vector_store %arg9[%swap3A_532], %gather3A_531 {strides = array<i32>} : memref<3808xf32, #tpu.memory_space<vmem>>, vector<16xf32>,
    %broadcast_in_dim3A_534 = arith.constant 2 : i32
    %broadcast_in_dim3A_535 = vector.broadcast %broadcast_in_dim3A_534 : i32 to vector<16xi32>
    %gather3A_536 = tpu.vector_load_idx %arg8[%add3A_523, %broadcast_in_dim3A_535, %get3A_520] : memref<16x16x64xf32, #tpu.memory_space<vmem>>[vector<16xi32>, vector<16xi32>, vector<16xi32>], vector<16xf32>,
    %swap3A_537 = arith.constant 528 : index
    %swap3A_538 = tpu.vector_load %arg9[%swap3A_537] {strides = array<i32>} : memref<3808xf32, #tpu.memory_space<vmem>>, vector<16xf32>,
    tpu.vector_store %arg9[%swap3A_537], %gather3A_536 {strides = array<i32>} : memref<3808xf32, #tpu.memory_space<vmem>>, vector<16xf32>,
    %broadcast_in_dim3A_539 = arith.constant 3 : i32
    %broadcast_in_dim3A_540 = vector.broadcast %broadcast_in_dim3A_539 : i32 to vector<16xi32>
    %gather3A_541 = tpu.vector_load_idx %arg8[%add3A_523, %broadcast_in_dim3A_540, %get3A_520] : memref<16x16x64xf32, #tpu.memory_space<vmem>>[vector<16xi32>, vector<16xi32>, vector<16xi32>], vector<16xf32>,
    %swap3A_542 = arith.constant 752 : index
    %swap3A_543 = tpu.vector_load %arg9[%swap3A_542] {strides = array<i32>} : memref<3808xf32, #tpu.memory_space<vmem>>, vector<16xf32>,
    tpu.vector_store %arg9[%swap3A_542], %gather3A_541 {strides = array<i32>} : memref<3808xf32, #tpu.memory_space<vmem>>, vector<16xf32>,
    %broadcast_in_dim3A_544 = arith.constant 4 : i32
    %broadcast_in_dim3A_545 = vector.broadcast %broadcast_in_dim3A_544 : i32 to vector<16xi32>
    %gather3A_546 = tpu.vector_load_idx %arg8[%add3A_523, %broadcast_in_dim3A_545, %get3A_520] : memref<16x16x64xf32, #tpu.memory_space<vmem>>[vector<16xi32>, vector<16xi32>, vector<16xi32>], vector<16xf32>,
    %swap3A_547 = arith.constant 976 : index
    %swap3A_548 = tpu.vector_load %arg9[%swap3A_547] {strides = array<i32>} : memref<3808xf32, #tpu.memory_space<vmem>>, vector<16xf32>,
    tpu.vector_store %arg9[%swap3A_547], %gather3A_546 {strides = array<i32>} : memref<3808xf32, #tpu.memory_space<vmem>>, vector<16xf32>,
    %broadcast_in_dim3A_549 = arith.constant 5 : i32
    %broadcast_in_dim3A_550 = vector.broadcast %broadcast_in_dim3A_549 : i32 to vector<16xi32>
    %gather3A_551 = tpu.vector_load_idx %arg8[%add3A_523, %broadcast_in_dim3A_550, %get3A_520] : memref<16x16x64xf32, #tpu.memory_space<vmem>>[vector<16xi32>, vector<16xi32>, vector<16xi32>], vector<16xf32>,
    %swap3A_552 = arith.constant 1200 : index
    %swap3A_553 = tpu.vector_load %arg9[%swap3A_552] {strides = array<i32>} : memref<3808xf32, #tpu.memory_space<vmem>>, vector<16xf32>,
    tpu.vector_store %arg9[%swap3A_552], %gather3A_551 {strides = array<i32>} : memref<3808xf32, #tpu.memory_space<vmem>>, vector<16xf32>,
    %broadcast_in_dim3A_554 = arith.constant 6 : i32
    %broadcast_in_dim3A_555 = vector.broadcast %broadcast_in_dim3A_554 : i32 to vector<16xi32>
    %gather3A_556 = tpu.vector_load_idx %arg8[%add3A_523, %broadcast_in_dim3A_555, %get3A_520] : memref<16x16x64xf32, #tpu.memory_space<vmem>>[vector<16xi32>, vector<16xi32>, vector<16xi32>], vector<16xf32>,
    %swap3A_557 = arith.constant 1424 : index
    %swap3A_558 = tpu.vector_load %arg9[%swap3A_557] {strides = array<i32>} : memref<3808xf32, #tpu.memory_space<vmem>>, vector<16xf32>,
    tpu.vector_store %arg9[%swap3A_557], %gather3A_556 {strides = array<i32>} : memref<3808xf32, #tpu.memory_space<vmem>>, vector<16xf32>,
    %broadcast_in_dim3A_559 = arith.constant 7 : i32
    %broadcast_in_dim3A_560 = vector.broadcast %broadcast_in_dim3A_559 : i32 to vector<16xi32>
    %gather3A_561 = tpu.vector_load_idx %arg8[%add3A_523, %broadcast_in_dim3A_560, %get3A_520] : memref<16x16x64xf32, #tpu.memory_space<vmem>>[vector<16xi32>, vector<16xi32>, vector<16xi32>], vector<16xf32>,
    %swap3A_562 = arith.constant 1648 : index
    %swap3A_563 = tpu.vector_load %arg9[%swap3A_562] {strides = array<i32>} : memref<3808xf32, #tpu.memory_space<vmem>>, vector<16xf32>,
    tpu.vector_store %arg9[%swap3A_562], %gather3A_561 {strides = array<i32>} : memref<3808xf32, #tpu.memory_space<vmem>>, vector<16xf32>,
    %broadcast_in_dim3A_564 = arith.constant 8 : i32
    %broadcast_in_dim3A_565 = vector.broadcast %broadcast_in_dim3A_564 : i32 to vector<16xi32>
    %gather3A_566 = tpu.vector_load_idx %arg8[%add3A_523, %broadcast_in_dim3A_565, %get3A_520] : memref<16x16x64xf32, #tpu.memory_space<vmem>>[vector<16xi32>, vector<16xi32>, vector<16xi32>], vector<16xf32>,
    %swap3A_567 = arith.constant 1872 : index
    %swap3A_568 = tpu.vector_load %arg9[%swap3A_567] {strides = array<i32>} : memref<3808xf32, #tpu.memory_space<vmem>>, vector<16xf32>,
    tpu.vector_store %arg9[%swap3A_567], %gather3A_566 {strides = array<i32>} : memref<3808xf32, #tpu.memory_space<vmem>>, vector<16xf32>,
    %broadcast_in_dim3A_569 = arith.constant 9 : i32
    %broadcast_in_dim3A_570 = vector.broadcast %broadcast_in_dim3A_569 : i32 to vector<16xi32>
    %gather3A_571 = tpu.vector_load_idx %arg8[%add3A_523, %broadcast_in_dim3A_570, %get3A_520] : memref<16x16x64xf32, #tpu.memory_space<vmem>>[vector<16xi32>, vector<16xi32>, vector<16xi32>], vector<16xf32>,
    %swap3A_572 = arith.constant 2096 : index
    %swap3A_573 = tpu.vector_load %arg9[%swap3A_572] {strides = array<i32>} : memref<3808xf32, #tpu.memory_space<vmem>>, vector<16xf32>,
    tpu.vector_store %arg9[%swap3A_572], %gather3A_571 {strides = array<i32>} : memref<3808xf32, #tpu.memory_space<vmem>>, vector<16xf32>,
    %broadcast_in_dim3A_574 = arith.constant 10 : i32
    %broadcast_in_dim3A_575 = vector.broadcast %broadcast_in_dim3A_574 : i32 to vector<16xi32>
    %gather3A_576 = tpu.vector_load_idx %arg8[%add3A_523, %broadcast_in_dim3A_575, %get3A_520] : memref<16x16x64xf32, #tpu.memory_space<vmem>>[vector<16xi32>, vector<16xi32>, vector<16xi32>], vector<16xf32>,
    %swap3A_577 = arith.constant 2320 : index
    %swap3A_578 = tpu.vector_load %arg9[%swap3A_577] {strides = array<i32>} : memref<3808xf32, #tpu.memory_space<vmem>>, vector<16xf32>,
    tpu.vector_store %arg9[%swap3A_577], %gather3A_576 {strides = array<i32>} : memref<3808xf32, #tpu.memory_space<vmem>>, vector<16xf32>,
    %broadcast_in_dim3A_579 = arith.constant 11 : i32
    %broadcast_in_dim3A_580 = vector.broadcast %broadcast_in_dim3A_579 : i32 to vector<16xi32>
    %gather3A_581 = tpu.vector_load_idx %arg8[%add3A_523, %broadcast_in_dim3A_580, %get3A_520] : memref<16x16x64xf32, #tpu.memory_space<vmem>>[vector<16xi32>, vector<16xi32>, vector<16xi32>], vector<16xf32>,
    %swap3A_582 = arith.constant 2544 : index
    %swap3A_583 = tpu.vector_load %arg9[%swap3A_582] {strides = array<i32>} : memref<3808xf32, #tpu.memory_space<vmem>>, vector<16xf32>,
    tpu.vector_store %arg9[%swap3A_582], %gather3A_581 {strides = array<i32>} : memref<3808xf32, #tpu.memory_space<vmem>>, vector<16xf32>,
    %broadcast_in_dim3A_584 = arith.constant 12 : i32
    %broadcast_in_dim3A_585 = vector.broadcast %broadcast_in_dim3A_584 : i32 to vector<16xi32>
    %gather3A_586 = tpu.vector_load_idx %arg8[%add3A_523, %broadcast_in_dim3A_585, %get3A_520] : memref<16x16x64xf32, #tpu.memory_space<vmem>>[vector<16xi32>, vector<16xi32>, vector<16xi32>], vector<16xf32>,
    %swap3A_587 = arith.constant 2768 : index
    %swap3A_588 = tpu.vector_load %arg9[%swap3A_587] {strides = array<i32>} : memref<3808xf32, #tpu.memory_space<vmem>>, vector<16xf32>,
    tpu.vector_store %arg9[%swap3A_587], %gather3A_586 {strides = array<i32>} : memref<3808xf32, #tpu.memory_space<vmem>>, vector<16xf32>,
    %broadcast_in_dim3A_589 = arith.constant 13 : i32
    %broadcast_in_dim3A_590 = vector.broadcast %broadcast_in_dim3A_589 : i32 to vector<16xi32>
    %gather3A_591 = tpu.vector_load_idx %arg8[%add3A_523, %broadcast_in_dim3A_590, %get3A_520] : memref<16x16x64xf32, #tpu.memory_space<vmem>>[vector<16xi32>, vector<16xi32>, vector<16xi32>], vector<16xf32>,
    %swap3A_592 = arith.constant 2992 : index
    %swap3A_593 = tpu.vector_load %arg9[%swap3A_592] {strides = array<i32>} : memref<3808xf32, #tpu.memory_space<vmem>>, vector<16xf32>,
    tpu.vector_store %arg9[%swap3A_592], %gather3A_591 {strides = array<i32>} : memref<3808xf32, #tpu.memory_space<vmem>>, vector<16xf32>,
    %broadcast_in_dim3A_594 = arith.constant 14 : i32
    %broadcast_in_dim3A_595 = vector.broadcast %broadcast_in_dim3A_594 : i32 to vector<16xi32>
    %gather3A_596 = tpu.vector_load_idx %arg8[%add3A_523, %broadcast_in_dim3A_595, %get3A_520] : memref<16x16x64xf32, #tpu.memory_space<vmem>>[vector<16xi32>, vector<16xi32>, vector<16xi32>], vector<16xf32>,
    %swap3A_597 = arith.constant 3216 : index
    %swap3A_598 = tpu.vector_load %arg9[%swap3A_597] {strides = array<i32>} : memref<3808xf32, #tpu.memory_space<vmem>>, vector<16xf32>,
    tpu.vector_store %arg9[%swap3A_597], %gather3A_596 {strides = array<i32>} : memref<3808xf32, #tpu.memory_space<vmem>>, vector<16xf32>,
    %broadcast_in_dim3A_599 = arith.constant 15 : i32
    %broadcast_in_dim3A_600 = vector.broadcast %broadcast_in_dim3A_599 : i32 to vector<16xi32>
    %gather3A_601 = tpu.vector_load_idx %arg8[%add3A_523, %broadcast_in_dim3A_600, %get3A_520] : memref<16x16x64xf32, #tpu.memory_space<vmem>>[vector<16xi32>, vector<16xi32>, vector<16xi32>], vector<16xf32>,
    %swap3A_602 = arith.constant 3440 : index
    %swap3A_603 = tpu.vector_load %arg9[%swap3A_602] {strides = array<i32>} : memref<3808xf32, #tpu.memory_space<vmem>>, vector<16xf32>,
    tpu.vector_store %arg9[%swap3A_602], %gather3A_601 {strides = array<i32>} : memref<3808xf32, #tpu.memory_space<vmem>>, vector<16xf32>,
    %add3A_604 = arith.constant 112 : i32
    %add3A_605 = arith.addi %mul3A_2, %add3A_604 : i32
    %dma_start3A_606 = arith.constant 0 : i32
    %dma_start3A_607 = arith.constant 0 : i32
    %dma_start3A_608 = tpu.memref_slice %arg2[%add3A_605, %dma_start3A_606, %dma_start3A_607] : memref<16384x16x64xf32, #tpu.memory_space<hbm>> -> memref<16x16x64xf32, #tpu.memory_space<hbm>>
    %dma_start3A_609 = arith.constant 0 : i32
    %dma_start3A_610 = arith.constant 0 : i32
    %dma_start3A_611 = tpu.memref_slice %arg2[%add3A_605, %dma_start3A_609, %dma_start3A_610] : memref<16384x16x64xf32, #tpu.memory_space<hbm>> -> memref<16x16x64xf32, #tpu.memory_space<hbm>>
    tpu.enqueue_dma source(%dma_start3A_611 : memref<16x16x64xf32, #tpu.memory_space<hbm>>) target(%arg8 : memref<16x16x64xf32, #tpu.memory_space<vmem>>) target_semaphore(%arg11 : memref<!tpu.dma_semaphore, #tpu.memory_space<semaphore_mem>>)
    %dma_wait3A_612 = arith.constant 0 : i32
    %dma_wait3A_613 = arith.constant 0 : i32
    %dma_wait3A_614 = tpu.memref_slice %arg2[%add3A_506, %dma_wait3A_612, %dma_wait3A_613] : memref<16384x16x64xf32, #tpu.memory_space<hbm>> -> memref<16x16x64xf32, #tpu.memory_space<hbm>>
    %dma_wait3A_615 = arith.constant 0 : i32
    %dma_wait3A_616 = arith.constant 0 : i32
    %dma_wait3A_617 = tpu.memref_slice %arg2[%add3A_506, %dma_wait3A_615, %dma_wait3A_616] : memref<16384x16x64xf32, #tpu.memory_space<hbm>> -> memref<16x16x64xf32, #tpu.memory_space<hbm>>
    tpu.wait_dma2 semaphore(%arg10 : memref<!tpu.dma_semaphore, #tpu.memory_space<semaphore_mem>>) src(%dma_wait3A_617 : memref<16x16x64xf32, #tpu.memory_space<hbm>>) dst(%arg7 : memref<16x16x64xf32, #tpu.memory_space<vmem>>)
    %get3A_618 = arith.constant 96 : index
    %get3A_619 = tpu.vector_load %arg6[%get3A_618] {strides = array<i32>} : memref<224xi32, #tpu.memory_space<vmem>>, vector<16xi32>,
    %add3A_620 = arith.constant 0 : i32
    %add3A_621 = vector.broadcast %add3A_620 : i32 to vector<16xi32>
    %add3A_622 = arith.addi %add3A_621, %iota3A : vector<16xi32>
    %broadcast_in_dim3A_623 = arith.constant 0 : i32
    %broadcast_in_dim3A_624 = vector.broadcast %broadcast_in_dim3A_623 : i32 to vector<16xi32>
    %gather3A_625 = tpu.vector_load_idx %arg7[%add3A_622, %broadcast_in_dim3A_624, %get3A_619] : memref<16x16x64xf32, #tpu.memory_space<vmem>>[vector<16xi32>, vector<16xi32>, vector<16xi32>], vector<16xf32>,
    %swap3A_626 = arith.constant 96 : index
    %swap3A_627 = tpu.vector_load %arg9[%swap3A_626] {strides = array<i32>} : memref<3808xf32, #tpu.memory_space<vmem>>, vector<16xf32>,
    tpu.vector_store %arg9[%swap3A_626], %gather3A_625 {strides = array<i32>} : memref<3808xf32, #tpu.memory_space<vmem>>, vector<16xf32>,
    %broadcast_in_dim3A_628 = arith.constant 1 : i32
    %broadcast_in_dim3A_629 = vector.broadcast %broadcast_in_dim3A_628 : i32 to vector<16xi32>
    %gather3A_630 = tpu.vector_load_idx %arg7[%add3A_622, %broadcast_in_dim3A_629, %get3A_619] : memref<16x16x64xf32, #tpu.memory_space<vmem>>[vector<16xi32>, vector<16xi32>, vector<16xi32>], vector<16xf32>,
    %swap3A_631 = arith.constant 320 : index
    %swap3A_632 = tpu.vector_load %arg9[%swap3A_631] {strides = array<i32>} : memref<3808xf32, #tpu.memory_space<vmem>>, vector<16xf32>,
    tpu.vector_store %arg9[%swap3A_631], %gather3A_630 {strides = array<i32>} : memref<3808xf32, #tpu.memory_space<vmem>>, vector<16xf32>,
    %broadcast_in_dim3A_633 = arith.constant 2 : i32
    %broadcast_in_dim3A_634 = vector.broadcast %broadcast_in_dim3A_633 : i32 to vector<16xi32>
    %gather3A_635 = tpu.vector_load_idx %arg7[%add3A_622, %broadcast_in_dim3A_634, %get3A_619] : memref<16x16x64xf32, #tpu.memory_space<vmem>>[vector<16xi32>, vector<16xi32>, vector<16xi32>], vector<16xf32>,
    %swap3A_636 = arith.constant 544 : index
    %swap3A_637 = tpu.vector_load %arg9[%swap3A_636] {strides = array<i32>} : memref<3808xf32, #tpu.memory_space<vmem>>, vector<16xf32>,
    tpu.vector_store %arg9[%swap3A_636], %gather3A_635 {strides = array<i32>} : memref<3808xf32, #tpu.memory_space<vmem>>, vector<16xf32>,
    %broadcast_in_dim3A_638 = arith.constant 3 : i32
    %broadcast_in_dim3A_639 = vector.broadcast %broadcast_in_dim3A_638 : i32 to vector<16xi32>
    %gather3A_640 = tpu.vector_load_idx %arg7[%add3A_622, %broadcast_in_dim3A_639, %get3A_619] : memref<16x16x64xf32, #tpu.memory_space<vmem>>[vector<16xi32>, vector<16xi32>, vector<16xi32>], vector<16xf32>,
    %swap3A_641 = arith.constant 768 : index
    %swap3A_642 = tpu.vector_load %arg9[%swap3A_641] {strides = array<i32>} : memref<3808xf32, #tpu.memory_space<vmem>>, vector<16xf32>,
    tpu.vector_store %arg9[%swap3A_641], %gather3A_640 {strides = array<i32>} : memref<3808xf32, #tpu.memory_space<vmem>>, vector<16xf32>,
    %broadcast_in_dim3A_643 = arith.constant 4 : i32
    %broadcast_in_dim3A_644 = vector.broadcast %broadcast_in_dim3A_643 : i32 to vector<16xi32>
    %gather3A_645 = tpu.vector_load_idx %arg7[%add3A_622, %broadcast_in_dim3A_644, %get3A_619] : memref<16x16x64xf32, #tpu.memory_space<vmem>>[vector<16xi32>, vector<16xi32>, vector<16xi32>], vector<16xf32>,
    %swap3A_646 = arith.constant 992 : index
    %swap3A_647 = tpu.vector_load %arg9[%swap3A_646] {strides = array<i32>} : memref<3808xf32, #tpu.memory_space<vmem>>, vector<16xf32>,
    tpu.vector_store %arg9[%swap3A_646], %gather3A_645 {strides = array<i32>} : memref<3808xf32, #tpu.memory_space<vmem>>, vector<16xf32>,
    %broadcast_in_dim3A_648 = arith.constant 5 : i32
    %broadcast_in_dim3A_649 = vector.broadcast %broadcast_in_dim3A_648 : i32 to vector<16xi32>
    %gather3A_650 = tpu.vector_load_idx %arg7[%add3A_622, %broadcast_in_dim3A_649, %get3A_619] : memref<16x16x64xf32, #tpu.memory_space<vmem>>[vector<16xi32>, vector<16xi32>, vector<16xi32>], vector<16xf32>,
    %swap3A_651 = arith.constant 1216 : index
    %swap3A_652 = tpu.vector_load %arg9[%swap3A_651] {strides = array<i32>} : memref<3808xf32, #tpu.memory_space<vmem>>, vector<16xf32>,
    tpu.vector_store %arg9[%swap3A_651], %gather3A_650 {strides = array<i32>} : memref<3808xf32, #tpu.memory_space<vmem>>, vector<16xf32>,
    %broadcast_in_dim3A_653 = arith.constant 6 : i32
    %broadcast_in_dim3A_654 = vector.broadcast %broadcast_in_dim3A_653 : i32 to vector<16xi32>
    %gather3A_655 = tpu.vector_load_idx %arg7[%add3A_622, %broadcast_in_dim3A_654, %get3A_619] : memref<16x16x64xf32, #tpu.memory_space<vmem>>[vector<16xi32>, vector<16xi32>, vector<16xi32>], vector<16xf32>,
    %swap3A_656 = arith.constant 1440 : index
    %swap3A_657 = tpu.vector_load %arg9[%swap3A_656] {strides = array<i32>} : memref<3808xf32, #tpu.memory_space<vmem>>, vector<16xf32>,
    tpu.vector_store %arg9[%swap3A_656], %gather3A_655 {strides = array<i32>} : memref<3808xf32, #tpu.memory_space<vmem>>, vector<16xf32>,
    %broadcast_in_dim3A_658 = arith.constant 7 : i32
    %broadcast_in_dim3A_659 = vector.broadcast %broadcast_in_dim3A_658 : i32 to vector<16xi32>
    %gather3A_660 = tpu.vector_load_idx %arg7[%add3A_622, %broadcast_in_dim3A_659, %get3A_619] : memref<16x16x64xf32, #tpu.memory_space<vmem>>[vector<16xi32>, vector<16xi32>, vector<16xi32>], vector<16xf32>,
    %swap3A_661 = arith.constant 1664 : index
    %swap3A_662 = tpu.vector_load %arg9[%swap3A_661] {strides = array<i32>} : memref<3808xf32, #tpu.memory_space<vmem>>, vector<16xf32>,
    tpu.vector_store %arg9[%swap3A_661], %gather3A_660 {strides = array<i32>} : memref<3808xf32, #tpu.memory_space<vmem>>, vector<16xf32>,
    %broadcast_in_dim3A_663 = arith.constant 8 : i32
    %broadcast_in_dim3A_664 = vector.broadcast %broadcast_in_dim3A_663 : i32 to vector<16xi32>
    %gather3A_665 = tpu.vector_load_idx %arg7[%add3A_622, %broadcast_in_dim3A_664, %get3A_619] : memref<16x16x64xf32, #tpu.memory_space<vmem>>[vector<16xi32>, vector<16xi32>, vector<16xi32>], vector<16xf32>,
    %swap3A_666 = arith.constant 1888 : index
    %swap3A_667 = tpu.vector_load %arg9[%swap3A_666] {strides = array<i32>} : memref<3808xf32, #tpu.memory_space<vmem>>, vector<16xf32>,
    tpu.vector_store %arg9[%swap3A_666], %gather3A_665 {strides = array<i32>} : memref<3808xf32, #tpu.memory_space<vmem>>, vector<16xf32>,
    %broadcast_in_dim3A_668 = arith.constant 9 : i32
    %broadcast_in_dim3A_669 = vector.broadcast %broadcast_in_dim3A_668 : i32 to vector<16xi32>
    %gather3A_670 = tpu.vector_load_idx %arg7[%add3A_622, %broadcast_in_dim3A_669, %get3A_619] : memref<16x16x64xf32, #tpu.memory_space<vmem>>[vector<16xi32>, vector<16xi32>, vector<16xi32>], vector<16xf32>,
    %swap3A_671 = arith.constant 2112 : index
    %swap3A_672 = tpu.vector_load %arg9[%swap3A_671] {strides = array<i32>} : memref<3808xf32, #tpu.memory_space<vmem>>, vector<16xf32>,
    tpu.vector_store %arg9[%swap3A_671], %gather3A_670 {strides = array<i32>} : memref<3808xf32, #tpu.memory_space<vmem>>, vector<16xf32>,
    %broadcast_in_dim3A_673 = arith.constant 10 : i32
    %broadcast_in_dim3A_674 = vector.broadcast %broadcast_in_dim3A_673 : i32 to vector<16xi32>
    %gather3A_675 = tpu.vector_load_idx %arg7[%add3A_622, %broadcast_in_dim3A_674, %get3A_619] : memref<16x16x64xf32, #tpu.memory_space<vmem>>[vector<16xi32>, vector<16xi32>, vector<16xi32>], vector<16xf32>,
    %swap3A_676 = arith.constant 2336 : index
    %swap3A_677 = tpu.vector_load %arg9[%swap3A_676] {strides = array<i32>} : memref<3808xf32, #tpu.memory_space<vmem>>, vector<16xf32>,
    tpu.vector_store %arg9[%swap3A_676], %gather3A_675 {strides = array<i32>} : memref<3808xf32, #tpu.memory_space<vmem>>, vector<16xf32>,
    %broadcast_in_dim3A_678 = arith.constant 11 : i32
    %broadcast_in_dim3A_679 = vector.broadcast %broadcast_in_dim3A_678 : i32 to vector<16xi32>
    %gather3A_680 = tpu.vector_load_idx %arg7[%add3A_622, %broadcast_in_dim3A_679, %get3A_619] : memref<16x16x64xf32, #tpu.memory_space<vmem>>[vector<16xi32>, vector<16xi32>, vector<16xi32>], vector<16xf32>,
    %swap3A_681 = arith.constant 2560 : index
    %swap3A_682 = tpu.vector_load %arg9[%swap3A_681] {strides = array<i32>} : memref<3808xf32, #tpu.memory_space<vmem>>, vector<16xf32>,
    tpu.vector_store %arg9[%swap3A_681], %gather3A_680 {strides = array<i32>} : memref<3808xf32, #tpu.memory_space<vmem>>, vector<16xf32>,
    %broadcast_in_dim3A_683 = arith.constant 12 : i32
    %broadcast_in_dim3A_684 = vector.broadcast %broadcast_in_dim3A_683 : i32 to vector<16xi32>
    %gather3A_685 = tpu.vector_load_idx %arg7[%add3A_622, %broadcast_in_dim3A_684, %get3A_619] : memref<16x16x64xf32, #tpu.memory_space<vmem>>[vector<16xi32>, vector<16xi32>, vector<16xi32>], vector<16xf32>,
    %swap3A_686 = arith.constant 2784 : index
    %swap3A_687 = tpu.vector_load %arg9[%swap3A_686] {strides = array<i32>} : memref<3808xf32, #tpu.memory_space<vmem>>, vector<16xf32>,
    tpu.vector_store %arg9[%swap3A_686], %gather3A_685 {strides = array<i32>} : memref<3808xf32, #tpu.memory_space<vmem>>, vector<16xf32>,
    %broadcast_in_dim3A_688 = arith.constant 13 : i32
    %broadcast_in_dim3A_689 = vector.broadcast %broadcast_in_dim3A_688 : i32 to vector<16xi32>
    %gather3A_690 = tpu.vector_load_idx %arg7[%add3A_622, %broadcast_in_dim3A_689, %get3A_619] : memref<16x16x64xf32, #tpu.memory_space<vmem>>[vector<16xi32>, vector<16xi32>, vector<16xi32>], vector<16xf32>,
    %swap3A_691 = arith.constant 3008 : index
    %swap3A_692 = tpu.vector_load %arg9[%swap3A_691] {strides = array<i32>} : memref<3808xf32, #tpu.memory_space<vmem>>, vector<16xf32>,
    tpu.vector_store %arg9[%swap3A_691], %gather3A_690 {strides = array<i32>} : memref<3808xf32, #tpu.memory_space<vmem>>, vector<16xf32>,
    %broadcast_in_dim3A_693 = arith.constant 14 : i32
    %broadcast_in_dim3A_694 = vector.broadcast %broadcast_in_dim3A_693 : i32 to vector<16xi32>
    %gather3A_695 = tpu.vector_load_idx %arg7[%add3A_622, %broadcast_in_dim3A_694, %get3A_619] : memref<16x16x64xf32, #tpu.memory_space<vmem>>[vector<16xi32>, vector<16xi32>, vector<16xi32>], vector<16xf32>,
    %swap3A_696 = arith.constant 3232 : index
    %swap3A_697 = tpu.vector_load %arg9[%swap3A_696] {strides = array<i32>} : memref<3808xf32, #tpu.memory_space<vmem>>, vector<16xf32>,
    tpu.vector_store %arg9[%swap3A_696], %gather3A_695 {strides = array<i32>} : memref<3808xf32, #tpu.memory_space<vmem>>, vector<16xf32>,
    %broadcast_in_dim3A_698 = arith.constant 15 : i32
    %broadcast_in_dim3A_699 = vector.broadcast %broadcast_in_dim3A_698 : i32 to vector<16xi32>
    %gather3A_700 = tpu.vector_load_idx %arg7[%add3A_622, %broadcast_in_dim3A_699, %get3A_619] : memref<16x16x64xf32, #tpu.memory_space<vmem>>[vector<16xi32>, vector<16xi32>, vector<16xi32>], vector<16xf32>,
    %swap3A_701 = arith.constant 3456 : index
    %swap3A_702 = tpu.vector_load %arg9[%swap3A_701] {strides = array<i32>} : memref<3808xf32, #tpu.memory_space<vmem>>, vector<16xf32>,
    tpu.vector_store %arg9[%swap3A_701], %gather3A_700 {strides = array<i32>} : memref<3808xf32, #tpu.memory_space<vmem>>, vector<16xf32>,
    %add3A_703 = arith.constant 128 : i32
    %add3A_704 = arith.addi %mul3A_2, %add3A_703 : i32
    %dma_start3A_705 = arith.constant 0 : i32
    %dma_start3A_706 = arith.constant 0 : i32
    %dma_start3A_707 = tpu.memref_slice %arg2[%add3A_704, %dma_start3A_705, %dma_start3A_706] : memref<16384x16x64xf32, #tpu.memory_space<hbm>> -> memref<16x16x64xf32, #tpu.memory_space<hbm>>
    %dma_start3A_708 = arith.constant 0 : i32
    %dma_start3A_709 = arith.constant 0 : i32
    %dma_start3A_710 = tpu.memref_slice %arg2[%add3A_704, %dma_start3A_708, %dma_start3A_709] : memref<16384x16x64xf32, #tpu.memory_space<hbm>> -> memref<16x16x64xf32, #tpu.memory_space<hbm>>
    tpu.enqueue_dma source(%dma_start3A_710 : memref<16x16x64xf32, #tpu.memory_space<hbm>>) target(%arg7 : memref<16x16x64xf32, #tpu.memory_space<vmem>>) target_semaphore(%arg10 : memref<!tpu.dma_semaphore, #tpu.memory_space<semaphore_mem>>)
    %dma_wait3A_711 = arith.constant 0 : i32
    %dma_wait3A_712 = arith.constant 0 : i32
    %dma_wait3A_713 = tpu.memref_slice %arg2[%add3A_605, %dma_wait3A_711, %dma_wait3A_712] : memref<16384x16x64xf32, #tpu.memory_space<hbm>> -> memref<16x16x64xf32, #tpu.memory_space<hbm>>
    %dma_wait3A_714 = arith.constant 0 : i32
    %dma_wait3A_715 = arith.constant 0 : i32
    %dma_wait3A_716 = tpu.memref_slice %arg2[%add3A_605, %dma_wait3A_714, %dma_wait3A_715] : memref<16384x16x64xf32, #tpu.memory_space<hbm>> -> memref<16x16x64xf32, #tpu.memory_space<hbm>>
    tpu.wait_dma2 semaphore(%arg11 : memref<!tpu.dma_semaphore, #tpu.memory_space<semaphore_mem>>) src(%dma_wait3A_716 : memref<16x16x64xf32, #tpu.memory_space<hbm>>) dst(%arg8 : memref<16x16x64xf32, #tpu.memory_space<vmem>>)
    %get3A_717 = arith.constant 112 : index
    %get3A_718 = tpu.vector_load %arg6[%get3A_717] {strides = array<i32>} : memref<224xi32, #tpu.memory_space<vmem>>, vector<16xi32>,
    %add3A_719 = arith.constant 0 : i32
    %add3A_720 = vector.broadcast %add3A_719 : i32 to vector<16xi32>
    %add3A_721 = arith.addi %add3A_720, %iota3A : vector<16xi32>
    %broadcast_in_dim3A_722 = arith.constant 0 : i32
    %broadcast_in_dim3A_723 = vector.broadcast %broadcast_in_dim3A_722 : i32 to vector<16xi32>
    %gather3A_724 = tpu.vector_load_idx %arg8[%add3A_721, %broadcast_in_dim3A_723, %get3A_718] : memref<16x16x64xf32, #tpu.memory_space<vmem>>[vector<16xi32>, vector<16xi32>, vector<16xi32>], vector<16xf32>,
    %swap3A_725 = arith.constant 112 : index
    %swap3A_726 = tpu.vector_load %arg9[%swap3A_725] {strides = array<i32>} : memref<3808xf32, #tpu.memory_space<vmem>>, vector<16xf32>,
    tpu.vector_store %arg9[%swap3A_725], %gather3A_724 {strides = array<i32>} : memref<3808xf32, #tpu.memory_space<vmem>>, vector<16xf32>,
    %broadcast_in_dim3A_727 = arith.constant 1 : i32
    %broadcast_in_dim3A_728 = vector.broadcast %broadcast_in_dim3A_727 : i32 to vector<16xi32>
    %gather3A_729 = tpu.vector_load_idx %arg8[%add3A_721, %broadcast_in_dim3A_728, %get3A_718] : memref<16x16x64xf32, #tpu.memory_space<vmem>>[vector<16xi32>, vector<16xi32>, vector<16xi32>], vector<16xf32>,
    %swap3A_730 = arith.constant 336 : index
    %swap3A_731 = tpu.vector_load %arg9[%swap3A_730] {strides = array<i32>} : memref<3808xf32, #tpu.memory_space<vmem>>, vector<16xf32>,
    tpu.vector_store %arg9[%swap3A_730], %gather3A_729 {strides = array<i32>} : memref<3808xf32, #tpu.memory_space<vmem>>, vector<16xf32>,
    %broadcast_in_dim3A_732 = arith.constant 2 : i32
    %broadcast_in_dim3A_733 = vector.broadcast %broadcast_in_dim3A_732 : i32 to vector<16xi32>
    %gather3A_734 = tpu.vector_load_idx %arg8[%add3A_721, %broadcast_in_dim3A_733, %get3A_718] : memref<16x16x64xf32, #tpu.memory_space<vmem>>[vector<16xi32>, vector<16xi32>, vector<16xi32>], vector<16xf32>,
    %swap3A_735 = arith.constant 560 : index
    %swap3A_736 = tpu.vector_load %arg9[%swap3A_735] {strides = array<i32>} : memref<3808xf32, #tpu.memory_space<vmem>>, vector<16xf32>,
    tpu.vector_store %arg9[%swap3A_735], %gather3A_734 {strides = array<i32>} : memref<3808xf32, #tpu.memory_space<vmem>>, vector<16xf32>,
    %broadcast_in_dim3A_737 = arith.constant 3 : i32
    %broadcast_in_dim3A_738 = vector.broadcast %broadcast_in_dim3A_737 : i32 to vector<16xi32>
    %gather3A_739 = tpu.vector_load_idx %arg8[%add3A_721, %broadcast_in_dim3A_738, %get3A_718] : memref<16x16x64xf32, #tpu.memory_space<vmem>>[vector<16xi32>, vector<16xi32>, vector<16xi32>], vector<16xf32>,
    %swap3A_740 = arith.constant 784 : index
    %swap3A_741 = tpu.vector_load %arg9[%swap3A_740] {strides = array<i32>} : memref<3808xf32, #tpu.memory_space<vmem>>, vector<16xf32>,
    tpu.vector_store %arg9[%swap3A_740], %gather3A_739 {strides = array<i32>} : memref<3808xf32, #tpu.memory_space<vmem>>, vector<16xf32>,
    %broadcast_in_dim3A_742 = arith.constant 4 : i32
    %broadcast_in_dim3A_743 = vector.broadcast %broadcast_in_dim3A_742 : i32 to vector<16xi32>
    %gather3A_744 = tpu.vector_load_idx %arg8[%add3A_721, %broadcast_in_dim3A_743, %get3A_718] : memref<16x16x64xf32, #tpu.memory_space<vmem>>[vector<16xi32>, vector<16xi32>, vector<16xi32>], vector<16xf32>,
    %swap3A_745 = arith.constant 1008 : index
    %swap3A_746 = tpu.vector_load %arg9[%swap3A_745] {strides = array<i32>} : memref<3808xf32, #tpu.memory_space<vmem>>, vector<16xf32>,
    tpu.vector_store %arg9[%swap3A_745], %gather3A_744 {strides = array<i32>} : memref<3808xf32, #tpu.memory_space<vmem>>, vector<16xf32>,
    %broadcast_in_dim3A_747 = arith.constant 5 : i32
    %broadcast_in_dim3A_748 = vector.broadcast %broadcast_in_dim3A_747 : i32 to vector<16xi32>
    %gather3A_749 = tpu.vector_load_idx %arg8[%add3A_721, %broadcast_in_dim3A_748, %get3A_718] : memref<16x16x64xf32, #tpu.memory_space<vmem>>[vector<16xi32>, vector<16xi32>, vector<16xi32>], vector<16xf32>,
    %swap3A_750 = arith.constant 1232 : index
    %swap3A_751 = tpu.vector_load %arg9[%swap3A_750] {strides = array<i32>} : memref<3808xf32, #tpu.memory_space<vmem>>, vector<16xf32>,
    tpu.vector_store %arg9[%swap3A_750], %gather3A_749 {strides = array<i32>} : memref<3808xf32, #tpu.memory_space<vmem>>, vector<16xf32>,
    %broadcast_in_dim3A_752 = arith.constant 6 : i32
    %broadcast_in_dim3A_753 = vector.broadcast %broadcast_in_dim3A_752 : i32 to vector<16xi32>
    %gather3A_754 = tpu.vector_load_idx %arg8[%add3A_721, %broadcast_in_dim3A_753, %get3A_718] : memref<16x16x64xf32, #tpu.memory_space<vmem>>[vector<16xi32>, vector<16xi32>, vector<16xi32>], vector<16xf32>,
    %swap3A_755 = arith.constant 1456 : index
    %swap3A_756 = tpu.vector_load %arg9[%swap3A_755] {strides = array<i32>} : memref<3808xf32, #tpu.memory_space<vmem>>, vector<16xf32>,
    tpu.vector_store %arg9[%swap3A_755], %gather3A_754 {strides = array<i32>} : memref<3808xf32, #tpu.memory_space<vmem>>, vector<16xf32>,
    %broadcast_in_dim3A_757 = arith.constant 7 : i32
    %broadcast_in_dim3A_758 = vector.broadcast %broadcast_in_dim3A_757 : i32 to vector<16xi32>
    %gather3A_759 = tpu.vector_load_idx %arg8[%add3A_721, %broadcast_in_dim3A_758, %get3A_718] : memref<16x16x64xf32, #tpu.memory_space<vmem>>[vector<16xi32>, vector<16xi32>, vector<16xi32>], vector<16xf32>,
    %swap3A_760 = arith.constant 1680 : index
    %swap3A_761 = tpu.vector_load %arg9[%swap3A_760] {strides = array<i32>} : memref<3808xf32, #tpu.memory_space<vmem>>, vector<16xf32>,
    tpu.vector_store %arg9[%swap3A_760], %gather3A_759 {strides = array<i32>} : memref<3808xf32, #tpu.memory_space<vmem>>, vector<16xf32>,
    %broadcast_in_dim3A_762 = arith.constant 8 : i32
    %broadcast_in_dim3A_763 = vector.broadcast %broadcast_in_dim3A_762 : i32 to vector<16xi32>
    %gather3A_764 = tpu.vector_load_idx %arg8[%add3A_721, %broadcast_in_dim3A_763, %get3A_718] : memref<16x16x64xf32, #tpu.memory_space<vmem>>[vector<16xi32>, vector<16xi32>, vector<16xi32>], vector<16xf32>,
    %swap3A_765 = arith.constant 1904 : index
    %swap3A_766 = tpu.vector_load %arg9[%swap3A_765] {strides = array<i32>} : memref<3808xf32, #tpu.memory_space<vmem>>, vector<16xf32>,
    tpu.vector_store %arg9[%swap3A_765], %gather3A_764 {strides = array<i32>} : memref<3808xf32, #tpu.memory_space<vmem>>, vector<16xf32>,
    %broadcast_in_dim3A_767 = arith.constant 9 : i32
    %broadcast_in_dim3A_768 = vector.broadcast %broadcast_in_dim3A_767 : i32 to vector<16xi32>
    %gather3A_769 = tpu.vector_load_idx %arg8[%add3A_721, %broadcast_in_dim3A_768, %get3A_718] : memref<16x16x64xf32, #tpu.memory_space<vmem>>[vector<16xi32>, vector<16xi32>, vector<16xi32>], vector<16xf32>,
    %swap3A_770 = arith.constant 2128 : index
    %swap3A_771 = tpu.vector_load %arg9[%swap3A_770] {strides = array<i32>} : memref<3808xf32, #tpu.memory_space<vmem>>, vector<16xf32>,
    tpu.vector_store %arg9[%swap3A_770], %gather3A_769 {strides = array<i32>} : memref<3808xf32, #tpu.memory_space<vmem>>, vector<16xf32>,
    %broadcast_in_dim3A_772 = arith.constant 10 : i32
    %broadcast_in_dim3A_773 = vector.broadcast %broadcast_in_dim3A_772 : i32 to vector<16xi32>
    %gather3A_774 = tpu.vector_load_idx %arg8[%add3A_721, %broadcast_in_dim3A_773, %get3A_718] : memref<16x16x64xf32, #tpu.memory_space<vmem>>[vector<16xi32>, vector<16xi32>, vector<16xi32>], vector<16xf32>,
    %swap3A_775 = arith.constant 2352 : index
    %swap3A_776 = tpu.vector_load %arg9[%swap3A_775] {strides = array<i32>} : memref<3808xf32, #tpu.memory_space<vmem>>, vector<16xf32>,
    tpu.vector_store %arg9[%swap3A_775], %gather3A_774 {strides = array<i32>} : memref<3808xf32, #tpu.memory_space<vmem>>, vector<16xf32>,
    %broadcast_in_dim3A_777 = arith.constant 11 : i32
    %broadcast_in_dim3A_778 = vector.broadcast %broadcast_in_dim3A_777 : i32 to vector<16xi32>
    %gather3A_779 = tpu.vector_load_idx %arg8[%add3A_721, %broadcast_in_dim3A_778, %get3A_718] : memref<16x16x64xf32, #tpu.memory_space<vmem>>[vector<16xi32>, vector<16xi32>, vector<16xi32>], vector<16xf32>,
    %swap3A_780 = arith.constant 2576 : index
    %swap3A_781 = tpu.vector_load %arg9[%swap3A_780] {strides = array<i32>} : memref<3808xf32, #tpu.memory_space<vmem>>, vector<16xf32>,
    tpu.vector_store %arg9[%swap3A_780], %gather3A_779 {strides = array<i32>} : memref<3808xf32, #tpu.memory_space<vmem>>, vector<16xf32>,
    %broadcast_in_dim3A_782 = arith.constant 12 : i32
    %broadcast_in_dim3A_783 = vector.broadcast %broadcast_in_dim3A_782 : i32 to vector<16xi32>
    %gather3A_784 = tpu.vector_load_idx %arg8[%add3A_721, %broadcast_in_dim3A_783, %get3A_718] : memref<16x16x64xf32, #tpu.memory_space<vmem>>[vector<16xi32>, vector<16xi32>, vector<16xi32>], vector<16xf32>,
    %swap3A_785 = arith.constant 2800 : index
    %swap3A_786 = tpu.vector_load %arg9[%swap3A_785] {strides = array<i32>} : memref<3808xf32, #tpu.memory_space<vmem>>, vector<16xf32>,
    tpu.vector_store %arg9[%swap3A_785], %gather3A_784 {strides = array<i32>} : memref<3808xf32, #tpu.memory_space<vmem>>, vector<16xf32>,
    %broadcast_in_dim3A_787 = arith.constant 13 : i32
    %broadcast_in_dim3A_788 = vector.broadcast %broadcast_in_dim3A_787 : i32 to vector<16xi32>
    %gather3A_789 = tpu.vector_load_idx %arg8[%add3A_721, %broadcast_in_dim3A_788, %get3A_718] : memref<16x16x64xf32, #tpu.memory_space<vmem>>[vector<16xi32>, vector<16xi32>, vector<16xi32>], vector<16xf32>,
    %swap3A_790 = arith.constant 3024 : index
    %swap3A_791 = tpu.vector_load %arg9[%swap3A_790] {strides = array<i32>} : memref<3808xf32, #tpu.memory_space<vmem>>, vector<16xf32>,
    tpu.vector_store %arg9[%swap3A_790], %gather3A_789 {strides = array<i32>} : memref<3808xf32, #tpu.memory_space<vmem>>, vector<16xf32>,
    %broadcast_in_dim3A_792 = arith.constant 14 : i32
    %broadcast_in_dim3A_793 = vector.broadcast %broadcast_in_dim3A_792 : i32 to vector<16xi32>
    %gather3A_794 = tpu.vector_load_idx %arg8[%add3A_721, %broadcast_in_dim3A_793, %get3A_718] : memref<16x16x64xf32, #tpu.memory_space<vmem>>[vector<16xi32>, vector<16xi32>, vector<16xi32>], vector<16xf32>,
    %swap3A_795 = arith.constant 3248 : index
    %swap3A_796 = tpu.vector_load %arg9[%swap3A_795] {strides = array<i32>} : memref<3808xf32, #tpu.memory_space<vmem>>, vector<16xf32>,
    tpu.vector_store %arg9[%swap3A_795], %gather3A_794 {strides = array<i32>} : memref<3808xf32, #tpu.memory_space<vmem>>, vector<16xf32>,
    %broadcast_in_dim3A_797 = arith.constant 15 : i32
    %broadcast_in_dim3A_798 = vector.broadcast %broadcast_in_dim3A_797 : i32 to vector<16xi32>
    %gather3A_799 = tpu.vector_load_idx %arg8[%add3A_721, %broadcast_in_dim3A_798, %get3A_718] : memref<16x16x64xf32, #tpu.memory_space<vmem>>[vector<16xi32>, vector<16xi32>, vector<16xi32>], vector<16xf32>,
    %swap3A_800 = arith.constant 3472 : index
    %swap3A_801 = tpu.vector_load %arg9[%swap3A_800] {strides = array<i32>} : memref<3808xf32, #tpu.memory_space<vmem>>, vector<16xf32>,
    tpu.vector_store %arg9[%swap3A_800], %gather3A_799 {strides = array<i32>} : memref<3808xf32, #tpu.memory_space<vmem>>, vector<16xf32>,
    %add3A_802 = arith.constant 144 : i32
    %add3A_803 = arith.addi %mul3A_2, %add3A_802 : i32
    %dma_start3A_804 = arith.constant 0 : i32
    %dma_start3A_805 = arith.constant 0 : i32
    %dma_start3A_806 = tpu.memref_slice %arg2[%add3A_803, %dma_start3A_804, %dma_start3A_805] : memref<16384x16x64xf32, #tpu.memory_space<hbm>> -> memref<16x16x64xf32, #tpu.memory_space<hbm>>
    %dma_start3A_807 = arith.constant 0 : i32
    %dma_start3A_808 = arith.constant 0 : i32
    %dma_start3A_809 = tpu.memref_slice %arg2[%add3A_803, %dma_start3A_807, %dma_start3A_808] : memref<16384x16x64xf32, #tpu.memory_space<hbm>> -> memref<16x16x64xf32, #tpu.memory_space<hbm>>
    tpu.enqueue_dma source(%dma_start3A_809 : memref<16x16x64xf32, #tpu.memory_space<hbm>>) target(%arg8 : memref<16x16x64xf32, #tpu.memory_space<vmem>>) target_semaphore(%arg11 : memref<!tpu.dma_semaphore, #tpu.memory_space<semaphore_mem>>)
    %dma_wait3A_810 = arith.constant 0 : i32
    %dma_wait3A_811 = arith.constant 0 : i32
    %dma_wait3A_812 = tpu.memref_slice %arg2[%add3A_704, %dma_wait3A_810, %dma_wait3A_811] : memref<16384x16x64xf32, #tpu.memory_space<hbm>> -> memref<16x16x64xf32, #tpu.memory_space<hbm>>
    %dma_wait3A_813 = arith.constant 0 : i32
    %dma_wait3A_814 = arith.constant 0 : i32
    %dma_wait3A_815 = tpu.memref_slice %arg2[%add3A_704, %dma_wait3A_813, %dma_wait3A_814] : memref<16384x16x64xf32, #tpu.memory_space<hbm>> -> memref<16x16x64xf32, #tpu.memory_space<hbm>>
    tpu.wait_dma2 semaphore(%arg10 : memref<!tpu.dma_semaphore, #tpu.memory_space<semaphore_mem>>) src(%dma_wait3A_815 : memref<16x16x64xf32, #tpu.memory_space<hbm>>) dst(%arg7 : memref<16x16x64xf32, #tpu.memory_space<vmem>>)
    %get3A_816 = arith.constant 128 : index
    %get3A_817 = tpu.vector_load %arg6[%get3A_816] {strides = array<i32>} : memref<224xi32, #tpu.memory_space<vmem>>, vector<16xi32>,
    %add3A_818 = arith.constant 0 : i32
    %add3A_819 = vector.broadcast %add3A_818 : i32 to vector<16xi32>
    %add3A_820 = arith.addi %add3A_819, %iota3A : vector<16xi32>
    %broadcast_in_dim3A_821 = arith.constant 0 : i32
    %broadcast_in_dim3A_822 = vector.broadcast %broadcast_in_dim3A_821 : i32 to vector<16xi32>
    %gather3A_823 = tpu.vector_load_idx %arg7[%add3A_820, %broadcast_in_dim3A_822, %get3A_817] : memref<16x16x64xf32, #tpu.memory_space<vmem>>[vector<16xi32>, vector<16xi32>, vector<16xi32>], vector<16xf32>,
    %swap3A_824 = arith.constant 128 : index
    %swap3A_825 = tpu.vector_load %arg9[%swap3A_824] {strides = array<i32>} : memref<3808xf32, #tpu.memory_space<vmem>>, vector<16xf32>,
    tpu.vector_store %arg9[%swap3A_824], %gather3A_823 {strides = array<i32>} : memref<3808xf32, #tpu.memory_space<vmem>>, vector<16xf32>,
    %broadcast_in_dim3A_826 = arith.constant 1 : i32
    %broadcast_in_dim3A_827 = vector.broadcast %broadcast_in_dim3A_826 : i32 to vector<16xi32>
    %gather3A_828 = tpu.vector_load_idx %arg7[%add3A_820, %broadcast_in_dim3A_827, %get3A_817] : memref<16x16x64xf32, #tpu.memory_space<vmem>>[vector<16xi32>, vector<16xi32>, vector<16xi32>], vector<16xf32>,
    %swap3A_829 = arith.constant 352 : index
    %swap3A_830 = tpu.vector_load %arg9[%swap3A_829] {strides = array<i32>} : memref<3808xf32, #tpu.memory_space<vmem>>, vector<16xf32>,
    tpu.vector_store %arg9[%swap3A_829], %gather3A_828 {strides = array<i32>} : memref<3808xf32, #tpu.memory_space<vmem>>, vector<16xf32>,
    %broadcast_in_dim3A_831 = arith.constant 2 : i32
    %broadcast_in_dim3A_832 = vector.broadcast %broadcast_in_dim3A_831 : i32 to vector<16xi32>
    %gather3A_833 = tpu.vector_load_idx %arg7[%add3A_820, %broadcast_in_dim3A_832, %get3A_817] : memref<16x16x64xf32, #tpu.memory_space<vmem>>[vector<16xi32>, vector<16xi32>, vector<16xi32>], vector<16xf32>,
    %swap3A_834 = arith.constant 576 : index
    %swap3A_835 = tpu.vector_load %arg9[%swap3A_834] {strides = array<i32>} : memref<3808xf32, #tpu.memory_space<vmem>>, vector<16xf32>,
    tpu.vector_store %arg9[%swap3A_834], %gather3A_833 {strides = array<i32>} : memref<3808xf32, #tpu.memory_space<vmem>>, vector<16xf32>,
    %broadcast_in_dim3A_836 = arith.constant 3 : i32
    %broadcast_in_dim3A_837 = vector.broadcast %broadcast_in_dim3A_836 : i32 to vector<16xi32>
    %gather3A_838 = tpu.vector_load_idx %arg7[%add3A_820, %broadcast_in_dim3A_837, %get3A_817] : memref<16x16x64xf32, #tpu.memory_space<vmem>>[vector<16xi32>, vector<16xi32>, vector<16xi32>], vector<16xf32>,
    %swap3A_839 = arith.constant 800 : index
    %swap3A_840 = tpu.vector_load %arg9[%swap3A_839] {strides = array<i32>} : memref<3808xf32, #tpu.memory_space<vmem>>, vector<16xf32>,
    tpu.vector_store %arg9[%swap3A_839], %gather3A_838 {strides = array<i32>} : memref<3808xf32, #tpu.memory_space<vmem>>, vector<16xf32>,
    %broadcast_in_dim3A_841 = arith.constant 4 : i32
    %broadcast_in_dim3A_842 = vector.broadcast %broadcast_in_dim3A_841 : i32 to vector<16xi32>
    %gather3A_843 = tpu.vector_load_idx %arg7[%add3A_820, %broadcast_in_dim3A_842, %get3A_817] : memref<16x16x64xf32, #tpu.memory_space<vmem>>[vector<16xi32>, vector<16xi32>, vector<16xi32>], vector<16xf32>,
    %swap3A_844 = arith.constant 1024 : index
    %swap3A_845 = tpu.vector_load %arg9[%swap3A_844] {strides = array<i32>} : memref<3808xf32, #tpu.memory_space<vmem>>, vector<16xf32>,
    tpu.vector_store %arg9[%swap3A_844], %gather3A_843 {strides = array<i32>} : memref<3808xf32, #tpu.memory_space<vmem>>, vector<16xf32>,
    %broadcast_in_dim3A_846 = arith.constant 5 : i32
    %broadcast_in_dim3A_847 = vector.broadcast %broadcast_in_dim3A_846 : i32 to vector<16xi32>
    %gather3A_848 = tpu.vector_load_idx %arg7[%add3A_820, %broadcast_in_dim3A_847, %get3A_817] : memref<16x16x64xf32, #tpu.memory_space<vmem>>[vector<16xi32>, vector<16xi32>, vector<16xi32>], vector<16xf32>,
    %swap3A_849 = arith.constant 1248 : index
    %swap3A_850 = tpu.vector_load %arg9[%swap3A_849] {strides = array<i32>} : memref<3808xf32, #tpu.memory_space<vmem>>, vector<16xf32>,
    tpu.vector_store %arg9[%swap3A_849], %gather3A_848 {strides = array<i32>} : memref<3808xf32, #tpu.memory_space<vmem>>, vector<16xf32>,
    %broadcast_in_dim3A_851 = arith.constant 6 : i32
    %broadcast_in_dim3A_852 = vector.broadcast %broadcast_in_dim3A_851 : i32 to vector<16xi32>
    %gather3A_853 = tpu.vector_load_idx %arg7[%add3A_820, %broadcast_in_dim3A_852, %get3A_817] : memref<16x16x64xf32, #tpu.memory_space<vmem>>[vector<16xi32>, vector<16xi32>, vector<16xi32>], vector<16xf32>,
    %swap3A_854 = arith.constant 1472 : index
    %swap3A_855 = tpu.vector_load %arg9[%swap3A_854] {strides = array<i32>} : memref<3808xf32, #tpu.memory_space<vmem>>, vector<16xf32>,
    tpu.vector_store %arg9[%swap3A_854], %gather3A_853 {strides = array<i32>} : memref<3808xf32, #tpu.memory_space<vmem>>, vector<16xf32>,
    %broadcast_in_dim3A_856 = arith.constant 7 : i32
    %broadcast_in_dim3A_857 = vector.broadcast %broadcast_in_dim3A_856 : i32 to vector<16xi32>
    %gather3A_858 = tpu.vector_load_idx %arg7[%add3A_820, %broadcast_in_dim3A_857, %get3A_817] : memref<16x16x64xf32, #tpu.memory_space<vmem>>[vector<16xi32>, vector<16xi32>, vector<16xi32>], vector<16xf32>,
    %swap3A_859 = arith.constant 1696 : index
    %swap3A_860 = tpu.vector_load %arg9[%swap3A_859] {strides = array<i32>} : memref<3808xf32, #tpu.memory_space<vmem>>, vector<16xf32>,
    tpu.vector_store %arg9[%swap3A_859], %gather3A_858 {strides = array<i32>} : memref<3808xf32, #tpu.memory_space<vmem>>, vector<16xf32>,
    %broadcast_in_dim3A_861 = arith.constant 8 : i32
    %broadcast_in_dim3A_862 = vector.broadcast %broadcast_in_dim3A_861 : i32 to vector<16xi32>
    %gather3A_863 = tpu.vector_load_idx %arg7[%add3A_820, %broadcast_in_dim3A_862, %get3A_817] : memref<16x16x64xf32, #tpu.memory_space<vmem>>[vector<16xi32>, vector<16xi32>, vector<16xi32>], vector<16xf32>,
    %swap3A_864 = arith.constant 1920 : index
    %swap3A_865 = tpu.vector_load %arg9[%swap3A_864] {strides = array<i32>} : memref<3808xf32, #tpu.memory_space<vmem>>, vector<16xf32>,
    tpu.vector_store %arg9[%swap3A_864], %gather3A_863 {strides = array<i32>} : memref<3808xf32, #tpu.memory_space<vmem>>, vector<16xf32>,
    %broadcast_in_dim3A_866 = arith.constant 9 : i32
    %broadcast_in_dim3A_867 = vector.broadcast %broadcast_in_dim3A_866 : i32 to vector<16xi32>
    %gather3A_868 = tpu.vector_load_idx %arg7[%add3A_820, %broadcast_in_dim3A_867, %get3A_817] : memref<16x16x64xf32, #tpu.memory_space<vmem>>[vector<16xi32>, vector<16xi32>, vector<16xi32>], vector<16xf32>,
    %swap3A_869 = arith.constant 2144 : index
    %swap3A_870 = tpu.vector_load %arg9[%swap3A_869] {strides = array<i32>} : memref<3808xf32, #tpu.memory_space<vmem>>, vector<16xf32>,
    tpu.vector_store %arg9[%swap3A_869], %gather3A_868 {strides = array<i32>} : memref<3808xf32, #tpu.memory_space<vmem>>, vector<16xf32>,
    %broadcast_in_dim3A_871 = arith.constant 10 : i32
    %broadcast_in_dim3A_872 = vector.broadcast %broadcast_in_dim3A_871 : i32 to vector<16xi32>
    %gather3A_873 = tpu.vector_load_idx %arg7[%add3A_820, %broadcast_in_dim3A_872, %get3A_817] : memref<16x16x64xf32, #tpu.memory_space<vmem>>[vector<16xi32>, vector<16xi32>, vector<16xi32>], vector<16xf32>,
    %swap3A_874 = arith.constant 2368 : index
    %swap3A_875 = tpu.vector_load %arg9[%swap3A_874] {strides = array<i32>} : memref<3808xf32, #tpu.memory_space<vmem>>, vector<16xf32>,
    tpu.vector_store %arg9[%swap3A_874], %gather3A_873 {strides = array<i32>} : memref<3808xf32, #tpu.memory_space<vmem>>, vector<16xf32>,
    %broadcast_in_dim3A_876 = arith.constant 11 : i32
    %broadcast_in_dim3A_877 = vector.broadcast %broadcast_in_dim3A_876 : i32 to vector<16xi32>
    %gather3A_878 = tpu.vector_load_idx %arg7[%add3A_820, %broadcast_in_dim3A_877, %get3A_817] : memref<16x16x64xf32, #tpu.memory_space<vmem>>[vector<16xi32>, vector<16xi32>, vector<16xi32>], vector<16xf32>,
    %swap3A_879 = arith.constant 2592 : index
    %swap3A_880 = tpu.vector_load %arg9[%swap3A_879] {strides = array<i32>} : memref<3808xf32, #tpu.memory_space<vmem>>, vector<16xf32>,
    tpu.vector_store %arg9[%swap3A_879], %gather3A_878 {strides = array<i32>} : memref<3808xf32, #tpu.memory_space<vmem>>, vector<16xf32>,
    %broadcast_in_dim3A_881 = arith.constant 12 : i32
    %broadcast_in_dim3A_882 = vector.broadcast %broadcast_in_dim3A_881 : i32 to vector<16xi32>
    %gather3A_883 = tpu.vector_load_idx %arg7[%add3A_820, %broadcast_in_dim3A_882, %get3A_817] : memref<16x16x64xf32, #tpu.memory_space<vmem>>[vector<16xi32>, vector<16xi32>, vector<16xi32>], vector<16xf32>,
    %swap3A_884 = arith.constant 2816 : index
    %swap3A_885 = tpu.vector_load %arg9[%swap3A_884] {strides = array<i32>} : memref<3808xf32, #tpu.memory_space<vmem>>, vector<16xf32>,
    tpu.vector_store %arg9[%swap3A_884], %gather3A_883 {strides = array<i32>} : memref<3808xf32, #tpu.memory_space<vmem>>, vector<16xf32>,
    %broadcast_in_dim3A_886 = arith.constant 13 : i32
    %broadcast_in_dim3A_887 = vector.broadcast %broadcast_in_dim3A_886 : i32 to vector<16xi32>
    %gather3A_888 = tpu.vector_load_idx %arg7[%add3A_820, %broadcast_in_dim3A_887, %get3A_817] : memref<16x16x64xf32, #tpu.memory_space<vmem>>[vector<16xi32>, vector<16xi32>, vector<16xi32>], vector<16xf32>,
    %swap3A_889 = arith.constant 3040 : index
    %swap3A_890 = tpu.vector_load %arg9[%swap3A_889] {strides = array<i32>} : memref<3808xf32, #tpu.memory_space<vmem>>, vector<16xf32>,
    tpu.vector_store %arg9[%swap3A_889], %gather3A_888 {strides = array<i32>} : memref<3808xf32, #tpu.memory_space<vmem>>, vector<16xf32>,
    %broadcast_in_dim3A_891 = arith.constant 14 : i32
    %broadcast_in_dim3A_892 = vector.broadcast %broadcast_in_dim3A_891 : i32 to vector<16xi32>
    %gather3A_893 = tpu.vector_load_idx %arg7[%add3A_820, %broadcast_in_dim3A_892, %get3A_817] : memref<16x16x64xf32, #tpu.memory_space<vmem>>[vector<16xi32>, vector<16xi32>, vector<16xi32>], vector<16xf32>,
    %swap3A_894 = arith.constant 3264 : index
    %swap3A_895 = tpu.vector_load %arg9[%swap3A_894] {strides = array<i32>} : memref<3808xf32, #tpu.memory_space<vmem>>, vector<16xf32>,
    tpu.vector_store %arg9[%swap3A_894], %gather3A_893 {strides = array<i32>} : memref<3808xf32, #tpu.memory_space<vmem>>, vector<16xf32>,
    %broadcast_in_dim3A_896 = arith.constant 15 : i32
    %broadcast_in_dim3A_897 = vector.broadcast %broadcast_in_dim3A_896 : i32 to vector<16xi32>
    %gather3A_898 = tpu.vector_load_idx %arg7[%add3A_820, %broadcast_in_dim3A_897, %get3A_817] : memref<16x16x64xf32, #tpu.memory_space<vmem>>[vector<16xi32>, vector<16xi32>, vector<16xi32>], vector<16xf32>,
    %swap3A_899 = arith.constant 3488 : index
    %swap3A_900 = tpu.vector_load %arg9[%swap3A_899] {strides = array<i32>} : memref<3808xf32, #tpu.memory_space<vmem>>, vector<16xf32>,
    tpu.vector_store %arg9[%swap3A_899], %gather3A_898 {strides = array<i32>} : memref<3808xf32, #tpu.memory_space<vmem>>, vector<16xf32>,
    %add3A_901 = arith.constant 160 : i32
    %add3A_902 = arith.addi %mul3A_2, %add3A_901 : i32
    %dma_start3A_903 = arith.constant 0 : i32
    %dma_start3A_904 = arith.constant 0 : i32
    %dma_start3A_905 = tpu.memref_slice %arg2[%add3A_902, %dma_start3A_903, %dma_start3A_904] : memref<16384x16x64xf32, #tpu.memory_space<hbm>> -> memref<16x16x64xf32, #tpu.memory_space<hbm>>
    %dma_start3A_906 = arith.constant 0 : i32
    %dma_start3A_907 = arith.constant 0 : i32
    %dma_start3A_908 = tpu.memref_slice %arg2[%add3A_902, %dma_start3A_906, %dma_start3A_907] : memref<16384x16x64xf32, #tpu.memory_space<hbm>> -> memref<16x16x64xf32, #tpu.memory_space<hbm>>
    tpu.enqueue_dma source(%dma_start3A_908 : memref<16x16x64xf32, #tpu.memory_space<hbm>>) target(%arg7 : memref<16x16x64xf32, #tpu.memory_space<vmem>>) target_semaphore(%arg10 : memref<!tpu.dma_semaphore, #tpu.memory_space<semaphore_mem>>)
    %dma_wait3A_909 = arith.constant 0 : i32
    %dma_wait3A_910 = arith.constant 0 : i32
    %dma_wait3A_911 = tpu.memref_slice %arg2[%add3A_803, %dma_wait3A_909, %dma_wait3A_910] : memref<16384x16x64xf32, #tpu.memory_space<hbm>> -> memref<16x16x64xf32, #tpu.memory_space<hbm>>
    %dma_wait3A_912 = arith.constant 0 : i32
    %dma_wait3A_913 = arith.constant 0 : i32
    %dma_wait3A_914 = tpu.memref_slice %arg2[%add3A_803, %dma_wait3A_912, %dma_wait3A_913] : memref<16384x16x64xf32, #tpu.memory_space<hbm>> -> memref<16x16x64xf32, #tpu.memory_space<hbm>>
    tpu.wait_dma2 semaphore(%arg11 : memref<!tpu.dma_semaphore, #tpu.memory_space<semaphore_mem>>) src(%dma_wait3A_914 : memref<16x16x64xf32, #tpu.memory_space<hbm>>) dst(%arg8 : memref<16x16x64xf32, #tpu.memory_space<vmem>>)
    %get3A_915 = arith.constant 144 : index
    %get3A_916 = tpu.vector_load %arg6[%get3A_915] {strides = array<i32>} : memref<224xi32, #tpu.memory_space<vmem>>, vector<16xi32>,
    %add3A_917 = arith.constant 0 : i32
    %add3A_918 = vector.broadcast %add3A_917 : i32 to vector<16xi32>
    %add3A_919 = arith.addi %add3A_918, %iota3A : vector<16xi32>
    %broadcast_in_dim3A_920 = arith.constant 0 : i32
    %broadcast_in_dim3A_921 = vector.broadcast %broadcast_in_dim3A_920 : i32 to vector<16xi32>
    %gather3A_922 = tpu.vector_load_idx %arg8[%add3A_919, %broadcast_in_dim3A_921, %get3A_916] : memref<16x16x64xf32, #tpu.memory_space<vmem>>[vector<16xi32>, vector<16xi32>, vector<16xi32>], vector<16xf32>,
    %swap3A_923 = arith.constant 144 : index
    %swap3A_924 = tpu.vector_load %arg9[%swap3A_923] {strides = array<i32>} : memref<3808xf32, #tpu.memory_space<vmem>>, vector<16xf32>,
    tpu.vector_store %arg9[%swap3A_923], %gather3A_922 {strides = array<i32>} : memref<3808xf32, #tpu.memory_space<vmem>>, vector<16xf32>,
    %broadcast_in_dim3A_925 = arith.constant 1 : i32
    %broadcast_in_dim3A_926 = vector.broadcast %broadcast_in_dim3A_925 : i32 to vector<16xi32>
    %gather3A_927 = tpu.vector_load_idx %arg8[%add3A_919, %broadcast_in_dim3A_926, %get3A_916] : memref<16x16x64xf32, #tpu.memory_space<vmem>>[vector<16xi32>, vector<16xi32>, vector<16xi32>], vector<16xf32>,
    %swap3A_928 = arith.constant 368 : index
    %swap3A_929 = tpu.vector_load %arg9[%swap3A_928] {strides = array<i32>} : memref<3808xf32, #tpu.memory_space<vmem>>, vector<16xf32>,
    tpu.vector_store %arg9[%swap3A_928], %gather3A_927 {strides = array<i32>} : memref<3808xf32, #tpu.memory_space<vmem>>, vector<16xf32>,
    %broadcast_in_dim3A_930 = arith.constant 2 : i32
    %broadcast_in_dim3A_931 = vector.broadcast %broadcast_in_dim3A_930 : i32 to vector<16xi32>
    %gather3A_932 = tpu.vector_load_idx %arg8[%add3A_919, %broadcast_in_dim3A_931, %get3A_916] : memref<16x16x64xf32, #tpu.memory_space<vmem>>[vector<16xi32>, vector<16xi32>, vector<16xi32>], vector<16xf32>,
    %swap3A_933 = arith.constant 592 : index
    %swap3A_934 = tpu.vector_load %arg9[%swap3A_933] {strides = array<i32>} : memref<3808xf32, #tpu.memory_space<vmem>>, vector<16xf32>,
    tpu.vector_store %arg9[%swap3A_933], %gather3A_932 {strides = array<i32>} : memref<3808xf32, #tpu.memory_space<vmem>>, vector<16xf32>,
    %broadcast_in_dim3A_935 = arith.constant 3 : i32
    %broadcast_in_dim3A_936 = vector.broadcast %broadcast_in_dim3A_935 : i32 to vector<16xi32>
    %gather3A_937 = tpu.vector_load_idx %arg8[%add3A_919, %broadcast_in_dim3A_936, %get3A_916] : memref<16x16x64xf32, #tpu.memory_space<vmem>>[vector<16xi32>, vector<16xi32>, vector<16xi32>], vector<16xf32>,
    %swap3A_938 = arith.constant 816 : index
    %swap3A_939 = tpu.vector_load %arg9[%swap3A_938] {strides = array<i32>} : memref<3808xf32, #tpu.memory_space<vmem>>, vector<16xf32>,
    tpu.vector_store %arg9[%swap3A_938], %gather3A_937 {strides = array<i32>} : memref<3808xf32, #tpu.memory_space<vmem>>, vector<16xf32>,
    %broadcast_in_dim3A_940 = arith.constant 4 : i32
    %broadcast_in_dim3A_941 = vector.broadcast %broadcast_in_dim3A_940 : i32 to vector<16xi32>
    %gather3A_942 = tpu.vector_load_idx %arg8[%add3A_919, %broadcast_in_dim3A_941, %get3A_916] : memref<16x16x64xf32, #tpu.memory_space<vmem>>[vector<16xi32>, vector<16xi32>, vector<16xi32>], vector<16xf32>,
    %swap3A_943 = arith.constant 1040 : index
    %swap3A_944 = tpu.vector_load %arg9[%swap3A_943] {strides = array<i32>} : memref<3808xf32, #tpu.memory_space<vmem>>, vector<16xf32>,
    tpu.vector_store %arg9[%swap3A_943], %gather3A_942 {strides = array<i32>} : memref<3808xf32, #tpu.memory_space<vmem>>, vector<16xf32>,
    %broadcast_in_dim3A_945 = arith.constant 5 : i32
    %broadcast_in_dim3A_946 = vector.broadcast %broadcast_in_dim3A_945 : i32 to vector<16xi32>
    %gather3A_947 = tpu.vector_load_idx %arg8[%add3A_919, %broadcast_in_dim3A_946, %get3A_916] : memref<16x16x64xf32, #tpu.memory_space<vmem>>[vector<16xi32>, vector<16xi32>, vector<16xi32>], vector<16xf32>,
    %swap3A_948 = arith.constant 1264 : index
    %swap3A_949 = tpu.vector_load %arg9[%swap3A_948] {strides = array<i32>} : memref<3808xf32, #tpu.memory_space<vmem>>, vector<16xf32>,
    tpu.vector_store %arg9[%swap3A_948], %gather3A_947 {strides = array<i32>} : memref<3808xf32, #tpu.memory_space<vmem>>, vector<16xf32>,
    %broadcast_in_dim3A_950 = arith.constant 6 : i32
    %broadcast_in_dim3A_951 = vector.broadcast %broadcast_in_dim3A_950 : i32 to vector<16xi32>
    %gather3A_952 = tpu.vector_load_idx %arg8[%add3A_919, %broadcast_in_dim3A_951, %get3A_916] : memref<16x16x64xf32, #tpu.memory_space<vmem>>[vector<16xi32>, vector<16xi32>, vector<16xi32>], vector<16xf32>,
    %swap3A_953 = arith.constant 1488 : index
    %swap3A_954 = tpu.vector_load %arg9[%swap3A_953] {strides = array<i32>} : memref<3808xf32, #tpu.memory_space<vmem>>, vector<16xf32>,
    tpu.vector_store %arg9[%swap3A_953], %gather3A_952 {strides = array<i32>} : memref<3808xf32, #tpu.memory_space<vmem>>, vector<16xf32>,
    %broadcast_in_dim3A_955 = arith.constant 7 : i32
    %broadcast_in_dim3A_956 = vector.broadcast %broadcast_in_dim3A_955 : i32 to vector<16xi32>
    %gather3A_957 = tpu.vector_load_idx %arg8[%add3A_919, %broadcast_in_dim3A_956, %get3A_916] : memref<16x16x64xf32, #tpu.memory_space<vmem>>[vector<16xi32>, vector<16xi32>, vector<16xi32>], vector<16xf32>,
    %swap3A_958 = arith.constant 1712 : index
    %swap3A_959 = tpu.vector_load %arg9[%swap3A_958] {strides = array<i32>} : memref<3808xf32, #tpu.memory_space<vmem>>, vector<16xf32>,
    tpu.vector_store %arg9[%swap3A_958], %gather3A_957 {strides = array<i32>} : memref<3808xf32, #tpu.memory_space<vmem>>, vector<16xf32>,
    %broadcast_in_dim3A_960 = arith.constant 8 : i32
    %broadcast_in_dim3A_961 = vector.broadcast %broadcast_in_dim3A_960 : i32 to vector<16xi32>
    %gather3A_962 = tpu.vector_load_idx %arg8[%add3A_919, %broadcast_in_dim3A_961, %get3A_916] : memref<16x16x64xf32, #tpu.memory_space<vmem>>[vector<16xi32>, vector<16xi32>, vector<16xi32>], vector<16xf32>,
    %swap3A_963 = arith.constant 1936 : index
    %swap3A_964 = tpu.vector_load %arg9[%swap3A_963] {strides = array<i32>} : memref<3808xf32, #tpu.memory_space<vmem>>, vector<16xf32>,
    tpu.vector_store %arg9[%swap3A_963], %gather3A_962 {strides = array<i32>} : memref<3808xf32, #tpu.memory_space<vmem>>, vector<16xf32>,
    %broadcast_in_dim3A_965 = arith.constant 9 : i32
    %broadcast_in_dim3A_966 = vector.broadcast %broadcast_in_dim3A_965 : i32 to vector<16xi32>
    %gather3A_967 = tpu.vector_load_idx %arg8[%add3A_919, %broadcast_in_dim3A_966, %get3A_916] : memref<16x16x64xf32, #tpu.memory_space<vmem>>[vector<16xi32>, vector<16xi32>, vector<16xi32>], vector<16xf32>,
    %swap3A_968 = arith.constant 2160 : index
    %swap3A_969 = tpu.vector_load %arg9[%swap3A_968] {strides = array<i32>} : memref<3808xf32, #tpu.memory_space<vmem>>, vector<16xf32>,
    tpu.vector_store %arg9[%swap3A_968], %gather3A_967 {strides = array<i32>} : memref<3808xf32, #tpu.memory_space<vmem>>, vector<16xf32>,
    %broadcast_in_dim3A_970 = arith.constant 10 : i32
    %broadcast_in_dim3A_971 = vector.broadcast %broadcast_in_dim3A_970 : i32 to vector<16xi32>
    %gather3A_972 = tpu.vector_load_idx %arg8[%add3A_919, %broadcast_in_dim3A_971, %get3A_916] : memref<16x16x64xf32, #tpu.memory_space<vmem>>[vector<16xi32>, vector<16xi32>, vector<16xi32>], vector<16xf32>,
    %swap3A_973 = arith.constant 2384 : index
    %swap3A_974 = tpu.vector_load %arg9[%swap3A_973] {strides = array<i32>} : memref<3808xf32, #tpu.memory_space<vmem>>, vector<16xf32>,
    tpu.vector_store %arg9[%swap3A_973], %gather3A_972 {strides = array<i32>} : memref<3808xf32, #tpu.memory_space<vmem>>, vector<16xf32>,
    %broadcast_in_dim3A_975 = arith.constant 11 : i32
    %broadcast_in_dim3A_976 = vector.broadcast %broadcast_in_dim3A_975 : i32 to vector<16xi32>
    %gather3A_977 = tpu.vector_load_idx %arg8[%add3A_919, %broadcast_in_dim3A_976, %get3A_916] : memref<16x16x64xf32, #tpu.memory_space<vmem>>[vector<16xi32>, vector<16xi32>, vector<16xi32>], vector<16xf32>,
    %swap3A_978 = arith.constant 2608 : index
    %swap3A_979 = tpu.vector_load %arg9[%swap3A_978] {strides = array<i32>} : memref<3808xf32, #tpu.memory_space<vmem>>, vector<16xf32>,
    tpu.vector_store %arg9[%swap3A_978], %gather3A_977 {strides = array<i32>} : memref<3808xf32, #tpu.memory_space<vmem>>, vector<16xf32>,
    %broadcast_in_dim3A_980 = arith.constant 12 : i32
    %broadcast_in_dim3A_981 = vector.broadcast %broadcast_in_dim3A_980 : i32 to vector<16xi32>
    %gather3A_982 = tpu.vector_load_idx %arg8[%add3A_919, %broadcast_in_dim3A_981, %get3A_916] : memref<16x16x64xf32, #tpu.memory_space<vmem>>[vector<16xi32>, vector<16xi32>, vector<16xi32>], vector<16xf32>,
    %swap3A_983 = arith.constant 2832 : index
    %swap3A_984 = tpu.vector_load %arg9[%swap3A_983] {strides = array<i32>} : memref<3808xf32, #tpu.memory_space<vmem>>, vector<16xf32>,
    tpu.vector_store %arg9[%swap3A_983], %gather3A_982 {strides = array<i32>} : memref<3808xf32, #tpu.memory_space<vmem>>, vector<16xf32>,
    %broadcast_in_dim3A_985 = arith.constant 13 : i32
    %broadcast_in_dim3A_986 = vector.broadcast %broadcast_in_dim3A_985 : i32 to vector<16xi32>
    %gather3A_987 = tpu.vector_load_idx %arg8[%add3A_919, %broadcast_in_dim3A_986, %get3A_916] : memref<16x16x64xf32, #tpu.memory_space<vmem>>[vector<16xi32>, vector<16xi32>, vector<16xi32>], vector<16xf32>,
    %swap3A_988 = arith.constant 3056 : index
    %swap3A_989 = tpu.vector_load %arg9[%swap3A_988] {strides = array<i32>} : memref<3808xf32, #tpu.memory_space<vmem>>, vector<16xf32>,
    tpu.vector_store %arg9[%swap3A_988], %gather3A_987 {strides = array<i32>} : memref<3808xf32, #tpu.memory_space<vmem>>, vector<16xf32>,
    %broadcast_in_dim3A_990 = arith.constant 14 : i32
    %broadcast_in_dim3A_991 = vector.broadcast %broadcast_in_dim3A_990 : i32 to vector<16xi32>
    %gather3A_992 = tpu.vector_load_idx %arg8[%add3A_919, %broadcast_in_dim3A_991, %get3A_916] : memref<16x16x64xf32, #tpu.memory_space<vmem>>[vector<16xi32>, vector<16xi32>, vector<16xi32>], vector<16xf32>,
    %swap3A_993 = arith.constant 3280 : index
    %swap3A_994 = tpu.vector_load %arg9[%swap3A_993] {strides = array<i32>} : memref<3808xf32, #tpu.memory_space<vmem>>, vector<16xf32>,
    tpu.vector_store %arg9[%swap3A_993], %gather3A_992 {strides = array<i32>} : memref<3808xf32, #tpu.memory_space<vmem>>, vector<16xf32>,
    %broadcast_in_dim3A_995 = arith.constant 15 : i32
    %broadcast_in_dim3A_996 = vector.broadcast %broadcast_in_dim3A_995 : i32 to vector<16xi32>
    %gather3A_997 = tpu.vector_load_idx %arg8[%add3A_919, %broadcast_in_dim3A_996, %get3A_916] : memref<16x16x64xf32, #tpu.memory_space<vmem>>[vector<16xi32>, vector<16xi32>, vector<16xi32>], vector<16xf32>,
    %swap3A_998 = arith.constant 3504 : index
    %swap3A_999 = tpu.vector_load %arg9[%swap3A_998] {strides = array<i32>} : memref<3808xf32, #tpu.memory_space<vmem>>, vector<16xf32>,
    tpu.vector_store %arg9[%swap3A_998], %gather3A_997 {strides = array<i32>} : memref<3808xf32, #tpu.memory_space<vmem>>, vector<16xf32>,
    %add3A_1000 = arith.constant 176 : i32
    %add3A_1001 = arith.addi %mul3A_2, %add3A_1000 : i32
    %dma_start3A_1002 = arith.constant 0 : i32
    %dma_start3A_1003 = arith.constant 0 : i32
    %dma_start3A_1004 = tpu.memref_slice %arg2[%add3A_1001, %dma_start3A_1002, %dma_start3A_1003] : memref<16384x16x64xf32, #tpu.memory_space<hbm>> -> memref<16x16x64xf32, #tpu.memory_space<hbm>>
    %dma_start3A_1005 = arith.constant 0 : i32
    %dma_start3A_1006 = arith.constant 0 : i32
    %dma_start3A_1007 = tpu.memref_slice %arg2[%add3A_1001, %dma_start3A_1005, %dma_start3A_1006] : memref<16384x16x64xf32, #tpu.memory_space<hbm>> -> memref<16x16x64xf32, #tpu.memory_space<hbm>>
    tpu.enqueue_dma source(%dma_start3A_1007 : memref<16x16x64xf32, #tpu.memory_space<hbm>>) target(%arg8 : memref<16x16x64xf32, #tpu.memory_space<vmem>>) target_semaphore(%arg11 : memref<!tpu.dma_semaphore, #tpu.memory_space<semaphore_mem>>)
    %dma_wait3A_1008 = arith.constant 0 : i32
    %dma_wait3A_1009 = arith.constant 0 : i32
    %dma_wait3A_1010 = tpu.memref_slice %arg2[%add3A_902, %dma_wait3A_1008, %dma_wait3A_1009] : memref<16384x16x64xf32, #tpu.memory_space<hbm>> -> memref<16x16x64xf32, #tpu.memory_space<hbm>>
    %dma_wait3A_1011 = arith.constant 0 : i32
    %dma_wait3A_1012 = arith.constant 0 : i32
    %dma_wait3A_1013 = tpu.memref_slice %arg2[%add3A_902, %dma_wait3A_1011, %dma_wait3A_1012] : memref<16384x16x64xf32, #tpu.memory_space<hbm>> -> memref<16x16x64xf32, #tpu.memory_space<hbm>>
    tpu.wait_dma2 semaphore(%arg10 : memref<!tpu.dma_semaphore, #tpu.memory_space<semaphore_mem>>) src(%dma_wait3A_1013 : memref<16x16x64xf32, #tpu.memory_space<hbm>>) dst(%arg7 : memref<16x16x64xf32, #tpu.memory_space<vmem>>)
    %get3A_1014 = arith.constant 160 : index
    %get3A_1015 = tpu.vector_load %arg6[%get3A_1014] {strides = array<i32>} : memref<224xi32, #tpu.memory_space<vmem>>, vector<16xi32>,
    %add3A_1016 = arith.constant 0 : i32
    %add3A_1017 = vector.broadcast %add3A_1016 : i32 to vector<16xi32>
    %add3A_1018 = arith.addi %add3A_1017, %iota3A : vector<16xi32>
    %broadcast_in_dim3A_1019 = arith.constant 0 : i32
    %broadcast_in_dim3A_1020 = vector.broadcast %broadcast_in_dim3A_1019 : i32 to vector<16xi32>
    %gather3A_1021 = tpu.vector_load_idx %arg7[%add3A_1018, %broadcast_in_dim3A_1020, %get3A_1015] : memref<16x16x64xf32, #tpu.memory_space<vmem>>[vector<16xi32>, vector<16xi32>, vector<16xi32>], vector<16xf32>,
    %swap3A_1022 = arith.constant 160 : index
    %swap3A_1023 = tpu.vector_load %arg9[%swap3A_1022] {strides = array<i32>} : memref<3808xf32, #tpu.memory_space<vmem>>, vector<16xf32>,
    tpu.vector_store %arg9[%swap3A_1022], %gather3A_1021 {strides = array<i32>} : memref<3808xf32, #tpu.memory_space<vmem>>, vector<16xf32>,
    %broadcast_in_dim3A_1024 = arith.constant 1 : i32
    %broadcast_in_dim3A_1025 = vector.broadcast %broadcast_in_dim3A_1024 : i32 to vector<16xi32>
    %gather3A_1026 = tpu.vector_load_idx %arg7[%add3A_1018, %broadcast_in_dim3A_1025, %get3A_1015] : memref<16x16x64xf32, #tpu.memory_space<vmem>>[vector<16xi32>, vector<16xi32>, vector<16xi32>], vector<16xf32>,
    %swap3A_1027 = arith.constant 384 : index
    %swap3A_1028 = tpu.vector_load %arg9[%swap3A_1027] {strides = array<i32>} : memref<3808xf32, #tpu.memory_space<vmem>>, vector<16xf32>,
    tpu.vector_store %arg9[%swap3A_1027], %gather3A_1026 {strides = array<i32>} : memref<3808xf32, #tpu.memory_space<vmem>>, vector<16xf32>,
    %broadcast_in_dim3A_1029 = arith.constant 2 : i32
    %broadcast_in_dim3A_1030 = vector.broadcast %broadcast_in_dim3A_1029 : i32 to vector<16xi32>
    %gather3A_1031 = tpu.vector_load_idx %arg7[%add3A_1018, %broadcast_in_dim3A_1030, %get3A_1015] : memref<16x16x64xf32, #tpu.memory_space<vmem>>[vector<16xi32>, vector<16xi32>, vector<16xi32>], vector<16xf32>,
    %swap3A_1032 = arith.constant 608 : index
    %swap3A_1033 = tpu.vector_load %arg9[%swap3A_1032] {strides = array<i32>} : memref<3808xf32, #tpu.memory_space<vmem>>, vector<16xf32>,
    tpu.vector_store %arg9[%swap3A_1032], %gather3A_1031 {strides = array<i32>} : memref<3808xf32, #tpu.memory_space<vmem>>, vector<16xf32>,
    %broadcast_in_dim3A_1034 = arith.constant 3 : i32
    %broadcast_in_dim3A_1035 = vector.broadcast %broadcast_in_dim3A_1034 : i32 to vector<16xi32>
    %gather3A_1036 = tpu.vector_load_idx %arg7[%add3A_1018, %broadcast_in_dim3A_1035, %get3A_1015] : memref<16x16x64xf32, #tpu.memory_space<vmem>>[vector<16xi32>, vector<16xi32>, vector<16xi32>], vector<16xf32>,
    %swap3A_1037 = arith.constant 832 : index
    %swap3A_1038 = tpu.vector_load %arg9[%swap3A_1037] {strides = array<i32>} : memref<3808xf32, #tpu.memory_space<vmem>>, vector<16xf32>,
    tpu.vector_store %arg9[%swap3A_1037], %gather3A_1036 {strides = array<i32>} : memref<3808xf32, #tpu.memory_space<vmem>>, vector<16xf32>,
    %broadcast_in_dim3A_1039 = arith.constant 4 : i32
    %broadcast_in_dim3A_1040 = vector.broadcast %broadcast_in_dim3A_1039 : i32 to vector<16xi32>
    %gather3A_1041 = tpu.vector_load_idx %arg7[%add3A_1018, %broadcast_in_dim3A_1040, %get3A_1015] : memref<16x16x64xf32, #tpu.memory_space<vmem>>[vector<16xi32>, vector<16xi32>, vector<16xi32>], vector<16xf32>,
    %swap3A_1042 = arith.constant 1056 : index
    %swap3A_1043 = tpu.vector_load %arg9[%swap3A_1042] {strides = array<i32>} : memref<3808xf32, #tpu.memory_space<vmem>>, vector<16xf32>,
    tpu.vector_store %arg9[%swap3A_1042], %gather3A_1041 {strides = array<i32>} : memref<3808xf32, #tpu.memory_space<vmem>>, vector<16xf32>,
    %broadcast_in_dim3A_1044 = arith.constant 5 : i32
    %broadcast_in_dim3A_1045 = vector.broadcast %broadcast_in_dim3A_1044 : i32 to vector<16xi32>
    %gather3A_1046 = tpu.vector_load_idx %arg7[%add3A_1018, %broadcast_in_dim3A_1045, %get3A_1015] : memref<16x16x64xf32, #tpu.memory_space<vmem>>[vector<16xi32>, vector<16xi32>, vector<16xi32>], vector<16xf32>,
    %swap3A_1047 = arith.constant 1280 : index
    %swap3A_1048 = tpu.vector_load %arg9[%swap3A_1047] {strides = array<i32>} : memref<3808xf32, #tpu.memory_space<vmem>>, vector<16xf32>,
    tpu.vector_store %arg9[%swap3A_1047], %gather3A_1046 {strides = array<i32>} : memref<3808xf32, #tpu.memory_space<vmem>>, vector<16xf32>,
    %broadcast_in_dim3A_1049 = arith.constant 6 : i32
    %broadcast_in_dim3A_1050 = vector.broadcast %broadcast_in_dim3A_1049 : i32 to vector<16xi32>
    %gather3A_1051 = tpu.vector_load_idx %arg7[%add3A_1018, %broadcast_in_dim3A_1050, %get3A_1015] : memref<16x16x64xf32, #tpu.memory_space<vmem>>[vector<16xi32>, vector<16xi32>, vector<16xi32>], vector<16xf32>,
    %swap3A_1052 = arith.constant 1504 : index
    %swap3A_1053 = tpu.vector_load %arg9[%swap3A_1052] {strides = array<i32>} : memref<3808xf32, #tpu.memory_space<vmem>>, vector<16xf32>,
    tpu.vector_store %arg9[%swap3A_1052], %gather3A_1051 {strides = array<i32>} : memref<3808xf32, #tpu.memory_space<vmem>>, vector<16xf32>,
    %broadcast_in_dim3A_1054 = arith.constant 7 : i32
    %broadcast_in_dim3A_1055 = vector.broadcast %broadcast_in_dim3A_1054 : i32 to vector<16xi32>
    %gather3A_1056 = tpu.vector_load_idx %arg7[%add3A_1018, %broadcast_in_dim3A_1055, %get3A_1015] : memref<16x16x64xf32, #tpu.memory_space<vmem>>[vector<16xi32>, vector<16xi32>, vector<16xi32>], vector<16xf32>,
    %swap3A_1057 = arith.constant 1728 : index
    %swap3A_1058 = tpu.vector_load %arg9[%swap3A_1057] {strides = array<i32>} : memref<3808xf32, #tpu.memory_space<vmem>>, vector<16xf32>,
    tpu.vector_store %arg9[%swap3A_1057], %gather3A_1056 {strides = array<i32>} : memref<3808xf32, #tpu.memory_space<vmem>>, vector<16xf32>,
    %broadcast_in_dim3A_1059 = arith.constant 8 : i32
    %broadcast_in_dim3A_1060 = vector.broadcast %broadcast_in_dim3A_1059 : i32 to vector<16xi32>
    %gather3A_1061 = tpu.vector_load_idx %arg7[%add3A_1018, %broadcast_in_dim3A_1060, %get3A_1015] : memref<16x16x64xf32, #tpu.memory_space<vmem>>[vector<16xi32>, vector<16xi32>, vector<16xi32>], vector<16xf32>,
    %swap3A_1062 = arith.constant 1952 : index
    %swap3A_1063 = tpu.vector_load %arg9[%swap3A_1062] {strides = array<i32>} : memref<3808xf32, #tpu.memory_space<vmem>>, vector<16xf32>,
    tpu.vector_store %arg9[%swap3A_1062], %gather3A_1061 {strides = array<i32>} : memref<3808xf32, #tpu.memory_space<vmem>>, vector<16xf32>,
    %broadcast_in_dim3A_1064 = arith.constant 9 : i32
    %broadcast_in_dim3A_1065 = vector.broadcast %broadcast_in_dim3A_1064 : i32 to vector<16xi32>
    %gather3A_1066 = tpu.vector_load_idx %arg7[%add3A_1018, %broadcast_in_dim3A_1065, %get3A_1015] : memref<16x16x64xf32, #tpu.memory_space<vmem>>[vector<16xi32>, vector<16xi32>, vector<16xi32>], vector<16xf32>,
    %swap3A_1067 = arith.constant 2176 : index
    %swap3A_1068 = tpu.vector_load %arg9[%swap3A_1067] {strides = array<i32>} : memref<3808xf32, #tpu.memory_space<vmem>>, vector<16xf32>,
    tpu.vector_store %arg9[%swap3A_1067], %gather3A_1066 {strides = array<i32>} : memref<3808xf32, #tpu.memory_space<vmem>>, vector<16xf32>,
    %broadcast_in_dim3A_1069 = arith.constant 10 : i32
    %broadcast_in_dim3A_1070 = vector.broadcast %broadcast_in_dim3A_1069 : i32 to vector<16xi32>
    %gather3A_1071 = tpu.vector_load_idx %arg7[%add3A_1018, %broadcast_in_dim3A_1070, %get3A_1015] : memref<16x16x64xf32, #tpu.memory_space<vmem>>[vector<16xi32>, vector<16xi32>, vector<16xi32>], vector<16xf32>,
    %swap3A_1072 = arith.constant 2400 : index
    %swap3A_1073 = tpu.vector_load %arg9[%swap3A_1072] {strides = array<i32>} : memref<3808xf32, #tpu.memory_space<vmem>>, vector<16xf32>,
    tpu.vector_store %arg9[%swap3A_1072], %gather3A_1071 {strides = array<i32>} : memref<3808xf32, #tpu.memory_space<vmem>>, vector<16xf32>,
    %broadcast_in_dim3A_1074 = arith.constant 11 : i32
    %broadcast_in_dim3A_1075 = vector.broadcast %broadcast_in_dim3A_1074 : i32 to vector<16xi32>
    %gather3A_1076 = tpu.vector_load_idx %arg7[%add3A_1018, %broadcast_in_dim3A_1075, %get3A_1015] : memref<16x16x64xf32, #tpu.memory_space<vmem>>[vector<16xi32>, vector<16xi32>, vector<16xi32>], vector<16xf32>,
    %swap3A_1077 = arith.constant 2624 : index
    %swap3A_1078 = tpu.vector_load %arg9[%swap3A_1077] {strides = array<i32>} : memref<3808xf32, #tpu.memory_space<vmem>>, vector<16xf32>,
    tpu.vector_store %arg9[%swap3A_1077], %gather3A_1076 {strides = array<i32>} : memref<3808xf32, #tpu.memory_space<vmem>>, vector<16xf32>,
    %broadcast_in_dim3A_1079 = arith.constant 12 : i32
    %broadcast_in_dim3A_1080 = vector.broadcast %broadcast_in_dim3A_1079 : i32 to vector<16xi32>
    %gather3A_1081 = tpu.vector_load_idx %arg7[%add3A_1018, %broadcast_in_dim3A_1080, %get3A_1015] : memref<16x16x64xf32, #tpu.memory_space<vmem>>[vector<16xi32>, vector<16xi32>, vector<16xi32>], vector<16xf32>,
    %swap3A_1082 = arith.constant 2848 : index
    %swap3A_1083 = tpu.vector_load %arg9[%swap3A_1082] {strides = array<i32>} : memref<3808xf32, #tpu.memory_space<vmem>>, vector<16xf32>,
    tpu.vector_store %arg9[%swap3A_1082], %gather3A_1081 {strides = array<i32>} : memref<3808xf32, #tpu.memory_space<vmem>>, vector<16xf32>,
    %broadcast_in_dim3A_1084 = arith.constant 13 : i32
    %broadcast_in_dim3A_1085 = vector.broadcast %broadcast_in_dim3A_1084 : i32 to vector<16xi32>
    %gather3A_1086 = tpu.vector_load_idx %arg7[%add3A_1018, %broadcast_in_dim3A_1085, %get3A_1015] : memref<16x16x64xf32, #tpu.memory_space<vmem>>[vector<16xi32>, vector<16xi32>, vector<16xi32>], vector<16xf32>,
    %swap3A_1087 = arith.constant 3072 : index
    %swap3A_1088 = tpu.vector_load %arg9[%swap3A_1087] {strides = array<i32>} : memref<3808xf32, #tpu.memory_space<vmem>>, vector<16xf32>,
    tpu.vector_store %arg9[%swap3A_1087], %gather3A_1086 {strides = array<i32>} : memref<3808xf32, #tpu.memory_space<vmem>>, vector<16xf32>,
    %broadcast_in_dim3A_1089 = arith.constant 14 : i32
    %broadcast_in_dim3A_1090 = vector.broadcast %broadcast_in_dim3A_1089 : i32 to vector<16xi32>
    %gather3A_1091 = tpu.vector_load_idx %arg7[%add3A_1018, %broadcast_in_dim3A_1090, %get3A_1015] : memref<16x16x64xf32, #tpu.memory_space<vmem>>[vector<16xi32>, vector<16xi32>, vector<16xi32>], vector<16xf32>,
    %swap3A_1092 = arith.constant 3296 : index
    %swap3A_1093 = tpu.vector_load %arg9[%swap3A_1092] {strides = array<i32>} : memref<3808xf32, #tpu.memory_space<vmem>>, vector<16xf32>,
    tpu.vector_store %arg9[%swap3A_1092], %gather3A_1091 {strides = array<i32>} : memref<3808xf32, #tpu.memory_space<vmem>>, vector<16xf32>,
    %broadcast_in_dim3A_1094 = arith.constant 15 : i32
    %broadcast_in_dim3A_1095 = vector.broadcast %broadcast_in_dim3A_1094 : i32 to vector<16xi32>
    %gather3A_1096 = tpu.vector_load_idx %arg7[%add3A_1018, %broadcast_in_dim3A_1095, %get3A_1015] : memref<16x16x64xf32, #tpu.memory_space<vmem>>[vector<16xi32>, vector<16xi32>, vector<16xi32>], vector<16xf32>,
    %swap3A_1097 = arith.constant 3520 : index
    %swap3A_1098 = tpu.vector_load %arg9[%swap3A_1097] {strides = array<i32>} : memref<3808xf32, #tpu.memory_space<vmem>>, vector<16xf32>,
    tpu.vector_store %arg9[%swap3A_1097], %gather3A_1096 {strides = array<i32>} : memref<3808xf32, #tpu.memory_space<vmem>>, vector<16xf32>,
    %add3A_1099 = arith.constant 192 : i32
    %add3A_1100 = arith.addi %mul3A_2, %add3A_1099 : i32
    %dma_start3A_1101 = arith.constant 0 : i32
    %dma_start3A_1102 = arith.constant 0 : i32
    %dma_start3A_1103 = tpu.memref_slice %arg2[%add3A_1100, %dma_start3A_1101, %dma_start3A_1102] : memref<16384x16x64xf32, #tpu.memory_space<hbm>> -> memref<16x16x64xf32, #tpu.memory_space<hbm>>
    %dma_start3A_1104 = arith.constant 0 : i32
    %dma_start3A_1105 = arith.constant 0 : i32
    %dma_start3A_1106 = tpu.memref_slice %arg2[%add3A_1100, %dma_start3A_1104, %dma_start3A_1105] : memref<16384x16x64xf32, #tpu.memory_space<hbm>> -> memref<16x16x64xf32, #tpu.memory_space<hbm>>
    tpu.enqueue_dma source(%dma_start3A_1106 : memref<16x16x64xf32, #tpu.memory_space<hbm>>) target(%arg7 : memref<16x16x64xf32, #tpu.memory_space<vmem>>) target_semaphore(%arg10 : memref<!tpu.dma_semaphore, #tpu.memory_space<semaphore_mem>>)
    %dma_wait3A_1107 = arith.constant 0 : i32
    %dma_wait3A_1108 = arith.constant 0 : i32
    %dma_wait3A_1109 = tpu.memref_slice %arg2[%add3A_1001, %dma_wait3A_1107, %dma_wait3A_1108] : memref<16384x16x64xf32, #tpu.memory_space<hbm>> -> memref<16x16x64xf32, #tpu.memory_space<hbm>>
    %dma_wait3A_1110 = arith.constant 0 : i32
    %dma_wait3A_1111 = arith.constant 0 : i32
    %dma_wait3A_1112 = tpu.memref_slice %arg2[%add3A_1001, %dma_wait3A_1110, %dma_wait3A_1111] : memref<16384x16x64xf32, #tpu.memory_space<hbm>> -> memref<16x16x64xf32, #tpu.memory_space<hbm>>
    tpu.wait_dma2 semaphore(%arg11 : memref<!tpu.dma_semaphore, #tpu.memory_space<semaphore_mem>>) src(%dma_wait3A_1112 : memref<16x16x64xf32, #tpu.memory_space<hbm>>) dst(%arg8 : memref<16x16x64xf32, #tpu.memory_space<vmem>>)
    %get3A_1113 = arith.constant 176 : index
    %get3A_1114 = tpu.vector_load %arg6[%get3A_1113] {strides = array<i32>} : memref<224xi32, #tpu.memory_space<vmem>>, vector<16xi32>,
    %add3A_1115 = arith.constant 0 : i32
    %add3A_1116 = vector.broadcast %add3A_1115 : i32 to vector<16xi32>
    %add3A_1117 = arith.addi %add3A_1116, %iota3A : vector<16xi32>
    %broadcast_in_dim3A_1118 = arith.constant 0 : i32
    %broadcast_in_dim3A_1119 = vector.broadcast %broadcast_in_dim3A_1118 : i32 to vector<16xi32>
    %gather3A_1120 = tpu.vector_load_idx %arg8[%add3A_1117, %broadcast_in_dim3A_1119, %get3A_1114] : memref<16x16x64xf32, #tpu.memory_space<vmem>>[vector<16xi32>, vector<16xi32>, vector<16xi32>], vector<16xf32>,
    %swap3A_1121 = arith.constant 176 : index
    %swap3A_1122 = tpu.vector_load %arg9[%swap3A_1121] {strides = array<i32>} : memref<3808xf32, #tpu.memory_space<vmem>>, vector<16xf32>,
    tpu.vector_store %arg9[%swap3A_1121], %gather3A_1120 {strides = array<i32>} : memref<3808xf32, #tpu.memory_space<vmem>>, vector<16xf32>,
    %broadcast_in_dim3A_1123 = arith.constant 1 : i32
    %broadcast_in_dim3A_1124 = vector.broadcast %broadcast_in_dim3A_1123 : i32 to vector<16xi32>
    %gather3A_1125 = tpu.vector_load_idx %arg8[%add3A_1117, %broadcast_in_dim3A_1124, %get3A_1114] : memref<16x16x64xf32, #tpu.memory_space<vmem>>[vector<16xi32>, vector<16xi32>, vector<16xi32>], vector<16xf32>,
    %swap3A_1126 = arith.constant 400 : index
    %swap3A_1127 = tpu.vector_load %arg9[%swap3A_1126] {strides = array<i32>} : memref<3808xf32, #tpu.memory_space<vmem>>, vector<16xf32>,
    tpu.vector_store %arg9[%swap3A_1126], %gather3A_1125 {strides = array<i32>} : memref<3808xf32, #tpu.memory_space<vmem>>, vector<16xf32>,
    %broadcast_in_dim3A_1128 = arith.constant 2 : i32
    %broadcast_in_dim3A_1129 = vector.broadcast %broadcast_in_dim3A_1128 : i32 to vector<16xi32>
    %gather3A_1130 = tpu.vector_load_idx %arg8[%add3A_1117, %broadcast_in_dim3A_1129, %get3A_1114] : memref<16x16x64xf32, #tpu.memory_space<vmem>>[vector<16xi32>, vector<16xi32>, vector<16xi32>], vector<16xf32>,
    %swap3A_1131 = arith.constant 624 : index
    %swap3A_1132 = tpu.vector_load %arg9[%swap3A_1131] {strides = array<i32>} : memref<3808xf32, #tpu.memory_space<vmem>>, vector<16xf32>,
    tpu.vector_store %arg9[%swap3A_1131], %gather3A_1130 {strides = array<i32>} : memref<3808xf32, #tpu.memory_space<vmem>>, vector<16xf32>,
    %broadcast_in_dim3A_1133 = arith.constant 3 : i32
    %broadcast_in_dim3A_1134 = vector.broadcast %broadcast_in_dim3A_1133 : i32 to vector<16xi32>
    %gather3A_1135 = tpu.vector_load_idx %arg8[%add3A_1117, %broadcast_in_dim3A_1134, %get3A_1114] : memref<16x16x64xf32, #tpu.memory_space<vmem>>[vector<16xi32>, vector<16xi32>, vector<16xi32>], vector<16xf32>,
    %swap3A_1136 = arith.constant 848 : index
    %swap3A_1137 = tpu.vector_load %arg9[%swap3A_1136] {strides = array<i32>} : memref<3808xf32, #tpu.memory_space<vmem>>, vector<16xf32>,
    tpu.vector_store %arg9[%swap3A_1136], %gather3A_1135 {strides = array<i32>} : memref<3808xf32, #tpu.memory_space<vmem>>, vector<16xf32>,
    %broadcast_in_dim3A_1138 = arith.constant 4 : i32
    %broadcast_in_dim3A_1139 = vector.broadcast %broadcast_in_dim3A_1138 : i32 to vector<16xi32>
    %gather3A_1140 = tpu.vector_load_idx %arg8[%add3A_1117, %broadcast_in_dim3A_1139, %get3A_1114] : memref<16x16x64xf32, #tpu.memory_space<vmem>>[vector<16xi32>, vector<16xi32>, vector<16xi32>], vector<16xf32>,
    %swap3A_1141 = arith.constant 1072 : index
    %swap3A_1142 = tpu.vector_load %arg9[%swap3A_1141] {strides = array<i32>} : memref<3808xf32, #tpu.memory_space<vmem>>, vector<16xf32>,
    tpu.vector_store %arg9[%swap3A_1141], %gather3A_1140 {strides = array<i32>} : memref<3808xf32, #tpu.memory_space<vmem>>, vector<16xf32>,
    %broadcast_in_dim3A_1143 = arith.constant 5 : i32
    %broadcast_in_dim3A_1144 = vector.broadcast %broadcast_in_dim3A_1143 : i32 to vector<16xi32>
    %gather3A_1145 = tpu.vector_load_idx %arg8[%add3A_1117, %broadcast_in_dim3A_1144, %get3A_1114] : memref<16x16x64xf32, #tpu.memory_space<vmem>>[vector<16xi32>, vector<16xi32>, vector<16xi32>], vector<16xf32>,
    %swap3A_1146 = arith.constant 1296 : index
    %swap3A_1147 = tpu.vector_load %arg9[%swap3A_1146] {strides = array<i32>} : memref<3808xf32, #tpu.memory_space<vmem>>, vector<16xf32>,
    tpu.vector_store %arg9[%swap3A_1146], %gather3A_1145 {strides = array<i32>} : memref<3808xf32, #tpu.memory_space<vmem>>, vector<16xf32>,
    %broadcast_in_dim3A_1148 = arith.constant 6 : i32
    %broadcast_in_dim3A_1149 = vector.broadcast %broadcast_in_dim3A_1148 : i32 to vector<16xi32>
    %gather3A_1150 = tpu.vector_load_idx %arg8[%add3A_1117, %broadcast_in_dim3A_1149, %get3A_1114] : memref<16x16x64xf32, #tpu.memory_space<vmem>>[vector<16xi32>, vector<16xi32>, vector<16xi32>], vector<16xf32>,
    %swap3A_1151 = arith.constant 1520 : index
    %swap3A_1152 = tpu.vector_load %arg9[%swap3A_1151] {strides = array<i32>} : memref<3808xf32, #tpu.memory_space<vmem>>, vector<16xf32>,
    tpu.vector_store %arg9[%swap3A_1151], %gather3A_1150 {strides = array<i32>} : memref<3808xf32, #tpu.memory_space<vmem>>, vector<16xf32>,
    %broadcast_in_dim3A_1153 = arith.constant 7 : i32
    %broadcast_in_dim3A_1154 = vector.broadcast %broadcast_in_dim3A_1153 : i32 to vector<16xi32>
    %gather3A_1155 = tpu.vector_load_idx %arg8[%add3A_1117, %broadcast_in_dim3A_1154, %get3A_1114] : memref<16x16x64xf32, #tpu.memory_space<vmem>>[vector<16xi32>, vector<16xi32>, vector<16xi32>], vector<16xf32>,
    %swap3A_1156 = arith.constant 1744 : index
    %swap3A_1157 = tpu.vector_load %arg9[%swap3A_1156] {strides = array<i32>} : memref<3808xf32, #tpu.memory_space<vmem>>, vector<16xf32>,
    tpu.vector_store %arg9[%swap3A_1156], %gather3A_1155 {strides = array<i32>} : memref<3808xf32, #tpu.memory_space<vmem>>, vector<16xf32>,
    %broadcast_in_dim3A_1158 = arith.constant 8 : i32
    %broadcast_in_dim3A_1159 = vector.broadcast %broadcast_in_dim3A_1158 : i32 to vector<16xi32>
    %gather3A_1160 = tpu.vector_load_idx %arg8[%add3A_1117, %broadcast_in_dim3A_1159, %get3A_1114] : memref<16x16x64xf32, #tpu.memory_space<vmem>>[vector<16xi32>, vector<16xi32>, vector<16xi32>], vector<16xf32>,
    %swap3A_1161 = arith.constant 1968 : index
    %swap3A_1162 = tpu.vector_load %arg9[%swap3A_1161] {strides = array<i32>} : memref<3808xf32, #tpu.memory_space<vmem>>, vector<16xf32>,
    tpu.vector_store %arg9[%swap3A_1161], %gather3A_1160 {strides = array<i32>} : memref<3808xf32, #tpu.memory_space<vmem>>, vector<16xf32>,
    %broadcast_in_dim3A_1163 = arith.constant 9 : i32
    %broadcast_in_dim3A_1164 = vector.broadcast %broadcast_in_dim3A_1163 : i32 to vector<16xi32>
    %gather3A_1165 = tpu.vector_load_idx %arg8[%add3A_1117, %broadcast_in_dim3A_1164, %get3A_1114] : memref<16x16x64xf32, #tpu.memory_space<vmem>>[vector<16xi32>, vector<16xi32>, vector<16xi32>], vector<16xf32>,
    %swap3A_1166 = arith.constant 2192 : index
    %swap3A_1167 = tpu.vector_load %arg9[%swap3A_1166] {strides = array<i32>} : memref<3808xf32, #tpu.memory_space<vmem>>, vector<16xf32>,
    tpu.vector_store %arg9[%swap3A_1166], %gather3A_1165 {strides = array<i32>} : memref<3808xf32, #tpu.memory_space<vmem>>, vector<16xf32>,
    %broadcast_in_dim3A_1168 = arith.constant 10 : i32
    %broadcast_in_dim3A_1169 = vector.broadcast %broadcast_in_dim3A_1168 : i32 to vector<16xi32>
    %gather3A_1170 = tpu.vector_load_idx %arg8[%add3A_1117, %broadcast_in_dim3A_1169, %get3A_1114] : memref<16x16x64xf32, #tpu.memory_space<vmem>>[vector<16xi32>, vector<16xi32>, vector<16xi32>], vector<16xf32>,
    %swap3A_1171 = arith.constant 2416 : index
    %swap3A_1172 = tpu.vector_load %arg9[%swap3A_1171] {strides = array<i32>} : memref<3808xf32, #tpu.memory_space<vmem>>, vector<16xf32>,
    tpu.vector_store %arg9[%swap3A_1171], %gather3A_1170 {strides = array<i32>} : memref<3808xf32, #tpu.memory_space<vmem>>, vector<16xf32>,
    %broadcast_in_dim3A_1173 = arith.constant 11 : i32
    %broadcast_in_dim3A_1174 = vector.broadcast %broadcast_in_dim3A_1173 : i32 to vector<16xi32>
    %gather3A_1175 = tpu.vector_load_idx %arg8[%add3A_1117, %broadcast_in_dim3A_1174, %get3A_1114] : memref<16x16x64xf32, #tpu.memory_space<vmem>>[vector<16xi32>, vector<16xi32>, vector<16xi32>], vector<16xf32>,
    %swap3A_1176 = arith.constant 2640 : index
    %swap3A_1177 = tpu.vector_load %arg9[%swap3A_1176] {strides = array<i32>} : memref<3808xf32, #tpu.memory_space<vmem>>, vector<16xf32>,
    tpu.vector_store %arg9[%swap3A_1176], %gather3A_1175 {strides = array<i32>} : memref<3808xf32, #tpu.memory_space<vmem>>, vector<16xf32>,
    %broadcast_in_dim3A_1178 = arith.constant 12 : i32
    %broadcast_in_dim3A_1179 = vector.broadcast %broadcast_in_dim3A_1178 : i32 to vector<16xi32>
    %gather3A_1180 = tpu.vector_load_idx %arg8[%add3A_1117, %broadcast_in_dim3A_1179, %get3A_1114] : memref<16x16x64xf32, #tpu.memory_space<vmem>>[vector<16xi32>, vector<16xi32>, vector<16xi32>], vector<16xf32>,
    %swap3A_1181 = arith.constant 2864 : index
    %swap3A_1182 = tpu.vector_load %arg9[%swap3A_1181] {strides = array<i32>} : memref<3808xf32, #tpu.memory_space<vmem>>, vector<16xf32>,
    tpu.vector_store %arg9[%swap3A_1181], %gather3A_1180 {strides = array<i32>} : memref<3808xf32, #tpu.memory_space<vmem>>, vector<16xf32>,
    %broadcast_in_dim3A_1183 = arith.constant 13 : i32
    %broadcast_in_dim3A_1184 = vector.broadcast %broadcast_in_dim3A_1183 : i32 to vector<16xi32>
    %gather3A_1185 = tpu.vector_load_idx %arg8[%add3A_1117, %broadcast_in_dim3A_1184, %get3A_1114] : memref<16x16x64xf32, #tpu.memory_space<vmem>>[vector<16xi32>, vector<16xi32>, vector<16xi32>], vector<16xf32>,
    %swap3A_1186 = arith.constant 3088 : index
    %swap3A_1187 = tpu.vector_load %arg9[%swap3A_1186] {strides = array<i32>} : memref<3808xf32, #tpu.memory_space<vmem>>, vector<16xf32>,
    tpu.vector_store %arg9[%swap3A_1186], %gather3A_1185 {strides = array<i32>} : memref<3808xf32, #tpu.memory_space<vmem>>, vector<16xf32>,
    %broadcast_in_dim3A_1188 = arith.constant 14 : i32
    %broadcast_in_dim3A_1189 = vector.broadcast %broadcast_in_dim3A_1188 : i32 to vector<16xi32>
    %gather3A_1190 = tpu.vector_load_idx %arg8[%add3A_1117, %broadcast_in_dim3A_1189, %get3A_1114] : memref<16x16x64xf32, #tpu.memory_space<vmem>>[vector<16xi32>, vector<16xi32>, vector<16xi32>], vector<16xf32>,
    %swap3A_1191 = arith.constant 3312 : index
    %swap3A_1192 = tpu.vector_load %arg9[%swap3A_1191] {strides = array<i32>} : memref<3808xf32, #tpu.memory_space<vmem>>, vector<16xf32>,
    tpu.vector_store %arg9[%swap3A_1191], %gather3A_1190 {strides = array<i32>} : memref<3808xf32, #tpu.memory_space<vmem>>, vector<16xf32>,
    %broadcast_in_dim3A_1193 = arith.constant 15 : i32
    %broadcast_in_dim3A_1194 = vector.broadcast %broadcast_in_dim3A_1193 : i32 to vector<16xi32>
    %gather3A_1195 = tpu.vector_load_idx %arg8[%add3A_1117, %broadcast_in_dim3A_1194, %get3A_1114] : memref<16x16x64xf32, #tpu.memory_space<vmem>>[vector<16xi32>, vector<16xi32>, vector<16xi32>], vector<16xf32>,
    %swap3A_1196 = arith.constant 3536 : index
    %swap3A_1197 = tpu.vector_load %arg9[%swap3A_1196] {strides = array<i32>} : memref<3808xf32, #tpu.memory_space<vmem>>, vector<16xf32>,
    tpu.vector_store %arg9[%swap3A_1196], %gather3A_1195 {strides = array<i32>} : memref<3808xf32, #tpu.memory_space<vmem>>, vector<16xf32>,
    %add3A_1198 = arith.constant 208 : i32
    %add3A_1199 = arith.addi %mul3A_2, %add3A_1198 : i32
    %dma_start3A_1200 = arith.constant 0 : i32
    %dma_start3A_1201 = arith.constant 0 : i32
    %dma_start3A_1202 = tpu.memref_slice %arg2[%add3A_1199, %dma_start3A_1200, %dma_start3A_1201] : memref<16384x16x64xf32, #tpu.memory_space<hbm>> -> memref<16x16x64xf32, #tpu.memory_space<hbm>>
    %dma_start3A_1203 = arith.constant 0 : i32
    %dma_start3A_1204 = arith.constant 0 : i32
    %dma_start3A_1205 = tpu.memref_slice %arg2[%add3A_1199, %dma_start3A_1203, %dma_start3A_1204] : memref<16384x16x64xf32, #tpu.memory_space<hbm>> -> memref<16x16x64xf32, #tpu.memory_space<hbm>>
    tpu.enqueue_dma source(%dma_start3A_1205 : memref<16x16x64xf32, #tpu.memory_space<hbm>>) target(%arg8 : memref<16x16x64xf32, #tpu.memory_space<vmem>>) target_semaphore(%arg11 : memref<!tpu.dma_semaphore, #tpu.memory_space<semaphore_mem>>)
    %dma_wait3A_1206 = arith.constant 0 : i32
    %dma_wait3A_1207 = arith.constant 0 : i32
    %dma_wait3A_1208 = tpu.memref_slice %arg2[%add3A_1100, %dma_wait3A_1206, %dma_wait3A_1207] : memref<16384x16x64xf32, #tpu.memory_space<hbm>> -> memref<16x16x64xf32, #tpu.memory_space<hbm>>
    %dma_wait3A_1209 = arith.constant 0 : i32
    %dma_wait3A_1210 = arith.constant 0 : i32
    %dma_wait3A_1211 = tpu.memref_slice %arg2[%add3A_1100, %dma_wait3A_1209, %dma_wait3A_1210] : memref<16384x16x64xf32, #tpu.memory_space<hbm>> -> memref<16x16x64xf32, #tpu.memory_space<hbm>>
    tpu.wait_dma2 semaphore(%arg10 : memref<!tpu.dma_semaphore, #tpu.memory_space<semaphore_mem>>) src(%dma_wait3A_1211 : memref<16x16x64xf32, #tpu.memory_space<hbm>>) dst(%arg7 : memref<16x16x64xf32, #tpu.memory_space<vmem>>)
    %get3A_1212 = arith.constant 192 : index
    %get3A_1213 = tpu.vector_load %arg6[%get3A_1212] {strides = array<i32>} : memref<224xi32, #tpu.memory_space<vmem>>, vector<16xi32>,
    %add3A_1214 = arith.constant 0 : i32
    %add3A_1215 = vector.broadcast %add3A_1214 : i32 to vector<16xi32>
    %add3A_1216 = arith.addi %add3A_1215, %iota3A : vector<16xi32>
    %broadcast_in_dim3A_1217 = arith.constant 0 : i32
    %broadcast_in_dim3A_1218 = vector.broadcast %broadcast_in_dim3A_1217 : i32 to vector<16xi32>
    %gather3A_1219 = tpu.vector_load_idx %arg7[%add3A_1216, %broadcast_in_dim3A_1218, %get3A_1213] : memref<16x16x64xf32, #tpu.memory_space<vmem>>[vector<16xi32>, vector<16xi32>, vector<16xi32>], vector<16xf32>,
    %swap3A_1220 = arith.constant 192 : index
    %swap3A_1221 = tpu.vector_load %arg9[%swap3A_1220] {strides = array<i32>} : memref<3808xf32, #tpu.memory_space<vmem>>, vector<16xf32>,
    tpu.vector_store %arg9[%swap3A_1220], %gather3A_1219 {strides = array<i32>} : memref<3808xf32, #tpu.memory_space<vmem>>, vector<16xf32>,
    %broadcast_in_dim3A_1222 = arith.constant 1 : i32
    %broadcast_in_dim3A_1223 = vector.broadcast %broadcast_in_dim3A_1222 : i32 to vector<16xi32>
    %gather3A_1224 = tpu.vector_load_idx %arg7[%add3A_1216, %broadcast_in_dim3A_1223, %get3A_1213] : memref<16x16x64xf32, #tpu.memory_space<vmem>>[vector<16xi32>, vector<16xi32>, vector<16xi32>], vector<16xf32>,
    %swap3A_1225 = arith.constant 416 : index
    %swap3A_1226 = tpu.vector_load %arg9[%swap3A_1225] {strides = array<i32>} : memref<3808xf32, #tpu.memory_space<vmem>>, vector<16xf32>,
    tpu.vector_store %arg9[%swap3A_1225], %gather3A_1224 {strides = array<i32>} : memref<3808xf32, #tpu.memory_space<vmem>>, vector<16xf32>,
    %broadcast_in_dim3A_1227 = arith.constant 2 : i32
    %broadcast_in_dim3A_1228 = vector.broadcast %broadcast_in_dim3A_1227 : i32 to vector<16xi32>
    %gather3A_1229 = tpu.vector_load_idx %arg7[%add3A_1216, %broadcast_in_dim3A_1228, %get3A_1213] : memref<16x16x64xf32, #tpu.memory_space<vmem>>[vector<16xi32>, vector<16xi32>, vector<16xi32>], vector<16xf32>,
    %swap3A_1230 = arith.constant 640 : index
    %swap3A_1231 = tpu.vector_load %arg9[%swap3A_1230] {strides = array<i32>} : memref<3808xf32, #tpu.memory_space<vmem>>, vector<16xf32>,
    tpu.vector_store %arg9[%swap3A_1230], %gather3A_1229 {strides = array<i32>} : memref<3808xf32, #tpu.memory_space<vmem>>, vector<16xf32>,
    %broadcast_in_dim3A_1232 = arith.constant 3 : i32
    %broadcast_in_dim3A_1233 = vector.broadcast %broadcast_in_dim3A_1232 : i32 to vector<16xi32>
    %gather3A_1234 = tpu.vector_load_idx %arg7[%add3A_1216, %broadcast_in_dim3A_1233, %get3A_1213] : memref<16x16x64xf32, #tpu.memory_space<vmem>>[vector<16xi32>, vector<16xi32>, vector<16xi32>], vector<16xf32>,
    %swap3A_1235 = arith.constant 864 : index
    %swap3A_1236 = tpu.vector_load %arg9[%swap3A_1235] {strides = array<i32>} : memref<3808xf32, #tpu.memory_space<vmem>>, vector<16xf32>,
    tpu.vector_store %arg9[%swap3A_1235], %gather3A_1234 {strides = array<i32>} : memref<3808xf32, #tpu.memory_space<vmem>>, vector<16xf32>,
    %broadcast_in_dim3A_1237 = arith.constant 4 : i32
    %broadcast_in_dim3A_1238 = vector.broadcast %broadcast_in_dim3A_1237 : i32 to vector<16xi32>
    %gather3A_1239 = tpu.vector_load_idx %arg7[%add3A_1216, %broadcast_in_dim3A_1238, %get3A_1213] : memref<16x16x64xf32, #tpu.memory_space<vmem>>[vector<16xi32>, vector<16xi32>, vector<16xi32>], vector<16xf32>,
    %swap3A_1240 = arith.constant 1088 : index
    %swap3A_1241 = tpu.vector_load %arg9[%swap3A_1240] {strides = array<i32>} : memref<3808xf32, #tpu.memory_space<vmem>>, vector<16xf32>,
    tpu.vector_store %arg9[%swap3A_1240], %gather3A_1239 {strides = array<i32>} : memref<3808xf32, #tpu.memory_space<vmem>>, vector<16xf32>,
    %broadcast_in_dim3A_1242 = arith.constant 5 : i32
    %broadcast_in_dim3A_1243 = vector.broadcast %broadcast_in_dim3A_1242 : i32 to vector<16xi32>
    %gather3A_1244 = tpu.vector_load_idx %arg7[%add3A_1216, %broadcast_in_dim3A_1243, %get3A_1213] : memref<16x16x64xf32, #tpu.memory_space<vmem>>[vector<16xi32>, vector<16xi32>, vector<16xi32>], vector<16xf32>,
    %swap3A_1245 = arith.constant 1312 : index
    %swap3A_1246 = tpu.vector_load %arg9[%swap3A_1245] {strides = array<i32>} : memref<3808xf32, #tpu.memory_space<vmem>>, vector<16xf32>,
    tpu.vector_store %arg9[%swap3A_1245], %gather3A_1244 {strides = array<i32>} : memref<3808xf32, #tpu.memory_space<vmem>>, vector<16xf32>,
    %broadcast_in_dim3A_1247 = arith.constant 6 : i32
    %broadcast_in_dim3A_1248 = vector.broadcast %broadcast_in_dim3A_1247 : i32 to vector<16xi32>
    %gather3A_1249 = tpu.vector_load_idx %arg7[%add3A_1216, %broadcast_in_dim3A_1248, %get3A_1213] : memref<16x16x64xf32, #tpu.memory_space<vmem>>[vector<16xi32>, vector<16xi32>, vector<16xi32>], vector<16xf32>,
    %swap3A_1250 = arith.constant 1536 : index
    %swap3A_1251 = tpu.vector_load %arg9[%swap3A_1250] {strides = array<i32>} : memref<3808xf32, #tpu.memory_space<vmem>>, vector<16xf32>,
    tpu.vector_store %arg9[%swap3A_1250], %gather3A_1249 {strides = array<i32>} : memref<3808xf32, #tpu.memory_space<vmem>>, vector<16xf32>,
    %broadcast_in_dim3A_1252 = arith.constant 7 : i32
    %broadcast_in_dim3A_1253 = vector.broadcast %broadcast_in_dim3A_1252 : i32 to vector<16xi32>
    %gather3A_1254 = tpu.vector_load_idx %arg7[%add3A_1216, %broadcast_in_dim3A_1253, %get3A_1213] : memref<16x16x64xf32, #tpu.memory_space<vmem>>[vector<16xi32>, vector<16xi32>, vector<16xi32>], vector<16xf32>,
    %swap3A_1255 = arith.constant 1760 : index
    %swap3A_1256 = tpu.vector_load %arg9[%swap3A_1255] {strides = array<i32>} : memref<3808xf32, #tpu.memory_space<vmem>>, vector<16xf32>,
    tpu.vector_store %arg9[%swap3A_1255], %gather3A_1254 {strides = array<i32>} : memref<3808xf32, #tpu.memory_space<vmem>>, vector<16xf32>,
    %broadcast_in_dim3A_1257 = arith.constant 8 : i32
    %broadcast_in_dim3A_1258 = vector.broadcast %broadcast_in_dim3A_1257 : i32 to vector<16xi32>
    %gather3A_1259 = tpu.vector_load_idx %arg7[%add3A_1216, %broadcast_in_dim3A_1258, %get3A_1213] : memref<16x16x64xf32, #tpu.memory_space<vmem>>[vector<16xi32>, vector<16xi32>, vector<16xi32>], vector<16xf32>,
    %swap3A_1260 = arith.constant 1984 : index
    %swap3A_1261 = tpu.vector_load %arg9[%swap3A_1260] {strides = array<i32>} : memref<3808xf32, #tpu.memory_space<vmem>>, vector<16xf32>,
    tpu.vector_store %arg9[%swap3A_1260], %gather3A_1259 {strides = array<i32>} : memref<3808xf32, #tpu.memory_space<vmem>>, vector<16xf32>,
    %broadcast_in_dim3A_1262 = arith.constant 9 : i32
    %broadcast_in_dim3A_1263 = vector.broadcast %broadcast_in_dim3A_1262 : i32 to vector<16xi32>
    %gather3A_1264 = tpu.vector_load_idx %arg7[%add3A_1216, %broadcast_in_dim3A_1263, %get3A_1213] : memref<16x16x64xf32, #tpu.memory_space<vmem>>[vector<16xi32>, vector<16xi32>, vector<16xi32>], vector<16xf32>,
    %swap3A_1265 = arith.constant 2208 : index
    %swap3A_1266 = tpu.vector_load %arg9[%swap3A_1265] {strides = array<i32>} : memref<3808xf32, #tpu.memory_space<vmem>>, vector<16xf32>,
    tpu.vector_store %arg9[%swap3A_1265], %gather3A_1264 {strides = array<i32>} : memref<3808xf32, #tpu.memory_space<vmem>>, vector<16xf32>,
    %broadcast_in_dim3A_1267 = arith.constant 10 : i32
    %broadcast_in_dim3A_1268 = vector.broadcast %broadcast_in_dim3A_1267 : i32 to vector<16xi32>
    %gather3A_1269 = tpu.vector_load_idx %arg7[%add3A_1216, %broadcast_in_dim3A_1268, %get3A_1213] : memref<16x16x64xf32, #tpu.memory_space<vmem>>[vector<16xi32>, vector<16xi32>, vector<16xi32>], vector<16xf32>,
    %swap3A_1270 = arith.constant 2432 : index
    %swap3A_1271 = tpu.vector_load %arg9[%swap3A_1270] {strides = array<i32>} : memref<3808xf32, #tpu.memory_space<vmem>>, vector<16xf32>,
    tpu.vector_store %arg9[%swap3A_1270], %gather3A_1269 {strides = array<i32>} : memref<3808xf32, #tpu.memory_space<vmem>>, vector<16xf32>,
    %broadcast_in_dim3A_1272 = arith.constant 11 : i32
    %broadcast_in_dim3A_1273 = vector.broadcast %broadcast_in_dim3A_1272 : i32 to vector<16xi32>
    %gather3A_1274 = tpu.vector_load_idx %arg7[%add3A_1216, %broadcast_in_dim3A_1273, %get3A_1213] : memref<16x16x64xf32, #tpu.memory_space<vmem>>[vector<16xi32>, vector<16xi32>, vector<16xi32>], vector<16xf32>,
    %swap3A_1275 = arith.constant 2656 : index
    %swap3A_1276 = tpu.vector_load %arg9[%swap3A_1275] {strides = array<i32>} : memref<3808xf32, #tpu.memory_space<vmem>>, vector<16xf32>,
    tpu.vector_store %arg9[%swap3A_1275], %gather3A_1274 {strides = array<i32>} : memref<3808xf32, #tpu.memory_space<vmem>>, vector<16xf32>,
    %broadcast_in_dim3A_1277 = arith.constant 12 : i32
    %broadcast_in_dim3A_1278 = vector.broadcast %broadcast_in_dim3A_1277 : i32 to vector<16xi32>
    %gather3A_1279 = tpu.vector_load_idx %arg7[%add3A_1216, %broadcast_in_dim3A_1278, %get3A_1213] : memref<16x16x64xf32, #tpu.memory_space<vmem>>[vector<16xi32>, vector<16xi32>, vector<16xi32>], vector<16xf32>,
    %swap3A_1280 = arith.constant 2880 : index
    %swap3A_1281 = tpu.vector_load %arg9[%swap3A_1280] {strides = array<i32>} : memref<3808xf32, #tpu.memory_space<vmem>>, vector<16xf32>,
    tpu.vector_store %arg9[%swap3A_1280], %gather3A_1279 {strides = array<i32>} : memref<3808xf32, #tpu.memory_space<vmem>>, vector<16xf32>,
    %broadcast_in_dim3A_1282 = arith.constant 13 : i32
    %broadcast_in_dim3A_1283 = vector.broadcast %broadcast_in_dim3A_1282 : i32 to vector<16xi32>
    %gather3A_1284 = tpu.vector_load_idx %arg7[%add3A_1216, %broadcast_in_dim3A_1283, %get3A_1213] : memref<16x16x64xf32, #tpu.memory_space<vmem>>[vector<16xi32>, vector<16xi32>, vector<16xi32>], vector<16xf32>,
    %swap3A_1285 = arith.constant 3104 : index
    %swap3A_1286 = tpu.vector_load %arg9[%swap3A_1285] {strides = array<i32>} : memref<3808xf32, #tpu.memory_space<vmem>>, vector<16xf32>,
    tpu.vector_store %arg9[%swap3A_1285], %gather3A_1284 {strides = array<i32>} : memref<3808xf32, #tpu.memory_space<vmem>>, vector<16xf32>,
    %broadcast_in_dim3A_1287 = arith.constant 14 : i32
    %broadcast_in_dim3A_1288 = vector.broadcast %broadcast_in_dim3A_1287 : i32 to vector<16xi32>
    %gather3A_1289 = tpu.vector_load_idx %arg7[%add3A_1216, %broadcast_in_dim3A_1288, %get3A_1213] : memref<16x16x64xf32, #tpu.memory_space<vmem>>[vector<16xi32>, vector<16xi32>, vector<16xi32>], vector<16xf32>,
    %swap3A_1290 = arith.constant 3328 : index
    %swap3A_1291 = tpu.vector_load %arg9[%swap3A_1290] {strides = array<i32>} : memref<3808xf32, #tpu.memory_space<vmem>>, vector<16xf32>,
    tpu.vector_store %arg9[%swap3A_1290], %gather3A_1289 {strides = array<i32>} : memref<3808xf32, #tpu.memory_space<vmem>>, vector<16xf32>,
    %broadcast_in_dim3A_1292 = arith.constant 15 : i32
    %broadcast_in_dim3A_1293 = vector.broadcast %broadcast_in_dim3A_1292 : i32 to vector<16xi32>
    %gather3A_1294 = tpu.vector_load_idx %arg7[%add3A_1216, %broadcast_in_dim3A_1293, %get3A_1213] : memref<16x16x64xf32, #tpu.memory_space<vmem>>[vector<16xi32>, vector<16xi32>, vector<16xi32>], vector<16xf32>,
    %swap3A_1295 = arith.constant 3552 : index
    %swap3A_1296 = tpu.vector_load %arg9[%swap3A_1295] {strides = array<i32>} : memref<3808xf32, #tpu.memory_space<vmem>>, vector<16xf32>,
    tpu.vector_store %arg9[%swap3A_1295], %gather3A_1294 {strides = array<i32>} : memref<3808xf32, #tpu.memory_space<vmem>>, vector<16xf32>,
    %dma_wait3A_1297 = arith.constant 0 : i32
    %dma_wait3A_1298 = arith.constant 0 : i32
    %dma_wait3A_1299 = tpu.memref_slice %arg2[%add3A_1199, %dma_wait3A_1297, %dma_wait3A_1298] : memref<16384x16x64xf32, #tpu.memory_space<hbm>> -> memref<16x16x64xf32, #tpu.memory_space<hbm>>
    %dma_wait3A_1300 = arith.constant 0 : i32
    %dma_wait3A_1301 = arith.constant 0 : i32
    %dma_wait3A_1302 = tpu.memref_slice %arg2[%add3A_1199, %dma_wait3A_1300, %dma_wait3A_1301] : memref<16384x16x64xf32, #tpu.memory_space<hbm>> -> memref<16x16x64xf32, #tpu.memory_space<hbm>>
    tpu.wait_dma2 semaphore(%arg11 : memref<!tpu.dma_semaphore, #tpu.memory_space<semaphore_mem>>) src(%dma_wait3A_1302 : memref<16x16x64xf32, #tpu.memory_space<hbm>>) dst(%arg8 : memref<16x16x64xf32, #tpu.memory_space<vmem>>)
    %get3A_1303 = arith.constant 208 : index
    %get3A_1304 = tpu.vector_load %arg6[%get3A_1303] {strides = array<i32>} : memref<224xi32, #tpu.memory_space<vmem>>, vector<16xi32>,
    %add3A_1305 = arith.constant 0 : i32
    %add3A_1306 = vector.broadcast %add3A_1305 : i32 to vector<16xi32>
    %add3A_1307 = arith.addi %add3A_1306, %iota3A : vector<16xi32>
    %broadcast_in_dim3A_1308 = arith.constant 0 : i32
    %broadcast_in_dim3A_1309 = vector.broadcast %broadcast_in_dim3A_1308 : i32 to vector<16xi32>
    %gather3A_1310 = tpu.vector_load_idx %arg8[%add3A_1307, %broadcast_in_dim3A_1309, %get3A_1304] : memref<16x16x64xf32, #tpu.memory_space<vmem>>[vector<16xi32>, vector<16xi32>, vector<16xi32>], vector<16xf32>,
    %swap3A_1311 = arith.constant 208 : index
    %swap3A_1312 = tpu.vector_load %arg9[%swap3A_1311] {strides = array<i32>} : memref<3808xf32, #tpu.memory_space<vmem>>, vector<16xf32>,
    tpu.vector_store %arg9[%swap3A_1311], %gather3A_1310 {strides = array<i32>} : memref<3808xf32, #tpu.memory_space<vmem>>, vector<16xf32>,
    %broadcast_in_dim3A_1313 = arith.constant 1 : i32
    %broadcast_in_dim3A_1314 = vector.broadcast %broadcast_in_dim3A_1313 : i32 to vector<16xi32>
    %gather3A_1315 = tpu.vector_load_idx %arg8[%add3A_1307, %broadcast_in_dim3A_1314, %get3A_1304] : memref<16x16x64xf32, #tpu.memory_space<vmem>>[vector<16xi32>, vector<16xi32>, vector<16xi32>], vector<16xf32>,
    %swap3A_1316 = arith.constant 432 : index
    %swap3A_1317 = tpu.vector_load %arg9[%swap3A_1316] {strides = array<i32>} : memref<3808xf32, #tpu.memory_space<vmem>>, vector<16xf32>,
    tpu.vector_store %arg9[%swap3A_1316], %gather3A_1315 {strides = array<i32>} : memref<3808xf32, #tpu.memory_space<vmem>>, vector<16xf32>,
    %broadcast_in_dim3A_1318 = arith.constant 2 : i32
    %broadcast_in_dim3A_1319 = vector.broadcast %broadcast_in_dim3A_1318 : i32 to vector<16xi32>
    %gather3A_1320 = tpu.vector_load_idx %arg8[%add3A_1307, %broadcast_in_dim3A_1319, %get3A_1304] : memref<16x16x64xf32, #tpu.memory_space<vmem>>[vector<16xi32>, vector<16xi32>, vector<16xi32>], vector<16xf32>,
    %swap3A_1321 = arith.constant 656 : index
    %swap3A_1322 = tpu.vector_load %arg9[%swap3A_1321] {strides = array<i32>} : memref<3808xf32, #tpu.memory_space<vmem>>, vector<16xf32>,
    tpu.vector_store %arg9[%swap3A_1321], %gather3A_1320 {strides = array<i32>} : memref<3808xf32, #tpu.memory_space<vmem>>, vector<16xf32>,
    %broadcast_in_dim3A_1323 = arith.constant 3 : i32
    %broadcast_in_dim3A_1324 = vector.broadcast %broadcast_in_dim3A_1323 : i32 to vector<16xi32>
    %gather3A_1325 = tpu.vector_load_idx %arg8[%add3A_1307, %broadcast_in_dim3A_1324, %get3A_1304] : memref<16x16x64xf32, #tpu.memory_space<vmem>>[vector<16xi32>, vector<16xi32>, vector<16xi32>], vector<16xf32>,
    %swap3A_1326 = arith.constant 880 : index
    %swap3A_1327 = tpu.vector_load %arg9[%swap3A_1326] {strides = array<i32>} : memref<3808xf32, #tpu.memory_space<vmem>>, vector<16xf32>,
    tpu.vector_store %arg9[%swap3A_1326], %gather3A_1325 {strides = array<i32>} : memref<3808xf32, #tpu.memory_space<vmem>>, vector<16xf32>,
    %broadcast_in_dim3A_1328 = arith.constant 4 : i32
    %broadcast_in_dim3A_1329 = vector.broadcast %broadcast_in_dim3A_1328 : i32 to vector<16xi32>
    %gather3A_1330 = tpu.vector_load_idx %arg8[%add3A_1307, %broadcast_in_dim3A_1329, %get3A_1304] : memref<16x16x64xf32, #tpu.memory_space<vmem>>[vector<16xi32>, vector<16xi32>, vector<16xi32>], vector<16xf32>,
    %swap3A_1331 = arith.constant 1104 : index
    %swap3A_1332 = tpu.vector_load %arg9[%swap3A_1331] {strides = array<i32>} : memref<3808xf32, #tpu.memory_space<vmem>>, vector<16xf32>,
    tpu.vector_store %arg9[%swap3A_1331], %gather3A_1330 {strides = array<i32>} : memref<3808xf32, #tpu.memory_space<vmem>>, vector<16xf32>,
    %broadcast_in_dim3A_1333 = arith.constant 5 : i32
    %broadcast_in_dim3A_1334 = vector.broadcast %broadcast_in_dim3A_1333 : i32 to vector<16xi32>
    %gather3A_1335 = tpu.vector_load_idx %arg8[%add3A_1307, %broadcast_in_dim3A_1334, %get3A_1304] : memref<16x16x64xf32, #tpu.memory_space<vmem>>[vector<16xi32>, vector<16xi32>, vector<16xi32>], vector<16xf32>,
    %swap3A_1336 = arith.constant 1328 : index
    %swap3A_1337 = tpu.vector_load %arg9[%swap3A_1336] {strides = array<i32>} : memref<3808xf32, #tpu.memory_space<vmem>>, vector<16xf32>,
    tpu.vector_store %arg9[%swap3A_1336], %gather3A_1335 {strides = array<i32>} : memref<3808xf32, #tpu.memory_space<vmem>>, vector<16xf32>,
    %broadcast_in_dim3A_1338 = arith.constant 6 : i32
    %broadcast_in_dim3A_1339 = vector.broadcast %broadcast_in_dim3A_1338 : i32 to vector<16xi32>
    %gather3A_1340 = tpu.vector_load_idx %arg8[%add3A_1307, %broadcast_in_dim3A_1339, %get3A_1304] : memref<16x16x64xf32, #tpu.memory_space<vmem>>[vector<16xi32>, vector<16xi32>, vector<16xi32>], vector<16xf32>,
    %swap3A_1341 = arith.constant 1552 : index
    %swap3A_1342 = tpu.vector_load %arg9[%swap3A_1341] {strides = array<i32>} : memref<3808xf32, #tpu.memory_space<vmem>>, vector<16xf32>,
    tpu.vector_store %arg9[%swap3A_1341], %gather3A_1340 {strides = array<i32>} : memref<3808xf32, #tpu.memory_space<vmem>>, vector<16xf32>,
    %broadcast_in_dim3A_1343 = arith.constant 7 : i32
    %broadcast_in_dim3A_1344 = vector.broadcast %broadcast_in_dim3A_1343 : i32 to vector<16xi32>
    %gather3A_1345 = tpu.vector_load_idx %arg8[%add3A_1307, %broadcast_in_dim3A_1344, %get3A_1304] : memref<16x16x64xf32, #tpu.memory_space<vmem>>[vector<16xi32>, vector<16xi32>, vector<16xi32>], vector<16xf32>,
    %swap3A_1346 = arith.constant 1776 : index
    %swap3A_1347 = tpu.vector_load %arg9[%swap3A_1346] {strides = array<i32>} : memref<3808xf32, #tpu.memory_space<vmem>>, vector<16xf32>,
    tpu.vector_store %arg9[%swap3A_1346], %gather3A_1345 {strides = array<i32>} : memref<3808xf32, #tpu.memory_space<vmem>>, vector<16xf32>,
    %broadcast_in_dim3A_1348 = arith.constant 8 : i32
    %broadcast_in_dim3A_1349 = vector.broadcast %broadcast_in_dim3A_1348 : i32 to vector<16xi32>
    %gather3A_1350 = tpu.vector_load_idx %arg8[%add3A_1307, %broadcast_in_dim3A_1349, %get3A_1304] : memref<16x16x64xf32, #tpu.memory_space<vmem>>[vector<16xi32>, vector<16xi32>, vector<16xi32>], vector<16xf32>,
    %swap3A_1351 = arith.constant 2000 : index
    %swap3A_1352 = tpu.vector_load %arg9[%swap3A_1351] {strides = array<i32>} : memref<3808xf32, #tpu.memory_space<vmem>>, vector<16xf32>,
    tpu.vector_store %arg9[%swap3A_1351], %gather3A_1350 {strides = array<i32>} : memref<3808xf32, #tpu.memory_space<vmem>>, vector<16xf32>,
    %broadcast_in_dim3A_1353 = arith.constant 9 : i32
    %broadcast_in_dim3A_1354 = vector.broadcast %broadcast_in_dim3A_1353 : i32 to vector<16xi32>
    %gather3A_1355 = tpu.vector_load_idx %arg8[%add3A_1307, %broadcast_in_dim3A_1354, %get3A_1304] : memref<16x16x64xf32, #tpu.memory_space<vmem>>[vector<16xi32>, vector<16xi32>, vector<16xi32>], vector<16xf32>,
    %swap3A_1356 = arith.constant 2224 : index
    %swap3A_1357 = tpu.vector_load %arg9[%swap3A_1356] {strides = array<i32>} : memref<3808xf32, #tpu.memory_space<vmem>>, vector<16xf32>,
    tpu.vector_store %arg9[%swap3A_1356], %gather3A_1355 {strides = array<i32>} : memref<3808xf32, #tpu.memory_space<vmem>>, vector<16xf32>,
    %broadcast_in_dim3A_1358 = arith.constant 10 : i32
    %broadcast_in_dim3A_1359 = vector.broadcast %broadcast_in_dim3A_1358 : i32 to vector<16xi32>
    %gather3A_1360 = tpu.vector_load_idx %arg8[%add3A_1307, %broadcast_in_dim3A_1359, %get3A_1304] : memref<16x16x64xf32, #tpu.memory_space<vmem>>[vector<16xi32>, vector<16xi32>, vector<16xi32>], vector<16xf32>,
    %swap3A_1361 = arith.constant 2448 : index
    %swap3A_1362 = tpu.vector_load %arg9[%swap3A_1361] {strides = array<i32>} : memref<3808xf32, #tpu.memory_space<vmem>>, vector<16xf32>,
    tpu.vector_store %arg9[%swap3A_1361], %gather3A_1360 {strides = array<i32>} : memref<3808xf32, #tpu.memory_space<vmem>>, vector<16xf32>,
    %broadcast_in_dim3A_1363 = arith.constant 11 : i32
    %broadcast_in_dim3A_1364 = vector.broadcast %broadcast_in_dim3A_1363 : i32 to vector<16xi32>
    %gather3A_1365 = tpu.vector_load_idx %arg8[%add3A_1307, %broadcast_in_dim3A_1364, %get3A_1304] : memref<16x16x64xf32, #tpu.memory_space<vmem>>[vector<16xi32>, vector<16xi32>, vector<16xi32>], vector<16xf32>,
    %swap3A_1366 = arith.constant 2672 : index
    %swap3A_1367 = tpu.vector_load %arg9[%swap3A_1366] {strides = array<i32>} : memref<3808xf32, #tpu.memory_space<vmem>>, vector<16xf32>,
    tpu.vector_store %arg9[%swap3A_1366], %gather3A_1365 {strides = array<i32>} : memref<3808xf32, #tpu.memory_space<vmem>>, vector<16xf32>,
    %broadcast_in_dim3A_1368 = arith.constant 12 : i32
    %broadcast_in_dim3A_1369 = vector.broadcast %broadcast_in_dim3A_1368 : i32 to vector<16xi32>
    %gather3A_1370 = tpu.vector_load_idx %arg8[%add3A_1307, %broadcast_in_dim3A_1369, %get3A_1304] : memref<16x16x64xf32, #tpu.memory_space<vmem>>[vector<16xi32>, vector<16xi32>, vector<16xi32>], vector<16xf32>,
    %swap3A_1371 = arith.constant 2896 : index
    %swap3A_1372 = tpu.vector_load %arg9[%swap3A_1371] {strides = array<i32>} : memref<3808xf32, #tpu.memory_space<vmem>>, vector<16xf32>,
    tpu.vector_store %arg9[%swap3A_1371], %gather3A_1370 {strides = array<i32>} : memref<3808xf32, #tpu.memory_space<vmem>>, vector<16xf32>,
    %broadcast_in_dim3A_1373 = arith.constant 13 : i32
    %broadcast_in_dim3A_1374 = vector.broadcast %broadcast_in_dim3A_1373 : i32 to vector<16xi32>
    %gather3A_1375 = tpu.vector_load_idx %arg8[%add3A_1307, %broadcast_in_dim3A_1374, %get3A_1304] : memref<16x16x64xf32, #tpu.memory_space<vmem>>[vector<16xi32>, vector<16xi32>, vector<16xi32>], vector<16xf32>,
    %swap3A_1376 = arith.constant 3120 : index
    %swap3A_1377 = tpu.vector_load %arg9[%swap3A_1376] {strides = array<i32>} : memref<3808xf32, #tpu.memory_space<vmem>>, vector<16xf32>,
    tpu.vector_store %arg9[%swap3A_1376], %gather3A_1375 {strides = array<i32>} : memref<3808xf32, #tpu.memory_space<vmem>>, vector<16xf32>,
    %broadcast_in_dim3A_1378 = arith.constant 14 : i32
    %broadcast_in_dim3A_1379 = vector.broadcast %broadcast_in_dim3A_1378 : i32 to vector<16xi32>
    %gather3A_1380 = tpu.vector_load_idx %arg8[%add3A_1307, %broadcast_in_dim3A_1379, %get3A_1304] : memref<16x16x64xf32, #tpu.memory_space<vmem>>[vector<16xi32>, vector<16xi32>, vector<16xi32>], vector<16xf32>,
    %swap3A_1381 = arith.constant 3344 : index
    %swap3A_1382 = tpu.vector_load %arg9[%swap3A_1381] {strides = array<i32>} : memref<3808xf32, #tpu.memory_space<vmem>>, vector<16xf32>,
    tpu.vector_store %arg9[%swap3A_1381], %gather3A_1380 {strides = array<i32>} : memref<3808xf32, #tpu.memory_space<vmem>>, vector<16xf32>,
    %broadcast_in_dim3A_1383 = arith.constant 15 : i32
    %broadcast_in_dim3A_1384 = vector.broadcast %broadcast_in_dim3A_1383 : i32 to vector<16xi32>
    %gather3A_1385 = tpu.vector_load_idx %arg8[%add3A_1307, %broadcast_in_dim3A_1384, %get3A_1304] : memref<16x16x64xf32, #tpu.memory_space<vmem>>[vector<16xi32>, vector<16xi32>, vector<16xi32>], vector<16xf32>,
    %swap3A_1386 = arith.constant 3568 : index
    %swap3A_1387 = tpu.vector_load %arg9[%swap3A_1386] {strides = array<i32>} : memref<3808xf32, #tpu.memory_space<vmem>>, vector<16xf32>,
    tpu.vector_store %arg9[%swap3A_1386], %gather3A_1385 {strides = array<i32>} : memref<3808xf32, #tpu.memory_space<vmem>>, vector<16xf32>,
    %add3A_1388 = arith.constant 0 : i32
    %add3A_1389 = arith.addi %add3A_1388, %mul3A_2 : i32
    "tpu.region"() ({
      %run_scoped3A = tpu.sem_alloc : memref<!tpu.dma_semaphore, #tpu.memory_space<semaphore_mem>>
      %dma_start3A_1422 = arith.constant 0 : i32
      %dma_start3A_1423 = tpu.memref_slice %arg9[%dma_start3A_1422] : memref<3808xf32, #tpu.memory_space<vmem>> -> memref<224xf32, #tpu.memory_space<vmem>>
      %dma_start3A_1424 = tpu.memref_slice %arg4[%add3A_1389] : memref<121856xf32, #tpu.memory_space<hbm>> -> memref<224xf32, #tpu.memory_space<hbm>>
      %dma_start3A_1425 = tpu.memref_slice %arg4[%add3A_1389] : memref<121856xf32, #tpu.memory_space<hbm>> -> memref<224xf32, #tpu.memory_space<hbm>>
      %dma_start3A_1426 = arith.constant 0 : i32
      %dma_start3A_1427 = tpu.memref_slice %arg9[%dma_start3A_1426] : memref<3808xf32, #tpu.memory_space<vmem>> -> memref<224xf32, #tpu.memory_space<vmem>>
      tpu.enqueue_dma source(%dma_start3A_1427 : memref<224xf32, #tpu.memory_space<vmem>>) target(%dma_start3A_1425 : memref<224xf32, #tpu.memory_space<hbm>>) target_semaphore(%run_scoped3A : memref<!tpu.dma_semaphore, #tpu.memory_space<semaphore_mem>>)
      %dma_wait3A_1428 = arith.constant 0 : i32
      %dma_wait3A_1429 = tpu.memref_slice %arg9[%dma_wait3A_1428] : memref<3808xf32, #tpu.memory_space<vmem>> -> memref<224xf32, #tpu.memory_space<vmem>>
      %dma_wait3A_1430 = tpu.memref_slice %arg4[%add3A_1389] : memref<121856xf32, #tpu.memory_space<hbm>> -> memref<224xf32, #tpu.memory_space<hbm>>
      %dma_wait3A_1431 = tpu.memref_slice %arg4[%add3A_1389] : memref<121856xf32, #tpu.memory_space<hbm>> -> memref<224xf32, #tpu.memory_space<hbm>>
      %dma_wait3A_1432 = arith.constant 0 : i32
      %dma_wait3A_1433 = tpu.memref_slice %arg9[%dma_wait3A_1432] : memref<3808xf32, #tpu.memory_space<vmem>> -> memref<224xf32, #tpu.memory_space<vmem>>
      tpu.wait_dma2 semaphore(%run_scoped3A : memref<!tpu.dma_semaphore, #tpu.memory_space<semaphore_mem>>) src(%dma_wait3A_1433 : memref<224xf32, #tpu.memory_space<vmem>>) dst(%dma_wait3A_1431 : memref<224xf32, #tpu.memory_space<hbm>>)
      tpu.yield
    }) : () -> ()
    %add3A_1390 = arith.constant 7168 : i32
    %add3A_1391 = arith.addi %add3A_1390, %mul3A_2 : i32
    "tpu.region"() ({
      %run_scoped3A = tpu.sem_alloc : memref<!tpu.dma_semaphore, #tpu.memory_space<semaphore_mem>>
      %dma_start3A_1422 = arith.constant 224 : i32
      %dma_start3A_1423 = tpu.memref_slice %arg9[%dma_start3A_1422] : memref<3808xf32, #tpu.memory_space<vmem>> -> memref<224xf32, #tpu.memory_space<vmem>>
      %dma_start3A_1424 = tpu.memref_slice %arg4[%add3A_1391] : memref<121856xf32, #tpu.memory_space<hbm>> -> memref<224xf32, #tpu.memory_space<hbm>>
      %dma_start3A_1425 = tpu.memref_slice %arg4[%add3A_1391] : memref<121856xf32, #tpu.memory_space<hbm>> -> memref<224xf32, #tpu.memory_space<hbm>>
      %dma_start3A_1426 = arith.constant 224 : i32
      %dma_start3A_1427 = tpu.memref_slice %arg9[%dma_start3A_1426] : memref<3808xf32, #tpu.memory_space<vmem>> -> memref<224xf32, #tpu.memory_space<vmem>>
      tpu.enqueue_dma source(%dma_start3A_1427 : memref<224xf32, #tpu.memory_space<vmem>>) target(%dma_start3A_1425 : memref<224xf32, #tpu.memory_space<hbm>>) target_semaphore(%run_scoped3A : memref<!tpu.dma_semaphore, #tpu.memory_space<semaphore_mem>>)
      %dma_wait3A_1428 = arith.constant 224 : i32
      %dma_wait3A_1429 = tpu.memref_slice %arg9[%dma_wait3A_1428] : memref<3808xf32, #tpu.memory_space<vmem>> -> memref<224xf32, #tpu.memory_space<vmem>>
      %dma_wait3A_1430 = tpu.memref_slice %arg4[%add3A_1391] : memref<121856xf32, #tpu.memory_space<hbm>> -> memref<224xf32, #tpu.memory_space<hbm>>
      %dma_wait3A_1431 = tpu.memref_slice %arg4[%add3A_1391] : memref<121856xf32, #tpu.memory_space<hbm>> -> memref<224xf32, #tpu.memory_space<hbm>>
      %dma_wait3A_1432 = arith.constant 224 : i32
      %dma_wait3A_1433 = tpu.memref_slice %arg9[%dma_wait3A_1432] : memref<3808xf32, #tpu.memory_space<vmem>> -> memref<224xf32, #tpu.memory_space<vmem>>
      tpu.wait_dma2 semaphore(%run_scoped3A : memref<!tpu.dma_semaphore, #tpu.memory_space<semaphore_mem>>) src(%dma_wait3A_1433 : memref<224xf32, #tpu.memory_space<vmem>>) dst(%dma_wait3A_1431 : memref<224xf32, #tpu.memory_space<hbm>>)
      tpu.yield
    }) : () -> ()
    %add3A_1392 = arith.constant 14336 : i32
    %add3A_1393 = arith.addi %add3A_1392, %mul3A_2 : i32
    "tpu.region"() ({
      %run_scoped3A = tpu.sem_alloc : memref<!tpu.dma_semaphore, #tpu.memory_space<semaphore_mem>>
      %dma_start3A_1422 = arith.constant 448 : i32
      %dma_start3A_1423 = tpu.memref_slice %arg9[%dma_start3A_1422] : memref<3808xf32, #tpu.memory_space<vmem>> -> memref<224xf32, #tpu.memory_space<vmem>>
      %dma_start3A_1424 = tpu.memref_slice %arg4[%add3A_1393] : memref<121856xf32, #tpu.memory_space<hbm>> -> memref<224xf32, #tpu.memory_space<hbm>>
      %dma_start3A_1425 = tpu.memref_slice %arg4[%add3A_1393] : memref<121856xf32, #tpu.memory_space<hbm>> -> memref<224xf32, #tpu.memory_space<hbm>>
      %dma_start3A_1426 = arith.constant 448 : i32
      %dma_start3A_1427 = tpu.memref_slice %arg9[%dma_start3A_1426] : memref<3808xf32, #tpu.memory_space<vmem>> -> memref<224xf32, #tpu.memory_space<vmem>>
      tpu.enqueue_dma source(%dma_start3A_1427 : memref<224xf32, #tpu.memory_space<vmem>>) target(%dma_start3A_1425 : memref<224xf32, #tpu.memory_space<hbm>>) target_semaphore(%run_scoped3A : memref<!tpu.dma_semaphore, #tpu.memory_space<semaphore_mem>>)
      %dma_wait3A_1428 = arith.constant 448 : i32
      %dma_wait3A_1429 = tpu.memref_slice %arg9[%dma_wait3A_1428] : memref<3808xf32, #tpu.memory_space<vmem>> -> memref<224xf32, #tpu.memory_space<vmem>>
      %dma_wait3A_1430 = tpu.memref_slice %arg4[%add3A_1393] : memref<121856xf32, #tpu.memory_space<hbm>> -> memref<224xf32, #tpu.memory_space<hbm>>
      %dma_wait3A_1431 = tpu.memref_slice %arg4[%add3A_1393] : memref<121856xf32, #tpu.memory_space<hbm>> -> memref<224xf32, #tpu.memory_space<hbm>>
      %dma_wait3A_1432 = arith.constant 448 : i32
      %dma_wait3A_1433 = tpu.memref_slice %arg9[%dma_wait3A_1432] : memref<3808xf32, #tpu.memory_space<vmem>> -> memref<224xf32, #tpu.memory_space<vmem>>
      tpu.wait_dma2 semaphore(%run_scoped3A : memref<!tpu.dma_semaphore, #tpu.memory_space<semaphore_mem>>) src(%dma_wait3A_1433 : memref<224xf32, #tpu.memory_space<vmem>>) dst(%dma_wait3A_1431 : memref<224xf32, #tpu.memory_space<hbm>>)
      tpu.yield
    }) : () -> ()
    %add3A_1394 = arith.constant 21504 : i32
    %add3A_1395 = arith.addi %add3A_1394, %mul3A_2 : i32
    "tpu.region"() ({
      %run_scoped3A = tpu.sem_alloc : memref<!tpu.dma_semaphore, #tpu.memory_space<semaphore_mem>>
      %dma_start3A_1422 = arith.constant 672 : i32
      %dma_start3A_1423 = tpu.memref_slice %arg9[%dma_start3A_1422] : memref<3808xf32, #tpu.memory_space<vmem>> -> memref<224xf32, #tpu.memory_space<vmem>>
      %dma_start3A_1424 = tpu.memref_slice %arg4[%add3A_1395] : memref<121856xf32, #tpu.memory_space<hbm>> -> memref<224xf32, #tpu.memory_space<hbm>>
      %dma_start3A_1425 = tpu.memref_slice %arg4[%add3A_1395] : memref<121856xf32, #tpu.memory_space<hbm>> -> memref<224xf32, #tpu.memory_space<hbm>>
      %dma_start3A_1426 = arith.constant 672 : i32
      %dma_start3A_1427 = tpu.memref_slice %arg9[%dma_start3A_1426] : memref<3808xf32, #tpu.memory_space<vmem>> -> memref<224xf32, #tpu.memory_space<vmem>>
      tpu.enqueue_dma source(%dma_start3A_1427 : memref<224xf32, #tpu.memory_space<vmem>>) target(%dma_start3A_1425 : memref<224xf32, #tpu.memory_space<hbm>>) target_semaphore(%run_scoped3A : memref<!tpu.dma_semaphore, #tpu.memory_space<semaphore_mem>>)
      %dma_wait3A_1428 = arith.constant 672 : i32
      %dma_wait3A_1429 = tpu.memref_slice %arg9[%dma_wait3A_1428] : memref<3808xf32, #tpu.memory_space<vmem>> -> memref<224xf32, #tpu.memory_space<vmem>>
      %dma_wait3A_1430 = tpu.memref_slice %arg4[%add3A_1395] : memref<121856xf32, #tpu.memory_space<hbm>> -> memref<224xf32, #tpu.memory_space<hbm>>
      %dma_wait3A_1431 = tpu.memref_slice %arg4[%add3A_1395] : memref<121856xf32, #tpu.memory_space<hbm>> -> memref<224xf32, #tpu.memory_space<hbm>>
      %dma_wait3A_1432 = arith.constant 672 : i32
      %dma_wait3A_1433 = tpu.memref_slice %arg9[%dma_wait3A_1432] : memref<3808xf32, #tpu.memory_space<vmem>> -> memref<224xf32, #tpu.memory_space<vmem>>
      tpu.wait_dma2 semaphore(%run_scoped3A : memref<!tpu.dma_semaphore, #tpu.memory_space<semaphore_mem>>) src(%dma_wait3A_1433 : memref<224xf32, #tpu.memory_space<vmem>>) dst(%dma_wait3A_1431 : memref<224xf32, #tpu.memory_space<hbm>>)
      tpu.yield
    }) : () -> ()
    %add3A_1396 = arith.constant 28672 : i32
    %add3A_1397 = arith.addi %add3A_1396, %mul3A_2 : i32
    "tpu.region"() ({
      %run_scoped3A = tpu.sem_alloc : memref<!tpu.dma_semaphore, #tpu.memory_space<semaphore_mem>>
      %dma_start3A_1422 = arith.constant 896 : i32
      %dma_start3A_1423 = tpu.memref_slice %arg9[%dma_start3A_1422] : memref<3808xf32, #tpu.memory_space<vmem>> -> memref<224xf32, #tpu.memory_space<vmem>>
      %dma_start3A_1424 = tpu.memref_slice %arg4[%add3A_1397] : memref<121856xf32, #tpu.memory_space<hbm>> -> memref<224xf32, #tpu.memory_space<hbm>>
      %dma_start3A_1425 = tpu.memref_slice %arg4[%add3A_1397] : memref<121856xf32, #tpu.memory_space<hbm>> -> memref<224xf32, #tpu.memory_space<hbm>>
      %dma_start3A_1426 = arith.constant 896 : i32
      %dma_start3A_1427 = tpu.memref_slice %arg9[%dma_start3A_1426] : memref<3808xf32, #tpu.memory_space<vmem>> -> memref<224xf32, #tpu.memory_space<vmem>>
      tpu.enqueue_dma source(%dma_start3A_1427 : memref<224xf32, #tpu.memory_space<vmem>>) target(%dma_start3A_1425 : memref<224xf32, #tpu.memory_space<hbm>>) target_semaphore(%run_scoped3A : memref<!tpu.dma_semaphore, #tpu.memory_space<semaphore_mem>>)
      %dma_wait3A_1428 = arith.constant 896 : i32
      %dma_wait3A_1429 = tpu.memref_slice %arg9[%dma_wait3A_1428] : memref<3808xf32, #tpu.memory_space<vmem>> -> memref<224xf32, #tpu.memory_space<vmem>>
      %dma_wait3A_1430 = tpu.memref_slice %arg4[%add3A_1397] : memref<121856xf32, #tpu.memory_space<hbm>> -> memref<224xf32, #tpu.memory_space<hbm>>
      %dma_wait3A_1431 = tpu.memref_slice %arg4[%add3A_1397] : memref<121856xf32, #tpu.memory_space<hbm>> -> memref<224xf32, #tpu.memory_space<hbm>>
      %dma_wait3A_1432 = arith.constant 896 : i32
      %dma_wait3A_1433 = tpu.memref_slice %arg9[%dma_wait3A_1432] : memref<3808xf32, #tpu.memory_space<vmem>> -> memref<224xf32, #tpu.memory_space<vmem>>
      tpu.wait_dma2 semaphore(%run_scoped3A : memref<!tpu.dma_semaphore, #tpu.memory_space<semaphore_mem>>) src(%dma_wait3A_1433 : memref<224xf32, #tpu.memory_space<vmem>>) dst(%dma_wait3A_1431 : memref<224xf32, #tpu.memory_space<hbm>>)
      tpu.yield
    }) : () -> ()
    %add3A_1398 = arith.constant 35840 : i32
    %add3A_1399 = arith.addi %add3A_1398, %mul3A_2 : i32
    "tpu.region"() ({
      %run_scoped3A = tpu.sem_alloc : memref<!tpu.dma_semaphore, #tpu.memory_space<semaphore_mem>>
      %dma_start3A_1422 = arith.constant 1120 : i32
      %dma_start3A_1423 = tpu.memref_slice %arg9[%dma_start3A_1422] : memref<3808xf32, #tpu.memory_space<vmem>> -> memref<224xf32, #tpu.memory_space<vmem>>
      %dma_start3A_1424 = tpu.memref_slice %arg4[%add3A_1399] : memref<121856xf32, #tpu.memory_space<hbm>> -> memref<224xf32, #tpu.memory_space<hbm>>
      %dma_start3A_1425 = tpu.memref_slice %arg4[%add3A_1399] : memref<121856xf32, #tpu.memory_space<hbm>> -> memref<224xf32, #tpu.memory_space<hbm>>
      %dma_start3A_1426 = arith.constant 1120 : i32
      %dma_start3A_1427 = tpu.memref_slice %arg9[%dma_start3A_1426] : memref<3808xf32, #tpu.memory_space<vmem>> -> memref<224xf32, #tpu.memory_space<vmem>>
      tpu.enqueue_dma source(%dma_start3A_1427 : memref<224xf32, #tpu.memory_space<vmem>>) target(%dma_start3A_1425 : memref<224xf32, #tpu.memory_space<hbm>>) target_semaphore(%run_scoped3A : memref<!tpu.dma_semaphore, #tpu.memory_space<semaphore_mem>>)
      %dma_wait3A_1428 = arith.constant 1120 : i32
      %dma_wait3A_1429 = tpu.memref_slice %arg9[%dma_wait3A_1428] : memref<3808xf32, #tpu.memory_space<vmem>> -> memref<224xf32, #tpu.memory_space<vmem>>
      %dma_wait3A_1430 = tpu.memref_slice %arg4[%add3A_1399] : memref<121856xf32, #tpu.memory_space<hbm>> -> memref<224xf32, #tpu.memory_space<hbm>>
      %dma_wait3A_1431 = tpu.memref_slice %arg4[%add3A_1399] : memref<121856xf32, #tpu.memory_space<hbm>> -> memref<224xf32, #tpu.memory_space<hbm>>
      %dma_wait3A_1432 = arith.constant 1120 : i32
      %dma_wait3A_1433 = tpu.memref_slice %arg9[%dma_wait3A_1432] : memref<3808xf32, #tpu.memory_space<vmem>> -> memref<224xf32, #tpu.memory_space<vmem>>
      tpu.wait_dma2 semaphore(%run_scoped3A : memref<!tpu.dma_semaphore, #tpu.memory_space<semaphore_mem>>) src(%dma_wait3A_1433 : memref<224xf32, #tpu.memory_space<vmem>>) dst(%dma_wait3A_1431 : memref<224xf32, #tpu.memory_space<hbm>>)
      tpu.yield
    }) : () -> ()
    %add3A_1400 = arith.constant 43008 : i32
    %add3A_1401 = arith.addi %add3A_1400, %mul3A_2 : i32
    "tpu.region"() ({
      %run_scoped3A = tpu.sem_alloc : memref<!tpu.dma_semaphore, #tpu.memory_space<semaphore_mem>>
      %dma_start3A_1422 = arith.constant 1344 : i32
      %dma_start3A_1423 = tpu.memref_slice %arg9[%dma_start3A_1422] : memref<3808xf32, #tpu.memory_space<vmem>> -> memref<224xf32, #tpu.memory_space<vmem>>
      %dma_start3A_1424 = tpu.memref_slice %arg4[%add3A_1401] : memref<121856xf32, #tpu.memory_space<hbm>> -> memref<224xf32, #tpu.memory_space<hbm>>
      %dma_start3A_1425 = tpu.memref_slice %arg4[%add3A_1401] : memref<121856xf32, #tpu.memory_space<hbm>> -> memref<224xf32, #tpu.memory_space<hbm>>
      %dma_start3A_1426 = arith.constant 1344 : i32
      %dma_start3A_1427 = tpu.memref_slice %arg9[%dma_start3A_1426] : memref<3808xf32, #tpu.memory_space<vmem>> -> memref<224xf32, #tpu.memory_space<vmem>>
      tpu.enqueue_dma source(%dma_start3A_1427 : memref<224xf32, #tpu.memory_space<vmem>>) target(%dma_start3A_1425 : memref<224xf32, #tpu.memory_space<hbm>>) target_semaphore(%run_scoped3A : memref<!tpu.dma_semaphore, #tpu.memory_space<semaphore_mem>>)
      %dma_wait3A_1428 = arith.constant 1344 : i32
      %dma_wait3A_1429 = tpu.memref_slice %arg9[%dma_wait3A_1428] : memref<3808xf32, #tpu.memory_space<vmem>> -> memref<224xf32, #tpu.memory_space<vmem>>
      %dma_wait3A_1430 = tpu.memref_slice %arg4[%add3A_1401] : memref<121856xf32, #tpu.memory_space<hbm>> -> memref<224xf32, #tpu.memory_space<hbm>>
      %dma_wait3A_1431 = tpu.memref_slice %arg4[%add3A_1401] : memref<121856xf32, #tpu.memory_space<hbm>> -> memref<224xf32, #tpu.memory_space<hbm>>
      %dma_wait3A_1432 = arith.constant 1344 : i32
      %dma_wait3A_1433 = tpu.memref_slice %arg9[%dma_wait3A_1432] : memref<3808xf32, #tpu.memory_space<vmem>> -> memref<224xf32, #tpu.memory_space<vmem>>
      tpu.wait_dma2 semaphore(%run_scoped3A : memref<!tpu.dma_semaphore, #tpu.memory_space<semaphore_mem>>) src(%dma_wait3A_1433 : memref<224xf32, #tpu.memory_space<vmem>>) dst(%dma_wait3A_1431 : memref<224xf32, #tpu.memory_space<hbm>>)
      tpu.yield
    }) : () -> ()
    %add3A_1402 = arith.constant 50176 : i32
    %add3A_1403 = arith.addi %add3A_1402, %mul3A_2 : i32
    "tpu.region"() ({
      %run_scoped3A = tpu.sem_alloc : memref<!tpu.dma_semaphore, #tpu.memory_space<semaphore_mem>>
      %dma_start3A_1422 = arith.constant 1568 : i32
      %dma_start3A_1423 = tpu.memref_slice %arg9[%dma_start3A_1422] : memref<3808xf32, #tpu.memory_space<vmem>> -> memref<224xf32, #tpu.memory_space<vmem>>
      %dma_start3A_1424 = tpu.memref_slice %arg4[%add3A_1403] : memref<121856xf32, #tpu.memory_space<hbm>> -> memref<224xf32, #tpu.memory_space<hbm>>
      %dma_start3A_1425 = tpu.memref_slice %arg4[%add3A_1403] : memref<121856xf32, #tpu.memory_space<hbm>> -> memref<224xf32, #tpu.memory_space<hbm>>
      %dma_start3A_1426 = arith.constant 1568 : i32
      %dma_start3A_1427 = tpu.memref_slice %arg9[%dma_start3A_1426] : memref<3808xf32, #tpu.memory_space<vmem>> -> memref<224xf32, #tpu.memory_space<vmem>>
      tpu.enqueue_dma source(%dma_start3A_1427 : memref<224xf32, #tpu.memory_space<vmem>>) target(%dma_start3A_1425 : memref<224xf32, #tpu.memory_space<hbm>>) target_semaphore(%run_scoped3A : memref<!tpu.dma_semaphore, #tpu.memory_space<semaphore_mem>>)
      %dma_wait3A_1428 = arith.constant 1568 : i32
      %dma_wait3A_1429 = tpu.memref_slice %arg9[%dma_wait3A_1428] : memref<3808xf32, #tpu.memory_space<vmem>> -> memref<224xf32, #tpu.memory_space<vmem>>
      %dma_wait3A_1430 = tpu.memref_slice %arg4[%add3A_1403] : memref<121856xf32, #tpu.memory_space<hbm>> -> memref<224xf32, #tpu.memory_space<hbm>>
      %dma_wait3A_1431 = tpu.memref_slice %arg4[%add3A_1403] : memref<121856xf32, #tpu.memory_space<hbm>> -> memref<224xf32, #tpu.memory_space<hbm>>
      %dma_wait3A_1432 = arith.constant 1568 : i32
      %dma_wait3A_1433 = tpu.memref_slice %arg9[%dma_wait3A_1432] : memref<3808xf32, #tpu.memory_space<vmem>> -> memref<224xf32, #tpu.memory_space<vmem>>
      tpu.wait_dma2 semaphore(%run_scoped3A : memref<!tpu.dma_semaphore, #tpu.memory_space<semaphore_mem>>) src(%dma_wait3A_1433 : memref<224xf32, #tpu.memory_space<vmem>>) dst(%dma_wait3A_1431 : memref<224xf32, #tpu.memory_space<hbm>>)
      tpu.yield
    }) : () -> ()
    %add3A_1404 = arith.constant 57344 : i32
    %add3A_1405 = arith.addi %add3A_1404, %mul3A_2 : i32
    "tpu.region"() ({
      %run_scoped3A = tpu.sem_alloc : memref<!tpu.dma_semaphore, #tpu.memory_space<semaphore_mem>>
      %dma_start3A_1422 = arith.constant 1792 : i32
      %dma_start3A_1423 = tpu.memref_slice %arg9[%dma_start3A_1422] : memref<3808xf32, #tpu.memory_space<vmem>> -> memref<224xf32, #tpu.memory_space<vmem>>
      %dma_start3A_1424 = tpu.memref_slice %arg4[%add3A_1405] : memref<121856xf32, #tpu.memory_space<hbm>> -> memref<224xf32, #tpu.memory_space<hbm>>
      %dma_start3A_1425 = tpu.memref_slice %arg4[%add3A_1405] : memref<121856xf32, #tpu.memory_space<hbm>> -> memref<224xf32, #tpu.memory_space<hbm>>
      %dma_start3A_1426 = arith.constant 1792 : i32
      %dma_start3A_1427 = tpu.memref_slice %arg9[%dma_start3A_1426] : memref<3808xf32, #tpu.memory_space<vmem>> -> memref<224xf32, #tpu.memory_space<vmem>>
      tpu.enqueue_dma source(%dma_start3A_1427 : memref<224xf32, #tpu.memory_space<vmem>>) target(%dma_start3A_1425 : memref<224xf32, #tpu.memory_space<hbm>>) target_semaphore(%run_scoped3A : memref<!tpu.dma_semaphore, #tpu.memory_space<semaphore_mem>>)
      %dma_wait3A_1428 = arith.constant 1792 : i32
      %dma_wait3A_1429 = tpu.memref_slice %arg9[%dma_wait3A_1428] : memref<3808xf32, #tpu.memory_space<vmem>> -> memref<224xf32, #tpu.memory_space<vmem>>
      %dma_wait3A_1430 = tpu.memref_slice %arg4[%add3A_1405] : memref<121856xf32, #tpu.memory_space<hbm>> -> memref<224xf32, #tpu.memory_space<hbm>>
      %dma_wait3A_1431 = tpu.memref_slice %arg4[%add3A_1405] : memref<121856xf32, #tpu.memory_space<hbm>> -> memref<224xf32, #tpu.memory_space<hbm>>
      %dma_wait3A_1432 = arith.constant 1792 : i32
      %dma_wait3A_1433 = tpu.memref_slice %arg9[%dma_wait3A_1432] : memref<3808xf32, #tpu.memory_space<vmem>> -> memref<224xf32, #tpu.memory_space<vmem>>
      tpu.wait_dma2 semaphore(%run_scoped3A : memref<!tpu.dma_semaphore, #tpu.memory_space<semaphore_mem>>) src(%dma_wait3A_1433 : memref<224xf32, #tpu.memory_space<vmem>>) dst(%dma_wait3A_1431 : memref<224xf32, #tpu.memory_space<hbm>>)
      tpu.yield
    }) : () -> ()
    %add3A_1406 = arith.constant 64512 : i32
    %add3A_1407 = arith.addi %add3A_1406, %mul3A_2 : i32
    "tpu.region"() ({
      %run_scoped3A = tpu.sem_alloc : memref<!tpu.dma_semaphore, #tpu.memory_space<semaphore_mem>>
      %dma_start3A_1422 = arith.constant 2016 : i32
      %dma_start3A_1423 = tpu.memref_slice %arg9[%dma_start3A_1422] : memref<3808xf32, #tpu.memory_space<vmem>> -> memref<224xf32, #tpu.memory_space<vmem>>
      %dma_start3A_1424 = tpu.memref_slice %arg4[%add3A_1407] : memref<121856xf32, #tpu.memory_space<hbm>> -> memref<224xf32, #tpu.memory_space<hbm>>
      %dma_start3A_1425 = tpu.memref_slice %arg4[%add3A_1407] : memref<121856xf32, #tpu.memory_space<hbm>> -> memref<224xf32, #tpu.memory_space<hbm>>
      %dma_start3A_1426 = arith.constant 2016 : i32
      %dma_start3A_1427 = tpu.memref_slice %arg9[%dma_start3A_1426] : memref<3808xf32, #tpu.memory_space<vmem>> -> memref<224xf32, #tpu.memory_space<vmem>>
      tpu.enqueue_dma source(%dma_start3A_1427 : memref<224xf32, #tpu.memory_space<vmem>>) target(%dma_start3A_1425 : memref<224xf32, #tpu.memory_space<hbm>>) target_semaphore(%run_scoped3A : memref<!tpu.dma_semaphore, #tpu.memory_space<semaphore_mem>>)
      %dma_wait3A_1428 = arith.constant 2016 : i32
      %dma_wait3A_1429 = tpu.memref_slice %arg9[%dma_wait3A_1428] : memref<3808xf32, #tpu.memory_space<vmem>> -> memref<224xf32, #tpu.memory_space<vmem>>
      %dma_wait3A_1430 = tpu.memref_slice %arg4[%add3A_1407] : memref<121856xf32, #tpu.memory_space<hbm>> -> memref<224xf32, #tpu.memory_space<hbm>>
      %dma_wait3A_1431 = tpu.memref_slice %arg4[%add3A_1407] : memref<121856xf32, #tpu.memory_space<hbm>> -> memref<224xf32, #tpu.memory_space<hbm>>
      %dma_wait3A_1432 = arith.constant 2016 : i32
      %dma_wait3A_1433 = tpu.memref_slice %arg9[%dma_wait3A_1432] : memref<3808xf32, #tpu.memory_space<vmem>> -> memref<224xf32, #tpu.memory_space<vmem>>
      tpu.wait_dma2 semaphore(%run_scoped3A : memref<!tpu.dma_semaphore, #tpu.memory_space<semaphore_mem>>) src(%dma_wait3A_1433 : memref<224xf32, #tpu.memory_space<vmem>>) dst(%dma_wait3A_1431 : memref<224xf32, #tpu.memory_space<hbm>>)
      tpu.yield
    }) : () -> ()
    %add3A_1408 = arith.constant 71680 : i32
    %add3A_1409 = arith.addi %add3A_1408, %mul3A_2 : i32
    "tpu.region"() ({
      %run_scoped3A = tpu.sem_alloc : memref<!tpu.dma_semaphore, #tpu.memory_space<semaphore_mem>>
      %dma_start3A_1422 = arith.constant 2240 : i32
      %dma_start3A_1423 = tpu.memref_slice %arg9[%dma_start3A_1422] : memref<3808xf32, #tpu.memory_space<vmem>> -> memref<224xf32, #tpu.memory_space<vmem>>
      %dma_start3A_1424 = tpu.memref_slice %arg4[%add3A_1409] : memref<121856xf32, #tpu.memory_space<hbm>> -> memref<224xf32, #tpu.memory_space<hbm>>
      %dma_start3A_1425 = tpu.memref_slice %arg4[%add3A_1409] : memref<121856xf32, #tpu.memory_space<hbm>> -> memref<224xf32, #tpu.memory_space<hbm>>
      %dma_start3A_1426 = arith.constant 2240 : i32
      %dma_start3A_1427 = tpu.memref_slice %arg9[%dma_start3A_1426] : memref<3808xf32, #tpu.memory_space<vmem>> -> memref<224xf32, #tpu.memory_space<vmem>>
      tpu.enqueue_dma source(%dma_start3A_1427 : memref<224xf32, #tpu.memory_space<vmem>>) target(%dma_start3A_1425 : memref<224xf32, #tpu.memory_space<hbm>>) target_semaphore(%run_scoped3A : memref<!tpu.dma_semaphore, #tpu.memory_space<semaphore_mem>>)
      %dma_wait3A_1428 = arith.constant 2240 : i32
      %dma_wait3A_1429 = tpu.memref_slice %arg9[%dma_wait3A_1428] : memref<3808xf32, #tpu.memory_space<vmem>> -> memref<224xf32, #tpu.memory_space<vmem>>
      %dma_wait3A_1430 = tpu.memref_slice %arg4[%add3A_1409] : memref<121856xf32, #tpu.memory_space<hbm>> -> memref<224xf32, #tpu.memory_space<hbm>>
      %dma_wait3A_1431 = tpu.memref_slice %arg4[%add3A_1409] : memref<121856xf32, #tpu.memory_space<hbm>> -> memref<224xf32, #tpu.memory_space<hbm>>
      %dma_wait3A_1432 = arith.constant 2240 : i32
      %dma_wait3A_1433 = tpu.memref_slice %arg9[%dma_wait3A_1432] : memref<3808xf32, #tpu.memory_space<vmem>> -> memref<224xf32, #tpu.memory_space<vmem>>
      tpu.wait_dma2 semaphore(%run_scoped3A : memref<!tpu.dma_semaphore, #tpu.memory_space<semaphore_mem>>) src(%dma_wait3A_1433 : memref<224xf32, #tpu.memory_space<vmem>>) dst(%dma_wait3A_1431 : memref<224xf32, #tpu.memory_space<hbm>>)
      tpu.yield
    }) : () -> ()
    %add3A_1410 = arith.constant 78848 : i32
    %add3A_1411 = arith.addi %add3A_1410, %mul3A_2 : i32
    "tpu.region"() ({
      %run_scoped3A = tpu.sem_alloc : memref<!tpu.dma_semaphore, #tpu.memory_space<semaphore_mem>>
      %dma_start3A_1422 = arith.constant 2464 : i32
      %dma_start3A_1423 = tpu.memref_slice %arg9[%dma_start3A_1422] : memref<3808xf32, #tpu.memory_space<vmem>> -> memref<224xf32, #tpu.memory_space<vmem>>
      %dma_start3A_1424 = tpu.memref_slice %arg4[%add3A_1411] : memref<121856xf32, #tpu.memory_space<hbm>> -> memref<224xf32, #tpu.memory_space<hbm>>
      %dma_start3A_1425 = tpu.memref_slice %arg4[%add3A_1411] : memref<121856xf32, #tpu.memory_space<hbm>> -> memref<224xf32, #tpu.memory_space<hbm>>
      %dma_start3A_1426 = arith.constant 2464 : i32
      %dma_start3A_1427 = tpu.memref_slice %arg9[%dma_start3A_1426] : memref<3808xf32, #tpu.memory_space<vmem>> -> memref<224xf32, #tpu.memory_space<vmem>>
      tpu.enqueue_dma source(%dma_start3A_1427 : memref<224xf32, #tpu.memory_space<vmem>>) target(%dma_start3A_1425 : memref<224xf32, #tpu.memory_space<hbm>>) target_semaphore(%run_scoped3A : memref<!tpu.dma_semaphore, #tpu.memory_space<semaphore_mem>>)
      %dma_wait3A_1428 = arith.constant 2464 : i32
      %dma_wait3A_1429 = tpu.memref_slice %arg9[%dma_wait3A_1428] : memref<3808xf32, #tpu.memory_space<vmem>> -> memref<224xf32, #tpu.memory_space<vmem>>
      %dma_wait3A_1430 = tpu.memref_slice %arg4[%add3A_1411] : memref<121856xf32, #tpu.memory_space<hbm>> -> memref<224xf32, #tpu.memory_space<hbm>>
      %dma_wait3A_1431 = tpu.memref_slice %arg4[%add3A_1411] : memref<121856xf32, #tpu.memory_space<hbm>> -> memref<224xf32, #tpu.memory_space<hbm>>
      %dma_wait3A_1432 = arith.constant 2464 : i32
      %dma_wait3A_1433 = tpu.memref_slice %arg9[%dma_wait3A_1432] : memref<3808xf32, #tpu.memory_space<vmem>> -> memref<224xf32, #tpu.memory_space<vmem>>
      tpu.wait_dma2 semaphore(%run_scoped3A : memref<!tpu.dma_semaphore, #tpu.memory_space<semaphore_mem>>) src(%dma_wait3A_1433 : memref<224xf32, #tpu.memory_space<vmem>>) dst(%dma_wait3A_1431 : memref<224xf32, #tpu.memory_space<hbm>>)
      tpu.yield
    }) : () -> ()
    %add3A_1412 = arith.constant 86016 : i32
    %add3A_1413 = arith.addi %add3A_1412, %mul3A_2 : i32
    "tpu.region"() ({
      %run_scoped3A = tpu.sem_alloc : memref<!tpu.dma_semaphore, #tpu.memory_space<semaphore_mem>>
      %dma_start3A_1422 = arith.constant 2688 : i32
      %dma_start3A_1423 = tpu.memref_slice %arg9[%dma_start3A_1422] : memref<3808xf32, #tpu.memory_space<vmem>> -> memref<224xf32, #tpu.memory_space<vmem>>
      %dma_start3A_1424 = tpu.memref_slice %arg4[%add3A_1413] : memref<121856xf32, #tpu.memory_space<hbm>> -> memref<224xf32, #tpu.memory_space<hbm>>
      %dma_start3A_1425 = tpu.memref_slice %arg4[%add3A_1413] : memref<121856xf32, #tpu.memory_space<hbm>> -> memref<224xf32, #tpu.memory_space<hbm>>
      %dma_start3A_1426 = arith.constant 2688 : i32
      %dma_start3A_1427 = tpu.memref_slice %arg9[%dma_start3A_1426] : memref<3808xf32, #tpu.memory_space<vmem>> -> memref<224xf32, #tpu.memory_space<vmem>>
      tpu.enqueue_dma source(%dma_start3A_1427 : memref<224xf32, #tpu.memory_space<vmem>>) target(%dma_start3A_1425 : memref<224xf32, #tpu.memory_space<hbm>>) target_semaphore(%run_scoped3A : memref<!tpu.dma_semaphore, #tpu.memory_space<semaphore_mem>>)
      %dma_wait3A_1428 = arith.constant 2688 : i32
      %dma_wait3A_1429 = tpu.memref_slice %arg9[%dma_wait3A_1428] : memref<3808xf32, #tpu.memory_space<vmem>> -> memref<224xf32, #tpu.memory_space<vmem>>
      %dma_wait3A_1430 = tpu.memref_slice %arg4[%add3A_1413] : memref<121856xf32, #tpu.memory_space<hbm>> -> memref<224xf32, #tpu.memory_space<hbm>>
      %dma_wait3A_1431 = tpu.memref_slice %arg4[%add3A_1413] : memref<121856xf32, #tpu.memory_space<hbm>> -> memref<224xf32, #tpu.memory_space<hbm>>
      %dma_wait3A_1432 = arith.constant 2688 : i32
      %dma_wait3A_1433 = tpu.memref_slice %arg9[%dma_wait3A_1432] : memref<3808xf32, #tpu.memory_space<vmem>> -> memref<224xf32, #tpu.memory_space<vmem>>
      tpu.wait_dma2 semaphore(%run_scoped3A : memref<!tpu.dma_semaphore, #tpu.memory_space<semaphore_mem>>) src(%dma_wait3A_1433 : memref<224xf32, #tpu.memory_space<vmem>>) dst(%dma_wait3A_1431 : memref<224xf32, #tpu.memory_space<hbm>>)
      tpu.yield
    }) : () -> ()
    %add3A_1414 = arith.constant 93184 : i32
    %add3A_1415 = arith.addi %add3A_1414, %mul3A_2 : i32
    "tpu.region"() ({
      %run_scoped3A = tpu.sem_alloc : memref<!tpu.dma_semaphore, #tpu.memory_space<semaphore_mem>>
      %dma_start3A_1422 = arith.constant 2912 : i32
      %dma_start3A_1423 = tpu.memref_slice %arg9[%dma_start3A_1422] : memref<3808xf32, #tpu.memory_space<vmem>> -> memref<224xf32, #tpu.memory_space<vmem>>
      %dma_start3A_1424 = tpu.memref_slice %arg4[%add3A_1415] : memref<121856xf32, #tpu.memory_space<hbm>> -> memref<224xf32, #tpu.memory_space<hbm>>
      %dma_start3A_1425 = tpu.memref_slice %arg4[%add3A_1415] : memref<121856xf32, #tpu.memory_space<hbm>> -> memref<224xf32, #tpu.memory_space<hbm>>
      %dma_start3A_1426 = arith.constant 2912 : i32
      %dma_start3A_1427 = tpu.memref_slice %arg9[%dma_start3A_1426] : memref<3808xf32, #tpu.memory_space<vmem>> -> memref<224xf32, #tpu.memory_space<vmem>>
      tpu.enqueue_dma source(%dma_start3A_1427 : memref<224xf32, #tpu.memory_space<vmem>>) target(%dma_start3A_1425 : memref<224xf32, #tpu.memory_space<hbm>>) target_semaphore(%run_scoped3A : memref<!tpu.dma_semaphore, #tpu.memory_space<semaphore_mem>>)
      %dma_wait3A_1428 = arith.constant 2912 : i32
      %dma_wait3A_1429 = tpu.memref_slice %arg9[%dma_wait3A_1428] : memref<3808xf32, #tpu.memory_space<vmem>> -> memref<224xf32, #tpu.memory_space<vmem>>
      %dma_wait3A_1430 = tpu.memref_slice %arg4[%add3A_1415] : memref<121856xf32, #tpu.memory_space<hbm>> -> memref<224xf32, #tpu.memory_space<hbm>>
      %dma_wait3A_1431 = tpu.memref_slice %arg4[%add3A_1415] : memref<121856xf32, #tpu.memory_space<hbm>> -> memref<224xf32, #tpu.memory_space<hbm>>
      %dma_wait3A_1432 = arith.constant 2912 : i32
      %dma_wait3A_1433 = tpu.memref_slice %arg9[%dma_wait3A_1432] : memref<3808xf32, #tpu.memory_space<vmem>> -> memref<224xf32, #tpu.memory_space<vmem>>
      tpu.wait_dma2 semaphore(%run_scoped3A : memref<!tpu.dma_semaphore, #tpu.memory_space<semaphore_mem>>) src(%dma_wait3A_1433 : memref<224xf32, #tpu.memory_space<vmem>>) dst(%dma_wait3A_1431 : memref<224xf32, #tpu.memory_space<hbm>>)
      tpu.yield
    }) : () -> ()
    %add3A_1416 = arith.constant 100352 : i32
    %add3A_1417 = arith.addi %add3A_1416, %mul3A_2 : i32
    "tpu.region"() ({
      %run_scoped3A = tpu.sem_alloc : memref<!tpu.dma_semaphore, #tpu.memory_space<semaphore_mem>>
      %dma_start3A_1422 = arith.constant 3136 : i32
      %dma_start3A_1423 = tpu.memref_slice %arg9[%dma_start3A_1422] : memref<3808xf32, #tpu.memory_space<vmem>> -> memref<224xf32, #tpu.memory_space<vmem>>
      %dma_start3A_1424 = tpu.memref_slice %arg4[%add3A_1417] : memref<121856xf32, #tpu.memory_space<hbm>> -> memref<224xf32, #tpu.memory_space<hbm>>
      %dma_start3A_1425 = tpu.memref_slice %arg4[%add3A_1417] : memref<121856xf32, #tpu.memory_space<hbm>> -> memref<224xf32, #tpu.memory_space<hbm>>
      %dma_start3A_1426 = arith.constant 3136 : i32
      %dma_start3A_1427 = tpu.memref_slice %arg9[%dma_start3A_1426] : memref<3808xf32, #tpu.memory_space<vmem>> -> memref<224xf32, #tpu.memory_space<vmem>>
      tpu.enqueue_dma source(%dma_start3A_1427 : memref<224xf32, #tpu.memory_space<vmem>>) target(%dma_start3A_1425 : memref<224xf32, #tpu.memory_space<hbm>>) target_semaphore(%run_scoped3A : memref<!tpu.dma_semaphore, #tpu.memory_space<semaphore_mem>>)
      %dma_wait3A_1428 = arith.constant 3136 : i32
      %dma_wait3A_1429 = tpu.memref_slice %arg9[%dma_wait3A_1428] : memref<3808xf32, #tpu.memory_space<vmem>> -> memref<224xf32, #tpu.memory_space<vmem>>
      %dma_wait3A_1430 = tpu.memref_slice %arg4[%add3A_1417] : memref<121856xf32, #tpu.memory_space<hbm>> -> memref<224xf32, #tpu.memory_space<hbm>>
      %dma_wait3A_1431 = tpu.memref_slice %arg4[%add3A_1417] : memref<121856xf32, #tpu.memory_space<hbm>> -> memref<224xf32, #tpu.memory_space<hbm>>
      %dma_wait3A_1432 = arith.constant 3136 : i32
      %dma_wait3A_1433 = tpu.memref_slice %arg9[%dma_wait3A_1432] : memref<3808xf32, #tpu.memory_space<vmem>> -> memref<224xf32, #tpu.memory_space<vmem>>
      tpu.wait_dma2 semaphore(%run_scoped3A : memref<!tpu.dma_semaphore, #tpu.memory_space<semaphore_mem>>) src(%dma_wait3A_1433 : memref<224xf32, #tpu.memory_space<vmem>>) dst(%dma_wait3A_1431 : memref<224xf32, #tpu.memory_space<hbm>>)
      tpu.yield
    }) : () -> ()
    %add3A_1418 = arith.constant 107520 : i32
    %add3A_1419 = arith.addi %add3A_1418, %mul3A_2 : i32
    "tpu.region"() ({
      %run_scoped3A = tpu.sem_alloc : memref<!tpu.dma_semaphore, #tpu.memory_space<semaphore_mem>>
      %dma_start3A_1422 = arith.constant 3360 : i32
      %dma_start3A_1423 = tpu.memref_slice %arg9[%dma_start3A_1422] : memref<3808xf32, #tpu.memory_space<vmem>> -> memref<224xf32, #tpu.memory_space<vmem>>
      %dma_start3A_1424 = tpu.memref_slice %arg4[%add3A_1419] : memref<121856xf32, #tpu.memory_space<hbm>> -> memref<224xf32, #tpu.memory_space<hbm>>
      %dma_start3A_1425 = tpu.memref_slice %arg4[%add3A_1419] : memref<121856xf32, #tpu.memory_space<hbm>> -> memref<224xf32, #tpu.memory_space<hbm>>
      %dma_start3A_1426 = arith.constant 3360 : i32
      %dma_start3A_1427 = tpu.memref_slice %arg9[%dma_start3A_1426] : memref<3808xf32, #tpu.memory_space<vmem>> -> memref<224xf32, #tpu.memory_space<vmem>>
      tpu.enqueue_dma source(%dma_start3A_1427 : memref<224xf32, #tpu.memory_space<vmem>>) target(%dma_start3A_1425 : memref<224xf32, #tpu.memory_space<hbm>>) target_semaphore(%run_scoped3A : memref<!tpu.dma_semaphore, #tpu.memory_space<semaphore_mem>>)
      %dma_wait3A_1428 = arith.constant 3360 : i32
      %dma_wait3A_1429 = tpu.memref_slice %arg9[%dma_wait3A_1428] : memref<3808xf32, #tpu.memory_space<vmem>> -> memref<224xf32, #tpu.memory_space<vmem>>
      %dma_wait3A_1430 = tpu.memref_slice %arg4[%add3A_1419] : memref<121856xf32, #tpu.memory_space<hbm>> -> memref<224xf32, #tpu.memory_space<hbm>>
      %dma_wait3A_1431 = tpu.memref_slice %arg4[%add3A_1419] : memref<121856xf32, #tpu.memory_space<hbm>> -> memref<224xf32, #tpu.memory_space<hbm>>
      %dma_wait3A_1432 = arith.constant 3360 : i32
      %dma_wait3A_1433 = tpu.memref_slice %arg9[%dma_wait3A_1432] : memref<3808xf32, #tpu.memory_space<vmem>> -> memref<224xf32, #tpu.memory_space<vmem>>
      tpu.wait_dma2 semaphore(%run_scoped3A : memref<!tpu.dma_semaphore, #tpu.memory_space<semaphore_mem>>) src(%dma_wait3A_1433 : memref<224xf32, #tpu.memory_space<vmem>>) dst(%dma_wait3A_1431 : memref<224xf32, #tpu.memory_space<hbm>>)
      tpu.yield
    }) : () -> ()
    %add3A_1420 = arith.constant 114688 : i32
    %add3A_1421 = arith.addi %add3A_1420, %mul3A_2 : i32
    "tpu.region"() ({
      %run_scoped3A = tpu.sem_alloc : memref<!tpu.dma_semaphore, #tpu.memory_space<semaphore_mem>>
      %dma_start3A_1422 = arith.constant 3584 : i32
      %dma_start3A_1423 = tpu.memref_slice %arg9[%dma_start3A_1422] : memref<3808xf32, #tpu.memory_space<vmem>> -> memref<224xf32, #tpu.memory_space<vmem>>
      %dma_start3A_1424 = tpu.memref_slice %arg4[%add3A_1421] : memref<121856xf32, #tpu.memory_space<hbm>> -> memref<224xf32, #tpu.memory_space<hbm>>
      %dma_start3A_1425 = tpu.memref_slice %arg4[%add3A_1421] : memref<121856xf32, #tpu.memory_space<hbm>> -> memref<224xf32, #tpu.memory_space<hbm>>
      %dma_start3A_1426 = arith.constant 3584 : i32
      %dma_start3A_1427 = tpu.memref_slice %arg9[%dma_start3A_1426] : memref<3808xf32, #tpu.memory_space<vmem>> -> memref<224xf32, #tpu.memory_space<vmem>>
      tpu.enqueue_dma source(%dma_start3A_1427 : memref<224xf32, #tpu.memory_space<vmem>>) target(%dma_start3A_1425 : memref<224xf32, #tpu.memory_space<hbm>>) target_semaphore(%run_scoped3A : memref<!tpu.dma_semaphore, #tpu.memory_space<semaphore_mem>>)
      %dma_wait3A_1428 = arith.constant 3584 : i32
      %dma_wait3A_1429 = tpu.memref_slice %arg9[%dma_wait3A_1428] : memref<3808xf32, #tpu.memory_space<vmem>> -> memref<224xf32, #tpu.memory_space<vmem>>
      %dma_wait3A_1430 = tpu.memref_slice %arg4[%add3A_1421] : memref<121856xf32, #tpu.memory_space<hbm>> -> memref<224xf32, #tpu.memory_space<hbm>>
      %dma_wait3A_1431 = tpu.memref_slice %arg4[%add3A_1421] : memref<121856xf32, #tpu.memory_space<hbm>> -> memref<224xf32, #tpu.memory_space<hbm>>
      %dma_wait3A_1432 = arith.constant 3584 : i32
      %dma_wait3A_1433 = tpu.memref_slice %arg9[%dma_wait3A_1432] : memref<3808xf32, #tpu.memory_space<vmem>> -> memref<224xf32, #tpu.memory_space<vmem>>
      tpu.wait_dma2 semaphore(%run_scoped3A : memref<!tpu.dma_semaphore, #tpu.memory_space<semaphore_mem>>) src(%dma_wait3A_1433 : memref<224xf32, #tpu.memory_space<vmem>>) dst(%dma_wait3A_1431 : memref<224xf32, #tpu.memory_space<hbm>>)
      tpu.yield
    }) : () -> ()
    return
  }
}

module attributes {stable_mosaic.version = 14 : i64} {
  func.func @_tc_body(%arg0: i32, %arg1: memref<512x16x64xf32, #tpu.memory_space<vmem>>, %arg2: memref<512x64xf32, #tpu.memory_space<vmem>>, %arg3: memref<17x512xf32, #tpu.memory_space<vmem>>) attributes {dimension_semantics = [#tpu.dimension_semantics<arbitrary>], iteration_bounds = array<i64: 18>, scalar_prefetch = 0 : i64, scratch_operands = 0 : i64, tpu.core_type = #tpu.core_type<tc>, window_params = [{transform_indices = @transform_0, window_bounds = array<i64: 512, 16, 64>}, {transform_indices = @transform_1, window_bounds = array<i64: 512, 64>}, {transform_indices = @transform_2, window_bounds = array<i64: 17, 512>}]} {
    %get3A = arith.constant 0 : index
    %get3A_0 = arith.constant 0 : index
    %get3A_1 = vector.load %arg2[%get3A, %get3A_0] : memref<512x64xf32, #tpu.memory_space<vmem>>, vector<512x64xf32>
    %iota3A = tpu.iota {dimensions = array<i32: 1>} : vector<512x64xi32>
    %reduce_max3A = arith.constant dense<0xFF800000> : vector<512xf32>
    %reduce_max3A_2 = vector.multi_reduction <maximumf>, %get3A_1, %reduce_max3A [1] : vector<512x64xf32> to vector<512xf32>
    %broadcast_in_dim3A = vector.shape_cast %reduce_max3A_2 : vector<512xf32> to vector<512x1xf32>
    %eq3A = vector.broadcast %broadcast_in_dim3A : vector<512x1xf32> to vector<512x64xf32>
    %eq3A_3 = arith.cmpf oeq, %get3A_1, %eq3A : vector<512x64xf32>
    %jit3A = arith.constant 64 : i32
    %broadcast_in_dim3A_4 = vector.broadcast %jit3A : i32 to vector<512x64xi32>
    %select_n3A = arith.select %eq3A_3, %iota3A, %broadcast_in_dim3A_4 : vector<512x64xi1>, vector<512x64xi32>
    %reduce_min3A = arith.constant dense<2147483647> : vector<512xi32>
    %reduce_min3A_5 = vector.multi_reduction <minsi>, %select_n3A, %reduce_min3A [1] : vector<512x64xi32> to vector<512xi32>
    %broadcast_in_dim3A_6 = vector.shape_cast %reduce_min3A_5 : vector<512xi32> to vector<512x1xi32>
    %eq3A_7 = vector.broadcast %broadcast_in_dim3A_6 : vector<512x1xi32> to vector<512x64xi32>
    %eq3A_8 = arith.cmpi eq, %iota3A, %eq3A_7 : vector<512x64xi32>
    %convert_element_type3A = arith.extui %eq3A_8 : vector<512x64xi1> to vector<512x64xi32>
    %convert_element_type3A_9 = arith.sitofp %convert_element_type3A : vector<512x64xi32> to vector<512x64xf32>
    %get3A_10 = arith.constant 0 : index
    %get3A_11 = arith.constant 0 : index
    %get3A_12 = arith.constant 0 : index
    %get3A_13 = vector.load %arg1[%get3A_10, %get3A_11, %get3A_12] : memref<512x16x64xf32, #tpu.memory_space<vmem>>, vector<512x16x64xf32>
    %broadcast_in_dim3A_14 = vector.shape_cast %convert_element_type3A_9 : vector<512x64xf32> to vector<512x1x64xf32>
    %mul3A = vector.broadcast %broadcast_in_dim3A_14 : vector<512x1x64xf32> to vector<512x16x64xf32>
    %mul3A_15 = arith.mulf %get3A_13, %mul3A : vector<512x16x64xf32>
    %reduce_sum3A = arith.constant dense<0.000000e+00> : vector<512x16xf32>
    %reduce_sum3A_16 = vector.multi_reduction <add>, %mul3A_15, %reduce_sum3A [2] : vector<512x16x64xf32> to vector<512x16xf32>
    %transpose3A = tpu.transpose %reduce_sum3A_16, [1, 0] : vector<512x16xf32> -> vector<16x512xf32>
    %broadcast_in_dim3A_17 = vector.shape_cast %reduce_min3A_5 : vector<512xi32> to vector<1x512xi32>
    %convert_element_type3A_18 = arith.sitofp %broadcast_in_dim3A_17 : vector<1x512xi32> to vector<1x512xf32>
    %concatenate3A = tpu.concatenate %transpose3A, %convert_element_type3A_18 in 0 : vector<16x512xf32>, vector<1x512xf32> -> vector<17x512xf32>
    %swap3A = arith.constant 0 : index
    %swap3A_19 = arith.constant 0 : index
    %swap3A_20 = vector.load %arg3[%swap3A, %swap3A_19] : memref<17x512xf32, #tpu.memory_space<vmem>>, vector<17x512xf32>
    tpu.vector_store %arg3[%swap3A, %swap3A_19], %concatenate3A {strides = array<i32>} : memref<17x512xf32, #tpu.memory_space<vmem>>, vector<17x512xf32>,
    return
  }
  func.func @transform_0(%arg0: i32) -> (i32, i32, i32) {
    %add3A = arith.constant 14 : i32
    %add3A_0 = arith.addi %arg0, %add3A : i32
    %c0_i32 = arith.constant 0 : i32
    %c0_i32_1 = arith.constant 0 : i32
    %c0_i32_2 = arith.constant 0 : i32
    return %add3A_0, %c0_i32, %c0_i32_1 : i32, i32, i32
  }
  func.func @transform_1(%arg0: i32) -> (i32, i32) {
    %add3A = arith.constant 14 : i32
    %add3A_0 = arith.addi %arg0, %add3A : i32
    %c0_i32 = arith.constant 0 : i32
    %c0_i32_1 = arith.constant 0 : i32
    return %add3A_0, %c0_i32 : i32, i32
  }
  func.func @transform_2(%arg0: i32) -> (i32, i32) {
    %c0_i32 = arith.constant 0 : i32
    %c0_i32_0 = arith.constant 0 : i32
    return %c0_i32, %arg0 : i32, i32
  }
}

</mosaic_0001>

<sc_bundles>
// kernel: kernel.4.cloned.1.call-start
scs
__scs_entry_jumppad:
0x0: {  	(pc) =	sbr.rel $0x88, $3  }
0x1: {  	(tag) =	ssettag $0x0;
	lr =	simm.s32 $0x1  }
0x2: {  	[smem:$0x3F9F] =	sst lr;
	_ =	strace $0xD0000000  }
0x3: {  	_ = 	snop  }
0x4: {  	_ = 	snop  }
0x5: {  	_ = 	snop  }
0x6: {  	_ = 	snop  }
0x7: {  	_ = 	snop  }
__scs_overlays_trampoline_lowered:
0x8: {  	[smem:$0x3FAE] =	sst s0  }
0x9: {  	[smem:$0x3FAF] =	sst s1  }
0xa: {  	[smem:$0x3FB0] =	sst s2  }
0xb: {  	[smem:$0x3FB1] =	sst s3  }
0xc: {  	[smem:$0x3FB2] =	sst s4  }
0xd: {  	[smem:$0x3FB3] =	sst s5  }
0xe: {  	[smem:$0x3FB4] =	sst s6  }
0xf: {  	[smem:$0x3FB5] =	sst s7  }
0x10: {  	[smem:$0x3FB6] =	sst s8  }
0x11: {  	[smem:$0x3FB7] =	sst s9;
	s0 =	simm.s32 @!p0 $0x0  }
0x12: {  	s1 =	sld [smem:$0x3F9D];
	s0 =	simm.s32 @p0 $0x1  }
0x13: {  	[smem:$0x3FB8] =	sst s0;
	s0 =	simm.s32 @!p1 $0x0  }
0x14: {  	s2 =	sld [smem:$0x3F9C];
	s0 =	simm.s32 @p1 $0x1  }
0x15: {  	[smem:$0x3FB9] =	sst s0;
	s0 =	simm.s32 @!p2 $0x0  }
0x16: {  	s3 =	sld [smem:$0x3FDB];
	s0 =	simm.s32 @p2 $0x1  }
0x17: {  	s4 =	simm.s32 $0x1BF5;
	[smem:$0x3FBB] =	sst s0  }
0x18: {  	s0 =	sld [smem:$0x3F9E];
	_ =	swait.ge [sflag:s4], $0x0  }
0x19: {  	s7 =	sld [smem:$0x3F9F]  }
0x1a: {  	s8 =	sadd.s32 $0xFFFFE003, lr  }
0x1b: {  	s9 =	sadd.s32 $0xFFFFFEF7, lr;
	s5 =	simm.s32 $0xFFFFFFFF;
	p2 =	slt.u32 s8, $0xFFFFF086  }
0x1c: {  	p1 =	slt.u32 s9, $0xF7A;
	s5 =	simm.s32 @!p2 $0x0  }
0x1d: {  	s5 =	simm.s32 @p1 $0x1;
	p0 =	seq.s32 s7, s2  }
0x1e: {  	s7 =	smul.u32 @!p0 $0xF7A, s2;
	p2 =	seq.s32 @!p0 s5, $0x0  }
0x1f: {  	s9 =	smul.u32 $0xF7A, s1;
	s8 =	simm.s32 @!p0 $0x1BF5;
	p2 =	por !p2, p0  }
0x20: {  	[sflag:s8] =	ssyncset.s32 @!p0 $0xFFFFF086;
	s6 =	sadd.s32 @!p0 s3, s7;
	s7 =	simm.s32 @!p0 $0x108  }
0x21: {  	s3 =	sadd.s32 s3, s9;
	s6 =	sadd.s32 @!p0 $0x88, s6;
	s7 =	simm.s32 @p2 $0x1082  }
0x22: {  	[simem:s7], [sflag:s8] =	dma.local @!p0 [hbm:s6], $0xF7A  }
0x23: {  	s9 =	sor.u32 $0xD0000000, s2;
	s6 =	simm.s32 $0x108;
	_ =	swait.ge @!p0 [sflag:s8], $0x0  }
0x24: {  	s3 =	sadd.s32 $0x88, s3;
	s6 =	simm.s32 @!p1 $0x1082;
	[sflag:s4] =	ssyncset.s32 $0xFFFFF086  }
0x25: {  	[simem:s6], [sflag:s4] =	dma.local [hbm:s3], $0xF7A  }
0x26: {  	[smem:$0x3F9F] =	sst s1;
	(tag) =	ssettag s2;
	_ =	strace s9  }
0x27: {  	s1 =	sld [smem:$0x3FAF]  }
0x28: {  	s2 =	sld [smem:$0x3FB0]  }
0x29: {  	s4 =	sld [smem:$0x3FB2]  }
0x2a: {  	p0 =	seq.s32 s5, $0x0;
	s5 =	sld [smem:$0x3FB3]  }
0x2b: {  	s6 =	sld [smem:$0x3FB4]  }
0x2c: {  	s7 =	sld [smem:$0x3FB5]  }
0x2d: {  	s3 =	simm.s32 $0x108;
	s8 =	sld [smem:$0x3FB6]  }
0x2e: {  	s3 =	simm.s32 @!p0 $0x1082;
	s9 =	sld [smem:$0x3FB7]  }
0x2f: {  	lr =	sadd.s32 s0, s3;
	s0 =	sld [smem:$0x3FAE]  }
0x30: {  	s3 =	sld [smem:$0x3FB1]  }
0x31: {  	[smem:$0x3FBA] =	sst s10  }
0x32: {  	s10 =	sld [smem:$0x3FB8];
	_ =	sdelay $0x3  }
0x33: {  	p0 =	seq.s32 s10, $0x1;
	s10 =	sld [smem:$0x3FBA];
	_ =	sdelay $0x3  }
0x34: {  	[smem:$0x3FBA] =	sst s10  }
0x35: {  	s10 =	sld [smem:$0x3FB9];
	_ =	sdelay $0x3  }
0x36: {  	p1 =	seq.s32 s10, $0x1;
	s10 =	sld [smem:$0x3FBA];
	_ =	sdelay $0x3  }
0x37: {  	[smem:$0x3FBA] =	sst s10  }
0x38: {  	s10 =	sld [smem:$0x3FBB]  }
0x39: {  	_ = 	snop;
	(pc) =	sbr.ind lr, $3  }
0x3a: {  	_ = 	snop  }
0x3b: {  	_ = 	snop  }
0x3c: {  	p2 =	seq.s32 s10, $0x1;
	s10 =	sld [smem:$0x3FBA]  }
0x3d: {  	_ =	shalt  }
0x3e: {  	_ =	shalt  }
0x3f: {  	_ =	shalt  }
0x40: {  	_ =	shalt  }
0x41: {  	_ =	shalt  }
0x42: {  	_ =	shalt  }
0x43: {  	_ =	shalt  }
0x44: {  	_ =	shalt  }
0x45: {  	_ =	shalt  }
0x46: {  	_ =	shalt  }
0x47: {  	_ =	shalt  }
0x48: {  	_ =	shalt  }
0x49: {  	_ =	shalt  }
0x4a: {  	_ =	shalt  }
0x4b: {  	_ =	shalt  }
0x4c: {  	_ =	shalt  }
0x4d: {  	_ =	shalt  }
0x4e: {  	_ =	shalt  }
0x4f: {  	_ =	shalt  }
0x50: {  	_ =	shalt  }
0x51: {  	_ =	shalt  }
0x52: {  	_ =	shalt  }
0x53: {  	_ =	shalt  }
0x54: {  	_ =	shalt  }
0x55: {  	_ =	shalt  }
0x56: {  	_ =	shalt  }
0x57: {  	_ =	shalt  }
0x58: {  	_ =	shalt  }
0x59: {  	_ =	shalt  }
0x5a: {  	_ =	shalt  }
0x5b: {  	_ =	shalt  }
0x5c: {  	_ =	shalt  }
0x5d: {  	_ =	shalt  }
0x5e: {  	_ =	shalt  }
0x5f: {  	_ =	shalt  }
0x60: {  	_ =	shalt  }
0x61: {  	_ =	shalt  }
0x62: {  	_ =	shalt  }
0x63: {  	_ =	shalt  }
0x64: {  	_ =	shalt  }
0x65: {  	_ =	shalt  }
0x66: {  	_ =	shalt  }
0x67: {  	_ =	shalt  }
0x68: {  	_ =	shalt  }
0x69: {  	_ =	shalt  }
0x6a: {  	_ =	shalt  }
0x6b: {  	_ =	shalt  }
0x6c: {  	_ =	shalt  }
0x6d: {  	_ =	shalt  }
0x6e: {  	_ =	shalt  }
0x6f: {  	_ =	shalt  }
0x70: {  	_ =	shalt  }
0x71: {  	_ =	shalt  }
0x72: {  	_ =	shalt  }
0x73: {  	_ =	shalt  }
0x74: {  	_ =	shalt  }
0x75: {  	_ =	shalt  }
0x76: {  	_ =	shalt  }
0x77: {  	_ =	shalt  }
0x78: {  	_ =	shalt  }
0x79: {  	_ =	shalt  }
0x7a: {  	_ =	shalt  }
0x7b: {  	_ =	shalt  }
0x7c: {  	_ =	shalt  }
0x7d: {  	_ =	shalt  }
0x7e: {  	_ =	shalt  }
0x7f: {  	_ =	shalt  }
0x80: {  	_ =	shalt  }
0x81: {  	_ =	shalt  }
0x82: {  	_ =	shalt  }
0x83: {  	_ =	shalt  }
0x84: {  	_ =	shalt  }
0x85: {  	_ =	shalt  }
0x86: {  	_ =	shalt  }
0x87: {  	_ =	shalt  }
.Lfunc_end0:
.L_simem_size_0:
called_computation_lowered:
.L_overlay_start_0:
0x88: {  	s2 =	sld [smem:$0x3FD9]  }
0x89: {  	s3 =	sld [smem:$0x3FFE];
	_ =	sdelay $0x1  }
0x8a: {  	s1 =	srdreg.scid  }
0x8b: {  	s0 =	sand.u32 $0x1, s1  }
0x8c: {  	s18 =	sshll.u32 s0, $0xA;
	s2 =	sadd.s32 s3, s2  }
0x8d: {  	s2 =	sadd.s32 s2, s18  }
0x8e: {  	[smem:$0x3FC6] =	sst s2  }
0x8f: {  	_ = 	snop  }
0x90: {  	s2 =	sld [smem:$0x3FC9]  }
0x91: {  	s19 =	sld [smem:$0x3FC8]  }
0x92: {  	s4 =	sld [smem:$0x3FD0];
	(tm) =	ssettm $0x1  }
0x93: {  	s5 =	sld [smem:$0x3FFB];
	_ =	sdelay $0x3  }
0x94: {  	_ =	strace s5  }
0x95: {  	s5 =	sld [smem:$0x3FFC];
	_ =	sdelay $0x3  }
0x96: {  	_ =	strace s5  }
0x97: {  	s5 =	sld [smem:$0x3FFD];
	_ =	sdelay $0x3  }
0x98: {  	_ =	strace s5  }
0x99: {  	_ =	strace $0x8FFFFFFF  }
0x9a: {  	s20 =	sld [smem:$0x3FDB];
	_ =	sdelay $0x1  }
0x9b: {  	s6 =	simm.s32 $_scs_section_size  }
0x9c: {  	s7 =	simm.s32 $_size__tile_overlayer_lowered;
	s8 =	simm.s32 $_tile_overlayer_lowered  }
0x9d: {  	s23 =	simm.s32 $0x1BFF;
	s22 =	sshll.u32 s8, $0x1;
	s5 =	sadd.s32 s6, s20  }
0x9e: {  	s9 =	simm.s32 $0x0;
	s21 =	sshll.u32 s7, $0x1;
	s7 =	sadd.s32 s22, s5  }
0x9f: {  	[timem:s9], [sflag:s23] =	dma.local [hbm:s7], s21  }
0xa0: {  	_ =	swait.ge [sflag:s23], s21  }
0xa1: {  	s6 =	ssub.s32 $0x0, s21;
	[sflag:s23] =	ssyncset.done $0x0  }
0xa2: {  	[sflag:s23] =	ssyncadd.s32 s6;
	_ =	sdelay $0x1  }
0xa3: {  	s24 =	simm.s32 $0x1B8B  }
0xa4: {  	_ =	swait.ge [sflag:s24], $0x1  }
0xa5: {  	[sflag:s24] =	ssyncset.done $0x0  }
0xa6: {  	s25 =	simm.s32 $0x1B8E;
	[sflag:s24] =	ssyncadd.s32 $0xFFFFFFFF  }
0xa7: {  	s26 =	simm.s32 $execute0_lowered;
	[smem:$0x3FD2] =	sst s25  }
0xa8: {  	s6 =	sshll.u32 s26, $0x1;
	_ =	strace $0x80000046;
	[dreg:$0x1] =	wrdreg $0xFFFFFFFF  }
0xa9: {  	s28 =	simm.s32 $_size_execute0_lowered;
	s5 =	sadd.s32 s5, s6;
	[dreg:$0x0] =	wrdreg $0x0  }
0xaa: {  	s6 =	sshll.u32 s28, $0x1;
	[dreg:$0x2] =	wrdreg s5  }
0xab: {  	[dreg:$0x3] =	wrdreg s6  }
0xac: {  	[dreg:$0x4] =	wrdreg $0xC0  }
0xad: {  	_ =	task [dreg:s9], $0x5FFFF  }
0xae: {  	[dreg:$0x1] =	wrdreg $0xFFFFFFFF  }
0xaf: {  	[dreg:$0x0] =	wrdreg $0x60  }
0xb0: {  	[dreg:$0x2] =	wrdreg s2  }
0xb1: {  	[dreg:$0x3] =	wrdreg s19  }
0xb2: {  	[dreg:$0x4] =	wrdreg s4  }
0xb3: {  	[dreg:$0x5] =	wrdreg $0x9  }
0xb4: {  	_ =	task.clear_ibuf [dreg:s9], $0x6FFFF;
	_ =	strace $0x90000046  }
0xb5: {  	s29 =	simm.s32 $0x9;
	_ =	strace $0x80000048  }
0xb6: {  	_ =	swait.ge [sflag:s29], $0x1  }
0xb7: {  	[sflag:s29] =	ssyncadd.s32 $0xFFFFFFFF  }
0xb8: {  	_ =	strace $0x90000048  }
0xb9: {  	_ =	sfence  }
0xba: {  	s30 =	sld [smem:$0x0];
	_ =	sdelay $0x2  }
0xbb: {  	s31 =	sshll.u32 s1, $0xD;
	s1 =	sshrl.u32 s1, $0x2  }
0xbc: {  	s3 =	sand.u32 $0x4000, s31;
	s1 =	sadd.s32 s1, s30  }
0xbd: {  	s0 =	sor.u32 s3, s0;
	s1 =	sshll.u32 s1, $0x11  }
0xbe: {  	s0 =	sor.u32 s1, s0  }
0xbf: {  	s0 =	sadd.s32 $0x8F2B, s0  }
0xc0: {  	[sflag:s0] =	ssyncadd.remote.s32 $0x1  }
0xc1: {  	_ =	sfence.sel $0xFFFF  }
0xc2: {  	[dreg:$0x0] =	wrdreg $0xFFFFFFFF;
	(pc) =	sbr.abs _section_cstart, $3  }
0xc3: {  	[dreg:$0x1] =	wrdreg $0xFFFFFFFF  }
0xc4: {  	_ =	task.clear_ibuf [dreg:s9], $0x2FFFF;
	_ =	strace $0x9FFFFFFF  }
0xc5: {  	(tm) =	ssettm $0x7FFFFFFF  }
tec
execute0_lowered:
.L_overlay_start_1:
0x0: {  	(tag) =	ssettag $0x1  }
0x1: {  	s2 =	srdreg.scid;
	s5 =	stileid.u32  }
0x2: {  	s3 =	sand.u32 $0x1, s2;
	s5 =	sshll.u32 s5, $0x1  }
0x3: {  	s0 =	rddreg [dreg:$0x0];
	s5 =	sor.u32 s3, s5  }
0x4: {  	s1 =	rddreg [dreg:$0x1];
	s6 =	smul.u32 $0x70000, s5  }
0x5: {  	s2 =	simm.s32 $0x0;
	s3 =	ssub.s32 $0x2, s3;
	s8 =	smul.u32 $0xE000, s5  }
0x6: {  	[smem:$0x7FF] =	sst s2;
	s7 =	sshrl.u32 s3, $0x1;
	s9 =	smul.u32 $0xE00, s5  }
0x7: {  	s4 =	rddreg [dreg:$0x2];
	_ =	strace $0x80000047;
	s7 =	ssub.s32 s3, s7  }
0x8: {  	s6 =	sshrl.u32 s6, $0x3;
	s3 =	sadd.s32 s0, s8;
	s1 =	sadd.s32 s1, s9  }
0x9: {  	s0 =	sadd.s32 s0, s6;
	[dreg:$0x4] =	wrdreg s1;
	s14 =	sadd.s32 $0x1000, s3  }
0xa: {  	[dreg:$0x5] =	wrdreg s14;
	s15 =	sadd.s32 $0x2000, s0  }
0xb: {  	s16 =	sadd.s32 $0x3000, s0;
	[dreg:$0x6] =	wrdreg s15  }
0xc: {  	s17 =	sadd.s32 $0x4000, s0;
	[dreg:$0x7] =	wrdreg s16  }
0xd: {  	s18 =	sadd.s32 $0x5000, s0;
	[dreg:$0x8] =	wrdreg s17  }
0xe: {  	s19 =	sadd.s32 $0x6000, s0;
	[dreg:$0x9] =	wrdreg s18  }
0xf: {  	s10 =	simm.s32 $0xF100;
	s20 =	sadd.s32 $0x7000, s0;
	[dreg:$0xa] =	wrdreg s19  }
0x10: {  	s11 =	simm.s32 $0x1;
	s21 =	sadd.s32 $0x8000, s0;
	[dreg:$0xb] =	wrdreg s20  }
0x11: {  	s12 =	simm.s32 $0x2;
	s22 =	sadd.s32 $0x9000, s0;
	[dreg:$0xc] =	wrdreg s21  }
0x12: {  	s5 =	smul.u32 $0xE0, s5;
	s23 =	sadd.s32 $0xA000, s0;
	[dreg:$0xd] =	wrdreg s22  }
0x13: {  	s13 =	simm.s32 $0x0;
	s25 =	sadd.s32 $0xB000, s0;
	[dreg:$0xe] =	wrdreg s23  }
0x14: {  	s24 =	sshrl.u32 s5, $0x3;
	s26 =	sadd.s32 $0xC000, s0;
	[dreg:$0xf] =	wrdreg s25  }
0x15: {  	s8 =	simm.s32 $0x3;
	s0 =	sadd.s32 $0xD000, s0;
	[dreg:$0x10] =	wrdreg s26  }
0x16: {  	s9 =	simm.s32 $0x7000;
	s17 =	sadd.s32 s4, s24;
	[dreg:$0x11] =	wrdreg s0  }
0x17: {  	s25 =	smax.u32 s7, $0x1;
	s7 =	simm.s32 $0x7100;
	s19 =	sadd.s32 $0x380, s17  }
0x18: {  	s20 =	sadd.s32 $0x700, s17;
	s21 =	sadd.s32 $0xA80, s17;
	s22 =	sadd.s32 $0xE00, s17  }
0x19: {  	s23 =	sadd.s32 $0x1180, s17;
	s24 =	sadd.s32 $0x1500, s17;
	s26 =	sadd.s32 $0x1880, s17  }
0x1a: {  	s28 =	sadd.s32 $0x1C00, s17;
	s29 =	sadd.s32 $0x1F80, s17;
	s30 =	sadd.s32 $0x2300, s17  }
0x1b: {  	s31 =	sadd.s32 $0x2680, s17;
	s1 =	sadd.s32 $0x2A00, s17;
	s0 =	sadd.s32 $0x2D80, s17  }
0x1c: {  	v0 =	vlaneseq.u32;
	v1 =	vimm.s32 $0x0;
	s4 =	sadd.s32 $0x3100, s17;
	s5 =	sadd.s32 $0x3480, s17;
	s6 =	sadd.s32 $0x3800, s17  }
.LBB2_1:
0x1d: {  	[tilespmem:s7], [sflag:$0x1] =	stream.linear.gather [hbm4b:s3+s2], $0x8000, $0x38;
	v4 =	vor.u32 s2, v0;
	[tilespmem:$0x18000] =	vst v63  }
0x1e: {  	s14 =	rddreg [dreg:$0x4];
	v2 =	vshll.u32 v4, $0x7  }
0x1f: {  	[tilespmem:s2], [sflag:$0x3] =	stream.linear.gather [hbm4b:s14+s2], $0x7000, $0x38;
	v3 =	vor.u32 $0x1, v2;
	[tilespmem:$0x18000] =	vst v63  }
0x20: {  	_ =	swait.ge [sflag:s8], $0x7000  }
0x21: {  	v5 =	vor.u32 $0x2, v2;
	[sflag:s8] =	ssyncset.done $0x0  }
0x22: {  	[sflag:s8] =	ssyncadd.s32 $0xFFFF9000  }
0x23: {  	v6 =	vor.u32 $0x3, v2;
	v7 =	vld.idx.msk [tilespmem:v2+s2+$0x0], $0xffff  }
0x24: {  	v3 =	vld.idx.msk [tilespmem:v3+s2+$0x0], $0xffff  }
0x25: {  	v8 =	vor.u32 $0x4, v2  }
0x26: {  	v5 =	vld.idx.msk [tilespmem:v5+s2+$0x0], $0xffff  }
0x27: {  	v9 =	vor.u32 $0x5, v2  }
0x28: {  	v6 =	vld.idx.msk [tilespmem:v6+s2+$0x0], $0xffff  }
0x29: {  	v10 =	vor.u32 $0x6, v2;
	vm0 =	vgt.f32 v3, v7  }
0x2a: {  	v8 =	vld.idx.msk [tilespmem:v8+s2+$0x0], $0xffff;
	v3 =	vsel vm0, v3, v7  }
0x2b: {  	v7 =	vor.u32 $0x7, v2;
	vm1 =	vgt.f32 v5, v3  }
0x2c: {  	v9 =	vld.idx.msk [tilespmem:v9+s2+$0x0], $0xffff;
	v3 =	vsel vm1, v5, v3  }
0x2d: {  	v5 =	vor.u32 $0x8, v2;
	vm2 =	vgt.f32 v6, v3  }
0x2e: {  	v10 =	vld.idx.msk [tilespmem:v10+s2+$0x0], $0xffff;
	v3 =	vsel vm2, v6, v3  }
0x2f: {  	v6 =	vor.u32 $0x9, v2;
	vm3 =	vgt.f32 v8, v3  }
0x30: {  	v7 =	vld.idx.msk [tilespmem:v7+s2+$0x0], $0xffff;
	v3 =	vsel vm3, v8, v3  }
0x31: {  	v8 =	vor.u32 $0xA, v2;
	vm4 =	vgt.f32 v9, v3  }
0x32: {  	v5 =	vld.idx.msk [tilespmem:v5+s2+$0x0], $0xffff;
	v3 =	vsel vm4, v9, v3  }
0x33: {  	v9 =	vor.u32 $0xB, v2;
	vm5 =	vgt.f32 v10, v3  }
0x34: {  	v6 =	vld.idx.msk [tilespmem:v6+s2+$0x0], $0xffff;
	v3 =	vsel vm5, v10, v3  }
0x35: {  	v10 =	vor.u32 $0xC, v2;
	vm6 =	vgt.f32 v7, v3  }
0x36: {  	v8 =	vld.idx.msk [tilespmem:v8+s2+$0x0], $0xffff;
	v3 =	vsel vm6, v7, v3  }
0x37: {  	v7 =	vor.u32 $0xD, v2;
	vm7 =	vgt.f32 v5, v3  }
0x38: {  	v9 =	vld.idx.msk [tilespmem:v9+s2+$0x0], $0xffff;
	v3 =	vsel vm7, v5, v3  }
0x39: {  	v5 =	vor.u32 $0xE, v2;
	vm8 =	vgt.f32 v6, v3  }
0x3a: {  	v10 =	vld.idx.msk [tilespmem:v10+s2+$0x0], $0xffff;
	v3 =	vsel vm8, v6, v3  }
0x3b: {  	v6 =	vor.u32 $0xF, v2;
	vm9 =	vgt.f32 v8, v3  }
0x3c: {  	v7 =	vld.idx.msk [tilespmem:v7+s2+$0x0], $0xffff;
	v3 =	vsel vm9, v8, v3  }
0x3d: {  	v8 =	vor.u32 $0x10, v2;
	vm10 =	vgt.f32 v9, v3  }
0x3e: {  	v11 =	vimm.s32 $0x0;
	v5 =	vld.idx.msk [tilespmem:v5+s2+$0x0], $0xffff;
	v3 =	vsel vm10, v9, v3  }
0x3f: {  	v11 =	vsel vm10, $0xFFFFFFFF, v11;
	v9 =	vor.u32 $0x11, v2;
	vm10 =	vgt.f32 v10, v3  }
0x40: {  	[tilespmem:$0x1FEA0] =	vst v11;
	v11 =	vimm.s32 $0x0;
	v6 =	vld.idx.msk [tilespmem:v6+s2+$0x0], $0xffff;
	v3 =	vsel vm10, v10, v3  }
0x41: {  	v11 =	vsel vm10, $0xFFFFFFFF, v11;
	v10 =	vor.u32 $0x12, v2;
	vm10 =	vgt.f32 v7, v3  }
0x42: {  	[tilespmem:$0x1FEB0] =	vst v11;
	v11 =	vimm.s32 $0x0;
	v8 =	vld.idx.msk [tilespmem:v8+s2+$0x0], $0xffff;
	v3 =	vsel vm10, v7, v3  }
0x43: {  	v11 =	vsel vm10, $0xFFFFFFFF, v11;
	v7 =	vor.u32 $0x13, v2;
	vm10 =	vgt.f32 v5, v3  }
0x44: {  	[tilespmem:$0x1FEC0] =	vst v11;
	v11 =	vimm.s32 $0x0;
	v9 =	vld.idx.msk [tilespmem:v9+s2+$0x0], $0xffff;
	v3 =	vsel vm10, v5, v3  }
0x45: {  	v11 =	vsel vm10, $0xFFFFFFFF, v11;
	v5 =	vor.u32 $0x14, v2;
	vm10 =	vgt.f32 v6, v3  }
0x46: {  	[tilespmem:$0x1FED0] =	vst v11;
	v11 =	vimm.s32 $0x0;
	v10 =	vld.idx.msk [tilespmem:v10+s2+$0x0], $0xffff;
	v3 =	vsel vm10, v6, v3  }
0x47: {  	v11 =	vsel vm10, $0xFFFFFFFF, v11;
	v6 =	vor.u32 $0x15, v2;
	vm10 =	vgt.f32 v8, v3  }
0x48: {  	[tilespmem:$0x1FEE0] =	vst v11;
	v11 =	vimm.s32 $0x0;
	v7 =	vld.idx.msk [tilespmem:v7+s2+$0x0], $0xffff;
	v3 =	vsel vm10, v8, v3  }
0x49: {  	v11 =	vsel vm10, $0xFFFFFFFF, v11;
	v8 =	vor.u32 $0x16, v2;
	vm10 =	vgt.f32 v9, v3  }
0x4a: {  	[tilespmem:$0x1FEF0] =	vst v11;
	v11 =	vimm.s32 $0x0;
	v5 =	vld.idx.msk [tilespmem:v5+s2+$0x0], $0xffff;
	v3 =	vsel vm10, v9, v3  }
0x4b: {  	v11 =	vsel vm10, $0xFFFFFFFF, v11;
	v9 =	vor.u32 $0x17, v2;
	vm10 =	vgt.f32 v10, v3  }
0x4c: {  	[tilespmem:$0x1FF00] =	vst v11;
	v11 =	vimm.s32 $0x0;
	v6 =	vld.idx.msk [tilespmem:v6+s2+$0x0], $0xffff;
	v3 =	vsel vm10, v10, v3  }
0x4d: {  	v11 =	vsel vm10, $0xFFFFFFFF, v11;
	v10 =	vor.u32 $0x18, v2;
	vm10 =	vgt.f32 v7, v3  }
0x4e: {  	[tilespmem:$0x1FF10] =	vst v11;
	v11 =	vimm.s32 $0x0;
	v8 =	vld.idx.msk [tilespmem:v8+s2+$0x0], $0xffff;
	v3 =	vsel vm10, v7, v3  }
0x4f: {  	v11 =	vsel vm10, $0xFFFFFFFF, v11;
	v7 =	vor.u32 $0x19, v2;
	vm10 =	vgt.f32 v5, v3  }
0x50: {  	[tilespmem:$0x1FF20] =	vst v11;
	v11 =	vimm.s32 $0x0;
	v9 =	vld.idx.msk [tilespmem:v9+s2+$0x0], $0xffff;
	v3 =	vsel vm10, v5, v3  }
0x51: {  	v11 =	vsel vm10, $0xFFFFFFFF, v11;
	v5 =	vor.u32 $0x1A, v2;
	vm10 =	vgt.f32 v6, v3  }
0x52: {  	[tilespmem:$0x1FF30] =	vst v11;
	v11 =	vimm.s32 $0x0;
	v10 =	vld.idx.msk [tilespmem:v10+s2+$0x0], $0xffff;
	v3 =	vsel vm10, v6, v3  }
0x53: {  	v11 =	vsel vm10, $0xFFFFFFFF, v11;
	v6 =	vor.u32 $0x1B, v2;
	vm10 =	vgt.f32 v8, v3  }
0x54: {  	[tilespmem:$0x1FF40] =	vst v11;
	v11 =	vimm.s32 $0x0;
	v7 =	vld.idx.msk [tilespmem:v7+s2+$0x0], $0xffff;
	v3 =	vsel vm10, v8, v3  }
0x55: {  	v11 =	vsel vm10, $0xFFFFFFFF, v11;
	v8 =	vor.u32 $0x1C, v2;
	vm10 =	vgt.f32 v9, v3  }
0x56: {  	[tilespmem:$0x1FF50] =	vst v11;
	v11 =	vimm.s32 $0x0;
	v5 =	vld.idx.msk [tilespmem:v5+s2+$0x0], $0xffff;
	v3 =	vsel vm10, v9, v3  }
0x57: {  	v11 =	vsel vm10, $0xFFFFFFFF, v11;
	v9 =	vor.u32 $0x1D, v2;
	vm10 =	vgt.f32 v10, v3  }
0x58: {  	[tilespmem:$0x1FF60] =	vst v11;
	v11 =	vimm.s32 $0x0;
	v6 =	vld.idx.msk [tilespmem:v6+s2+$0x0], $0xffff;
	v3 =	vsel vm10, v10, v3  }
0x59: {  	v11 =	vsel vm10, $0xFFFFFFFF, v11;
	v10 =	vor.u32 $0x1E, v2;
	vm10 =	vgt.f32 v7, v3  }
0x5a: {  	[tilespmem:$0x1FF70] =	vst v11;
	v11 =	vimm.s32 $0x0;
	v8 =	vld.idx.msk [tilespmem:v8+s2+$0x0], $0xffff;
	v3 =	vsel vm10, v7, v3  }
0x5b: {  	v11 =	vsel vm10, $0xFFFFFFFF, v11;
	v7 =	vor.u32 $0x1F, v2;
	vm10 =	vgt.f32 v5, v3  }
0x5c: {  	[tilespmem:$0x1FF80] =	vst v11;
	v11 =	vimm.s32 $0x0;
	v9 =	vld.idx.msk [tilespmem:v9+s2+$0x0], $0xffff;
	v3 =	vsel vm10, v5, v3  }
0x5d: {  	v11 =	vsel vm10, $0xFFFFFFFF, v11;
	v5 =	vor.u32 $0x20, v2;
	vm10 =	vgt.f32 v6, v3  }
0x5e: {  	[tilespmem:$0x1FF90] =	vst v11;
	v11 =	vimm.s32 $0x0;
	v10 =	vld.idx.msk [tilespmem:v10+s2+$0x0], $0xffff;
	v3 =	vsel vm10, v6, v3  }
0x5f: {  	v11 =	vsel vm10, $0xFFFFFFFF, v11;
	v6 =	vor.u32 $0x21, v2;
	vm10 =	vgt.f32 v8, v3  }
0x60: {  	[tilespmem:$0x1FFA0] =	vst v11;
	v11 =	vimm.s32 $0x0;
	v7 =	vld.idx.msk [tilespmem:v7+s2+$0x0], $0xffff;
	v3 =	vsel vm10, v8, v3  }
0x61: {  	v11 =	vsel vm10, $0xFFFFFFFF, v11;
	v8 =	vor.u32 $0x22, v2;
	vm10 =	vgt.f32 v9, v3  }
0x62: {  	[tilespmem:$0x1FFB0] =	vst v11;
	v11 =	vimm.s32 $0x0;
	v5 =	vld.idx.msk [tilespmem:v5+s2+$0x0], $0xffff;
	v3 =	vsel vm10, v9, v3  }
0x63: {  	v11 =	vsel vm10, $0xFFFFFFFF, v11;
	v9 =	vor.u32 $0x23, v2;
	vm10 =	vgt.f32 v10, v3  }
0x64: {  	[tilespmem:$0x1FFC0] =	vst v11;
	v11 =	vimm.s32 $0x0;
	v6 =	vld.idx.msk [tilespmem:v6+s2+$0x0], $0xffff;
	v3 =	vsel vm10, v10, v3  }
0x65: {  	v11 =	vsel vm10, $0xFFFFFFFF, v11;
	v10 =	vor.u32 $0x24, v2;
	vm10 =	vgt.f32 v7, v3  }
0x66: {  	[tilespmem:$0x1FFD0] =	vst v11;
	v11 =	vimm.s32 $0x0;
	v8 =	vld.idx.msk [tilespmem:v8+s2+$0x0], $0xffff;
	v3 =	vsel vm10, v7, v3  }
0x67: {  	v11 =	vsel vm10, $0xFFFFFFFF, v11;
	v7 =	vor.u32 $0x25, v2;
	vm10 =	vgt.f32 v5, v3  }
0x68: {  	v9 =	vld.idx.msk [tilespmem:v9+s2+$0x0], $0xffff;
	v3 =	vsel vm10, v5, v3  }
0x69: {  	[tilespmem:$0x1FFE0] =	vst v11;
	v11 =	vimm.s32 $0x0;
	vm14 =	vgt.f32 v6, v3  }
0x6a: {  	v11 =	vsel vm10, $0xFFFFFFFF, v11;
	v10 =	vld.idx.msk [tilespmem:v10+s2+$0x0], $0xffff;
	v3 =	vsel vm14, v6, v3  }
0x6b: {  	[tilespmem:$0x1FFF0] =	vst v11;
	v11 =	vsel vm0, $0x1, v1;
	vm13 =	vgt.f32 v8, v3  }
0x6c: {  	v5 =	vsel vm1, $0x2, v11;
	v11 =	vor.u32 $0x26, v2;
	v7 =	vld.idx.msk [tilespmem:v7+s2+$0x0], $0xffff;
	v3 =	vsel vm13, v8, v3  }
0x6d: {  	vm12 =	vgt.f32 v9, v3  }
0x6e: {  	v3 =	vsel vm12, v9, v3  }
0x6f: {  	v6 =	vor.u32 $0x27, v2;
	v5 =	vsel vm2, $0x3, v5;
	vm11 =	vgt.f32 v10, v3  }
0x70: {  	v12 =	vld [tilespmem:$0x1FEA0];
	v5 =	vsel vm3, $0x4, v5;
	v3 =	vsel vm11, v10, v3  }
0x71: {  	v5 =	vsel vm4, $0x5, v5;
	v11 =	vld.idx.msk [tilespmem:v11+s2+$0x0], $0xffff;
	vm10 =	vgt.f32 v7, v3  }
0x72: {  	v5 =	vsel vm5, $0x6, v5;
	v3 =	vsel vm10, v7, v3;
	v7 =	vld [tilespmem:$0x1FEB0]  }
0x73: {  	v53 =	vld [tilespmem:$0x1FEC0];
	v5 =	vsel vm6, $0x7, v5  }
0x74: {  	v8 =	vor.u32 $0x28, v2;
	v6 =	vld.idx.msk [tilespmem:v6+s2+$0x0], $0xffff;
	v5 =	vsel vm7, $0x8, v5  }
0x75: {  	v5 =	vsel vm8, $0x9, v5  }
0x76: {  	v9 =	vor.u32 $0x29, v2;
	vm6 =	vnez.u8 v12;
	v5 =	vsel vm9, $0xA, v5  }
0x77: {  	v54 =	vld [tilespmem:$0x1FEE0];
	v5 =	vsel vm6, $0xB, v5;
	vm9 =	vgt.f32 v11, v3;
	vm7 =	vnez.u8 v7  }
0x78: {  	vm8 =	vnez.u8 v53;
	v3 =	vsel vm9, v11, v3;
	v11 =	vld [tilespmem:$0x1FED0];
	v5 =	vsel vm7, $0xC, v5  }
0x79: {  	v8 =	vld.idx.msk [tilespmem:v8+s2+$0x0], $0xffff;
	v5 =	vsel vm8, $0xD, v5;
	vm8 =	vgt.f32 v6, v3  }
0x7a: {  	v3 =	vsel vm8, v6, v3;
	v6 =	vld [tilespmem:$0x1FEF0]  }
0x7b: {  	v55 =	vld [tilespmem:$0x1FF00]  }
0x7c: {  	v9 =	vld.idx.msk [tilespmem:v9+s2+$0x0], $0xffff  }
0x7d: {  	vm15 =	vnez.u8 v11  }
0x7e: {  	vm4 =	vnez.u8 v54;
	v10 =	vor.u32 $0x2A, v2;
	v5 =	vsel vm15, $0xE, v5  }
0x7f: {  	vm7 =	vgt.f32 v8, v3;
	v5 =	vsel vm4, $0xF, v5;
	vm5 =	vnez.u8 v6  }
0x80: {  	vm6 =	vnez.u8 v55;
	v3 =	vsel vm7, v8, v3;
	v8 =	vld [tilespmem:$0x1FF10];
	v5 =	vsel vm5, $0x10, v5  }
0x81: {  	v56 =	vld [tilespmem:$0x1FF20];
	v5 =	vsel vm6, $0x11, v5;
	vm6 =	vgt.f32 v9, v3  }
0x82: {  	v3 =	vsel vm6, v9, v3;
	v9 =	vld [tilespmem:$0x1FF30]  }
0x83: {  	v10 =	vld.idx.msk [tilespmem:v10+s2+$0x0], $0xffff;
	_ =	sdelay $0x1  }
0x84: {  	v7 =	vor.u32 $0x2B, v2;
	vm15 =	vnez.u8 v8  }
0x85: {  	vm4 =	vnez.u8 v56;
	v5 =	vsel vm15, $0x12, v5  }
0x86: {  	v11 =	vor.u32 $0x2C, v2;
	v5 =	vsel vm4, $0x13, v5;
	vm5 =	vnez.u8 v9  }
0x87: {  	v57 =	vld [tilespmem:$0x1FF40];
	v5 =	vsel vm5, $0x14, v5;
	vm5 =	vgt.f32 v10, v3  }
0x88: {  	v6 =	vor.u32 $0x2D, v2;
	v3 =	vsel vm5, v10, v3;
	v10 =	vld [tilespmem:$0x1FF50]  }
0x89: {  	v7 =	vld.idx.msk [tilespmem:v7+s2+$0x0], $0xffff;
	v8 =	vor.u32 $0x2E, v2  }
0x8a: {  	v58 =	vld [tilespmem:$0x1FF60]  }
0x8b: {  	v11 =	vld.idx.msk [tilespmem:v11+s2+$0x0], $0xffff  }
0x8c: {  	v59 =	vld [tilespmem:$0x1FF80];
	vm15 =	vnez.u8 v57  }
0x8d: {  	v6 =	vld.idx.msk [tilespmem:v6+s2+$0x0], $0xffff;
	v5 =	vsel vm15, $0x15, v5;
	vm4 =	vnez.u8 v10  }
0x8e: {  	v8 =	vld.idx.msk [tilespmem:v8+s2+$0x0], $0xffff;
	v5 =	vsel vm4, $0x16, v5;
	vm4 =	vgt.f32 v7, v3  }
0x8f: {  	v9 =	vor.u32 $0x2F, v2;
	v3 =	vsel vm4, v7, v3;
	v7 =	vld [tilespmem:$0x1FF70]  }
0x90: {  	v60 =	vld [tilespmem:$0x1FFA0];
	vm3 =	vgt.f32 v11, v3  }
0x91: {  	v3 =	vsel vm3, v11, v3;
	v11 =	vld [tilespmem:$0x1FF90]  }
0x92: {  	v61 =	vld [tilespmem:$0x1FFC0];
	vm15 =	vnez.u8 v58;
	vm2 =	vgt.f32 v6, v3  }
0x93: {  	v10 =	vor.u32 $0x30, v2;
	v5 =	vsel vm15, $0x17, v5;
	v3 =	vsel vm2, v6, v3;
	v6 =	vld [tilespmem:$0x1FFB0]  }
0x94: {  	v9 =	vld.idx.msk [tilespmem:v9+s2+$0x0], $0xffff;
	vm15 =	vnez.u8 v7;
	v7 =	vor.u32 $0x31, v2;
	vm1 =	vgt.f32 v8, v3  }
0x95: {  	v5 =	vsel vm15, $0x18, v5;
	vm15 =	vnez.u8 v59;
	v3 =	vsel vm1, v8, v3;
	v8 =	vld [tilespmem:$0x1FFD0]  }
0x96: {  	v62 =	vld [tilespmem:$0x1FFE0];
	v5 =	vsel vm15, $0x19, v5;
	vm15 =	vnez.u8 v11  }
0x97: {  	v63 =	vld [tilespmem:$0x1FFF0];
	v11 =	vor.u32 $0x32, v2;
	v5 =	vsel vm15, $0x1A, v5;
	vm15 =	vnez.u8 v60  }
0x98: {  	v10 =	vld.idx.msk [tilespmem:v10+s2+$0x0], $0xffff;
	v5 =	vsel vm15, $0x1B, v5;
	vm15 =	vnez.u8 v6  }
0x99: {  	v6 =	vor.u32 $0x33, v2;
	v5 =	vsel vm15, $0x1C, v5;
	vm15 =	vnez.u8 v61  }
0x9a: {  	vm0 =	vgt.f32 v9, v3;
	v7 =	vld.idx.msk [tilespmem:v7+s2+$0x0], $0xffff;
	v5 =	vsel vm15, $0x1D, v5;
	vm15 =	vnez.u8 v8  }
0x9b: {  	v8 =	vor.u32 $0x34, v2;
	v5 =	vsel vm15, $0x1E, v5;
	vm15 =	vnez.u8 v62  }
0x9c: {  	v3 =	vsel vm0, v9, v3;
	v11 =	vld.idx.msk [tilespmem:v11+s2+$0x0], $0xffff;
	v5 =	vsel vm15, $0x1F, v5;
	vm15 =	vnez.u8 v63  }
0x9d: {  	v9 =	vor.u32 $0x35, v2;
	v5 =	vsel vm15, $0x20, v5;
	vm15 =	vgt.f32 v10, v3  }
0x9e: {  	v6 =	vld.idx.msk [tilespmem:v6+s2+$0x0], $0xffff;
	v5 =	vsel vm14, $0x21, v5;
	v3 =	vsel vm15, v10, v3  }
0x9f: {  	v10 =	vor.u32 $0x36, v2;
	v5 =	vsel vm13, $0x22, v5;
	vm13 =	vgt.f32 v7, v3  }
0xa0: {  	v8 =	vld.idx.msk [tilespmem:v8+s2+$0x0], $0xffff;
	v5 =	vsel vm12, $0x23, v5;
	v3 =	vsel vm13, v7, v3  }
0xa1: {  	v7 =	vor.u32 $0x37, v2;
	v5 =	vsel vm11, $0x24, v5;
	vm11 =	vgt.f32 v11, v3  }
0xa2: {  	v9 =	vld.idx.msk [tilespmem:v9+s2+$0x0], $0xffff;
	v5 =	vsel vm10, $0x25, v5;
	v3 =	vsel vm11, v11, v3  }
0xa3: {  	v11 =	vor.u32 $0x38, v2;
	v5 =	vsel vm9, $0x26, v5;
	vm9 =	vgt.f32 v6, v3  }
0xa4: {  	v10 =	vld.idx.msk [tilespmem:v10+s2+$0x0], $0xffff;
	v5 =	vsel vm8, $0x27, v5;
	v3 =	vsel vm9, v6, v3  }
0xa5: {  	v6 =	vor.u32 $0x39, v2;
	v5 =	vsel vm7, $0x28, v5;
	vm10 =	vgt.f32 v8, v3  }
0xa6: {  	v7 =	vld.idx.msk [tilespmem:v7+s2+$0x0], $0xffff;
	v5 =	vsel vm6, $0x29, v5;
	v3 =	vsel vm10, v8, v3  }
0xa7: {  	v8 =	vor.u32 $0x3A, v2;
	v5 =	vsel vm5, $0x2A, v5;
	vm5 =	vgt.f32 v9, v3  }
0xa8: {  	v11 =	vld.idx.msk [tilespmem:v11+s2+$0x0], $0xffff;
	v5 =	vsel vm4, $0x2B, v5;
	v3 =	vsel vm5, v9, v3  }
0xa9: {  	v9 =	vor.u32 $0x3B, v2;
	v5 =	vsel vm3, $0x2C, v5;
	vm12 =	vgt.f32 v10, v3  }
0xaa: {  	v6 =	vld.idx.msk [tilespmem:v6+s2+$0x0], $0xffff;
	v5 =	vsel vm2, $0x2D, v5;
	v3 =	vsel vm12, v10, v3  }
0xab: {  	v10 =	vor.u32 $0x3C, v2;
	v5 =	vsel vm1, $0x2E, v5;
	vm14 =	vgt.f32 v7, v3  }
0xac: {  	v8 =	vld.idx.msk [tilespmem:v8+s2+$0x0], $0xffff;
	v5 =	vsel vm0, $0x2F, v5;
	v3 =	vsel vm14, v7, v3  }
0xad: {  	v7 =	vor.u32 $0x3D, v2;
	v5 =	vsel vm15, $0x30, v5;
	vm15 =	vgt.f32 v11, v3  }
0xae: {  	v9 =	vld.idx.msk [tilespmem:v9+s2+$0x0], $0xffff;
	v5 =	vsel vm13, $0x31, v5;
	v3 =	vsel vm15, v11, v3  }
0xaf: {  	v11 =	vor.u32 $0x3E, v2;
	v5 =	vsel vm11, $0x32, v5;
	vm8 =	vgt.f32 v6, v3  }
0xb0: {  	v10 =	vld.idx.msk [tilespmem:v10+s2+$0x0], $0xffff;
	v5 =	vsel vm9, $0x33, v5;
	v3 =	vsel vm8, v6, v3  }
0xb1: {  	v2 =	vor.u32 $0x3F, v2;
	v5 =	vsel vm10, $0x34, v5;
	vm10 =	vgt.f32 v8, v3  }
0xb2: {  	v6 =	vld.idx.msk [tilespmem:v7+s2+$0x0], $0xffff;
	v5 =	vsel vm5, $0x35, v5;
	v3 =	vsel vm10, v8, v3  }
0xb3: {  	v5 =	vsel vm12, $0x36, v5;
	vm11 =	vgt.f32 v9, v3  }
0xb4: {  	v7 =	vld.idx.msk [tilespmem:v11+s2+$0x0], $0xffff;
	v5 =	vsel vm14, $0x37, v5;
	v3 =	vsel vm11, v9, v3  }
0xb5: {  	v5 =	vsel vm15, $0x38, v5;
	vm12 =	vgt.f32 v10, v3  }
0xb6: {  	v8 =	vld.idx.msk [tilespmem:v2+s2+$0x0], $0xffff;
	v5 =	vsel vm8, $0x39, v5;
	v2 =	vsel vm12, v10, v3  }
0xb7: {  	v3 =	vsel vm10, $0x3A, v5;
	vm13 =	vgt.f32 v6, v2  }
0xb8: {  	v3 =	vsel vm11, $0x3B, v3;
	v5 =	vsel vm13, v6, v2  }
0xb9: {  	s14 =	simm.s32 $0x10;
	v2 =	vsel vm12, $0x3C, v3;
	vm14 =	vgt.f32 v7, v5  }
0xba: {  	v6 =	vsel vm13, $0x3D, v2;
	v2 =	vor.u32 s14, v0;
	v5 =	vsel vm14, v7, v5  }
0xbb: {  	v3 =	vshll.u32 v2, $0x7;
	v6 =	vsel vm14, $0x3E, v6;
	vm15 =	vgt.f32 v8, v5  }
0xbc: {  	v5 =	vsel vm15, $0x3F, v6;
	v10 =	vor.u32 $0x1, v3;
	v9 =	vor.u32 $0x2, v3  }
0xbd: {  	v8 =	vor.u32 $0x3, v3;
	v7 =	vor.u32 $0x4, v3;
	v6 =	vor.u32 $0x5, v3  }
0xbe: {  	s15 =	simm.s32 $0x20;
	s18 =	sand.u32 $0xF0, s2;
	v11 =	vcvt.s32.f32 v5;
	[tilespmem:v4+s9+$0x0] =	vst.idx.msk $0xffff, v5;
	v5 =	vor.u32 $0x6, v3;
	v4 =	vor.u32 $0x7, v3  }
.LBB2_2:
0xbf: {  	_ = 	snop  }
0xc0: {  	[tilespmem:s18+$0x17F00] =	vst v11  }
0xc1: {  	v11 =	vld.idx.msk [tilespmem:v3+s2+$0x0], $0xffff  }
0xc2: {  	v10 =	vld.idx.msk [tilespmem:v10+s2+$0x0], $0xffff;
	_ =	sdelay $0x1  }
0xc3: {  	v9 =	vld.idx.msk [tilespmem:v9+s2+$0x0], $0xffff;
	_ =	sdelay $0x1  }
0xc4: {  	v8 =	vld.idx.msk [tilespmem:v8+s2+$0x0], $0xffff  }
0xc5: {  	vm0 =	vgt.f32 v10, v11  }
0xc6: {  	v7 =	vld.idx.msk [tilespmem:v7+s2+$0x0], $0xffff;
	v10 =	vsel vm0, v10, v11  }
0xc7: {  	vm11 =	vgt.f32 v9, v10  }
0xc8: {  	v6 =	vld.idx.msk [tilespmem:v6+s2+$0x0], $0xffff;
	v9 =	vsel vm11, v9, v10  }
0xc9: {  	v12 =	vor.u32 $0x8, v3;
	vm2 =	vgt.f32 v8, v9  }
0xca: {  	v5 =	vld.idx.msk [tilespmem:v5+s2+$0x0], $0xffff;
	v8 =	vsel vm2, v8, v9  }
0xcb: {  	v13 =	vor.u32 $0x9, v3;
	vm3 =	vgt.f32 v7, v8  }
0xcc: {  	v4 =	vld.idx.msk [tilespmem:v4+s2+$0x0], $0xffff;
	v7 =	vsel vm3, v7, v8  }
0xcd: {  	v47 =	vor.u32 $0xA, v3;
	vm4 =	vgt.f32 v6, v7  }
0xce: {  	v57 =	vld.idx.msk [tilespmem:v12+s2+$0x0], $0xffff;
	v6 =	vsel vm4, v6, v7  }
0xcf: {  	v48 =	vor.u32 $0xB, v3;
	vm5 =	vgt.f32 v5, v6  }
0xd0: {  	v58 =	vld.idx.msk [tilespmem:v13+s2+$0x0], $0xffff;
	v5 =	vsel vm5, v5, v6  }
0xd1: {  	v49 =	vor.u32 $0xC, v3;
	vm6 =	vgt.f32 v4, v5  }
0xd2: {  	v47 =	vld.idx.msk [tilespmem:v47+s2+$0x0], $0xffff;
	v4 =	vsel vm6, v4, v5  }
0xd3: {  	v50 =	vor.u32 $0xD, v3;
	vm7 =	vgt.f32 v57, v4  }
0xd4: {  	v48 =	vld.idx.msk [tilespmem:v48+s2+$0x0], $0xffff;
	v57 =	vsel vm7, v57, v4  }
0xd5: {  	v51 =	vor.u32 $0xE, v3;
	vm8 =	vgt.f32 v58, v57  }
0xd6: {  	v49 =	vld.idx.msk [tilespmem:v49+s2+$0x0], $0xffff;
	v57 =	vsel vm8, v58, v57  }
0xd7: {  	v52 =	vor.u32 $0xF, v3;
	vm9 =	vgt.f32 v47, v57  }
0xd8: {  	v50 =	vld.idx.msk [tilespmem:v50+s2+$0x0], $0xffff;
	v47 =	vsel vm9, v47, v57  }
0xd9: {  	v53 =	vor.u32 $0x10, v3;
	vm10 =	vgt.f32 v48, v47  }
0xda: {  	v63 =	vimm.s32 $0x0;
	v51 =	vld.idx.msk [tilespmem:v51+s2+$0x0], $0xffff;
	v47 =	vsel vm10, v48, v47  }
0xdb: {  	v54 =	vor.u32 $0x11, v3;
	v57 =	vsel vm10, $0xFFFFFFFF, v63;
	vm10 =	vgt.f32 v49, v47  }
0xdc: {  	v58 =	vld.idx.msk [tilespmem:v52+s2+$0x0], $0xffff;
	[tilespmem:$0x1FD50] =	vst v57;
	v57 =	vimm.s32 $0x0;
	v47 =	vsel vm10, v49, v47  }
0xdd: {  	v55 =	vor.u32 $0x12, v3;
	v48 =	vsel vm10, $0xFFFFFFFF, v57;
	vm10 =	vgt.f32 v50, v47  }
0xde: {  	v59 =	vimm.s32 $0x0;
	v60 =	vld.idx.msk [tilespmem:v53+s2+$0x0], $0xffff;
	v47 =	vsel vm10, v50, v47  }
0xdf: {  	v56 =	vor.u32 $0x13, v3;
	v49 =	vsel vm10, $0xFFFFFFFF, v59;
	vm10 =	vgt.f32 v51, v47  }
0xe0: {  	v61 =	vimm.s32 $0x0;
	v62 =	vld.idx.msk [tilespmem:v54+s2+$0x0], $0xffff;
	v47 =	vsel vm10, v51, v47  }
0xe1: {  	v46 =	vor.u32 $0x14, v3;
	v50 =	vsel vm10, $0xFFFFFFFF, v61;
	vm10 =	vgt.f32 v58, v47  }
0xe2: {  	v54 =	vld.idx.msk [tilespmem:v55+s2+$0x0], $0xffff;
	v63 =	vimm.s32 $0x0;
	v47 =	vsel vm10, v58, v47  }
0xe3: {  	v45 =	vor.u32 $0x15, v3;
	v51 =	vsel vm10, $0xFFFFFFFF, v63;
	vm10 =	vgt.f32 v60, v47  }
0xe4: {  	v55 =	vimm.s32 $0x0;
	v57 =	vld.idx.msk [tilespmem:v56+s2+$0x0], $0xffff;
	v47 =	vsel vm10, v60, v47  }
0xe5: {  	v44 =	vor.u32 $0x16, v3;
	[tilespmem:$0x1FD60] =	vst v48;
	v48 =	vsel vm10, $0xFFFFFFFF, v55;
	vm10 =	vgt.f32 v62, v47  }
0xe6: {  	v46 =	vld.idx.msk [tilespmem:v46+s2+$0x0], $0xffff;
	v58 =	vimm.s32 $0x0;
	v47 =	vsel vm10, v62, v47  }
0xe7: {  	v43 =	vor.u32 $0x17, v3;
	[tilespmem:$0x1FD70] =	vst v49;
	v49 =	vsel vm10, $0xFFFFFFFF, v58;
	vm10 =	vgt.f32 v54, v47  }
0xe8: {  	v45 =	vld.idx.msk [tilespmem:v45+s2+$0x0], $0xffff;
	v59 =	vimm.s32 $0x0;
	v47 =	vsel vm10, v54, v47  }
0xe9: {  	v42 =	vor.u32 $0x18, v3;
	[tilespmem:$0x1FDB0] =	vst v49;
	v49 =	vsel vm10, $0xFFFFFFFF, v59;
	vm10 =	vgt.f32 v57, v47  }
0xea: {  	v44 =	vld.idx.msk [tilespmem:v44+s2+$0x0], $0xffff;
	v60 =	vimm.s32 $0x0;
	v47 =	vsel vm10, v57, v47  }
0xeb: {  	v41 =	vor.u32 $0x19, v3;
	[tilespmem:$0x1FDC0] =	vst v49;
	v49 =	vsel vm10, $0xFFFFFFFF, v60;
	vm10 =	vgt.f32 v46, v47  }
0xec: {  	v43 =	vld.idx.msk [tilespmem:v43+s2+$0x0], $0xffff;
	v61 =	vimm.s32 $0x0;
	v46 =	vsel vm10, v46, v47  }
0xed: {  	v40 =	vor.u32 $0x1A, v3;
	[tilespmem:$0x1FDA0] =	vst v48;
	v48 =	vsel vm10, $0xFFFFFFFF, v61;
	vm10 =	vgt.f32 v45, v46  }
0xee: {  	v39 =	vor.u32 $0x1B, v3;
	v42 =	vld.idx.msk [tilespmem:v42+s2+$0x0], $0xffff;
	v62 =	vimm.s32 $0x0;
	v45 =	vsel vm10, v45, v46  }
0xef: {  	v38 =	vor.u32 $0x1C, v3;
	v47 =	vsel vm10, $0xFFFFFFFF, v62;
	vm10 =	vgt.f32 v44, v45  }
0xf0: {  	v37 =	vor.u32 $0x1D, v3;
	v41 =	vld.idx.msk [tilespmem:v41+s2+$0x0], $0xffff;
	v63 =	vimm.s32 $0x0;
	v44 =	vsel vm10, v44, v45  }
0xf1: {  	v36 =	vor.u32 $0x1E, v3;
	v46 =	vsel vm10, $0xFFFFFFFF, v63;
	vm10 =	vgt.f32 v43, v44  }
0xf2: {  	v35 =	vor.u32 $0x1F, v3;
	v40 =	vld.idx.msk [tilespmem:v40+s2+$0x0], $0xffff;
	[tilespmem:$0x1FDE0] =	vst v48;
	v48 =	vimm.s32 $0x0;
	v43 =	vsel vm10, v43, v44  }
0xf3: {  	v34 =	vor.u32 $0x20, v3;
	v39 =	vld.idx.msk [tilespmem:v39+s2+$0x0], $0xffff;
	v45 =	vsel vm10, $0xFFFFFFFF, v48;
	vm10 =	vgt.f32 v42, v43  }
0xf4: {  	v33 =	vor.u32 $0x21, v3;
	v38 =	vld.idx.msk [tilespmem:v38+s2+$0x0], $0xffff;
	v42 =	vsel vm10, v42, v43  }
0xf5: {  	v32 =	vor.u32 $0x22, v3;
	v37 =	vld.idx.msk [tilespmem:v37+s2+$0x0], $0xffff;
	vm1 =	vgt.f32 v41, v42  }
0xf6: {  	v31 =	vor.u32 $0x23, v3;
	v36 =	vld.idx.msk [tilespmem:v36+s2+$0x0], $0xffff;
	[tilespmem:$0x1FD80] =	vst v50;
	v50 =	vimm.s32 $0x0;
	v41 =	vsel vm1, v41, v42  }
0xf7: {  	v30 =	vor.u32 $0x24, v3;
	v35 =	vld.idx.msk [tilespmem:v35+s2+$0x0], $0xffff;
	v43 =	vsel vm1, $0xFFFFFFFF, v50;
	vm1 =	vgt.f32 v40, v41  }
0xf8: {  	v29 =	vor.u32 $0x25, v3;
	v34 =	vld.idx.msk [tilespmem:v34+s2+$0x0], $0xffff;
	[tilespmem:$0x1FD90] =	vst v51;
	v51 =	vimm.s32 $0x0;
	v40 =	vsel vm1, v40, v41  }
0xf9: {  	v28 =	vor.u32 $0x26, v3;
	v33 =	vld.idx.msk [tilespmem:v33+s2+$0x0], $0xffff;
	v42 =	vsel vm1, $0xFFFFFFFF, v51;
	vm1 =	vgt.f32 v39, v40  }
0xfa: {  	v27 =	vor.u32 $0x27, v3;
	v32 =	vld.idx.msk [tilespmem:v32+s2+$0x0], $0xffff;
	v52 =	vimm.s32 $0x0;
	v39 =	vsel vm1, v39, v40  }
0xfb: {  	v26 =	vor.u32 $0x28, v3;
	v31 =	vld.idx.msk [tilespmem:v31+s2+$0x0], $0xffff;
	v41 =	vsel vm1, $0xFFFFFFFF, v52;
	vm1 =	vgt.f32 v38, v39  }
0xfc: {  	v25 =	vor.u32 $0x29, v3;
	v30 =	vld.idx.msk [tilespmem:v30+s2+$0x0], $0xffff;
	v38 =	vsel vm1, v38, v39  }
0xfd: {  	v24 =	vor.u32 $0x2A, v3;
	v29 =	vld.idx.msk [tilespmem:v29+s2+$0x0], $0xffff;
	vm15 =	vgt.f32 v37, v38  }
0xfe: {  	v23 =	vor.u32 $0x2B, v3;
	v28 =	vld.idx.msk [tilespmem:v28+s2+$0x0], $0xffff;
	[tilespmem:$0x1FDD0] =	vst v49;
	v49 =	vimm.s32 $0x0;
	v37 =	vsel vm15, v37, v38  }
0xff: {  	v22 =	vor.u32 $0x2C, v3;
	v27 =	vld.idx.msk [tilespmem:v27+s2+$0x0], $0xffff;
	v44 =	vsel vm10, $0xFFFFFFFF, v49;
	vm10 =	vgt.f32 v36, v37  }
0x100: {  	v21 =	vor.u32 $0x2D, v3;
	v26 =	vld.idx.msk [tilespmem:v26+s2+$0x0], $0xffff;
	v54 =	vimm.s32 $0x0;
	v36 =	vsel vm10, v36, v37  }
0x101: {  	v20 =	vor.u32 $0x2E, v3;
	v25 =	vld.idx.msk [tilespmem:v25+s2+$0x0], $0xffff;
	v38 =	vsel vm10, $0xFFFFFFFF, v54;
	vm10 =	vgt.f32 v35, v36  }
0x102: {  	v19 =	vor.u32 $0x2F, v3;
	v24 =	vld.idx.msk [tilespmem:v24+s2+$0x0], $0xffff;
	v55 =	vimm.s32 $0x0;
	v35 =	vsel vm10, v35, v36  }
0x103: {  	v23 =	vld.idx.msk [tilespmem:v23+s2+$0x0], $0xffff;
	v57 =	vsel vm0, $0x1, v1;
	v37 =	vsel vm10, $0xFFFFFFFF, v55;
	vm10 =	vgt.f32 v34, v35  }
0x104: {  	v18 =	vor.u32 $0x30, v3;
	v22 =	vld.idx.msk [tilespmem:v22+s2+$0x0], $0xffff;
	v58 =	vsel vm11, $0x2, v57;
	v34 =	vsel vm10, v34, v35  }
0x105: {  	v17 =	vor.u32 $0x31, v3;
	v21 =	vld.idx.msk [tilespmem:v21+s2+$0x0], $0xffff;
	v35 =	vsel vm2, $0x3, v58;
	vm14 =	vgt.f32 v33, v34  }
0x106: {  	v16 =	vor.u32 $0x32, v3;
	v20 =	vld.idx.msk [tilespmem:v20+s2+$0x0], $0xffff;
	v59 =	vsel vm3, $0x4, v35;
	v33 =	vsel vm14, v33, v34  }
0x107: {  	v56 =	vimm.s32 $0x0;
	v63 =	vld [tilespmem:$0x1FD50];
	v34 =	vsel vm4, $0x5, v59;
	vm13 =	vgt.f32 v32, v33  }
0x108: {  	[tilespmem:$0x1FDF0] =	vst v47;
	v36 =	vsel vm10, $0xFFFFFFFF, v56;
	v35 =	vld [tilespmem:$0x1FD60];
	v60 =	vsel vm5, $0x6, v34;
	v32 =	vsel vm13, v32, v33  }
0x109: {  	v15 =	vor.u32 $0x33, v3;
	[tilespmem:$0x1FE90] =	vst v36;
	v36 =	vld [tilespmem:$0x1FD70];
	v33 =	vsel vm6, $0x7, v60;
	vm12 =	vgt.f32 v31, v32  }
0x10a: {  	v53 =	vimm.s32 $0x0;
	[tilespmem:$0x1FE80] =	vst v37;
	v37 =	vld [tilespmem:$0x1FD80];
	v61 =	vsel vm7, $0x8, v33;
	v31 =	vsel vm12, v31, v32  }
0x10b: {  	v39 =	vsel vm15, $0xFFFFFFFF, v53;
	[tilespmem:$0x1FE70] =	vst v38;
	v38 =	vld [tilespmem:$0x1FD90];
	v32 =	vsel vm8, $0x9, v61;
	vm11 =	vgt.f32 v30, v31  }
0x10c: {  	[tilespmem:$0x1FE60] =	vst v39;
	v39 =	vld [tilespmem:$0x1FDA0];
	vm6 =	vnez.u8 v63;
	v62 =	vsel vm9, $0xA, v32;
	v30 =	vsel vm11, v30, v31  }
0x10d: {  	[tilespmem:$0x1FE00] =	vst v46;
	v40 =	vld [tilespmem:$0x1FDB0];
	vm7 =	vnez.u8 v35;
	v31 =	vsel vm6, $0xB, v62;
	vm10 =	vgt.f32 v29, v30  }
0x10e: {  	[tilespmem:$0x1FE50] =	vst v41;
	v41 =	vld [tilespmem:$0x1FDC0];
	vm8 =	vnez.u8 v36;
	v29 =	vsel vm10, v29, v30;
	v30 =	vsel vm7, $0xC, v31  }
0x10f: {  	[tilespmem:$0x1FE40] =	vst v42;
	v42 =	vld [tilespmem:$0x1FDD0];
	vm15 =	vnez.u8 v37;
	vm9 =	vgt.f32 v28, v29;
	v30 =	vsel vm8, $0xD, v30  }
0x110: {  	[tilespmem:$0x1FE30] =	vst v43;
	v43 =	vld [tilespmem:$0x1FDE0];
	vm4 =	vnez.u8 v38;
	v28 =	vsel vm9, v28, v29;
	v29 =	vsel vm15, $0xE, v30  }
0x111: {  	[tilespmem:$0x1FE20] =	vst v44;
	v44 =	vld [tilespmem:$0x1FDF0];
	vm5 =	vnez.u8 v39;
	vm8 =	vgt.f32 v27, v28;
	v29 =	vsel vm4, $0xF, v29  }
0x112: {  	[tilespmem:$0x1FE10] =	vst v45;
	v45 =	vld [tilespmem:$0x1FE00];
	vm6 =	vnez.u8 v40;
	v27 =	vsel vm8, v27, v28;
	v28 =	vsel vm5, $0x10, v29  }
0x113: {  	v46 =	vld [tilespmem:$0x1FE10];
	vm15 =	vnez.u8 v41;
	vm7 =	vgt.f32 v26, v27;
	v28 =	vsel vm6, $0x11, v28  }
0x114: {  	v47 =	vld [tilespmem:$0x1FE20];
	vm4 =	vnez.u8 v42;
	v26 =	vsel vm7, v26, v27;
	v27 =	vsel vm15, $0x12, v28  }
0x115: {  	v48 =	vld [tilespmem:$0x1FE30];
	vm5 =	vnez.u8 v43;
	vm6 =	vgt.f32 v25, v26;
	v27 =	vsel vm4, $0x13, v27  }
0x116: {  	v49 =	vld [tilespmem:$0x1FE40];
	vm15 =	vnez.u8 v44;
	v25 =	vsel vm6, v25, v26;
	v26 =	vsel vm5, $0x14, v27  }
0x117: {  	v50 =	vld [tilespmem:$0x1FE50];
	vm4 =	vnez.u8 v45;
	vm5 =	vgt.f32 v24, v25;
	v26 =	vsel vm15, $0x15, v26  }
0x118: {  	v19 =	vld.idx.msk [tilespmem:v19+s2+$0x0], $0xffff;
	vm15 =	vnez.u8 v46;
	v24 =	vsel vm5, v24, v25;
	v25 =	vsel vm4, $0x16, v26  }
0x119: {  	v52 =	vld [tilespmem:$0x1FE60];
	vm4 =	vgt.f32 v23, v24;
	v25 =	vsel vm15, $0x17, v25;
	vm15 =	vnez.u8 v47  }
0x11a: {  	v53 =	vld [tilespmem:$0x1FE70];
	v23 =	vsel vm4, v23, v24;
	v24 =	vsel vm15, $0x18, v25;
	vm15 =	vnez.u8 v48  }
0x11b: {  	v54 =	vld [tilespmem:$0x1FE80];
	vm3 =	vgt.f32 v22, v23;
	v24 =	vsel vm15, $0x19, v24;
	vm15 =	vnez.u8 v49  }
0x11c: {  	v55 =	vld [tilespmem:$0x1FE90];
	v22 =	vsel vm3, v22, v23;
	v23 =	vsel vm15, $0x1A, v24;
	vm15 =	vnez.u8 v50  }
0x11d: {  	v14 =	vor.u32 $0x34, v3;
	vm2 =	vgt.f32 v21, v22;
	v23 =	vsel vm15, $0x1B, v23  }
0x11e: {  	v18 =	vld.idx.msk [tilespmem:v18+s2+$0x0], $0xffff;
	vm15 =	vnez.u8 v52;
	v21 =	vsel vm2, v21, v22;
	v51 =	vsel vm1, $0x1C, v23  }
0x11f: {  	vm1 =	vgt.f32 v20, v21;
	v22 =	vsel vm15, $0x1D, v51;
	vm15 =	vnez.u8 v53  }
0x120: {  	v17 =	vld.idx.msk [tilespmem:v17+s2+$0x0], $0xffff;
	v20 =	vsel vm1, v20, v21;
	v21 =	vsel vm15, $0x1E, v22;
	vm15 =	vnez.u8 v54  }
0x121: {  	vm0 =	vgt.f32 v19, v20;
	v21 =	vsel vm15, $0x1F, v21;
	vm15 =	vnez.u8 v55  }
0x122: {  	v16 =	vld.idx.msk [tilespmem:v16+s2+$0x0], $0xffff;
	v19 =	vsel vm0, v19, v20;
	v20 =	vsel vm15, $0x20, v21  }
0x123: {  	v13 =	vor.u32 $0x35, v3;
	vm15 =	vgt.f32 v18, v19;
	v20 =	vsel vm14, $0x21, v20  }
0x124: {  	v15 =	vld.idx.msk [tilespmem:v15+s2+$0x0], $0xffff;
	v18 =	vsel vm15, v18, v19;
	v56 =	vsel vm13, $0x22, v20  }
0x125: {  	v12 =	vor.u32 $0x36, v3;
	vm13 =	vgt.f32 v17, v18;
	v19 =	vsel vm12, $0x23, v56  }
0x126: {  	v14 =	vld.idx.msk [tilespmem:v14+s2+$0x0], $0xffff;
	v17 =	vsel vm13, v17, v18;
	v57 =	vsel vm11, $0x24, v19  }
0x127: {  	v11 =	vor.u32 $0x37, v3;
	vm11 =	vgt.f32 v16, v17;
	v18 =	vsel vm10, $0x25, v57  }
0x128: {  	v13 =	vld.idx.msk [tilespmem:v13+s2+$0x0], $0xffff;
	v16 =	vsel vm11, v16, v17;
	v58 =	vsel vm9, $0x26, v18  }
0x129: {  	v10 =	vor.u32 $0x38, v3;
	vm9 =	vgt.f32 v15, v16;
	v17 =	vsel vm8, $0x27, v58  }
0x12a: {  	v12 =	vld.idx.msk [tilespmem:v12+s2+$0x0], $0xffff;
	v15 =	vsel vm9, v15, v16;
	v59 =	vsel vm7, $0x28, v17  }
0x12b: {  	v9 =	vor.u32 $0x39, v3;
	vm10 =	vgt.f32 v14, v15;
	v16 =	vsel vm6, $0x29, v59  }
0x12c: {  	v11 =	vld.idx.msk [tilespmem:v11+s2+$0x0], $0xffff;
	v14 =	vsel vm10, v14, v15;
	v60 =	vsel vm5, $0x2A, v16  }
0x12d: {  	v8 =	vor.u32 $0x3A, v3;
	vm5 =	vgt.f32 v13, v14;
	v15 =	vsel vm4, $0x2B, v60  }
0x12e: {  	v10 =	vld.idx.msk [tilespmem:v10+s2+$0x0], $0xffff;
	v13 =	vsel vm5, v13, v14;
	v61 =	vsel vm3, $0x2C, v15  }
0x12f: {  	v7 =	vor.u32 $0x3B, v3;
	vm12 =	vgt.f32 v12, v13;
	v14 =	vsel vm2, $0x2D, v61  }
0x130: {  	v9 =	vld.idx.msk [tilespmem:v9+s2+$0x0], $0xffff;
	v12 =	vsel vm12, v12, v13;
	v62 =	vsel vm1, $0x2E, v14  }
0x131: {  	v6 =	vor.u32 $0x3C, v3;
	vm14 =	vgt.f32 v11, v12;
	v13 =	vsel vm0, $0x2F, v62  }
0x132: {  	v8 =	vld.idx.msk [tilespmem:v8+s2+$0x0], $0xffff;
	v11 =	vsel vm14, v11, v12;
	v63 =	vsel vm15, $0x30, v13  }
0x133: {  	v5 =	vor.u32 $0x3D, v3;
	vm15 =	vgt.f32 v10, v11;
	v12 =	vsel vm13, $0x31, v63  }
0x134: {  	v7 =	vld.idx.msk [tilespmem:v7+s2+$0x0], $0xffff;
	v10 =	vsel vm15, v10, v11;
	v11 =	vsel vm11, $0x32, v12  }
0x135: {  	v4 =	vor.u32 $0x3E, v3;
	vm8 =	vgt.f32 v9, v10;
	v11 =	vsel vm9, $0x33, v11  }
0x136: {  	v3 =	vor.u32 $0x3F, v3;
	v6 =	vld.idx.msk [tilespmem:v6+s2+$0x0], $0xffff;
	v9 =	vsel vm8, v9, v10;
	v10 =	vsel vm10, $0x34, v11  }
0x137: {  	vm10 =	vgt.f32 v8, v9;
	v10 =	vsel vm5, $0x35, v10  }
0x138: {  	v5 =	vld.idx.msk [tilespmem:v5+s2+$0x0], $0xffff;
	v8 =	vsel vm10, v8, v9;
	v9 =	vsel vm12, $0x36, v10  }
0x139: {  	vm11 =	vgt.f32 v7, v8;
	v9 =	vsel vm14, $0x37, v9  }
0x13a: {  	v4 =	vld.idx.msk [tilespmem:v4+s2+$0x0], $0xffff;
	v7 =	vsel vm11, v7, v8;
	v8 =	vsel vm15, $0x38, v9  }
0x13b: {  	v9 =	vld.idx.msk [tilespmem:v3+s2+$0x0], $0xffff;
	vm12 =	vgt.f32 v6, v7;
	v3 =	vsel vm8, $0x39, v8  }
0x13c: {  	v6 =	vsel vm12, v6, v7;
	v3 =	vsel vm10, $0x3A, v3  }
0x13d: {  	s16 =	smov.u32 s15;
	vm13 =	vgt.f32 v5, v6;
	v3 =	vsel vm11, $0x3B, v3  }
0x13e: {  	p0 =	sne.s32 s15, $0xD0;
	v5 =	vsel vm13, v5, v6;
	v3 =	vsel vm12, $0x3C, v3;
	v6 =	vor.u32 s16, v0  }
.Ltmp0:
0x13f: {  	vm14 =	vgt.f32 v4, v5;
	v7 =	vsel vm13, $0x3D, v3;
	v3 =	vshll.u32 v6, $0x7;
	(pc) =	sbr.rel @p0 .LBB2_2-.Ltmp0, $4  }
0x140: {  	v4 =	vsel vm14, v4, v5;
	v5 =	vsel vm14, $0x3E, v7;
	v10 =	vor.u32 $0x1, v3  }
0x141: {  	v8 =	vor.u32 $0x3, v3;
	v7 =	vor.u32 $0x4, v3;
	vm15 =	vgt.f32 v9, v4  }
0x142: {  	v9 =	vor.u32 $0x2, v3;
	v4 =	vsel vm15, $0x3F, v5;
	v5 =	vor.u32 $0x6, v3  }
0x143: {  	s15 =	sadd.s32 $0x10, s15;
	s18 =	sand.u32 $0xF0, s14;
	s14 =	smov.u32 s16;
	[tilespmem:v2+s9+$0x0] =	vst.idx.msk $0xffff, v4;
	v11 =	vcvt.s32.f32 v4;
	v2 =	vmovc v6;
	v6 =	vor.u32 $0x5, v3;
	v4 =	vor.u32 $0x7, v3  }
0x144: {  	_ =	sdelay $0x2  }
0x145: {  	[tilespmem:s18+$0x17F00] =	vst v11  }
0x146: {  	v11 =	vld.idx.msk [tilespmem:v3+s2+$0x0], $0xffff  }
0x147: {  	v10 =	vld.idx.msk [tilespmem:v10+s2+$0x0], $0xffff;
	_ =	sdelay $0x1  }
0x148: {  	v9 =	vld.idx.msk [tilespmem:v9+s2+$0x0], $0xffff;
	_ =	sdelay $0x1  }
0x149: {  	v8 =	vld.idx.msk [tilespmem:v8+s2+$0x0], $0xffff  }
0x14a: {  	vm0 =	vgt.f32 v10, v11  }
0x14b: {  	v7 =	vld.idx.msk [tilespmem:v7+s2+$0x0], $0xffff;
	v10 =	vsel vm0, v10, v11  }
0x14c: {  	vm1 =	vgt.f32 v9, v10  }
0x14d: {  	v6 =	vld.idx.msk [tilespmem:v6+s2+$0x0], $0xffff;
	v9 =	vsel vm1, v9, v10  }
0x14e: {  	v21 =	vor.u32 $0x8, v3;
	vm2 =	vgt.f32 v8, v9  }
0x14f: {  	v5 =	vld.idx.msk [tilespmem:v5+s2+$0x0], $0xffff;
	v8 =	vsel vm2, v8, v9  }
0x150: {  	v22 =	vor.u32 $0x9, v3;
	vm3 =	vgt.f32 v7, v8  }
0x151: {  	v4 =	vld.idx.msk [tilespmem:v4+s2+$0x0], $0xffff;
	v7 =	vsel vm3, v7, v8  }
0x152: {  	v23 =	vor.u32 $0xA, v3;
	vm4 =	vgt.f32 v6, v7  }
0x153: {  	v10 =	vld.idx.msk [tilespmem:v21+s2+$0x0], $0xffff;
	v6 =	vsel vm4, v6, v7  }
0x154: {  	v24 =	vor.u32 $0xB, v3;
	vm5 =	vgt.f32 v5, v6  }
0x155: {  	v9 =	vld.idx.msk [tilespmem:v22+s2+$0x0], $0xffff;
	v5 =	vsel vm5, v5, v6  }
0x156: {  	v25 =	vor.u32 $0xC, v3;
	vm6 =	vgt.f32 v4, v5  }
0x157: {  	v8 =	vld.idx.msk [tilespmem:v23+s2+$0x0], $0xffff;
	v4 =	vsel vm6, v4, v5  }
0x158: {  	v26 =	vor.u32 $0xD, v3;
	vm7 =	vgt.f32 v10, v4  }
0x159: {  	v7 =	vld.idx.msk [tilespmem:v24+s2+$0x0], $0xffff;
	v4 =	vsel vm7, v10, v4  }
0x15a: {  	v27 =	vor.u32 $0xE, v3;
	vm8 =	vgt.f32 v9, v4  }
0x15b: {  	v6 =	vld.idx.msk [tilespmem:v25+s2+$0x0], $0xffff;
	v4 =	vsel vm8, v9, v4  }
0x15c: {  	v28 =	vor.u32 $0xF, v3;
	vm9 =	vgt.f32 v8, v4  }
0x15d: {  	v5 =	vld.idx.msk [tilespmem:v26+s2+$0x0], $0xffff;
	v4 =	vsel vm9, v8, v4  }
0x15e: {  	v29 =	vor.u32 $0x10, v3;
	vm10 =	vgt.f32 v7, v4  }
0x15f: {  	v30 =	vimm.s32 $0x0;
	v10 =	vld.idx.msk [tilespmem:v27+s2+$0x0], $0xffff;
	v4 =	vsel vm10, v7, v4  }
0x160: {  	v31 =	vor.u32 $0x11, v3;
	v11 =	vsel vm10, $0xFFFFFFFF, v30;
	vm10 =	vgt.f32 v6, v4  }
0x161: {  	v32 =	vimm.s32 $0x0;
	v9 =	vld.idx.msk [tilespmem:v28+s2+$0x0], $0xffff;
	v4 =	vsel vm10, v6, v4  }
0x162: {  	v33 =	vor.u32 $0x12, v3;
	[tilespmem:$0x1FBF0] =	vst v11;
	v11 =	vsel vm10, $0xFFFFFFFF, v32;
	vm10 =	vgt.f32 v5, v4  }
0x163: {  	v34 =	vimm.s32 $0x0;
	v8 =	vld.idx.msk [tilespmem:v29+s2+$0x0], $0xffff;
	v4 =	vsel vm10, v5, v4  }
0x164: {  	v35 =	vor.u32 $0x13, v3;
	[tilespmem:$0x1FC00] =	vst v11;
	v11 =	vsel vm10, $0xFFFFFFFF, v34;
	vm10 =	vgt.f32 v10, v4  }
0x165: {  	v36 =	vimm.s32 $0x0;
	v7 =	vld.idx.msk [tilespmem:v31+s2+$0x0], $0xffff;
	v4 =	vsel vm10, v10, v4  }
0x166: {  	v37 =	vor.u32 $0x14, v3;
	[tilespmem:$0x1FC10] =	vst v11;
	v11 =	vsel vm10, $0xFFFFFFFF, v36;
	vm10 =	vgt.f32 v9, v4  }
0x167: {  	v38 =	vimm.s32 $0x0;
	v6 =	vld.idx.msk [tilespmem:v33+s2+$0x0], $0xffff;
	v4 =	vsel vm10, v9, v4  }
0x168: {  	v39 =	vor.u32 $0x15, v3;
	[tilespmem:$0x1FC20] =	vst v11;
	v11 =	vsel vm10, $0xFFFFFFFF, v38;
	vm10 =	vgt.f32 v8, v4  }
0x169: {  	v40 =	vimm.s32 $0x0;
	v5 =	vld.idx.msk [tilespmem:v35+s2+$0x0], $0xffff;
	v4 =	vsel vm10, v8, v4  }
0x16a: {  	v41 =	vor.u32 $0x16, v3;
	[tilespmem:$0x1FC30] =	vst v11;
	v11 =	vsel vm10, $0xFFFFFFFF, v40;
	vm10 =	vgt.f32 v7, v4  }
0x16b: {  	v42 =	vimm.s32 $0x0;
	v10 =	vld.idx.msk [tilespmem:v37+s2+$0x0], $0xffff;
	v4 =	vsel vm10, v7, v4  }
0x16c: {  	v43 =	vor.u32 $0x17, v3;
	[tilespmem:$0x1FC40] =	vst v11;
	v11 =	vsel vm10, $0xFFFFFFFF, v42;
	vm10 =	vgt.f32 v6, v4  }
0x16d: {  	v44 =	vimm.s32 $0x0;
	v9 =	vld.idx.msk [tilespmem:v39+s2+$0x0], $0xffff;
	v4 =	vsel vm10, v6, v4  }
0x16e: {  	v45 =	vor.u32 $0x18, v3;
	[tilespmem:$0x1FC50] =	vst v11;
	v11 =	vsel vm10, $0xFFFFFFFF, v44;
	vm10 =	vgt.f32 v5, v4  }
0x16f: {  	v46 =	vimm.s32 $0x0;
	v8 =	vld.idx.msk [tilespmem:v41+s2+$0x0], $0xffff;
	v4 =	vsel vm10, v5, v4  }
0x170: {  	v47 =	vor.u32 $0x19, v3;
	[tilespmem:$0x1FC60] =	vst v11;
	v11 =	vsel vm10, $0xFFFFFFFF, v46;
	vm10 =	vgt.f32 v10, v4  }
0x171: {  	v48 =	vimm.s32 $0x0;
	v7 =	vld.idx.msk [tilespmem:v43+s2+$0x0], $0xffff;
	v4 =	vsel vm10, v10, v4  }
0x172: {  	v49 =	vor.u32 $0x1A, v3;
	[tilespmem:$0x1FC70] =	vst v11;
	v11 =	vsel vm10, $0xFFFFFFFF, v48;
	vm10 =	vgt.f32 v9, v4  }
0x173: {  	v50 =	vimm.s32 $0x0;
	v6 =	vld.idx.msk [tilespmem:v45+s2+$0x0], $0xffff;
	v4 =	vsel vm10, v9, v4  }
0x174: {  	v51 =	vor.u32 $0x1B, v3;
	[tilespmem:$0x1FC80] =	vst v11;
	v11 =	vsel vm10, $0xFFFFFFFF, v50;
	vm10 =	vgt.f32 v8, v4  }
0x175: {  	v52 =	vimm.s32 $0x0;
	v5 =	vld.idx.msk [tilespmem:v47+s2+$0x0], $0xffff;
	v4 =	vsel vm10, v8, v4  }
0x176: {  	v53 =	vor.u32 $0x1C, v3;
	[tilespmem:$0x1FC90] =	vst v11;
	v11 =	vsel vm10, $0xFFFFFFFF, v52;
	vm10 =	vgt.f32 v7, v4  }
0x177: {  	v54 =	vimm.s32 $0x0;
	v10 =	vld.idx.msk [tilespmem:v49+s2+$0x0], $0xffff;
	v4 =	vsel vm10, v7, v4  }
0x178: {  	v55 =	vor.u32 $0x1D, v3;
	v32 =	vld [tilespmem:$0x1FC00];
	[tilespmem:$0x1FCA0] =	vst v11;
	v11 =	vsel vm10, $0xFFFFFFFF, v54;
	vm10 =	vgt.f32 v6, v4  }
0x179: {  	v56 =	vimm.s32 $0x0;
	v57 =	vor.u32 $0x1E, v3;
	v9 =	vld.idx.msk [tilespmem:v51+s2+$0x0], $0xffff;
	v4 =	vsel vm10, v6, v4  }
0x17a: {  	v58 =	vimm.s32 $0x0;
	v34 =	vld [tilespmem:$0x1FC10];
	[tilespmem:$0x1FCB0] =	vst v11;
	v11 =	vsel vm10, $0xFFFFFFFF, v56;
	vm10 =	vgt.f32 v5, v4  }
0x17b: {  	v59 =	vor.u32 $0x1F, v3;
	v60 =	vimm.s32 $0x0;
	v8 =	vld.idx.msk [tilespmem:v53+s2+$0x0], $0xffff;
	v4 =	vsel vm10, v5, v4  }
0x17c: {  	v61 =	vor.u32 $0x20, v3;
	v35 =	vld [tilespmem:$0x1FC20];
	[tilespmem:$0x1FCC0] =	vst v11;
	v11 =	vsel vm10, $0xFFFFFFFF, v58;
	vm10 =	vgt.f32 v10, v4  }
0x17d: {  	v62 =	vimm.s32 $0x0;
	v63 =	vor.u32 $0x21, v3;
	v7 =	vld.idx.msk [tilespmem:v55+s2+$0x0], $0xffff;
	v4 =	vsel vm10, v10, v4  }
0x17e: {  	v12 =	vimm.s32 $0x0;
	v37 =	vld [tilespmem:$0x1FC30];
	[tilespmem:$0x1FCD0] =	vst v11;
	v11 =	vsel vm10, $0xFFFFFFFF, v60;
	vm10 =	vgt.f32 v9, v4  }
0x17f: {  	v13 =	vor.u32 $0x22, v3;
	v14 =	vimm.s32 $0x0;
	v6 =	vld.idx.msk [tilespmem:v57+s2+$0x0], $0xffff;
	v4 =	vsel vm10, v9, v4  }
0x180: {  	v15 =	vor.u32 $0x23, v3;
	v38 =	vld [tilespmem:$0x1FC40];
	[tilespmem:$0x1FCE0] =	vst v11;
	v11 =	vsel vm10, $0xFFFFFFFF, v62;
	vm10 =	vgt.f32 v8, v4  }
0x181: {  	v16 =	vimm.s32 $0x0;
	v17 =	vor.u32 $0x24, v3;
	v5 =	vld.idx.msk [tilespmem:v59+s2+$0x0], $0xffff;
	v4 =	vsel vm10, v8, v4  }
0x182: {  	v18 =	vimm.s32 $0x0;
	v40 =	vld [tilespmem:$0x1FC50];
	[tilespmem:$0x1FCF0] =	vst v11;
	v11 =	vsel vm10, $0xFFFFFFFF, v12;
	vm10 =	vgt.f32 v7, v4  }
0x183: {  	v19 =	vor.u32 $0x25, v3;
	v20 =	vimm.s32 $0x0;
	v10 =	vld.idx.msk [tilespmem:v61+s2+$0x0], $0xffff;
	v4 =	vsel vm10, v7, v4  }
0x184: {  	v21 =	vsel vm0, $0x1, v1;
	v41 =	vld [tilespmem:$0x1FC60];
	[tilespmem:$0x1FD00] =	vst v11;
	v11 =	vsel vm10, $0xFFFFFFFF, v14;
	vm10 =	vgt.f32 v6, v4  }
0x185: {  	v22 =	vsel vm1, $0x2, v21;
	v23 =	vor.u32 $0x26, v3;
	v9 =	vld.idx.msk [tilespmem:v63+s2+$0x0], $0xffff;
	v4 =	vsel vm10, v6, v4  }
0x186: {  	v25 =	vor.u32 $0x27, v3;
	v43 =	vld [tilespmem:$0x1FC70];
	[tilespmem:$0x1FD10] =	vst v11;
	v11 =	vsel vm10, $0xFFFFFFFF, v16;
	vm10 =	vgt.f32 v5, v4  }
0x187: {  	v27 =	vor.u32 $0x28, v3;
	v29 =	vor.u32 $0x29, v3;
	v8 =	vld.idx.msk [tilespmem:v13+s2+$0x0], $0xffff;
	v4 =	vsel vm10, v5, v4  }
0x188: {  	v31 =	vor.u32 $0x2A, v3;
	v44 =	vld [tilespmem:$0x1FC80];
	[tilespmem:$0x1FD20] =	vst v11;
	v11 =	vsel vm10, $0xFFFFFFFF, v18;
	vm10 =	vgt.f32 v10, v4  }
0x189: {  	v33 =	vor.u32 $0x2B, v3;
	v36 =	vor.u32 $0x2C, v3;
	v7 =	vld.idx.msk [tilespmem:v15+s2+$0x0], $0xffff;
	v4 =	vsel vm10, v10, v4  }
0x18a: {  	v39 =	vor.u32 $0x2D, v3;
	v42 =	vor.u32 $0x2E, v3;
	v46 =	vld [tilespmem:$0x1FC90];
	vm14 =	vgt.f32 v9, v4  }
0x18b: {  	vm15 =	vnez.u8 v35;
	v6 =	vld.idx.msk [tilespmem:v17+s2+$0x0], $0xffff;
	v10 =	vsel vm2, $0x3, v22;
	v4 =	vsel vm14, v9, v4  }
0x18c: {  	v45 =	vor.u32 $0x2F, v3;
	v12 =	vld [tilespmem:$0x1FBF0];
	v24 =	vsel vm3, $0x4, v10;
	vm13 =	vgt.f32 v8, v4  }
0x18d: {  	v48 =	vor.u32 $0x30, v3;
	v5 =	vld.idx.msk [tilespmem:v19+s2+$0x0], $0xffff;
	v9 =	vsel vm4, $0x5, v24;
	v4 =	vsel vm13, v8, v4  }
0x18e: {  	v47 =	vld [tilespmem:$0x1FCA0];
	[tilespmem:$0x1FD30] =	vst v11;
	v11 =	vsel vm10, $0xFFFFFFFF, v20;
	v26 =	vsel vm5, $0x6, v9;
	vm12 =	vgt.f32 v7, v4  }
0x18f: {  	v51 =	vor.u32 $0x31, v3;
	[tilespmem:$0x1FD40] =	vst v11;
	v11 =	vld.idx.msk [tilespmem:v23+s2+$0x0], $0xffff;
	v8 =	vsel vm6, $0x7, v26;
	v4 =	vsel vm12, v7, v4  }
0x190: {  	v54 =	vor.u32 $0x32, v3;
	v49 =	vld [tilespmem:$0x1FCB0];
	v28 =	vsel vm7, $0x8, v8;
	vm11 =	vgt.f32 v6, v4  }
0x191: {  	v57 =	vor.u32 $0x33, v3;
	v10 =	vld.idx.msk [tilespmem:v25+s2+$0x0], $0xffff;
	v7 =	vsel vm8, $0x9, v28;
	v4 =	vsel vm11, v6, v4  }
0x192: {  	v50 =	vld [tilespmem:$0x1FCC0];
	vm6 =	vnez.u8 v12;
	v30 =	vsel vm9, $0xA, v7;
	vm10 =	vgt.f32 v5, v4  }
0x193: {  	v9 =	vld.idx.msk [tilespmem:v27+s2+$0x0], $0xffff;
	vm7 =	vnez.u8 v32;
	v6 =	vsel vm6, $0xB, v30;
	v4 =	vsel vm10, v5, v4  }
0x194: {  	v52 =	vld [tilespmem:$0x1FCD0];
	vm8 =	vnez.u8 v34;
	v5 =	vsel vm7, $0xC, v6;
	vm9 =	vgt.f32 v11, v4  }
0x195: {  	v60 =	vor.u32 $0x34, v3;
	v8 =	vld.idx.msk [tilespmem:v29+s2+$0x0], $0xffff;
	v5 =	vsel vm8, $0xD, v5;
	v4 =	vsel vm9, v11, v4  }
0x196: {  	v53 =	vld [tilespmem:$0x1FCE0];
	vm4 =	vnez.u8 v37;
	v5 =	vsel vm15, $0xE, v5;
	vm8 =	vgt.f32 v10, v4  }
0x197: {  	vm5 =	vnez.u8 v38;
	v7 =	vld.idx.msk [tilespmem:v31+s2+$0x0], $0xffff;
	v5 =	vsel vm4, $0xF, v5;
	v4 =	vsel vm8, v10, v4  }
0x198: {  	v55 =	vld [tilespmem:$0x1FCF0];
	vm6 =	vnez.u8 v40;
	v5 =	vsel vm5, $0x10, v5;
	vm7 =	vgt.f32 v9, v4  }
0x199: {  	v6 =	vld.idx.msk [tilespmem:v33+s2+$0x0], $0xffff;
	vm15 =	vnez.u8 v41;
	v5 =	vsel vm6, $0x11, v5;
	v4 =	vsel vm7, v9, v4  }
0x19a: {  	v56 =	vld [tilespmem:$0x1FD00];
	vm4 =	vnez.u8 v43;
	v5 =	vsel vm15, $0x12, v5;
	vm6 =	vgt.f32 v8, v4  }
0x19b: {  	v11 =	vld.idx.msk [tilespmem:v36+s2+$0x0], $0xffff;
	vm5 =	vnez.u8 v44;
	v5 =	vsel vm4, $0x13, v5;
	v4 =	vsel vm6, v8, v4  }
0x19c: {  	v58 =	vld [tilespmem:$0x1FD10];
	vm15 =	vnez.u8 v46;
	v5 =	vsel vm5, $0x14, v5;
	vm5 =	vgt.f32 v7, v4  }
0x19d: {  	v10 =	vld.idx.msk [tilespmem:v39+s2+$0x0], $0xffff;
	vm4 =	vnez.u8 v47;
	v5 =	vsel vm15, $0x15, v5;
	v4 =	vsel vm5, v7, v4  }
0x19e: {  	v59 =	vld [tilespmem:$0x1FD20];
	vm15 =	vnez.u8 v49;
	v5 =	vsel vm4, $0x16, v5;
	vm4 =	vgt.f32 v6, v4  }
0x19f: {  	v9 =	vld.idx.msk [tilespmem:v42+s2+$0x0], $0xffff;
	v5 =	vsel vm15, $0x17, v5;
	vm15 =	vnez.u8 v50;
	v4 =	vsel vm4, v6, v4  }
0x1a0: {  	v61 =	vld [tilespmem:$0x1FD30];
	v5 =	vsel vm15, $0x18, v5;
	vm15 =	vnez.u8 v52;
	vm3 =	vgt.f32 v11, v4  }
0x1a1: {  	v8 =	vld.idx.msk [tilespmem:v45+s2+$0x0], $0xffff;
	v5 =	vsel vm15, $0x19, v5;
	vm15 =	vnez.u8 v53;
	v4 =	vsel vm3, v11, v4  }
0x1a2: {  	v63 =	vld [tilespmem:$0x1FD40];
	v5 =	vsel vm15, $0x1A, v5;
	vm15 =	vnez.u8 v55;
	vm2 =	vgt.f32 v10, v4  }
0x1a3: {  	v7 =	vld.idx.msk [tilespmem:v48+s2+$0x0], $0xffff;
	v5 =	vsel vm15, $0x1B, v5;
	vm15 =	vnez.u8 v56;
	v4 =	vsel vm2, v10, v4  }
0x1a4: {  	v5 =	vsel vm15, $0x1C, v5;
	vm15 =	vnez.u8 v58;
	vm1 =	vgt.f32 v9, v4  }
0x1a5: {  	v6 =	vld.idx.msk [tilespmem:v51+s2+$0x0], $0xffff;
	v5 =	vsel vm15, $0x1D, v5;
	vm15 =	vnez.u8 v59;
	v4 =	vsel vm1, v9, v4  }
0x1a6: {  	v5 =	vsel vm15, $0x1E, v5;
	vm15 =	vnez.u8 v61;
	vm0 =	vgt.f32 v8, v4  }
0x1a7: {  	v11 =	vld.idx.msk [tilespmem:v54+s2+$0x0], $0xffff;
	v5 =	vsel vm15, $0x1F, v5;
	vm15 =	vnez.u8 v63;
	v4 =	vsel vm0, v8, v4  }
0x1a8: {  	v62 =	vor.u32 $0x35, v3;
	v5 =	vsel vm15, $0x20, v5;
	vm15 =	vgt.f32 v7, v4  }
0x1a9: {  	v10 =	vld.idx.msk [tilespmem:v57+s2+$0x0], $0xffff;
	v5 =	vsel vm14, $0x21, v5;
	v4 =	vsel vm15, v7, v4  }
0x1aa: {  	v12 =	vor.u32 $0x36, v3;
	v5 =	vsel vm13, $0x22, v5;
	vm13 =	vgt.f32 v6, v4  }
0x1ab: {  	v9 =	vld.idx.msk [tilespmem:v60+s2+$0x0], $0xffff;
	v5 =	vsel vm12, $0x23, v5;
	v4 =	vsel vm13, v6, v4  }
0x1ac: {  	v13 =	vor.u32 $0x37, v3;
	v5 =	vsel vm11, $0x24, v5;
	vm11 =	vgt.f32 v11, v4  }
0x1ad: {  	v8 =	vld.idx.msk [tilespmem:v62+s2+$0x0], $0xffff;
	v5 =	vsel vm10, $0x25, v5;
	v4 =	vsel vm11, v11, v4  }
0x1ae: {  	v14 =	vor.u32 $0x38, v3;
	v5 =	vsel vm9, $0x26, v5;
	vm9 =	vgt.f32 v10, v4  }
0x1af: {  	v7 =	vld.idx.msk [tilespmem:v12+s2+$0x0], $0xffff;
	v5 =	vsel vm8, $0x27, v5;
	v4 =	vsel vm9, v10, v4  }
0x1b0: {  	v15 =	vor.u32 $0x39, v3;
	v5 =	vsel vm7, $0x28, v5;
	vm10 =	vgt.f32 v9, v4  }
0x1b1: {  	v6 =	vld.idx.msk [tilespmem:v13+s2+$0x0], $0xffff;
	v5 =	vsel vm6, $0x29, v5;
	v4 =	vsel vm10, v9, v4  }
0x1b2: {  	v16 =	vor.u32 $0x3A, v3;
	v5 =	vsel vm5, $0x2A, v5;
	vm5 =	vgt.f32 v8, v4  }
0x1b3: {  	v11 =	vld.idx.msk [tilespmem:v14+s2+$0x0], $0xffff;
	v5 =	vsel vm4, $0x2B, v5;
	v4 =	vsel vm5, v8, v4  }
0x1b4: {  	v17 =	vor.u32 $0x3B, v3;
	v5 =	vsel vm3, $0x2C, v5;
	vm12 =	vgt.f32 v7, v4  }
0x1b5: {  	v10 =	vld.idx.msk [tilespmem:v15+s2+$0x0], $0xffff;
	v5 =	vsel vm2, $0x2D, v5;
	v4 =	vsel vm12, v7, v4  }
0x1b6: {  	v18 =	vor.u32 $0x3C, v3;
	v5 =	vsel vm1, $0x2E, v5;
	vm14 =	vgt.f32 v6, v4  }
0x1b7: {  	v9 =	vld.idx.msk [tilespmem:v16+s2+$0x0], $0xffff;
	v5 =	vsel vm0, $0x2F, v5;
	v4 =	vsel vm14, v6, v4  }
0x1b8: {  	v19 =	vor.u32 $0x3D, v3;
	v5 =	vsel vm15, $0x30, v5;
	vm15 =	vgt.f32 v11, v4  }
0x1b9: {  	v8 =	vld.idx.msk [tilespmem:v17+s2+$0x0], $0xffff;
	v5 =	vsel vm13, $0x31, v5;
	v4 =	vsel vm15, v11, v4  }
0x1ba: {  	v20 =	vor.u32 $0x3E, v3;
	v5 =	vsel vm11, $0x32, v5;
	vm8 =	vgt.f32 v10, v4  }
0x1bb: {  	v7 =	vld.idx.msk [tilespmem:v18+s2+$0x0], $0xffff;
	v5 =	vsel vm9, $0x33, v5;
	v4 =	vsel vm8, v10, v4  }
0x1bc: {  	v3 =	vor.u32 $0x3F, v3;
	v5 =	vsel vm10, $0x34, v5;
	vm10 =	vgt.f32 v9, v4  }
0x1bd: {  	v6 =	vld.idx.msk [tilespmem:v19+s2+$0x0], $0xffff;
	v5 =	vsel vm5, $0x35, v5;
	v4 =	vsel vm10, v9, v4  }
0x1be: {  	v5 =	vsel vm12, $0x36, v5;
	vm11 =	vgt.f32 v8, v4  }
0x1bf: {  	v21 =	vld.idx.msk [tilespmem:v20+s2+$0x0], $0xffff;
	v5 =	vsel vm14, $0x37, v5;
	v4 =	vsel vm11, v8, v4  }
0x1c0: {  	v5 =	vsel vm15, $0x38, v5;
	vm12 =	vgt.f32 v7, v4  }
0x1c1: {  	v3 =	vld.idx.msk [tilespmem:v3+s2+$0x0], $0xffff;
	v5 =	vsel vm8, $0x39, v5;
	v4 =	vsel vm12, v7, v4  }
0x1c2: {  	v5 =	vsel vm10, $0x3A, v5;
	vm13 =	vgt.f32 v6, v4  }
0x1c3: {  	v5 =	vsel vm11, $0x3B, v5;
	v4 =	vsel vm13, v6, v4  }
0x1c4: {  	v5 =	vsel vm12, $0x3C, v5;
	vm14 =	vgt.f32 v21, v4  }
0x1c5: {  	v5 =	vsel vm13, $0x3D, v5;
	v4 =	vsel vm14, v21, v4  }
0x1c6: {  	v5 =	vsel vm14, $0x3E, v5;
	vm15 =	vgt.f32 v3, v4  }
0x1c7: {  	v3 =	vsel vm15, $0x3F, v5  }
0x1c8: {  	v22 =	vcvt.s32.f32 v3  }
0x1c9: {  	s14 =	sand.u32 $0xF0, s14;
	[tilespmem:v2+s9+$0x0] =	vst.idx.msk $0xffff, v3  }
0x1ca: {  	s15 =	rddreg [dreg:$0x5];
	[tilespmem:s14+$0x17F00] =	vst v22  }
0x1cb: {  	[tilespmem:s10], [sflag:$0x2] =	stream.linear.gather [hbm4b:s15+s2], $0x8000, $0x38;
	[tilespmem:$0x18000] =	vst v63  }
0x1cc: {  	_ =	swait.ge [sflag:s11], $0x8000  }
0x1cd: {  	[sflag:s11] =	ssyncset.done $0x0  }
0x1ce: {  	[sflag:s11] =	ssyncadd.s32 $0xFFFF8000  }
0x1cf: {  	v18 =	vld [tilespmem:$0x7000];
	_ =	sdelay $0x2  }
0x1d0: {  	v2 =	vmul.u32 $0x800, v0;
	_ =	sdelay $0x1  }
0x1d1: {  	v3 =	vadd.s32 v2, v18;
	_ =	sdelay $0x4  }
0x1d2: {  	v23 =	vld.idx.msk [tilespmem:v3+s7+$0x0], $0xffff;
	v3 =	vor.u32 $0x80, v2  }
0x1d3: {  	v24 =	vadd.s32 v3, v18;
	_ =	sdelay $0x3  }
0x1d4: {  	[tilespmem:$0x17100] =	vst v23  }
0x1d5: {  	v4 =	vor.u32 $0x100, v2;
	v5 =	vld.idx.msk [tilespmem:v24+s7+$0x0], $0xffff  }
0x1d6: {  	v25 =	vadd.s32 v4, v18;
	_ =	sdelay $0x3  }
0x1d7: {  	[tilespmem:$0x171E0] =	vst v5  }
0x1d8: {  	v5 =	vor.u32 $0x180, v2;
	v6 =	vld.idx.msk [tilespmem:v25+s7+$0x0], $0xffff  }
0x1d9: {  	v26 =	vadd.s32 v5, v18;
	_ =	sdelay $0x3  }
0x1da: {  	[tilespmem:$0x172C0] =	vst v6  }
0x1db: {  	v6 =	vor.u32 $0x200, v2;
	v7 =	vld.idx.msk [tilespmem:v26+s7+$0x0], $0xffff  }
0x1dc: {  	v27 =	vadd.s32 v6, v18;
	_ =	sdelay $0x3  }
0x1dd: {  	[tilespmem:$0x173A0] =	vst v7  }
0x1de: {  	v7 =	vor.u32 $0x280, v2;
	v8 =	vld.idx.msk [tilespmem:v27+s7+$0x0], $0xffff  }
0x1df: {  	v28 =	vadd.s32 v7, v18;
	_ =	sdelay $0x3  }
0x1e0: {  	[tilespmem:$0x17480] =	vst v8  }
0x1e1: {  	v8 =	vor.u32 $0x300, v2;
	v9 =	vld.idx.msk [tilespmem:v28+s7+$0x0], $0xffff  }
0x1e2: {  	v29 =	vadd.s32 v8, v18;
	_ =	sdelay $0x3  }
0x1e3: {  	[tilespmem:$0x17560] =	vst v9  }
0x1e4: {  	v9 =	vor.u32 $0x380, v2;
	v10 =	vld.idx.msk [tilespmem:v29+s7+$0x0], $0xffff  }
0x1e5: {  	v30 =	vadd.s32 v9, v18;
	_ =	sdelay $0x3  }
0x1e6: {  	[tilespmem:$0x17640] =	vst v10  }
0x1e7: {  	v10 =	vor.u32 $0x400, v2;
	v11 =	vld.idx.msk [tilespmem:v30+s7+$0x0], $0xffff  }
0x1e8: {  	v31 =	vadd.s32 v10, v18;
	_ =	sdelay $0x3  }
0x1e9: {  	[tilespmem:$0x17720] =	vst v11  }
0x1ea: {  	v11 =	vor.u32 $0x480, v2;
	v12 =	vld.idx.msk [tilespmem:v31+s7+$0x0], $0xffff  }
0x1eb: {  	v13 =	vadd.s32 v11, v18;
	_ =	sdelay $0x3  }
0x1ec: {  	[tilespmem:$0x17800] =	vst v12  }
0x1ed: {  	v12 =	vor.u32 $0x500, v2;
	v13 =	vld.idx.msk [tilespmem:v13+s7+$0x0], $0xffff  }
0x1ee: {  	v14 =	vadd.s32 v12, v18;
	_ =	sdelay $0x3  }
0x1ef: {  	[tilespmem:$0x178E0] =	vst v13  }
0x1f0: {  	v13 =	vor.u32 $0x580, v2;
	v14 =	vld.idx.msk [tilespmem:v14+s7+$0x0], $0xffff  }
0x1f1: {  	v15 =	vadd.s32 v13, v18;
	_ =	sdelay $0x3  }
0x1f2: {  	[tilespmem:$0x179C0] =	vst v14  }
0x1f3: {  	v14 =	vor.u32 $0x600, v2;
	v15 =	vld.idx.msk [tilespmem:v15+s7+$0x0], $0xffff  }
0x1f4: {  	v16 =	vadd.s32 v14, v18;
	_ =	sdelay $0x3  }
0x1f5: {  	[tilespmem:$0x17AA0] =	vst v15  }
0x1f6: {  	v15 =	vor.u32 $0x680, v2;
	v16 =	vld.idx.msk [tilespmem:v16+s7+$0x0], $0xffff  }
0x1f7: {  	v17 =	vadd.s32 v15, v18;
	_ =	sdelay $0x3  }
0x1f8: {  	[tilespmem:$0x17B80] =	vst v16  }
0x1f9: {  	v16 =	vor.u32 $0x700, v2;
	v17 =	vld.idx.msk [tilespmem:v17+s7+$0x0], $0xffff  }
0x1fa: {  	v19 =	vadd.s32 v16, v18;
	_ =	sdelay $0x3  }
0x1fb: {  	[tilespmem:$0x17C60] =	vst v17  }
0x1fc: {  	v17 =	vor.u32 $0x780, v2;
	v19 =	vld.idx.msk [tilespmem:v19+s7+$0x0], $0xffff  }
0x1fd: {  	v18 =	vadd.s32 v17, v18;
	_ =	sdelay $0x3  }
0x1fe: {  	[tilespmem:$0x17D40] =	vst v19  }
0x1ff: {  	v18 =	vld.idx.msk [tilespmem:v18+s7+$0x0], $0xffff;
	_ =	sdelay $0x4  }
0x200: {  	s16 =	rddreg [dreg:$0x6];
	[tilespmem:$0x17E20] =	vst v18  }
0x201: {  	[tilespmem:s7], [sflag:$0x1] =	stream.linear.gather [hbm4b:s16+s2], $0x8000, $0x38;
	[tilespmem:$0x18000] =	vst v63  }
0x202: {  	_ =	swait.ge [sflag:s12], $0x8000  }
0x203: {  	[sflag:s12] =	ssyncset.done $0x0  }
0x204: {  	[sflag:s12] =	ssyncadd.s32 $0xFFFF8000  }
0x205: {  	v32 =	vld [tilespmem:$0x7010];
	_ =	sdelay $0x4  }
0x206: {  	v33 =	vadd.s32 v2, v32;
	_ =	sdelay $0x4  }
0x207: {  	v19 =	vld.idx.msk [tilespmem:v33+s10+$0x0], $0xffff  }
0x208: {  	v20 =	vadd.s32 v3, v32;
	_ =	sdelay $0x3  }
0x209: {  	[tilespmem:$0x17110] =	vst v19  }
0x20a: {  	v19 =	vld.idx.msk [tilespmem:v20+s10+$0x0], $0xffff  }
0x20b: {  	v34 =	vadd.s32 v4, v32;
	_ =	sdelay $0x3  }
0x20c: {  	[tilespmem:$0x171F0] =	vst v19  }
0x20d: {  	v19 =	vld.idx.msk [tilespmem:v34+s10+$0x0], $0xffff  }
0x20e: {  	v35 =	vadd.s32 v5, v32;
	_ =	sdelay $0x3  }
0x20f: {  	[tilespmem:$0x172D0] =	vst v19  }
0x210: {  	v19 =	vld.idx.msk [tilespmem:v35+s10+$0x0], $0xffff  }
0x211: {  	v36 =	vadd.s32 v6, v32;
	_ =	sdelay $0x3  }
0x212: {  	[tilespmem:$0x173B0] =	vst v19  }
0x213: {  	v19 =	vld.idx.msk [tilespmem:v36+s10+$0x0], $0xffff  }
0x214: {  	v37 =	vadd.s32 v7, v32;
	_ =	sdelay $0x3  }
0x215: {  	[tilespmem:$0x17490] =	vst v19  }
0x216: {  	v19 =	vld.idx.msk [tilespmem:v37+s10+$0x0], $0xffff  }
0x217: {  	v38 =	vadd.s32 v8, v32;
	_ =	sdelay $0x3  }
0x218: {  	[tilespmem:$0x17570] =	vst v19  }
0x219: {  	v19 =	vld.idx.msk [tilespmem:v38+s10+$0x0], $0xffff  }
0x21a: {  	v39 =	vadd.s32 v9, v32;
	_ =	sdelay $0x3  }
0x21b: {  	[tilespmem:$0x17650] =	vst v19  }
0x21c: {  	v19 =	vld.idx.msk [tilespmem:v39+s10+$0x0], $0xffff  }
0x21d: {  	v40 =	vadd.s32 v10, v32;
	_ =	sdelay $0x3  }
0x21e: {  	[tilespmem:$0x17730] =	vst v19  }
0x21f: {  	v19 =	vld.idx.msk [tilespmem:v40+s10+$0x0], $0xffff  }
0x220: {  	v41 =	vadd.s32 v11, v32;
	_ =	sdelay $0x3  }
0x221: {  	[tilespmem:$0x17810] =	vst v19  }
0x222: {  	v19 =	vld.idx.msk [tilespmem:v41+s10+$0x0], $0xffff  }
0x223: {  	v42 =	vadd.s32 v12, v32;
	_ =	sdelay $0x3  }
0x224: {  	[tilespmem:$0x178F0] =	vst v19  }
0x225: {  	v19 =	vld.idx.msk [tilespmem:v42+s10+$0x0], $0xffff  }
0x226: {  	v43 =	vadd.s32 v13, v32;
	_ =	sdelay $0x3  }
0x227: {  	[tilespmem:$0x179D0] =	vst v19  }
0x228: {  	v19 =	vld.idx.msk [tilespmem:v43+s10+$0x0], $0xffff  }
0x229: {  	v44 =	vadd.s32 v14, v32;
	_ =	sdelay $0x3  }
0x22a: {  	[tilespmem:$0x17AB0] =	vst v19  }
0x22b: {  	v19 =	vld.idx.msk [tilespmem:v44+s10+$0x0], $0xffff  }
0x22c: {  	v45 =	vadd.s32 v15, v32;
	_ =	sdelay $0x3  }
0x22d: {  	[tilespmem:$0x17B90] =	vst v19  }
0x22e: {  	v19 =	vld.idx.msk [tilespmem:v45+s10+$0x0], $0xffff  }
0x22f: {  	v46 =	vadd.s32 v16, v32;
	_ =	sdelay $0x3  }
0x230: {  	[tilespmem:$0x17C70] =	vst v19  }
0x231: {  	v19 =	vld.idx.msk [tilespmem:v46+s10+$0x0], $0xffff  }
0x232: {  	v18 =	vadd.s32 v17, v32;
	_ =	sdelay $0x3  }
0x233: {  	[tilespmem:$0x17D50] =	vst v19  }
0x234: {  	v18 =	vld.idx.msk [tilespmem:v18+s10+$0x0], $0xffff;
	_ =	sdelay $0x4  }
0x235: {  	s18 =	rddreg [dreg:$0x7];
	[tilespmem:$0x17E30] =	vst v18  }
0x236: {  	[tilespmem:s10], [sflag:$0x2] =	stream.linear.gather [hbm4b:s18+s2], $0x8000, $0x38;
	[tilespmem:$0x18000] =	vst v63  }
0x237: {  	_ =	swait.ge [sflag:s11], $0x8000  }
0x238: {  	[sflag:s11] =	ssyncset.done $0x0  }
0x239: {  	[sflag:s11] =	ssyncadd.s32 $0xFFFF8000  }
0x23a: {  	v47 =	vld [tilespmem:$0x7020];
	_ =	sdelay $0x4  }
0x23b: {  	v48 =	vadd.s32 v2, v47;
	_ =	sdelay $0x4  }
0x23c: {  	v19 =	vld.idx.msk [tilespmem:v48+s7+$0x0], $0xffff  }
0x23d: {  	v49 =	vadd.s32 v3, v47;
	_ =	sdelay $0x3  }
0x23e: {  	[tilespmem:$0x17120] =	vst v19  }
0x23f: {  	v19 =	vld.idx.msk [tilespmem:v49+s7+$0x0], $0xffff  }
0x240: {  	v50 =	vadd.s32 v4, v47;
	_ =	sdelay $0x3  }
0x241: {  	[tilespmem:$0x17200] =	vst v19  }
0x242: {  	v19 =	vld.idx.msk [tilespmem:v50+s7+$0x0], $0xffff  }
0x243: {  	v51 =	vadd.s32 v5, v47;
	_ =	sdelay $0x3  }
0x244: {  	[tilespmem:$0x172E0] =	vst v19  }
0x245: {  	v19 =	vld.idx.msk [tilespmem:v51+s7+$0x0], $0xffff  }
0x246: {  	v52 =	vadd.s32 v6, v47;
	_ =	sdelay $0x3  }
0x247: {  	[tilespmem:$0x173C0] =	vst v19  }
0x248: {  	v19 =	vld.idx.msk [tilespmem:v52+s7+$0x0], $0xffff  }
0x249: {  	v53 =	vadd.s32 v7, v47;
	_ =	sdelay $0x3  }
0x24a: {  	[tilespmem:$0x174A0] =	vst v19  }
0x24b: {  	v19 =	vld.idx.msk [tilespmem:v53+s7+$0x0], $0xffff  }
0x24c: {  	v54 =	vadd.s32 v8, v47;
	_ =	sdelay $0x3  }
0x24d: {  	[tilespmem:$0x17580] =	vst v19  }
0x24e: {  	v19 =	vld.idx.msk [tilespmem:v54+s7+$0x0], $0xffff  }
0x24f: {  	v55 =	vadd.s32 v9, v47;
	_ =	sdelay $0x3  }
0x250: {  	[tilespmem:$0x17660] =	vst v19  }
0x251: {  	v19 =	vld.idx.msk [tilespmem:v55+s7+$0x0], $0xffff  }
0x252: {  	v56 =	vadd.s32 v10, v47;
	_ =	sdelay $0x3  }
0x253: {  	[tilespmem:$0x17740] =	vst v19  }
0x254: {  	v19 =	vld.idx.msk [tilespmem:v56+s7+$0x0], $0xffff  }
0x255: {  	v57 =	vadd.s32 v11, v47;
	_ =	sdelay $0x3  }
0x256: {  	[tilespmem:$0x17820] =	vst v19  }
0x257: {  	v19 =	vld.idx.msk [tilespmem:v57+s7+$0x0], $0xffff  }
0x258: {  	v58 =	vadd.s32 v12, v47;
	_ =	sdelay $0x3  }
0x259: {  	[tilespmem:$0x17900] =	vst v19  }
0x25a: {  	v19 =	vld.idx.msk [tilespmem:v58+s7+$0x0], $0xffff  }
0x25b: {  	v59 =	vadd.s32 v13, v47;
	_ =	sdelay $0x3  }
0x25c: {  	[tilespmem:$0x179E0] =	vst v19  }
0x25d: {  	v19 =	vld.idx.msk [tilespmem:v59+s7+$0x0], $0xffff  }
0x25e: {  	v60 =	vadd.s32 v14, v47;
	_ =	sdelay $0x3  }
0x25f: {  	[tilespmem:$0x17AC0] =	vst v19  }
0x260: {  	v19 =	vld.idx.msk [tilespmem:v60+s7+$0x0], $0xffff  }
0x261: {  	v61 =	vadd.s32 v15, v47;
	_ =	sdelay $0x3  }
0x262: {  	[tilespmem:$0x17BA0] =	vst v19  }
0x263: {  	v19 =	vld.idx.msk [tilespmem:v61+s7+$0x0], $0xffff  }
0x264: {  	v62 =	vadd.s32 v16, v47;
	_ =	sdelay $0x3  }
0x265: {  	[tilespmem:$0x17C80] =	vst v19  }
0x266: {  	v19 =	vld.idx.msk [tilespmem:v62+s7+$0x0], $0xffff  }
0x267: {  	v18 =	vadd.s32 v17, v47;
	_ =	sdelay $0x3  }
0x268: {  	[tilespmem:$0x17D60] =	vst v19  }
0x269: {  	v18 =	vld.idx.msk [tilespmem:v18+s7+$0x0], $0xffff;
	_ =	sdelay $0x4  }
0x26a: {  	s15 =	rddreg [dreg:$0x8];
	[tilespmem:$0x17E40] =	vst v18  }
0x26b: {  	[tilespmem:s7], [sflag:$0x1] =	stream.linear.gather [hbm4b:s15+s2], $0x8000, $0x38;
	[tilespmem:$0x18000] =	vst v63  }
0x26c: {  	_ =	swait.ge [sflag:s12], $0x8000  }
0x26d: {  	[sflag:s12] =	ssyncset.done $0x0  }
0x26e: {  	[sflag:s12] =	ssyncadd.s32 $0xFFFF8000  }
0x26f: {  	v63 =	vld [tilespmem:$0x7030];
	_ =	sdelay $0x4  }
0x270: {  	v24 =	vadd.s32 v2, v63;
	_ =	sdelay $0x4  }
0x271: {  	v19 =	vld.idx.msk [tilespmem:v24+s10+$0x0], $0xffff  }
0x272: {  	v25 =	vadd.s32 v3, v63;
	_ =	sdelay $0x3  }
0x273: {  	[tilespmem:$0x17130] =	vst v19  }
0x274: {  	v19 =	vld.idx.msk [tilespmem:v25+s10+$0x0], $0xffff  }
0x275: {  	v26 =	vadd.s32 v4, v63;
	_ =	sdelay $0x3  }
0x276: {  	[tilespmem:$0x17210] =	vst v19  }
0x277: {  	v19 =	vld.idx.msk [tilespmem:v26+s10+$0x0], $0xffff  }
0x278: {  	v27 =	vadd.s32 v5, v63;
	_ =	sdelay $0x3  }
0x279: {  	[tilespmem:$0x172F0] =	vst v19  }
0x27a: {  	v19 =	vld.idx.msk [tilespmem:v27+s10+$0x0], $0xffff  }
0x27b: {  	v28 =	vadd.s32 v6, v63;
	_ =	sdelay $0x3  }
0x27c: {  	[tilespmem:$0x173D0] =	vst v19  }
0x27d: {  	v19 =	vld.idx.msk [tilespmem:v28+s10+$0x0], $0xffff  }
0x27e: {  	v29 =	vadd.s32 v7, v63;
	_ =	sdelay $0x3  }
0x27f: {  	[tilespmem:$0x174B0] =	vst v19  }
0x280: {  	v19 =	vld.idx.msk [tilespmem:v29+s10+$0x0], $0xffff  }
0x281: {  	v30 =	vadd.s32 v8, v63;
	_ =	sdelay $0x3  }
0x282: {  	[tilespmem:$0x17590] =	vst v19  }
0x283: {  	v19 =	vld.idx.msk [tilespmem:v30+s10+$0x0], $0xffff  }
0x284: {  	v31 =	vadd.s32 v9, v63;
	_ =	sdelay $0x3  }
0x285: {  	[tilespmem:$0x17670] =	vst v19  }
0x286: {  	v19 =	vld.idx.msk [tilespmem:v31+s10+$0x0], $0xffff  }
0x287: {  	v32 =	vadd.s32 v10, v63;
	_ =	sdelay $0x3  }
0x288: {  	[tilespmem:$0x17750] =	vst v19  }
0x289: {  	v19 =	vld.idx.msk [tilespmem:v32+s10+$0x0], $0xffff  }
0x28a: {  	v33 =	vadd.s32 v11, v63;
	_ =	sdelay $0x3  }
0x28b: {  	[tilespmem:$0x17830] =	vst v19  }
0x28c: {  	v19 =	vld.idx.msk [tilespmem:v33+s10+$0x0], $0xffff  }
0x28d: {  	v34 =	vadd.s32 v12, v63;
	_ =	sdelay $0x3  }
0x28e: {  	[tilespmem:$0x17910] =	vst v19  }
0x28f: {  	v19 =	vld.idx.msk [tilespmem:v34+s10+$0x0], $0xffff  }
0x290: {  	v35 =	vadd.s32 v13, v63;
	_ =	sdelay $0x3  }
0x291: {  	[tilespmem:$0x179F0] =	vst v19  }
0x292: {  	v19 =	vld.idx.msk [tilespmem:v35+s10+$0x0], $0xffff  }
0x293: {  	v36 =	vadd.s32 v14, v63;
	_ =	sdelay $0x3  }
0x294: {  	[tilespmem:$0x17AD0] =	vst v19  }
0x295: {  	v19 =	vld.idx.msk [tilespmem:v36+s10+$0x0], $0xffff  }
0x296: {  	v37 =	vadd.s32 v15, v63;
	_ =	sdelay $0x3  }
0x297: {  	[tilespmem:$0x17BB0] =	vst v19  }
0x298: {  	v19 =	vld.idx.msk [tilespmem:v37+s10+$0x0], $0xffff  }
0x299: {  	v38 =	vadd.s32 v16, v63;
	_ =	sdelay $0x3  }
0x29a: {  	[tilespmem:$0x17C90] =	vst v19  }
0x29b: {  	v19 =	vld.idx.msk [tilespmem:v38+s10+$0x0], $0xffff  }
0x29c: {  	v18 =	vadd.s32 v17, v63;
	_ =	sdelay $0x3  }
0x29d: {  	[tilespmem:$0x17D70] =	vst v19  }
0x29e: {  	v18 =	vld.idx.msk [tilespmem:v18+s10+$0x0], $0xffff;
	_ =	sdelay $0x4  }
0x29f: {  	s16 =	rddreg [dreg:$0x9];
	[tilespmem:$0x17E50] =	vst v18  }
0x2a0: {  	[tilespmem:s10], [sflag:$0x2] =	stream.linear.gather [hbm4b:s16+s2], $0x8000, $0x38;
	[tilespmem:$0x18000] =	vst v63  }
0x2a1: {  	_ =	swait.ge [sflag:s11], $0x8000  }
0x2a2: {  	[sflag:s11] =	ssyncset.done $0x0  }
0x2a3: {  	[sflag:s11] =	ssyncadd.s32 $0xFFFF8000  }
0x2a4: {  	v39 =	vld [tilespmem:$0x7040];
	_ =	sdelay $0x4  }
0x2a5: {  	v40 =	vadd.s32 v2, v39;
	_ =	sdelay $0x4  }
0x2a6: {  	v19 =	vld.idx.msk [tilespmem:v40+s7+$0x0], $0xffff  }
0x2a7: {  	v41 =	vadd.s32 v3, v39;
	_ =	sdelay $0x3  }
0x2a8: {  	[tilespmem:$0x17140] =	vst v19  }
0x2a9: {  	v19 =	vld.idx.msk [tilespmem:v41+s7+$0x0], $0xffff  }
0x2aa: {  	v42 =	vadd.s32 v4, v39;
	_ =	sdelay $0x3  }
0x2ab: {  	[tilespmem:$0x17220] =	vst v19  }
0x2ac: {  	v19 =	vld.idx.msk [tilespmem:v42+s7+$0x0], $0xffff  }
0x2ad: {  	v43 =	vadd.s32 v5, v39;
	_ =	sdelay $0x3  }
0x2ae: {  	[tilespmem:$0x17300] =	vst v19  }
0x2af: {  	v19 =	vld.idx.msk [tilespmem:v43+s7+$0x0], $0xffff  }
0x2b0: {  	v44 =	vadd.s32 v6, v39;
	_ =	sdelay $0x3  }
0x2b1: {  	[tilespmem:$0x173E0] =	vst v19  }
0x2b2: {  	v19 =	vld.idx.msk [tilespmem:v44+s7+$0x0], $0xffff  }
0x2b3: {  	v45 =	vadd.s32 v7, v39;
	_ =	sdelay $0x3  }
0x2b4: {  	[tilespmem:$0x174C0] =	vst v19  }
0x2b5: {  	v19 =	vld.idx.msk [tilespmem:v45+s7+$0x0], $0xffff  }
0x2b6: {  	v46 =	vadd.s32 v8, v39;
	_ =	sdelay $0x3  }
0x2b7: {  	[tilespmem:$0x175A0] =	vst v19  }
0x2b8: {  	v19 =	vld.idx.msk [tilespmem:v46+s7+$0x0], $0xffff  }
0x2b9: {  	v47 =	vadd.s32 v9, v39;
	_ =	sdelay $0x3  }
0x2ba: {  	[tilespmem:$0x17680] =	vst v19  }
0x2bb: {  	v19 =	vld.idx.msk [tilespmem:v47+s7+$0x0], $0xffff  }
0x2bc: {  	v48 =	vadd.s32 v10, v39;
	_ =	sdelay $0x3  }
0x2bd: {  	[tilespmem:$0x17760] =	vst v19  }
0x2be: {  	v19 =	vld.idx.msk [tilespmem:v48+s7+$0x0], $0xffff  }
0x2bf: {  	v49 =	vadd.s32 v11, v39;
	_ =	sdelay $0x3  }
0x2c0: {  	[tilespmem:$0x17840] =	vst v19  }
0x2c1: {  	v19 =	vld.idx.msk [tilespmem:v49+s7+$0x0], $0xffff  }
0x2c2: {  	v50 =	vadd.s32 v12, v39;
	_ =	sdelay $0x3  }
0x2c3: {  	[tilespmem:$0x17920] =	vst v19  }
0x2c4: {  	v19 =	vld.idx.msk [tilespmem:v50+s7+$0x0], $0xffff  }
0x2c5: {  	v51 =	vadd.s32 v13, v39;
	_ =	sdelay $0x3  }
0x2c6: {  	[tilespmem:$0x17A00] =	vst v19  }
0x2c7: {  	v19 =	vld.idx.msk [tilespmem:v51+s7+$0x0], $0xffff  }
0x2c8: {  	v52 =	vadd.s32 v14, v39;
	_ =	sdelay $0x3  }
0x2c9: {  	[tilespmem:$0x17AE0] =	vst v19  }
0x2ca: {  	v19 =	vld.idx.msk [tilespmem:v52+s7+$0x0], $0xffff  }
0x2cb: {  	v53 =	vadd.s32 v15, v39;
	_ =	sdelay $0x3  }
0x2cc: {  	[tilespmem:$0x17BC0] =	vst v19  }
0x2cd: {  	v19 =	vld.idx.msk [tilespmem:v53+s7+$0x0], $0xffff  }
0x2ce: {  	v54 =	vadd.s32 v16, v39;
	_ =	sdelay $0x3  }
0x2cf: {  	[tilespmem:$0x17CA0] =	vst v19  }
0x2d0: {  	v19 =	vld.idx.msk [tilespmem:v54+s7+$0x0], $0xffff  }
0x2d1: {  	v18 =	vadd.s32 v17, v39;
	_ =	sdelay $0x3  }
0x2d2: {  	[tilespmem:$0x17D80] =	vst v19  }
0x2d3: {  	v18 =	vld.idx.msk [tilespmem:v18+s7+$0x0], $0xffff;
	_ =	sdelay $0x4  }
0x2d4: {  	s18 =	rddreg [dreg:$0xa];
	[tilespmem:$0x17E60] =	vst v18  }
0x2d5: {  	[tilespmem:s7], [sflag:$0x1] =	stream.linear.gather [hbm4b:s18+s2], $0x8000, $0x38;
	[tilespmem:$0x18000] =	vst v63  }
0x2d6: {  	_ =	swait.ge [sflag:s12], $0x8000  }
0x2d7: {  	[sflag:s12] =	ssyncset.done $0x0  }
0x2d8: {  	[sflag:s12] =	ssyncadd.s32 $0xFFFF8000  }
0x2d9: {  	v55 =	vld [tilespmem:$0x7050];
	_ =	sdelay $0x4  }
0x2da: {  	v56 =	vadd.s32 v2, v55;
	_ =	sdelay $0x4  }
0x2db: {  	v19 =	vld.idx.msk [tilespmem:v56+s10+$0x0], $0xffff  }
0x2dc: {  	v57 =	vadd.s32 v3, v55;
	_ =	sdelay $0x3  }
0x2dd: {  	[tilespmem:$0x17150] =	vst v19  }
0x2de: {  	v19 =	vld.idx.msk [tilespmem:v57+s10+$0x0], $0xffff  }
0x2df: {  	v58 =	vadd.s32 v4, v55;
	_ =	sdelay $0x3  }
0x2e0: {  	[tilespmem:$0x17230] =	vst v19  }
0x2e1: {  	v19 =	vld.idx.msk [tilespmem:v58+s10+$0x0], $0xffff  }
0x2e2: {  	v59 =	vadd.s32 v5, v55;
	_ =	sdelay $0x3  }
0x2e3: {  	[tilespmem:$0x17310] =	vst v19  }
0x2e4: {  	v19 =	vld.idx.msk [tilespmem:v59+s10+$0x0], $0xffff  }
0x2e5: {  	v60 =	vadd.s32 v6, v55;
	_ =	sdelay $0x3  }
0x2e6: {  	[tilespmem:$0x173F0] =	vst v19  }
0x2e7: {  	v19 =	vld.idx.msk [tilespmem:v60+s10+$0x0], $0xffff  }
0x2e8: {  	v61 =	vadd.s32 v7, v55;
	_ =	sdelay $0x3  }
0x2e9: {  	[tilespmem:$0x174D0] =	vst v19  }
0x2ea: {  	v19 =	vld.idx.msk [tilespmem:v61+s10+$0x0], $0xffff  }
0x2eb: {  	v62 =	vadd.s32 v8, v55;
	_ =	sdelay $0x3  }
0x2ec: {  	[tilespmem:$0x175B0] =	vst v19  }
0x2ed: {  	v19 =	vld.idx.msk [tilespmem:v62+s10+$0x0], $0xffff  }
0x2ee: {  	v63 =	vadd.s32 v9, v55;
	_ =	sdelay $0x3  }
0x2ef: {  	[tilespmem:$0x17690] =	vst v19  }
0x2f0: {  	v19 =	vld.idx.msk [tilespmem:v63+s10+$0x0], $0xffff  }
0x2f1: {  	v24 =	vadd.s32 v10, v55;
	_ =	sdelay $0x3  }
0x2f2: {  	[tilespmem:$0x17770] =	vst v19  }
0x2f3: {  	v19 =	vld.idx.msk [tilespmem:v24+s10+$0x0], $0xffff  }
0x2f4: {  	v25 =	vadd.s32 v11, v55;
	_ =	sdelay $0x3  }
0x2f5: {  	[tilespmem:$0x17850] =	vst v19  }
0x2f6: {  	v19 =	vld.idx.msk [tilespmem:v25+s10+$0x0], $0xffff  }
0x2f7: {  	v26 =	vadd.s32 v12, v55;
	_ =	sdelay $0x3  }
0x2f8: {  	[tilespmem:$0x17930] =	vst v19  }
0x2f9: {  	v19 =	vld.idx.msk [tilespmem:v26+s10+$0x0], $0xffff  }
0x2fa: {  	v27 =	vadd.s32 v13, v55;
	_ =	sdelay $0x3  }
0x2fb: {  	[tilespmem:$0x17A10] =	vst v19  }
0x2fc: {  	v19 =	vld.idx.msk [tilespmem:v27+s10+$0x0], $0xffff  }
0x2fd: {  	v28 =	vadd.s32 v14, v55;
	_ =	sdelay $0x3  }
0x2fe: {  	[tilespmem:$0x17AF0] =	vst v19  }
0x2ff: {  	v19 =	vld.idx.msk [tilespmem:v28+s10+$0x0], $0xffff  }
0x300: {  	v29 =	vadd.s32 v15, v55;
	_ =	sdelay $0x3  }
0x301: {  	[tilespmem:$0x17BD0] =	vst v19  }
0x302: {  	v19 =	vld.idx.msk [tilespmem:v29+s10+$0x0], $0xffff  }
0x303: {  	v30 =	vadd.s32 v16, v55;
	_ =	sdelay $0x3  }
0x304: {  	[tilespmem:$0x17CB0] =	vst v19  }
0x305: {  	v19 =	vld.idx.msk [tilespmem:v30+s10+$0x0], $0xffff  }
0x306: {  	v18 =	vadd.s32 v17, v55;
	_ =	sdelay $0x3  }
0x307: {  	[tilespmem:$0x17D90] =	vst v19  }
0x308: {  	v18 =	vld.idx.msk [tilespmem:v18+s10+$0x0], $0xffff;
	_ =	sdelay $0x4  }
0x309: {  	s15 =	rddreg [dreg:$0xb];
	[tilespmem:$0x17E70] =	vst v18  }
0x30a: {  	[tilespmem:s10], [sflag:$0x2] =	stream.linear.gather [hbm4b:s15+s2], $0x8000, $0x38;
	[tilespmem:$0x18000] =	vst v63  }
0x30b: {  	_ =	swait.ge [sflag:s11], $0x8000  }
0x30c: {  	[sflag:s11] =	ssyncset.done $0x0  }
0x30d: {  	[sflag:s11] =	ssyncadd.s32 $0xFFFF8000  }
0x30e: {  	v31 =	vld [tilespmem:$0x7060];
	_ =	sdelay $0x4  }
0x30f: {  	v32 =	vadd.s32 v2, v31;
	_ =	sdelay $0x4  }
0x310: {  	v19 =	vld.idx.msk [tilespmem:v32+s7+$0x0], $0xffff  }
0x311: {  	v33 =	vadd.s32 v3, v31;
	_ =	sdelay $0x3  }
0x312: {  	[tilespmem:$0x17160] =	vst v19  }
0x313: {  	v19 =	vld.idx.msk [tilespmem:v33+s7+$0x0], $0xffff  }
0x314: {  	v34 =	vadd.s32 v4, v31;
	_ =	sdelay $0x3  }
0x315: {  	[tilespmem:$0x17240] =	vst v19  }
0x316: {  	v19 =	vld.idx.msk [tilespmem:v34+s7+$0x0], $0xffff  }
0x317: {  	v35 =	vadd.s32 v5, v31;
	_ =	sdelay $0x3  }
0x318: {  	[tilespmem:$0x17320] =	vst v19  }
0x319: {  	v19 =	vld.idx.msk [tilespmem:v35+s7+$0x0], $0xffff  }
0x31a: {  	v36 =	vadd.s32 v6, v31;
	_ =	sdelay $0x3  }
0x31b: {  	[tilespmem:$0x17400] =	vst v19  }
0x31c: {  	v19 =	vld.idx.msk [tilespmem:v36+s7+$0x0], $0xffff  }
0x31d: {  	v37 =	vadd.s32 v7, v31;
	_ =	sdelay $0x3  }
0x31e: {  	[tilespmem:$0x174E0] =	vst v19  }
0x31f: {  	v19 =	vld.idx.msk [tilespmem:v37+s7+$0x0], $0xffff  }
0x320: {  	v38 =	vadd.s32 v8, v31;
	_ =	sdelay $0x3  }
0x321: {  	[tilespmem:$0x175C0] =	vst v19  }
0x322: {  	v19 =	vld.idx.msk [tilespmem:v38+s7+$0x0], $0xffff  }
0x323: {  	v39 =	vadd.s32 v9, v31;
	_ =	sdelay $0x3  }
0x324: {  	[tilespmem:$0x176A0] =	vst v19  }
0x325: {  	v19 =	vld.idx.msk [tilespmem:v39+s7+$0x0], $0xffff  }
0x326: {  	v40 =	vadd.s32 v10, v31;
	_ =	sdelay $0x3  }
0x327: {  	[tilespmem:$0x17780] =	vst v19  }
0x328: {  	v19 =	vld.idx.msk [tilespmem:v40+s7+$0x0], $0xffff  }
0x329: {  	v41 =	vadd.s32 v11, v31;
	_ =	sdelay $0x3  }
0x32a: {  	[tilespmem:$0x17860] =	vst v19  }
0x32b: {  	v19 =	vld.idx.msk [tilespmem:v41+s7+$0x0], $0xffff  }
0x32c: {  	v42 =	vadd.s32 v12, v31;
	_ =	sdelay $0x3  }
0x32d: {  	[tilespmem:$0x17940] =	vst v19  }
0x32e: {  	v19 =	vld.idx.msk [tilespmem:v42+s7+$0x0], $0xffff  }
0x32f: {  	v43 =	vadd.s32 v13, v31;
	_ =	sdelay $0x3  }
0x330: {  	[tilespmem:$0x17A20] =	vst v19  }
0x331: {  	v19 =	vld.idx.msk [tilespmem:v43+s7+$0x0], $0xffff  }
0x332: {  	v44 =	vadd.s32 v14, v31;
	_ =	sdelay $0x3  }
0x333: {  	[tilespmem:$0x17B00] =	vst v19  }
0x334: {  	v19 =	vld.idx.msk [tilespmem:v44+s7+$0x0], $0xffff  }
0x335: {  	v45 =	vadd.s32 v15, v31;
	_ =	sdelay $0x3  }
0x336: {  	[tilespmem:$0x17BE0] =	vst v19  }
0x337: {  	v19 =	vld.idx.msk [tilespmem:v45+s7+$0x0], $0xffff  }
0x338: {  	v46 =	vadd.s32 v16, v31;
	_ =	sdelay $0x3  }
0x339: {  	[tilespmem:$0x17CC0] =	vst v19  }
0x33a: {  	v19 =	vld.idx.msk [tilespmem:v46+s7+$0x0], $0xffff  }
0x33b: {  	v18 =	vadd.s32 v17, v31;
	_ =	sdelay $0x3  }
0x33c: {  	[tilespmem:$0x17DA0] =	vst v19  }
0x33d: {  	v18 =	vld.idx.msk [tilespmem:v18+s7+$0x0], $0xffff;
	_ =	sdelay $0x4  }
0x33e: {  	s16 =	rddreg [dreg:$0xc];
	[tilespmem:$0x17E80] =	vst v18  }
0x33f: {  	[tilespmem:s7], [sflag:$0x1] =	stream.linear.gather [hbm4b:s16+s2], $0x8000, $0x38;
	[tilespmem:$0x18000] =	vst v63  }
0x340: {  	_ =	swait.ge [sflag:s12], $0x8000  }
0x341: {  	[sflag:s12] =	ssyncset.done $0x0  }
0x342: {  	[sflag:s12] =	ssyncadd.s32 $0xFFFF8000  }
0x343: {  	v47 =	vld [tilespmem:$0x7070];
	_ =	sdelay $0x4  }
0x344: {  	v48 =	vadd.s32 v2, v47;
	_ =	sdelay $0x4  }
0x345: {  	v19 =	vld.idx.msk [tilespmem:v48+s10+$0x0], $0xffff  }
0x346: {  	v49 =	vadd.s32 v3, v47;
	_ =	sdelay $0x3  }
0x347: {  	[tilespmem:$0x17170] =	vst v19  }
0x348: {  	v19 =	vld.idx.msk [tilespmem:v49+s10+$0x0], $0xffff  }
0x349: {  	v50 =	vadd.s32 v4, v47;
	_ =	sdelay $0x3  }
0x34a: {  	[tilespmem:$0x17250] =	vst v19  }
0x34b: {  	v19 =	vld.idx.msk [tilespmem:v50+s10+$0x0], $0xffff  }
0x34c: {  	v51 =	vadd.s32 v5, v47;
	_ =	sdelay $0x3  }
0x34d: {  	[tilespmem:$0x17330] =	vst v19  }
0x34e: {  	v19 =	vld.idx.msk [tilespmem:v51+s10+$0x0], $0xffff  }
0x34f: {  	v52 =	vadd.s32 v6, v47;
	_ =	sdelay $0x3  }
0x350: {  	[tilespmem:$0x17410] =	vst v19  }
0x351: {  	v19 =	vld.idx.msk [tilespmem:v52+s10+$0x0], $0xffff  }
0x352: {  	v53 =	vadd.s32 v7, v47;
	_ =	sdelay $0x3  }
0x353: {  	[tilespmem:$0x174F0] =	vst v19  }
0x354: {  	v19 =	vld.idx.msk [tilespmem:v53+s10+$0x0], $0xffff  }
0x355: {  	v54 =	vadd.s32 v8, v47;
	_ =	sdelay $0x3  }
0x356: {  	[tilespmem:$0x175D0] =	vst v19  }
0x357: {  	v19 =	vld.idx.msk [tilespmem:v54+s10+$0x0], $0xffff  }
0x358: {  	v55 =	vadd.s32 v9, v47;
	_ =	sdelay $0x3  }
0x359: {  	[tilespmem:$0x176B0] =	vst v19  }
0x35a: {  	v19 =	vld.idx.msk [tilespmem:v55+s10+$0x0], $0xffff  }
0x35b: {  	v56 =	vadd.s32 v10, v47;
	_ =	sdelay $0x3  }
0x35c: {  	[tilespmem:$0x17790] =	vst v19  }
0x35d: {  	v19 =	vld.idx.msk [tilespmem:v56+s10+$0x0], $0xffff  }
0x35e: {  	v57 =	vadd.s32 v11, v47;
	_ =	sdelay $0x3  }
0x35f: {  	[tilespmem:$0x17870] =	vst v19  }
0x360: {  	v19 =	vld.idx.msk [tilespmem:v57+s10+$0x0], $0xffff  }
0x361: {  	v58 =	vadd.s32 v12, v47;
	_ =	sdelay $0x3  }
0x362: {  	[tilespmem:$0x17950] =	vst v19  }
0x363: {  	v19 =	vld.idx.msk [tilespmem:v58+s10+$0x0], $0xffff  }
0x364: {  	v59 =	vadd.s32 v13, v47;
	_ =	sdelay $0x3  }
0x365: {  	[tilespmem:$0x17A30] =	vst v19  }
0x366: {  	v19 =	vld.idx.msk [tilespmem:v59+s10+$0x0], $0xffff  }
0x367: {  	v60 =	vadd.s32 v14, v47;
	_ =	sdelay $0x3  }
0x368: {  	[tilespmem:$0x17B10] =	vst v19  }
0x369: {  	v19 =	vld.idx.msk [tilespmem:v60+s10+$0x0], $0xffff  }
0x36a: {  	v61 =	vadd.s32 v15, v47;
	_ =	sdelay $0x3  }
0x36b: {  	[tilespmem:$0x17BF0] =	vst v19  }
0x36c: {  	v19 =	vld.idx.msk [tilespmem:v61+s10+$0x0], $0xffff  }
0x36d: {  	v62 =	vadd.s32 v16, v47;
	_ =	sdelay $0x3  }
0x36e: {  	[tilespmem:$0x17CD0] =	vst v19  }
0x36f: {  	v19 =	vld.idx.msk [tilespmem:v62+s10+$0x0], $0xffff  }
0x370: {  	v18 =	vadd.s32 v17, v47;
	_ =	sdelay $0x3  }
0x371: {  	[tilespmem:$0x17DB0] =	vst v19  }
0x372: {  	v18 =	vld.idx.msk [tilespmem:v18+s10+$0x0], $0xffff;
	_ =	sdelay $0x4  }
0x373: {  	s18 =	rddreg [dreg:$0xd];
	[tilespmem:$0x17E90] =	vst v18  }
0x374: {  	[tilespmem:s10], [sflag:$0x2] =	stream.linear.gather [hbm4b:s18+s2], $0x8000, $0x38;
	[tilespmem:$0x18000] =	vst v63  }
0x375: {  	_ =	swait.ge [sflag:s11], $0x8000  }
0x376: {  	[sflag:s11] =	ssyncset.done $0x0  }
0x377: {  	[sflag:s11] =	ssyncadd.s32 $0xFFFF8000  }
0x378: {  	v63 =	vld [tilespmem:$0x7080];
	_ =	sdelay $0x4  }
0x379: {  	v24 =	vadd.s32 v2, v63;
	_ =	sdelay $0x4  }
0x37a: {  	v19 =	vld.idx.msk [tilespmem:v24+s7+$0x0], $0xffff  }
0x37b: {  	v25 =	vadd.s32 v3, v63;
	_ =	sdelay $0x3  }
0x37c: {  	[tilespmem:$0x17180] =	vst v19  }
0x37d: {  	v19 =	vld.idx.msk [tilespmem:v25+s7+$0x0], $0xffff  }
0x37e: {  	v26 =	vadd.s32 v4, v63;
	_ =	sdelay $0x3  }
0x37f: {  	[tilespmem:$0x17260] =	vst v19  }
0x380: {  	v19 =	vld.idx.msk [tilespmem:v26+s7+$0x0], $0xffff  }
0x381: {  	v27 =	vadd.s32 v5, v63;
	_ =	sdelay $0x3  }
0x382: {  	[tilespmem:$0x17340] =	vst v19  }
0x383: {  	v19 =	vld.idx.msk [tilespmem:v27+s7+$0x0], $0xffff  }
0x384: {  	v28 =	vadd.s32 v6, v63;
	_ =	sdelay $0x3  }
0x385: {  	[tilespmem:$0x17420] =	vst v19  }
0x386: {  	v19 =	vld.idx.msk [tilespmem:v28+s7+$0x0], $0xffff  }
0x387: {  	v29 =	vadd.s32 v7, v63;
	_ =	sdelay $0x3  }
0x388: {  	[tilespmem:$0x17500] =	vst v19  }
0x389: {  	v19 =	vld.idx.msk [tilespmem:v29+s7+$0x0], $0xffff  }
0x38a: {  	v30 =	vadd.s32 v8, v63;
	_ =	sdelay $0x3  }
0x38b: {  	[tilespmem:$0x175E0] =	vst v19  }
0x38c: {  	v19 =	vld.idx.msk [tilespmem:v30+s7+$0x0], $0xffff  }
0x38d: {  	v31 =	vadd.s32 v9, v63;
	_ =	sdelay $0x3  }
0x38e: {  	[tilespmem:$0x176C0] =	vst v19  }
0x38f: {  	v19 =	vld.idx.msk [tilespmem:v31+s7+$0x0], $0xffff  }
0x390: {  	v32 =	vadd.s32 v10, v63;
	_ =	sdelay $0x3  }
0x391: {  	[tilespmem:$0x177A0] =	vst v19  }
0x392: {  	v19 =	vld.idx.msk [tilespmem:v32+s7+$0x0], $0xffff  }
0x393: {  	v33 =	vadd.s32 v11, v63;
	_ =	sdelay $0x3  }
0x394: {  	[tilespmem:$0x17880] =	vst v19  }
0x395: {  	v19 =	vld.idx.msk [tilespmem:v33+s7+$0x0], $0xffff  }
0x396: {  	v34 =	vadd.s32 v12, v63;
	_ =	sdelay $0x3  }
0x397: {  	[tilespmem:$0x17960] =	vst v19  }
0x398: {  	v19 =	vld.idx.msk [tilespmem:v34+s7+$0x0], $0xffff  }
0x399: {  	v35 =	vadd.s32 v13, v63;
	_ =	sdelay $0x3  }
0x39a: {  	[tilespmem:$0x17A40] =	vst v19  }
0x39b: {  	v19 =	vld.idx.msk [tilespmem:v35+s7+$0x0], $0xffff  }
0x39c: {  	v36 =	vadd.s32 v14, v63;
	_ =	sdelay $0x3  }
0x39d: {  	[tilespmem:$0x17B20] =	vst v19  }
0x39e: {  	v19 =	vld.idx.msk [tilespmem:v36+s7+$0x0], $0xffff  }
0x39f: {  	v37 =	vadd.s32 v15, v63;
	_ =	sdelay $0x3  }
0x3a0: {  	[tilespmem:$0x17C00] =	vst v19  }
0x3a1: {  	v19 =	vld.idx.msk [tilespmem:v37+s7+$0x0], $0xffff  }
0x3a2: {  	v38 =	vadd.s32 v16, v63;
	_ =	sdelay $0x3  }
0x3a3: {  	[tilespmem:$0x17CE0] =	vst v19  }
0x3a4: {  	v19 =	vld.idx.msk [tilespmem:v38+s7+$0x0], $0xffff  }
0x3a5: {  	v18 =	vadd.s32 v17, v63;
	_ =	sdelay $0x3  }
0x3a6: {  	[tilespmem:$0x17DC0] =	vst v19  }
0x3a7: {  	v18 =	vld.idx.msk [tilespmem:v18+s7+$0x0], $0xffff;
	_ =	sdelay $0x4  }
0x3a8: {  	s15 =	rddreg [dreg:$0xe];
	[tilespmem:$0x17EA0] =	vst v18  }
0x3a9: {  	[tilespmem:s7], [sflag:$0x1] =	stream.linear.gather [hbm4b:s15+s2], $0x8000, $0x38;
	[tilespmem:$0x18000] =	vst v63  }
0x3aa: {  	_ =	swait.ge [sflag:s12], $0x8000  }
0x3ab: {  	[sflag:s12] =	ssyncset.done $0x0  }
0x3ac: {  	[sflag:s12] =	ssyncadd.s32 $0xFFFF8000  }
0x3ad: {  	v39 =	vld [tilespmem:$0x7090];
	_ =	sdelay $0x4  }
0x3ae: {  	v40 =	vadd.s32 v2, v39;
	_ =	sdelay $0x4  }
0x3af: {  	v19 =	vld.idx.msk [tilespmem:v40+s10+$0x0], $0xffff  }
0x3b0: {  	v41 =	vadd.s32 v3, v39;
	_ =	sdelay $0x3  }
0x3b1: {  	[tilespmem:$0x17190] =	vst v19  }
0x3b2: {  	v19 =	vld.idx.msk [tilespmem:v41+s10+$0x0], $0xffff  }
0x3b3: {  	v42 =	vadd.s32 v4, v39;
	_ =	sdelay $0x3  }
0x3b4: {  	[tilespmem:$0x17270] =	vst v19  }
0x3b5: {  	v19 =	vld.idx.msk [tilespmem:v42+s10+$0x0], $0xffff  }
0x3b6: {  	v43 =	vadd.s32 v5, v39;
	_ =	sdelay $0x3  }
0x3b7: {  	[tilespmem:$0x17350] =	vst v19  }
0x3b8: {  	v19 =	vld.idx.msk [tilespmem:v43+s10+$0x0], $0xffff  }
0x3b9: {  	v44 =	vadd.s32 v6, v39;
	_ =	sdelay $0x3  }
0x3ba: {  	[tilespmem:$0x17430] =	vst v19  }
0x3bb: {  	v19 =	vld.idx.msk [tilespmem:v44+s10+$0x0], $0xffff  }
0x3bc: {  	v45 =	vadd.s32 v7, v39;
	_ =	sdelay $0x3  }
0x3bd: {  	[tilespmem:$0x17510] =	vst v19  }
0x3be: {  	v19 =	vld.idx.msk [tilespmem:v45+s10+$0x0], $0xffff  }
0x3bf: {  	v46 =	vadd.s32 v8, v39;
	_ =	sdelay $0x3  }
0x3c0: {  	[tilespmem:$0x175F0] =	vst v19  }
0x3c1: {  	v19 =	vld.idx.msk [tilespmem:v46+s10+$0x0], $0xffff  }
0x3c2: {  	v47 =	vadd.s32 v9, v39;
	_ =	sdelay $0x3  }
0x3c3: {  	[tilespmem:$0x176D0] =	vst v19  }
0x3c4: {  	v19 =	vld.idx.msk [tilespmem:v47+s10+$0x0], $0xffff  }
0x3c5: {  	v48 =	vadd.s32 v10, v39;
	_ =	sdelay $0x3  }
0x3c6: {  	[tilespmem:$0x177B0] =	vst v19  }
0x3c7: {  	v19 =	vld.idx.msk [tilespmem:v48+s10+$0x0], $0xffff  }
0x3c8: {  	v49 =	vadd.s32 v11, v39;
	_ =	sdelay $0x3  }
0x3c9: {  	[tilespmem:$0x17890] =	vst v19  }
0x3ca: {  	v19 =	vld.idx.msk [tilespmem:v49+s10+$0x0], $0xffff  }
0x3cb: {  	v50 =	vadd.s32 v12, v39;
	_ =	sdelay $0x3  }
0x3cc: {  	[tilespmem:$0x17970] =	vst v19  }
0x3cd: {  	v19 =	vld.idx.msk [tilespmem:v50+s10+$0x0], $0xffff  }
0x3ce: {  	v51 =	vadd.s32 v13, v39;
	_ =	sdelay $0x3  }
0x3cf: {  	[tilespmem:$0x17A50] =	vst v19  }
0x3d0: {  	v19 =	vld.idx.msk [tilespmem:v51+s10+$0x0], $0xffff  }
0x3d1: {  	v52 =	vadd.s32 v14, v39;
	_ =	sdelay $0x3  }
0x3d2: {  	[tilespmem:$0x17B30] =	vst v19  }
0x3d3: {  	v19 =	vld.idx.msk [tilespmem:v52+s10+$0x0], $0xffff  }
0x3d4: {  	v53 =	vadd.s32 v15, v39;
	_ =	sdelay $0x3  }
0x3d5: {  	[tilespmem:$0x17C10] =	vst v19  }
0x3d6: {  	v19 =	vld.idx.msk [tilespmem:v53+s10+$0x0], $0xffff  }
0x3d7: {  	v54 =	vadd.s32 v16, v39;
	_ =	sdelay $0x3  }
0x3d8: {  	[tilespmem:$0x17CF0] =	vst v19  }
0x3d9: {  	v19 =	vld.idx.msk [tilespmem:v54+s10+$0x0], $0xffff  }
0x3da: {  	v18 =	vadd.s32 v17, v39;
	_ =	sdelay $0x3  }
0x3db: {  	[tilespmem:$0x17DD0] =	vst v19  }
0x3dc: {  	v18 =	vld.idx.msk [tilespmem:v18+s10+$0x0], $0xffff;
	_ =	sdelay $0x4  }
0x3dd: {  	s16 =	rddreg [dreg:$0xf];
	[tilespmem:$0x17EB0] =	vst v18  }
0x3de: {  	[tilespmem:s10], [sflag:$0x2] =	stream.linear.gather [hbm4b:s16+s2], $0x8000, $0x38;
	[tilespmem:$0x18000] =	vst v63  }
0x3df: {  	_ =	swait.ge [sflag:s11], $0x8000  }
0x3e0: {  	[sflag:s11] =	ssyncset.done $0x0  }
0x3e1: {  	[sflag:s11] =	ssyncadd.s32 $0xFFFF8000  }
0x3e2: {  	v55 =	vld [tilespmem:$0x70A0];
	_ =	sdelay $0x4  }
0x3e3: {  	v56 =	vadd.s32 v2, v55;
	_ =	sdelay $0x4  }
0x3e4: {  	v19 =	vld.idx.msk [tilespmem:v56+s7+$0x0], $0xffff  }
0x3e5: {  	v57 =	vadd.s32 v3, v55;
	_ =	sdelay $0x3  }
0x3e6: {  	[tilespmem:$0x171A0] =	vst v19  }
0x3e7: {  	v19 =	vld.idx.msk [tilespmem:v57+s7+$0x0], $0xffff  }
0x3e8: {  	v58 =	vadd.s32 v4, v55;
	_ =	sdelay $0x3  }
0x3e9: {  	[tilespmem:$0x17280] =	vst v19  }
0x3ea: {  	v19 =	vld.idx.msk [tilespmem:v58+s7+$0x0], $0xffff  }
0x3eb: {  	v59 =	vadd.s32 v5, v55;
	_ =	sdelay $0x3  }
0x3ec: {  	[tilespmem:$0x17360] =	vst v19  }
0x3ed: {  	v19 =	vld.idx.msk [tilespmem:v59+s7+$0x0], $0xffff  }
0x3ee: {  	v60 =	vadd.s32 v6, v55;
	_ =	sdelay $0x3  }
0x3ef: {  	[tilespmem:$0x17440] =	vst v19  }
0x3f0: {  	v19 =	vld.idx.msk [tilespmem:v60+s7+$0x0], $0xffff  }
0x3f1: {  	v61 =	vadd.s32 v7, v55;
	_ =	sdelay $0x3  }
0x3f2: {  	[tilespmem:$0x17520] =	vst v19  }
0x3f3: {  	v19 =	vld.idx.msk [tilespmem:v61+s7+$0x0], $0xffff  }
0x3f4: {  	v62 =	vadd.s32 v8, v55;
	_ =	sdelay $0x3  }
0x3f5: {  	[tilespmem:$0x17600] =	vst v19  }
0x3f6: {  	v19 =	vld.idx.msk [tilespmem:v62+s7+$0x0], $0xffff  }
0x3f7: {  	v63 =	vadd.s32 v9, v55;
	_ =	sdelay $0x3  }
0x3f8: {  	[tilespmem:$0x176E0] =	vst v19  }
0x3f9: {  	v19 =	vld.idx.msk [tilespmem:v63+s7+$0x0], $0xffff  }
0x3fa: {  	v24 =	vadd.s32 v10, v55;
	_ =	sdelay $0x3  }
0x3fb: {  	[tilespmem:$0x177C0] =	vst v19  }
0x3fc: {  	v19 =	vld.idx.msk [tilespmem:v24+s7+$0x0], $0xffff  }
0x3fd: {  	v25 =	vadd.s32 v11, v55;
	_ =	sdelay $0x3  }
0x3fe: {  	[tilespmem:$0x178A0] =	vst v19  }
0x3ff: {  	v19 =	vld.idx.msk [tilespmem:v25+s7+$0x0], $0xffff  }
0x400: {  	v26 =	vadd.s32 v12, v55;
	_ =	sdelay $0x3  }
0x401: {  	[tilespmem:$0x17980] =	vst v19  }
0x402: {  	v19 =	vld.idx.msk [tilespmem:v26+s7+$0x0], $0xffff  }
0x403: {  	v27 =	vadd.s32 v13, v55;
	_ =	sdelay $0x3  }
0x404: {  	[tilespmem:$0x17A60] =	vst v19  }
0x405: {  	v19 =	vld.idx.msk [tilespmem:v27+s7+$0x0], $0xffff  }
0x406: {  	v28 =	vadd.s32 v14, v55;
	_ =	sdelay $0x3  }
0x407: {  	[tilespmem:$0x17B40] =	vst v19  }
0x408: {  	v19 =	vld.idx.msk [tilespmem:v28+s7+$0x0], $0xffff  }
0x409: {  	v29 =	vadd.s32 v15, v55;
	_ =	sdelay $0x3  }
0x40a: {  	[tilespmem:$0x17C20] =	vst v19  }
0x40b: {  	v19 =	vld.idx.msk [tilespmem:v29+s7+$0x0], $0xffff  }
0x40c: {  	v30 =	vadd.s32 v16, v55;
	_ =	sdelay $0x3  }
0x40d: {  	[tilespmem:$0x17D00] =	vst v19  }
0x40e: {  	v19 =	vld.idx.msk [tilespmem:v30+s7+$0x0], $0xffff  }
0x40f: {  	v18 =	vadd.s32 v17, v55;
	_ =	sdelay $0x3  }
0x410: {  	[tilespmem:$0x17DE0] =	vst v19  }
0x411: {  	v18 =	vld.idx.msk [tilespmem:v18+s7+$0x0], $0xffff;
	_ =	sdelay $0x4  }
0x412: {  	s18 =	rddreg [dreg:$0x10];
	[tilespmem:$0x17EC0] =	vst v18  }
0x413: {  	[tilespmem:s7], [sflag:$0x1] =	stream.linear.gather [hbm4b:s18+s2], $0x8000, $0x38;
	[tilespmem:$0x18000] =	vst v63  }
0x414: {  	_ =	swait.ge [sflag:s12], $0x8000  }
0x415: {  	[sflag:s12] =	ssyncset.done $0x0  }
0x416: {  	[sflag:s12] =	ssyncadd.s32 $0xFFFF8000  }
0x417: {  	v31 =	vld [tilespmem:$0x70B0];
	_ =	sdelay $0x4  }
0x418: {  	v32 =	vadd.s32 v2, v31;
	_ =	sdelay $0x4  }
0x419: {  	v19 =	vld.idx.msk [tilespmem:v32+s10+$0x0], $0xffff  }
0x41a: {  	v33 =	vadd.s32 v3, v31;
	_ =	sdelay $0x3  }
0x41b: {  	[tilespmem:$0x171B0] =	vst v19  }
0x41c: {  	v19 =	vld.idx.msk [tilespmem:v33+s10+$0x0], $0xffff  }
0x41d: {  	v34 =	vadd.s32 v4, v31;
	_ =	sdelay $0x3  }
0x41e: {  	[tilespmem:$0x17290] =	vst v19  }
0x41f: {  	v19 =	vld.idx.msk [tilespmem:v34+s10+$0x0], $0xffff  }
0x420: {  	v35 =	vadd.s32 v5, v31;
	_ =	sdelay $0x3  }
0x421: {  	[tilespmem:$0x17370] =	vst v19  }
0x422: {  	v19 =	vld.idx.msk [tilespmem:v35+s10+$0x0], $0xffff  }
0x423: {  	v36 =	vadd.s32 v6, v31;
	_ =	sdelay $0x3  }
0x424: {  	[tilespmem:$0x17450] =	vst v19  }
0x425: {  	v19 =	vld.idx.msk [tilespmem:v36+s10+$0x0], $0xffff  }
0x426: {  	v37 =	vadd.s32 v7, v31;
	_ =	sdelay $0x3  }
0x427: {  	[tilespmem:$0x17530] =	vst v19  }
0x428: {  	v19 =	vld.idx.msk [tilespmem:v37+s10+$0x0], $0xffff  }
0x429: {  	v38 =	vadd.s32 v8, v31;
	_ =	sdelay $0x3  }
0x42a: {  	[tilespmem:$0x17610] =	vst v19  }
0x42b: {  	v19 =	vld.idx.msk [tilespmem:v38+s10+$0x0], $0xffff  }
0x42c: {  	v39 =	vadd.s32 v9, v31;
	_ =	sdelay $0x3  }
0x42d: {  	[tilespmem:$0x176F0] =	vst v19  }
0x42e: {  	v19 =	vld.idx.msk [tilespmem:v39+s10+$0x0], $0xffff  }
0x42f: {  	v40 =	vadd.s32 v10, v31;
	_ =	sdelay $0x3  }
0x430: {  	[tilespmem:$0x177D0] =	vst v19  }
0x431: {  	v19 =	vld.idx.msk [tilespmem:v40+s10+$0x0], $0xffff  }
0x432: {  	v41 =	vadd.s32 v11, v31;
	_ =	sdelay $0x3  }
0x433: {  	[tilespmem:$0x178B0] =	vst v19  }
0x434: {  	v19 =	vld.idx.msk [tilespmem:v41+s10+$0x0], $0xffff  }
0x435: {  	v42 =	vadd.s32 v12, v31;
	_ =	sdelay $0x3  }
0x436: {  	[tilespmem:$0x17990] =	vst v19  }
0x437: {  	v19 =	vld.idx.msk [tilespmem:v42+s10+$0x0], $0xffff  }
0x438: {  	v43 =	vadd.s32 v13, v31;
	_ =	sdelay $0x3  }
0x439: {  	[tilespmem:$0x17A70] =	vst v19  }
0x43a: {  	v19 =	vld.idx.msk [tilespmem:v43+s10+$0x0], $0xffff  }
0x43b: {  	v44 =	vadd.s32 v14, v31;
	_ =	sdelay $0x3  }
0x43c: {  	[tilespmem:$0x17B50] =	vst v19  }
0x43d: {  	v19 =	vld.idx.msk [tilespmem:v44+s10+$0x0], $0xffff  }
0x43e: {  	v45 =	vadd.s32 v15, v31;
	_ =	sdelay $0x3  }
0x43f: {  	[tilespmem:$0x17C30] =	vst v19  }
0x440: {  	v19 =	vld.idx.msk [tilespmem:v45+s10+$0x0], $0xffff  }
0x441: {  	v46 =	vadd.s32 v16, v31;
	_ =	sdelay $0x3  }
0x442: {  	[tilespmem:$0x17D10] =	vst v19  }
0x443: {  	v19 =	vld.idx.msk [tilespmem:v46+s10+$0x0], $0xffff  }
0x444: {  	v18 =	vadd.s32 v17, v31;
	_ =	sdelay $0x3  }
0x445: {  	[tilespmem:$0x17DF0] =	vst v19  }
0x446: {  	v18 =	vld.idx.msk [tilespmem:v18+s10+$0x0], $0xffff;
	_ =	sdelay $0x4  }
0x447: {  	s15 =	rddreg [dreg:$0x11];
	[tilespmem:$0x17ED0] =	vst v18  }
0x448: {  	[tilespmem:s10], [sflag:$0x2] =	stream.linear.gather [hbm4b:s15+s2], $0x8000, $0x38;
	[tilespmem:$0x18000] =	vst v63  }
0x449: {  	_ =	swait.ge [sflag:s11], $0x8000  }
0x44a: {  	[sflag:s11] =	ssyncset.done $0x0  }
0x44b: {  	[sflag:s11] =	ssyncadd.s32 $0xFFFF8000  }
0x44c: {  	v47 =	vld [tilespmem:$0x70C0];
	_ =	sdelay $0x4  }
0x44d: {  	v48 =	vadd.s32 v2, v47;
	_ =	sdelay $0x4  }
0x44e: {  	v19 =	vld.idx.msk [tilespmem:v48+s7+$0x0], $0xffff  }
0x44f: {  	v49 =	vadd.s32 v3, v47;
	_ =	sdelay $0x3  }
0x450: {  	[tilespmem:$0x171C0] =	vst v19  }
0x451: {  	v19 =	vld.idx.msk [tilespmem:v49+s7+$0x0], $0xffff  }
0x452: {  	v50 =	vadd.s32 v4, v47;
	_ =	sdelay $0x3  }
0x453: {  	[tilespmem:$0x172A0] =	vst v19  }
0x454: {  	v19 =	vld.idx.msk [tilespmem:v50+s7+$0x0], $0xffff  }
0x455: {  	v51 =	vadd.s32 v5, v47;
	_ =	sdelay $0x3  }
0x456: {  	[tilespmem:$0x17380] =	vst v19  }
0x457: {  	v19 =	vld.idx.msk [tilespmem:v51+s7+$0x0], $0xffff  }
0x458: {  	v52 =	vadd.s32 v6, v47;
	_ =	sdelay $0x3  }
0x459: {  	[tilespmem:$0x17460] =	vst v19  }
0x45a: {  	v19 =	vld.idx.msk [tilespmem:v52+s7+$0x0], $0xffff  }
0x45b: {  	v53 =	vadd.s32 v7, v47;
	_ =	sdelay $0x3  }
0x45c: {  	[tilespmem:$0x17540] =	vst v19  }
0x45d: {  	v19 =	vld.idx.msk [tilespmem:v53+s7+$0x0], $0xffff  }
0x45e: {  	v54 =	vadd.s32 v8, v47;
	_ =	sdelay $0x3  }
0x45f: {  	[tilespmem:$0x17620] =	vst v19  }
0x460: {  	v19 =	vld.idx.msk [tilespmem:v54+s7+$0x0], $0xffff  }
0x461: {  	v55 =	vadd.s32 v9, v47;
	_ =	sdelay $0x3  }
0x462: {  	[tilespmem:$0x17700] =	vst v19  }
0x463: {  	v19 =	vld.idx.msk [tilespmem:v55+s7+$0x0], $0xffff  }
0x464: {  	v56 =	vadd.s32 v10, v47;
	_ =	sdelay $0x3  }
0x465: {  	[tilespmem:$0x177E0] =	vst v19  }
0x466: {  	v19 =	vld.idx.msk [tilespmem:v56+s7+$0x0], $0xffff  }
0x467: {  	v57 =	vadd.s32 v11, v47;
	_ =	sdelay $0x3  }
0x468: {  	[tilespmem:$0x178C0] =	vst v19  }
0x469: {  	v19 =	vld.idx.msk [tilespmem:v57+s7+$0x0], $0xffff  }
0x46a: {  	v58 =	vadd.s32 v12, v47;
	_ =	sdelay $0x3  }
0x46b: {  	[tilespmem:$0x179A0] =	vst v19  }
0x46c: {  	v19 =	vld.idx.msk [tilespmem:v58+s7+$0x0], $0xffff  }
0x46d: {  	v59 =	vadd.s32 v13, v47;
	_ =	sdelay $0x3  }
0x46e: {  	[tilespmem:$0x17A80] =	vst v19  }
0x46f: {  	v19 =	vld.idx.msk [tilespmem:v59+s7+$0x0], $0xffff  }
0x470: {  	v60 =	vadd.s32 v14, v47;
	_ =	sdelay $0x3  }
0x471: {  	[tilespmem:$0x17B60] =	vst v19  }
0x472: {  	v19 =	vld.idx.msk [tilespmem:v60+s7+$0x0], $0xffff  }
0x473: {  	v61 =	vadd.s32 v15, v47;
	_ =	sdelay $0x3  }
0x474: {  	[tilespmem:$0x17C40] =	vst v19  }
0x475: {  	v19 =	vld.idx.msk [tilespmem:v61+s7+$0x0], $0xffff  }
0x476: {  	v62 =	vadd.s32 v16, v47;
	_ =	sdelay $0x3  }
0x477: {  	[tilespmem:$0x17D20] =	vst v19  }
0x478: {  	v19 =	vld.idx.msk [tilespmem:v62+s7+$0x0], $0xffff  }
0x479: {  	v18 =	vadd.s32 v17, v47;
	_ =	sdelay $0x3  }
0x47a: {  	[tilespmem:$0x17E00] =	vst v19  }
0x47b: {  	v18 =	vld.idx.msk [tilespmem:v18+s7+$0x0], $0xffff;
	_ =	sdelay $0x4  }
0x47c: {  	[tilespmem:$0x17EE0] =	vst v18  }
0x47d: {  	_ =	swait.ge [sflag:s12], $0x8000  }
0x47e: {  	[sflag:s12] =	ssyncset.done $0x0  }
0x47f: {  	[sflag:s12] =	ssyncadd.s32 $0xFFFF8000  }
0x480: {  	v63 =	vld [tilespmem:$0x70D0];
	_ =	sdelay $0x4  }
0x481: {  	v2 =	vadd.s32 v2, v63;
	_ =	sdelay $0x4  }
0x482: {  	v2 =	vld.idx.msk [tilespmem:v2+s10+$0x0], $0xffff  }
0x483: {  	v3 =	vadd.s32 v3, v63;
	_ =	sdelay $0x3  }
0x484: {  	[tilespmem:$0x171D0] =	vst v2  }
0x485: {  	v2 =	vld.idx.msk [tilespmem:v3+s10+$0x0], $0xffff  }
0x486: {  	v3 =	vadd.s32 v4, v63;
	_ =	sdelay $0x3  }
0x487: {  	[tilespmem:$0x172B0] =	vst v2  }
0x488: {  	v2 =	vld.idx.msk [tilespmem:v3+s10+$0x0], $0xffff  }
0x489: {  	v3 =	vadd.s32 v5, v63;
	_ =	sdelay $0x3  }
0x48a: {  	[tilespmem:$0x17390] =	vst v2  }
0x48b: {  	v2 =	vld.idx.msk [tilespmem:v3+s10+$0x0], $0xffff  }
0x48c: {  	v3 =	vadd.s32 v6, v63;
	_ =	sdelay $0x3  }
0x48d: {  	[tilespmem:$0x17470] =	vst v2  }
0x48e: {  	v2 =	vld.idx.msk [tilespmem:v3+s10+$0x0], $0xffff  }
0x48f: {  	v3 =	vadd.s32 v7, v63;
	_ =	sdelay $0x3  }
0x490: {  	[tilespmem:$0x17550] =	vst v2  }
0x491: {  	v2 =	vld.idx.msk [tilespmem:v3+s10+$0x0], $0xffff  }
0x492: {  	v3 =	vadd.s32 v8, v63;
	_ =	sdelay $0x3  }
0x493: {  	[tilespmem:$0x17630] =	vst v2  }
0x494: {  	v2 =	vld.idx.msk [tilespmem:v3+s10+$0x0], $0xffff  }
0x495: {  	v3 =	vadd.s32 v9, v63;
	_ =	sdelay $0x3  }
0x496: {  	[tilespmem:$0x17710] =	vst v2  }
0x497: {  	v2 =	vld.idx.msk [tilespmem:v3+s10+$0x0], $0xffff  }
0x498: {  	v3 =	vadd.s32 v10, v63;
	_ =	sdelay $0x3  }
0x499: {  	[tilespmem:$0x177F0] =	vst v2  }
0x49a: {  	v2 =	vld.idx.msk [tilespmem:v3+s10+$0x0], $0xffff  }
0x49b: {  	v3 =	vadd.s32 v11, v63;
	_ =	sdelay $0x3  }
0x49c: {  	[tilespmem:$0x178D0] =	vst v2  }
0x49d: {  	v2 =	vld.idx.msk [tilespmem:v3+s10+$0x0], $0xffff  }
0x49e: {  	v3 =	vadd.s32 v12, v63;
	_ =	sdelay $0x3  }
0x49f: {  	[tilespmem:$0x179B0] =	vst v2  }
0x4a0: {  	v2 =	vld.idx.msk [tilespmem:v3+s10+$0x0], $0xffff  }
0x4a1: {  	v3 =	vadd.s32 v13, v63;
	_ =	sdelay $0x3  }
0x4a2: {  	[tilespmem:$0x17A90] =	vst v2  }
0x4a3: {  	v2 =	vld.idx.msk [tilespmem:v3+s10+$0x0], $0xffff  }
0x4a4: {  	v3 =	vadd.s32 v14, v63;
	_ =	sdelay $0x3  }
0x4a5: {  	[tilespmem:$0x17B70] =	vst v2  }
0x4a6: {  	v2 =	vld.idx.msk [tilespmem:v3+s10+$0x0], $0xffff  }
0x4a7: {  	v3 =	vadd.s32 v15, v63;
	_ =	sdelay $0x3  }
0x4a8: {  	[tilespmem:$0x17C50] =	vst v2  }
0x4a9: {  	v2 =	vld.idx.msk [tilespmem:v3+s10+$0x0], $0xffff  }
0x4aa: {  	v3 =	vadd.s32 v16, v63;
	_ =	sdelay $0x3  }
0x4ab: {  	[tilespmem:$0x17D30] =	vst v2  }
0x4ac: {  	v2 =	vld.idx.msk [tilespmem:v3+s10+$0x0], $0xffff  }
0x4ad: {  	v3 =	vadd.s32 v17, v63;
	_ =	sdelay $0x3  }
0x4ae: {  	[tilespmem:$0x17E10] =	vst v2  }
0x4af: {  	v2 =	vld.idx.msk [tilespmem:v3+s10+$0x0], $0xffff;
	_ =	sdelay $0x4  }
0x4b0: {  	s16 =	simm.s32 $0x17100;
	[tilespmem:$0x17EF0] =	vst v2  }
0x4b1: {  	[hbm4b:s17+s2] =	stream.linear.scatter [tilespmem:s16], [sflag:$0x3], $0xE0, $0x38;
	[tilespmem:$0x18000] =	vst v63  }
0x4b2: {  	_ =	swait.ge [sflag:s8], $0xE0  }
0x4b3: {  	[sflag:s8] =	ssyncset.done $0x0  }
0x4b4: {  	s18 =	simm.s32 $0x171E0;
	[sflag:s8] =	ssyncadd.s32 $0xFFFFFF20  }
0x4b5: {  	[hbm4b:s19+s2] =	stream.linear.scatter [tilespmem:s18], [sflag:$0x3], $0xE0, $0x38;
	[tilespmem:$0x18000] =	vst v63  }
0x4b6: {  	_ =	swait.ge [sflag:s8], $0xE0  }
0x4b7: {  	[sflag:s8] =	ssyncset.done $0x0  }
0x4b8: {  	s15 =	simm.s32 $0x172C0;
	[sflag:s8] =	ssyncadd.s32 $0xFFFFFF20  }
0x4b9: {  	[hbm4b:s20+s2] =	stream.linear.scatter [tilespmem:s15], [sflag:$0x3], $0xE0, $0x38;
	[tilespmem:$0x18000] =	vst v63  }
0x4ba: {  	_ =	swait.ge [sflag:s8], $0xE0  }
0x4bb: {  	[sflag:s8] =	ssyncset.done $0x0  }
0x4bc: {  	s16 =	simm.s32 $0x173A0;
	[sflag:s8] =	ssyncadd.s32 $0xFFFFFF20  }
0x4bd: {  	[hbm4b:s21+s2] =	stream.linear.scatter [tilespmem:s16], [sflag:$0x3], $0xE0, $0x38;
	[tilespmem:$0x18000] =	vst v63  }
0x4be: {  	_ =	swait.ge [sflag:s8], $0xE0  }
0x4bf: {  	[sflag:s8] =	ssyncset.done $0x0  }
0x4c0: {  	s18 =	simm.s32 $0x17480;
	[sflag:s8] =	ssyncadd.s32 $0xFFFFFF20  }
0x4c1: {  	[hbm4b:s22+s2] =	stream.linear.scatter [tilespmem:s18], [sflag:$0x3], $0xE0, $0x38;
	[tilespmem:$0x18000] =	vst v63  }
0x4c2: {  	_ =	swait.ge [sflag:s8], $0xE0  }
0x4c3: {  	[sflag:s8] =	ssyncset.done $0x0  }
0x4c4: {  	s15 =	simm.s32 $0x17560;
	[sflag:s8] =	ssyncadd.s32 $0xFFFFFF20  }
0x4c5: {  	[hbm4b:s23+s2] =	stream.linear.scatter [tilespmem:s15], [sflag:$0x3], $0xE0, $0x38;
	[tilespmem:$0x18000] =	vst v63  }
0x4c6: {  	_ =	swait.ge [sflag:s8], $0xE0  }
0x4c7: {  	[sflag:s8] =	ssyncset.done $0x0  }
0x4c8: {  	s16 =	simm.s32 $0x17640;
	[sflag:s8] =	ssyncadd.s32 $0xFFFFFF20  }
0x4c9: {  	[hbm4b:s24+s2] =	stream.linear.scatter [tilespmem:s16], [sflag:$0x3], $0xE0, $0x38;
	[tilespmem:$0x18000] =	vst v63  }
0x4ca: {  	_ =	swait.ge [sflag:s8], $0xE0  }
0x4cb: {  	[sflag:s8] =	ssyncset.done $0x0  }
0x4cc: {  	s18 =	simm.s32 $0x17720;
	[sflag:s8] =	ssyncadd.s32 $0xFFFFFF20  }
0x4cd: {  	[hbm4b:s26+s2] =	stream.linear.scatter [tilespmem:s18], [sflag:$0x3], $0xE0, $0x38;
	[tilespmem:$0x18000] =	vst v63  }
0x4ce: {  	_ =	swait.ge [sflag:s8], $0xE0  }
0x4cf: {  	[sflag:s8] =	ssyncset.done $0x0  }
0x4d0: {  	s15 =	simm.s32 $0x17800;
	[sflag:s8] =	ssyncadd.s32 $0xFFFFFF20  }
0x4d1: {  	[hbm4b:s28+s2] =	stream.linear.scatter [tilespmem:s15], [sflag:$0x3], $0xE0, $0x38;
	[tilespmem:$0x18000] =	vst v63  }
0x4d2: {  	_ =	swait.ge [sflag:s8], $0xE0  }
0x4d3: {  	[sflag:s8] =	ssyncset.done $0x0  }
0x4d4: {  	s16 =	simm.s32 $0x178E0;
	[sflag:s8] =	ssyncadd.s32 $0xFFFFFF20  }
0x4d5: {  	[hbm4b:s29+s2] =	stream.linear.scatter [tilespmem:s16], [sflag:$0x3], $0xE0, $0x38;
	[tilespmem:$0x18000] =	vst v63  }
0x4d6: {  	_ =	swait.ge [sflag:s8], $0xE0  }
0x4d7: {  	[sflag:s8] =	ssyncset.done $0x0  }
0x4d8: {  	s18 =	simm.s32 $0x179C0;
	[sflag:s8] =	ssyncadd.s32 $0xFFFFFF20  }
0x4d9: {  	[hbm4b:s30+s2] =	stream.linear.scatter [tilespmem:s18], [sflag:$0x3], $0xE0, $0x38;
	[tilespmem:$0x18000] =	vst v63  }
0x4da: {  	_ =	swait.ge [sflag:s8], $0xE0  }
0x4db: {  	[sflag:s8] =	ssyncset.done $0x0  }
0x4dc: {  	s15 =	simm.s32 $0x17AA0;
	[sflag:s8] =	ssyncadd.s32 $0xFFFFFF20  }
0x4dd: {  	[hbm4b:s31+s2] =	stream.linear.scatter [tilespmem:s15], [sflag:$0x3], $0xE0, $0x38;
	[tilespmem:$0x18000] =	vst v63  }
0x4de: {  	_ =	swait.ge [sflag:s8], $0xE0  }
0x4df: {  	[sflag:s8] =	ssyncset.done $0x0  }
0x4e0: {  	s16 =	simm.s32 $0x17B80;
	[sflag:s8] =	ssyncadd.s32 $0xFFFFFF20  }
0x4e1: {  	[hbm4b:s1+s2] =	stream.linear.scatter [tilespmem:s16], [sflag:$0x3], $0xE0, $0x38;
	[tilespmem:$0x18000] =	vst v63  }
0x4e2: {  	_ =	swait.ge [sflag:s8], $0xE0  }
0x4e3: {  	[sflag:s8] =	ssyncset.done $0x0  }
0x4e4: {  	s18 =	simm.s32 $0x17C60;
	[sflag:s8] =	ssyncadd.s32 $0xFFFFFF20  }
0x4e5: {  	[hbm4b:s0+s2] =	stream.linear.scatter [tilespmem:s18], [sflag:$0x3], $0xE0, $0x38;
	[tilespmem:$0x18000] =	vst v63  }
0x4e6: {  	_ =	swait.ge [sflag:s8], $0xE0  }
0x4e7: {  	[sflag:s8] =	ssyncset.done $0x0  }
0x4e8: {  	s15 =	simm.s32 $0x17D40;
	[sflag:s8] =	ssyncadd.s32 $0xFFFFFF20  }
0x4e9: {  	[hbm4b:s4+s2] =	stream.linear.scatter [tilespmem:s15], [sflag:$0x3], $0xE0, $0x38;
	[tilespmem:$0x18000] =	vst v63  }
0x4ea: {  	_ =	swait.ge [sflag:s8], $0xE0  }
0x4eb: {  	[sflag:s8] =	ssyncset.done $0x0  }
0x4ec: {  	s16 =	simm.s32 $0x17E20;
	[sflag:s8] =	ssyncadd.s32 $0xFFFFFF20  }
0x4ed: {  	[hbm4b:s5+s2] =	stream.linear.scatter [tilespmem:s16], [sflag:$0x3], $0xE0, $0x38;
	[tilespmem:$0x18000] =	vst v63  }
0x4ee: {  	s13 =	sadd.s32 $0x1, s13;
	_ =	swait.ge [sflag:s8], $0xE0  }
0x4ef: {  	p0 =	sne.s32 s13, s25;
	[sflag:s8] =	ssyncset.done $0x0  }
.Ltmp1:
0x4f0: {  	s18 =	simm.s32 $0x17F00;
	[sflag:s8] =	ssyncadd.s32 $0xFFFFFF20;
	(pc) =	sbr.rel @p0 .LBB2_1-.Ltmp1, $4  }
0x4f1: {  	[hbm4b:s6+s2] =	stream.linear.scatter [tilespmem:s18], [sflag:$0x3], $0xE0, $0x38;
	[tilespmem:$0x18000] =	vst v63  }
0x4f2: {  	_ =	swait.ge [sflag:s8], $0xE0  }
0x4f3: {  	[sflag:s8] =	ssyncset.done $0x0  }
0x4f4: {  	[sflag:s8] =	ssyncadd.s32 $0xFFFFFF20  }
0x4f5: {  	_ =	sfence.sel $0x180000  }
0x4f6: {  	[bflag:$0x0] =	sbarrier.arrive $0xFFFF  }
0x4f7: {  	_ =	strace $0x90000047  }
0x4f8: {  	s0 =	stileid.u32;
	[bflag:$0x2] =	sbarrier.arrive $0xFFFF  }
0x4f9: {  	p0 =	sne.s32 s0, $0x0;
	s0 =	rddreg [dreg:$0x3]  }
0x4fa: {  	s0 =	sadd.s32 @!p0 $0x100000, s0  }
0x4fb: {  	[sflag:s0] =	ssyncadd.tile.s32 @!p0 $0x1;
	_ =	shalt  }
.Lfunc_end2:
_tile_overlayer_lowered:
.L_overlay_start_2:
0x4fc: {  	(tag) =	ssettag $0x2  }
0x4fd: {  	s0 =	rddreg [dreg:$0x0];
	s2 =	stileid.u32  }
0x4fe: {  	s1 =	rddreg [dreg:$0x1];
	p0 =	sne.s32 s2, $0x0  }
0x4ff: {  	s3 =	rddreg [dreg:$0x2];
	[bflag:$0x3] =	sbarrier.arrive $0xFFFF;
	s2 =	simm.s32 @!p0 $0x1C03  }
0x500: {  	[timem:s3], [sflag:s2] =	dma.local @!p0 [hbm:s0], s1  }
0x501: {  	s0 =	simm.s32 @!p0 $0x3  }
0x502: {  	_ =	swait.ge @!p0 [sflag:s0], s1  }
0x503: {  	s1 =	ssub.s32 @!p0 $0x0, s1;
	[sflag:s0] =	ssyncset.done @!p0 $0x0  }
0x504: {  	[sflag:s0] =	ssyncadd.s32 @!p0 s1  }
0x505: {  	[bflag:$0x3] =	sbarrier.arrive $0xFFFF  }
0x506: {  	_ =	shalt  }

</sc_bundles>
